<compile_context>
chip_gen: v7x
topology: tpu7x:2x2x1
jax: 0.10.2.dev20260603
libtpu: 0.0.44.dev20260713+nightly
codegen_flags: <defaults>
</compile_context>

<pallas_src>
import dataclasses
import functools

import jax
import jax.numpy as jnp
from jax import lax
from jax.experimental import pallas as pl
from jax.experimental.pallas import tpu as pltpu
from jax.experimental.pallas import tpu_sc as plsc

NUM_WORKERS = 32
LANES = 16


def _tc_repack(weight_t, V, D, K):
    grid = (V + 2 * K - 1) // (2 * K)
    TCH = 256

    def body(x_ref, o_ref):
        for h in range(2):
            for j in range(K // TCH):
                o_ref[pl.ds(j * TCH, TCH), h * D:(h + 1) * D] = (
                    x_ref[:, pl.ds(h * K + j * TCH, TCH)].T)

    return pl.pallas_call(
        body,
        grid=(grid,),
        in_specs=[pl.BlockSpec((D, 2 * K), lambda i: (0, i))],
        out_specs=pl.BlockSpec((K, 2 * D), lambda i: (i, 0)),
        out_shape=jax.ShapeDtypeStruct((grid * K, 2 * D), jnp.float32),
        compiler_params=pltpu.CompilerParams(
            dimension_semantics=("parallel",)),
    )(weight_t)


def _sc_bag_kernel(B, L, D, V, G, K):
    RPW = B // NUM_WORKERS
    RPG = RPW // G
    IPG = RPG * L
    NCH = D // LANES
    KBITS = K.bit_length() - 1

    mesh = plsc.VectorSubcoreMesh(core_axis_name="c", subcore_axis_name="s")

    cp = pltpu.CompilerParams()
    if "needs_layout_passes" in pltpu.CompilerParams.__dataclass_fields__:
        cp = dataclasses.replace(cp, needs_layout_passes=False)
    if "use_tc_tiling_on_sc" in pltpu.CompilerParams.__dataclass_fields__:
        cp = dataclasses.replace(cp, use_tc_tiling_on_sc=False)

    @functools.partial(
        pl.kernel,
        out_type=jax.ShapeDtypeStruct((B, D), jnp.float32),
        mesh=mesh,
        compiler_params=cp,
        scratch_types=[
            pltpu.VMEM((IPG,), jnp.int32),
            pltpu.VMEM((IPG,), jnp.int32),
            pltpu.VMEM((IPG,), jnp.int32),
            pltpu.VMEM((IPG,), jnp.int32),
            pltpu.VMEM((RPW * L,), jnp.float32),
            pltpu.VMEM((IPG, D), jnp.float32),
            pltpu.VMEM((IPG, D), jnp.float32),
            pltpu.VMEM((RPW, D), jnp.float32),
            pltpu.VMEM((D,), jnp.float32),
            pltpu.SemaphoreType.DMA,
            pltpu.SemaphoreType.DMA,
            pltpu.SemaphoreType.DMA,
            pltpu.SemaphoreType.DMA,
        ],
    )
    def bag(table_hbm, idx_hbm, vals_hbm, bias_hbm, out_hbm,
            iorig0, iorig1, imap0, imap1,
            vals_v, rows0, rows1, out_v, bias_v,
            semi0, semi1, semg0, semg1):
        wid = lax.axis_index("s") * 2 + lax.axis_index("c")
        ibase = wid * (RPW * L)
        pltpu.sync_copy(vals_hbm.at[pl.ds(ibase, RPW * L)], vals_v)
        pltpu.sync_copy(bias_hbm, bias_v)

        kmask_v = jnp.full((LANES,), K - 1, jnp.int32)
        one_v = jnp.full((LANES,), 1, jnp.int32)

        def remap(iorig, imap):
            @pl.loop(0, IPG, step=LANES)
            def _(j):
                sl = pl.ds(j, LANES)
                iv = iorig[sl]
                hi = lax.shift_left(
                    lax.shift_right_logical(iv, KBITS + 1), KBITS + 1)
                t2 = lax.shift_left(iv & kmask_v, 1)
                half = lax.shift_right_logical(iv, KBITS) & one_v
                imap[sl] = hi + t2 + half

        pltpu.sync_copy(idx_hbm.at[pl.ds(ibase, IPG)], iorig0)
        remap(iorig0, imap0)
        pltpu.async_copy(table_hbm.at[imap0], rows0, semg0)
        pltpu.sync_copy(idx_hbm.at[pl.ds(ibase + IPG, IPG)], iorig1)
        remap(iorig1, imap1)
        pltpu.async_copy(table_hbm.at[imap1], rows1, semg1)
        if G > 2:
            pltpu.async_copy(
                idx_hbm.at[pl.ds(ibase + 2 * IPG, IPG)], iorig0, semi0)
        if G > 3:
            pltpu.async_copy(
                idx_hbm.at[pl.ds(ibase + 3 * IPG, IPG)], iorig1, semi1)

        bias_chunks = [bias_v[pl.ds(c * LANES, LANES)] for c in range(NCH)]

        def compute_group(g, rows_buf):
            @pl.loop(0, RPG)
            def _(r):
                lr = g * RPG + r
                bvec = jnp.full((LANES,), lr * L, jnp.int32)
                rbase = r * L
                acc = list(bias_chunks)
                for l in range(L):
                    vs = plsc.load_gather(vals_v, [bvec + l])
                    for c in range(NCH):
                        acc[c] = acc[c] + (
                            rows_buf[rbase + l, pl.ds(c * LANES, LANES)] * vs
                        )
                for c in range(NCH):
                    out_v[lr, pl.ds(c * LANES, LANES)] = acc[c]

        @pl.loop(0, G, step=2)
        def _(go):
            pltpu.make_async_copy(table_hbm.at[imap0], rows0, semg0).wait()
            compute_group(go, rows0)

            @pl.when(go + 2 < G)
            def _():
                pltpu.make_async_copy(
                    idx_hbm.at[pl.ds(ibase, IPG)], iorig0, semi0).wait()
                remap(iorig0, imap0)
                pltpu.async_copy(table_hbm.at[imap0], rows0, semg0)

                @pl.when(go + 4 < G)
                def _():
                    pltpu.async_copy(
                        idx_hbm.at[pl.ds(ibase + (go + 4) * IPG, IPG)],
                        iorig0, semi0)

            pltpu.make_async_copy(table_hbm.at[imap1], rows1, semg1).wait()
            compute_group(go + 1, rows1)

            @pl.when(go + 3 < G)
            def _():
                pltpu.make_async_copy(
                    idx_hbm.at[pl.ds(ibase, IPG)], iorig1, semi1).wait()
                remap(iorig1, imap1)
                pltpu.async_copy(table_hbm.at[imap1], rows1, semg1)

                @pl.when(go + 5 < G)
                def _():
                    pltpu.async_copy(
                        idx_hbm.at[pl.ds(ibase + (go + 5) * IPG, IPG)],
                        iorig1, semi1)

        pltpu.sync_copy(out_v, out_hbm.at[pl.ds(wid * RPW, RPW)])

    return bag


@jax.jit
def kernel(feature_indices, feature_values, weight, bias):
    B, L = feature_indices.shape
    V, D = weight.shape
    G = 16

    idx_flat = feature_indices.astype(jnp.int32).reshape(-1)
    vals_flat = feature_values.reshape(-1)

    weight_t = weight.T
    K = 8192
    packed = _tc_repack(weight_t, V, D, K)
    table = packed.reshape(packed.shape[0] * 2, D)

    bag = _sc_bag_kernel(B, L, D, V, G, K)
    return bag(table, idx_flat, vals_flat, bias)

# --- scband reference (transcript-rebuilt; emitter-appended) ---
"""Pipeline reference for scband-feature-transformer-42795054137554 (READ-ONLY COPY).

The authoritative reference and input builder live on the scoring server;
editing this copy changes nothing except your own understanding.
"""

import jax, jax.numpy as jnp
import numpy as np

NUM_FEATURES = 1000000
OUTPUT_SIZE = 64
BATCH = 4096
MAX_FEATURES = 50


def setup_inputs(seed: int = 0) -> dict:
    key = jax.random.key(seed)
    k1, k2, k3 = jax.random.split(key, 3)
    feature_indices = jax.random.randint(k1, (BATCH, MAX_FEATURES), 0, NUM_FEATURES, dtype=jnp.int64) if jax.config.jax_enable_x64 else jax.random.randint(k1, (BATCH, MAX_FEATURES), 0, NUM_FEATURES).astype(jnp.int32)
    feature_values = jax.random.uniform(k2, (BATCH, MAX_FEATURES), dtype=jnp.float32)
    weight = jax.random.normal(k3, (NUM_FEATURES, OUTPUT_SIZE), dtype=jnp.float32) * 0.1
    bias = jnp.zeros((OUTPUT_SIZE,), dtype=jnp.float32)
    return {
        "feature_indices": feature_indices,
        "feature_values": feature_values,
        "weight": weight,
        "bias": bias,
    }


def reference(feature_indices, feature_values, weight, bias):
    # Vectorized, faithful translation of the per-batch loop:
    # for each row, gather weight rows for valid (>=0) indices, scale by
    # feature_values, sum over the feature axis, and add bias.
    mask = feature_indices >= 0
    safe_idx = jnp.where(mask, feature_indices, 0)
    gathered = jnp.take(weight, safe_idx, axis=0)  # [B, L, D]
    scaled_vals = feature_values * mask.astype(feature_values.dtype)  # zero out invalid slots
    weighted = gathered * scaled_vals[..., None]  # [B, L, D]
    output = bias[None, :] + weighted.sum(axis=1)  # [B, D]
    return output

if __name__ == "__main__":
    import jax
    _d = setup_inputs()
    print(jax.jit(kernel)(*tuple(_d.values())))

</pallas_src>

<mosaic_0001>
#map = affine_map<(d0, d1) -> (0, 0)>
#map1 = affine_map<(d0, d1) -> (0)>
module attributes {stable_mosaic.version = 14 : i64} {
  func.func @bag(%arg0: i32, %arg1: i32, %arg2: memref<1015808x64xf32, #tpu.memory_space<hbm>>, %arg3: memref<204800xi32, #tpu.memory_space<hbm>>, %arg4: memref<204800xf32, #tpu.memory_space<hbm>>, %arg5: memref<64xf32, #tpu.memory_space<hbm>>, %arg6: memref<4096x64xf32, #tpu.memory_space<hbm>>, %arg7: memref<400xi32, #tpu.memory_space<vmem>>, %arg8: memref<400xi32, #tpu.memory_space<vmem>>, %arg9: memref<400xi32, #tpu.memory_space<vmem>>, %arg10: memref<400xi32, #tpu.memory_space<vmem>>, %arg11: memref<6400xf32, #tpu.memory_space<vmem>>, %arg12: memref<400x64xf32, #tpu.memory_space<vmem>>, %arg13: memref<400x64xf32, #tpu.memory_space<vmem>>, %arg14: memref<128x64xf32, #tpu.memory_space<vmem>>, %arg15: memref<64xf32, #tpu.memory_space<vmem>>, %arg16: memref<!tpu.dma_semaphore, #tpu.memory_space<semaphore_mem>>, %arg17: memref<!tpu.dma_semaphore, #tpu.memory_space<semaphore_mem>>, %arg18: memref<!tpu.dma_semaphore, #tpu.memory_space<semaphore_mem>>, %arg19: memref<!tpu.dma_semaphore, #tpu.memory_space<semaphore_mem>>) attributes {dimension_semantics = [#tpu.dimension_semantics<core_parallel>, #tpu.dimension_semantics<subcore_parallel>], iteration_bounds = array<i64: 2, 16>, scalar_prefetch = 0 : i64, scratch_operands = 13 : i64, tpu.core_type = #tpu.core_type<sc_vector_subcore>, window_params = [{transform_indices = #map}, {transform_indices = #map1}, {transform_indices = #map1}, {transform_indices = #map1}, {transform_indices = #map}]} {
    %mul3A = arith.constant 2 : i32
    %mul3A_0 = arith.muli %arg1, %mul3A : i32
    %add3A = arith.addi %mul3A_0, %arg0 : i32
    %mul3A_1 = arith.constant 6400 : i32
    %mul3A_2 = arith.muli %add3A, %mul3A_1 : i32
    "tpu.region"() ({
      %run_scoped3A = tpu.sem_alloc : memref<!tpu.dma_semaphore, #tpu.memory_space<semaphore_mem>>
      %dma_start3A_44 = tpu.memref_slice %arg4[%mul3A_2] : memref<204800xf32, #tpu.memory_space<hbm>> -> memref<6400xf32, #tpu.memory_space<hbm>>
      %dma_start3A_45 = tpu.memref_slice %arg4[%mul3A_2] : memref<204800xf32, #tpu.memory_space<hbm>> -> memref<6400xf32, #tpu.memory_space<hbm>>
      tpu.enqueue_dma source(%dma_start3A_45 : memref<6400xf32, #tpu.memory_space<hbm>>) target(%arg11 : memref<6400xf32, #tpu.memory_space<vmem>>) target_semaphore(%run_scoped3A : memref<!tpu.dma_semaphore, #tpu.memory_space<semaphore_mem>>)
      %dma_wait3A = tpu.memref_slice %arg4[%mul3A_2] : memref<204800xf32, #tpu.memory_space<hbm>> -> memref<6400xf32, #tpu.memory_space<hbm>>
      %dma_wait3A_46 = tpu.memref_slice %arg4[%mul3A_2] : memref<204800xf32, #tpu.memory_space<hbm>> -> memref<6400xf32, #tpu.memory_space<hbm>>
      tpu.wait_dma2 semaphore(%run_scoped3A : memref<!tpu.dma_semaphore, #tpu.memory_space<semaphore_mem>>) src(%dma_wait3A_46 : memref<6400xf32, #tpu.memory_space<hbm>>) dst(%arg11 : memref<6400xf32, #tpu.memory_space<vmem>>)
      tpu.yield
    }) : () -> ()
    "tpu.region"() ({
      %run_scoped3A = tpu.sem_alloc : memref<!tpu.dma_semaphore, #tpu.memory_space<semaphore_mem>>
      tpu.enqueue_dma source(%arg5 : memref<64xf32, #tpu.memory_space<hbm>>) target(%arg15 : memref<64xf32, #tpu.memory_space<vmem>>) target_semaphore(%run_scoped3A : memref<!tpu.dma_semaphore, #tpu.memory_space<semaphore_mem>>)
      tpu.wait_dma2 semaphore(%run_scoped3A : memref<!tpu.dma_semaphore, #tpu.memory_space<semaphore_mem>>) src(%arg5 : memref<64xf32, #tpu.memory_space<hbm>>) dst(%arg15 : memref<64xf32, #tpu.memory_space<vmem>>)
      tpu.yield
    }) : () -> ()
    %broadcast_in_dim3A = arith.constant 8191 : i32
    %broadcast_in_dim3A_3 = vector.broadcast %broadcast_in_dim3A : i32 to vector<16xi32>
    %broadcast_in_dim3A_4 = arith.constant 1 : i32
    %broadcast_in_dim3A_5 = vector.broadcast %broadcast_in_dim3A_4 : i32 to vector<16xi32>
    "tpu.region"() ({
      %run_scoped3A = tpu.sem_alloc : memref<!tpu.dma_semaphore, #tpu.memory_space<semaphore_mem>>
      %dma_start3A_44 = tpu.memref_slice %arg3[%mul3A_2] : memref<204800xi32, #tpu.memory_space<hbm>> -> memref<400xi32, #tpu.memory_space<hbm>>
      %dma_start3A_45 = tpu.memref_slice %arg3[%mul3A_2] : memref<204800xi32, #tpu.memory_space<hbm>> -> memref<400xi32, #tpu.memory_space<hbm>>
      tpu.enqueue_dma source(%dma_start3A_45 : memref<400xi32, #tpu.memory_space<hbm>>) target(%arg7 : memref<400xi32, #tpu.memory_space<vmem>>) target_semaphore(%run_scoped3A : memref<!tpu.dma_semaphore, #tpu.memory_space<semaphore_mem>>)
      %dma_wait3A = tpu.memref_slice %arg3[%mul3A_2] : memref<204800xi32, #tpu.memory_space<hbm>> -> memref<400xi32, #tpu.memory_space<hbm>>
      %dma_wait3A_46 = tpu.memref_slice %arg3[%mul3A_2] : memref<204800xi32, #tpu.memory_space<hbm>> -> memref<400xi32, #tpu.memory_space<hbm>>
      tpu.wait_dma2 semaphore(%run_scoped3A : memref<!tpu.dma_semaphore, #tpu.memory_space<semaphore_mem>>) src(%dma_wait3A_46 : memref<400xi32, #tpu.memory_space<hbm>>) dst(%arg7 : memref<400xi32, #tpu.memory_space<vmem>>)
      tpu.yield
    }) : () -> ()
    %scan3A = arith.constant 0 : i32
    %scan3A_6 = arith.constant 25 : i32
    %scan3A_7 = arith.addi %scan3A, %scan3A_6 : i32
    %scan3A_8 = arith.constant 1 : i32
    scf.for %scan3A_44 = %scan3A to %scan3A_7 step %scan3A_8  : i32 {
      %mul3A_45 = arith.constant 16 : i32
      %mul3A_46 = arith.muli %scan3A_44, %mul3A_45 : i32
      %add3A_47 = arith.constant 0 : i32
      %add3A_48 = arith.addi %add3A_47, %mul3A_46 : i32
      %get3A_49 = arith.index_cast %add3A_48 : i32 to index
      %get3A_50 = tpu.vector_load %arg7[%get3A_49] {strides = array<i32>} : memref<400xi32, #tpu.memory_space<vmem>>, vector<16xi32>,
      %shift_right_logical3A = arith.constant 14 : i32
      %shift_right_logical3A_51 = vector.broadcast %shift_right_logical3A : i32 to vector<16xi32>
      %shift_right_logical3A_52 = arith.shrui %get3A_50, %shift_right_logical3A_51 : vector<16xi32>
      %shift_left3A = arith.constant 14 : i32
      %shift_left3A_53 = vector.broadcast %shift_left3A : i32 to vector<16xi32>
      %shift_left3A_54 = arith.shli %shift_right_logical3A_52, %shift_left3A_53 : vector<16xi32>
      %and3A = arith.andi %get3A_50, %broadcast_in_dim3A_3 : vector<16xi32>
      %shift_left3A_55 = arith.constant 1 : i32
      %shift_left3A_56 = vector.broadcast %shift_left3A_55 : i32 to vector<16xi32>
      %shift_left3A_57 = arith.shli %and3A, %shift_left3A_56 : vector<16xi32>
      %shift_right_logical3A_58 = arith.constant 13 : i32
      %shift_right_logical3A_59 = vector.broadcast %shift_right_logical3A_58 : i32 to vector<16xi32>
      %shift_right_logical3A_60 = arith.shrui %get3A_50, %shift_right_logical3A_59 : vector<16xi32>
      %and3A_61 = arith.andi %shift_right_logical3A_60, %broadcast_in_dim3A_5 : vector<16xi32>
      %add3A_62 = arith.addi %shift_left3A_54, %shift_left3A_57 : vector<16xi32>
      %add3A_63 = arith.addi %add3A_62, %and3A_61 : vector<16xi32>
      %swap3A = arith.index_cast %add3A_48 : i32 to index
      %swap3A_64 = tpu.vector_load %arg9[%swap3A] {strides = array<i32>} : memref<400xi32, #tpu.memory_space<vmem>>, vector<16xi32>,
      tpu.vector_store %arg9[%swap3A], %add3A_63 {strides = array<i32>} : memref<400xi32, #tpu.memory_space<vmem>>, vector<16xi32>,
    }
    %scan3A_9 = arith.constant 25 : i32
    %dma_start3A = arith.constant 0 : i32
    %dma_start3A_10 = arith.constant 0 : i32
    %dma_start3A_11 = tpu.memref_slice %arg2[%dma_start3A, %dma_start3A_10] : memref<1015808x64xf32, #tpu.memory_space<hbm>> -> memref<1015808x64xf32, #tpu.memory_space<hbm>>
    tpu.enqueue_indirect_dma source(%dma_start3A_11 : memref<1015808x64xf32, #tpu.memory_space<hbm>>) target(%arg12 : memref<400x64xf32, #tpu.memory_space<vmem>>) offsets(%arg9 : memref<400xi32, #tpu.memory_space<vmem>>) semaphore(%arg18 : memref<!tpu.dma_semaphore, #tpu.memory_space<semaphore_mem>>)
    %add3A_12 = arith.constant 400 : i32
    %add3A_13 = arith.addi %mul3A_2, %add3A_12 : i32
    "tpu.region"() ({
      %run_scoped3A = tpu.sem_alloc : memref<!tpu.dma_semaphore, #tpu.memory_space<semaphore_mem>>
      %dma_start3A_44 = tpu.memref_slice %arg3[%add3A_13] : memref<204800xi32, #tpu.memory_space<hbm>> -> memref<400xi32, #tpu.memory_space<hbm>>
      %dma_start3A_45 = tpu.memref_slice %arg3[%add3A_13] : memref<204800xi32, #tpu.memory_space<hbm>> -> memref<400xi32, #tpu.memory_space<hbm>>
      tpu.enqueue_dma source(%dma_start3A_45 : memref<400xi32, #tpu.memory_space<hbm>>) target(%arg8 : memref<400xi32, #tpu.memory_space<vmem>>) target_semaphore(%run_scoped3A : memref<!tpu.dma_semaphore, #tpu.memory_space<semaphore_mem>>)
      %dma_wait3A = tpu.memref_slice %arg3[%add3A_13] : memref<204800xi32, #tpu.memory_space<hbm>> -> memref<400xi32, #tpu.memory_space<hbm>>
      %dma_wait3A_46 = tpu.memref_slice %arg3[%add3A_13] : memref<204800xi32, #tpu.memory_space<hbm>> -> memref<400xi32, #tpu.memory_space<hbm>>
      tpu.wait_dma2 semaphore(%run_scoped3A : memref<!tpu.dma_semaphore, #tpu.memory_space<semaphore_mem>>) src(%dma_wait3A_46 : memref<400xi32, #tpu.memory_space<hbm>>) dst(%arg8 : memref<400xi32, #tpu.memory_space<vmem>>)
      tpu.yield
    }) : () -> ()
    %scan3A_14 = arith.constant 0 : i32
    %scan3A_15 = arith.constant 25 : i32
    %scan3A_16 = arith.addi %scan3A_14, %scan3A_15 : i32
    %scan3A_17 = arith.constant 1 : i32
    scf.for %scan3A_44 = %scan3A_14 to %scan3A_16 step %scan3A_17  : i32 {
      %mul3A_45 = arith.constant 16 : i32
      %mul3A_46 = arith.muli %scan3A_44, %mul3A_45 : i32
      %add3A_47 = arith.constant 0 : i32
      %add3A_48 = arith.addi %add3A_47, %mul3A_46 : i32
      %get3A_49 = arith.index_cast %add3A_48 : i32 to index
      %get3A_50 = tpu.vector_load %arg8[%get3A_49] {strides = array<i32>} : memref<400xi32, #tpu.memory_space<vmem>>, vector<16xi32>,
      %shift_right_logical3A = arith.constant 14 : i32
      %shift_right_logical3A_51 = vector.broadcast %shift_right_logical3A : i32 to vector<16xi32>
      %shift_right_logical3A_52 = arith.shrui %get3A_50, %shift_right_logical3A_51 : vector<16xi32>
      %shift_left3A = arith.constant 14 : i32
      %shift_left3A_53 = vector.broadcast %shift_left3A : i32 to vector<16xi32>
      %shift_left3A_54 = arith.shli %shift_right_logical3A_52, %shift_left3A_53 : vector<16xi32>
      %and3A = arith.andi %get3A_50, %broadcast_in_dim3A_3 : vector<16xi32>
      %shift_left3A_55 = arith.constant 1 : i32
      %shift_left3A_56 = vector.broadcast %shift_left3A_55 : i32 to vector<16xi32>
      %shift_left3A_57 = arith.shli %and3A, %shift_left3A_56 : vector<16xi32>
      %shift_right_logical3A_58 = arith.constant 13 : i32
      %shift_right_logical3A_59 = vector.broadcast %shift_right_logical3A_58 : i32 to vector<16xi32>
      %shift_right_logical3A_60 = arith.shrui %get3A_50, %shift_right_logical3A_59 : vector<16xi32>
      %and3A_61 = arith.andi %shift_right_logical3A_60, %broadcast_in_dim3A_5 : vector<16xi32>
      %add3A_62 = arith.addi %shift_left3A_54, %shift_left3A_57 : vector<16xi32>
      %add3A_63 = arith.addi %add3A_62, %and3A_61 : vector<16xi32>
      %swap3A = arith.index_cast %add3A_48 : i32 to index
      %swap3A_64 = tpu.vector_load %arg10[%swap3A] {strides = array<i32>} : memref<400xi32, #tpu.memory_space<vmem>>, vector<16xi32>,
      tpu.vector_store %arg10[%swap3A], %add3A_63 {strides = array<i32>} : memref<400xi32, #tpu.memory_space<vmem>>, vector<16xi32>,
    }
    %scan3A_18 = arith.constant 25 : i32
    %dma_start3A_19 = arith.constant 0 : i32
    %dma_start3A_20 = arith.constant 0 : i32
    %dma_start3A_21 = tpu.memref_slice %arg2[%dma_start3A_19, %dma_start3A_20] : memref<1015808x64xf32, #tpu.memory_space<hbm>> -> memref<1015808x64xf32, #tpu.memory_space<hbm>>
    tpu.enqueue_indirect_dma source(%dma_start3A_21 : memref<1015808x64xf32, #tpu.memory_space<hbm>>) target(%arg13 : memref<400x64xf32, #tpu.memory_space<vmem>>) offsets(%arg10 : memref<400xi32, #tpu.memory_space<vmem>>) semaphore(%arg19 : memref<!tpu.dma_semaphore, #tpu.memory_space<semaphore_mem>>)
    %add3A_22 = arith.constant 800 : i32
    %add3A_23 = arith.addi %mul3A_2, %add3A_22 : i32
    %dma_start3A_24 = tpu.memref_slice %arg3[%add3A_23] : memref<204800xi32, #tpu.memory_space<hbm>> -> memref<400xi32, #tpu.memory_space<hbm>>
    %dma_start3A_25 = tpu.memref_slice %arg3[%add3A_23] : memref<204800xi32, #tpu.memory_space<hbm>> -> memref<400xi32, #tpu.memory_space<hbm>>
    tpu.enqueue_dma source(%dma_start3A_25 : memref<400xi32, #tpu.memory_space<hbm>>) target(%arg7 : memref<400xi32, #tpu.memory_space<vmem>>) target_semaphore(%arg16 : memref<!tpu.dma_semaphore, #tpu.memory_space<semaphore_mem>>)
    %add3A_26 = arith.constant 1200 : i32
    %add3A_27 = arith.addi %mul3A_2, %add3A_26 : i32
    %dma_start3A_28 = tpu.memref_slice %arg3[%add3A_27] : memref<204800xi32, #tpu.memory_space<hbm>> -> memref<400xi32, #tpu.memory_space<hbm>>
    %dma_start3A_29 = tpu.memref_slice %arg3[%add3A_27] : memref<204800xi32, #tpu.memory_space<hbm>> -> memref<400xi32, #tpu.memory_space<hbm>>
    tpu.enqueue_dma source(%dma_start3A_29 : memref<400xi32, #tpu.memory_space<hbm>>) target(%arg8 : memref<400xi32, #tpu.memory_space<vmem>>) target_semaphore(%arg17 : memref<!tpu.dma_semaphore, #tpu.memory_space<semaphore_mem>>)
    %get3A = arith.constant 0 : index
    %get3A_30 = tpu.vector_load %arg15[%get3A] {strides = array<i32>} : memref<64xf32, #tpu.memory_space<vmem>>, vector<16xf32>,
    %get3A_31 = arith.constant 16 : index
    %get3A_32 = tpu.vector_load %arg15[%get3A_31] {strides = array<i32>} : memref<64xf32, #tpu.memory_space<vmem>>, vector<16xf32>,
    %get3A_33 = arith.constant 32 : index
    %get3A_34 = tpu.vector_load %arg15[%get3A_33] {strides = array<i32>} : memref<64xf32, #tpu.memory_space<vmem>>, vector<16xf32>,
    %get3A_35 = arith.constant 48 : index
    %get3A_36 = tpu.vector_load %arg15[%get3A_35] {strides = array<i32>} : memref<64xf32, #tpu.memory_space<vmem>>, vector<16xf32>,
    %scan3A_37 = arith.constant 0 : i32
    %scan3A_38 = arith.constant 8 : i32
    %scan3A_39 = arith.addi %scan3A_37, %scan3A_38 : i32
    %scan3A_40 = arith.constant 1 : i32
    scf.for %scan3A_44 = %scan3A_37 to %scan3A_39 step %scan3A_40  : i32 {
      %mul3A_45 = arith.constant 2 : i32
      %mul3A_46 = arith.muli %scan3A_44, %mul3A_45 : i32
      %add3A_47 = arith.constant 0 : i32
      %add3A_48 = arith.addi %add3A_47, %mul3A_46 : i32
      %dma_wait3A = arith.constant 0 : i32
      %dma_wait3A_49 = arith.constant 0 : i32
      %dma_wait3A_50 = tpu.memref_slice %arg2[%dma_wait3A, %dma_wait3A_49] : memref<1015808x64xf32, #tpu.memory_space<hbm>> -> memref<1015808x64xf32, #tpu.memory_space<hbm>>
      tpu.wait_indirect_dma semaphore(%arg18 : memref<!tpu.dma_semaphore, #tpu.memory_space<semaphore_mem>>) src(%dma_wait3A_50 : memref<1015808x64xf32, #tpu.memory_space<hbm>>) dst(%arg12 : memref<400x64xf32, #tpu.memory_space<vmem>>)
      %scan3A_51 = arith.constant 0 : i32
      %scan3A_52 = arith.constant 8 : i32
      %scan3A_53 = arith.addi %scan3A_51, %scan3A_52 : i32
      %scan3A_54 = arith.constant 1 : i32
      scf.for %scan3A_77 = %scan3A_51 to %scan3A_53 step %scan3A_54  : i32 {
        %mul3A_78 = arith.constant 1 : i32
        %mul3A_79 = arith.muli %scan3A_77, %mul3A_78 : i32
        %add3A_80 = arith.constant 0 : i32
        %add3A_81 = arith.addi %add3A_80, %mul3A_79 : i32
        %mul3A_82 = arith.constant 8 : i32
        %mul3A_83 = arith.muli %add3A_48, %mul3A_82 : i32
        %add3A_84 = arith.addi %mul3A_83, %add3A_81 : i32
        %mul3A_85 = arith.constant 50 : i32
        %mul3A_86 = arith.muli %add3A_84, %mul3A_85 : i32
        %broadcast_in_dim3A_87 = vector.broadcast %mul3A_86 : i32 to vector<16xi32>
        %mul3A_88 = arith.constant 50 : i32
        %mul3A_89 = arith.muli %add3A_81, %mul3A_88 : i32
        %add3A_90 = arith.constant 0 : i32
        %add3A_91 = vector.broadcast %add3A_90 : i32 to vector<16xi32>
        %add3A_92 = arith.addi %broadcast_in_dim3A_87, %add3A_91 : vector<16xi32>
        %gather3A = tpu.vector_load_idx %arg11[%add3A_92] : memref<6400xf32, #tpu.memory_space<vmem>>[vector<16xi32>], vector<16xf32>,
        %add3A_93 = arith.constant 0 : i32
        %add3A_94 = arith.addi %mul3A_89, %add3A_93 : i32
        %get3A_95 = arith.index_cast %add3A_94 : i32 to index
        %get3A_96 = arith.constant 0 : index
        %get3A_97 = tpu.vector_load %arg12[%get3A_95, %get3A_96] {strides = array<i32>} : memref<400x64xf32, #tpu.memory_space<vmem>>, vector<16xf32>,
        %mul3A_98 = arith.mulf %get3A_97, %gather3A : vector<16xf32>
        %add3A_99 = arith.addf %get3A_30, %mul3A_98 : vector<16xf32>
        %add3A_100 = arith.constant 0 : i32
        %add3A_101 = arith.addi %mul3A_89, %add3A_100 : i32
        %get3A_102 = arith.index_cast %add3A_101 : i32 to index
        %get3A_103 = arith.constant 16 : index
        %get3A_104 = tpu.vector_load %arg12[%get3A_102, %get3A_103] {strides = array<i32>} : memref<400x64xf32, #tpu.memory_space<vmem>>, vector<16xf32>,
        %mul3A_105 = arith.mulf %get3A_104, %gather3A : vector<16xf32>
        %add3A_106 = arith.addf %get3A_32, %mul3A_105 : vector<16xf32>
        %add3A_107 = arith.constant 0 : i32
        %add3A_108 = arith.addi %mul3A_89, %add3A_107 : i32
        %get3A_109 = arith.index_cast %add3A_108 : i32 to index
        %get3A_110 = arith.constant 32 : index
        %get3A_111 = tpu.vector_load %arg12[%get3A_109, %get3A_110] {strides = array<i32>} : memref<400x64xf32, #tpu.memory_space<vmem>>, vector<16xf32>,
        %mul3A_112 = arith.mulf %get3A_111, %gather3A : vector<16xf32>
        %add3A_113 = arith.addf %get3A_34, %mul3A_112 : vector<16xf32>
        %add3A_114 = arith.constant 0 : i32
        %add3A_115 = arith.addi %mul3A_89, %add3A_114 : i32
        %get3A_116 = arith.index_cast %add3A_115 : i32 to index
        %get3A_117 = arith.constant 48 : index
        %get3A_118 = tpu.vector_load %arg12[%get3A_116, %get3A_117] {strides = array<i32>} : memref<400x64xf32, #tpu.memory_space<vmem>>, vector<16xf32>,
        %mul3A_119 = arith.mulf %get3A_118, %gather3A : vector<16xf32>
        %add3A_120 = arith.addf %get3A_36, %mul3A_119 : vector<16xf32>
        %add3A_121 = arith.constant 1 : i32
        %add3A_122 = vector.broadcast %add3A_121 : i32 to vector<16xi32>
        %add3A_123 = arith.addi %broadcast_in_dim3A_87, %add3A_122 : vector<16xi32>
        %gather3A_124 = tpu.vector_load_idx %arg11[%add3A_123] : memref<6400xf32, #tpu.memory_space<vmem>>[vector<16xi32>], vector<16xf32>,
        %add3A_125 = arith.constant 1 : i32
        %add3A_126 = arith.addi %mul3A_89, %add3A_125 : i32
        %get3A_127 = arith.index_cast %add3A_126 : i32 to index
        %get3A_128 = arith.constant 0 : index
        %get3A_129 = tpu.vector_load %arg12[%get3A_127, %get3A_128] {strides = array<i32>} : memref<400x64xf32, #tpu.memory_space<vmem>>, vector<16xf32>,
        %mul3A_130 = arith.mulf %get3A_129, %gather3A_124 : vector<16xf32>
        %add3A_131 = arith.addf %add3A_99, %mul3A_130 : vector<16xf32>
        %add3A_132 = arith.constant 1 : i32
        %add3A_133 = arith.addi %mul3A_89, %add3A_132 : i32
        %get3A_134 = arith.index_cast %add3A_133 : i32 to index
        %get3A_135 = arith.constant 16 : index
        %get3A_136 = tpu.vector_load %arg12[%get3A_134, %get3A_135] {strides = array<i32>} : memref<400x64xf32, #tpu.memory_space<vmem>>, vector<16xf32>,
        %mul3A_137 = arith.mulf %get3A_136, %gather3A_124 : vector<16xf32>
        %add3A_138 = arith.addf %add3A_106, %mul3A_137 : vector<16xf32>
        %add3A_139 = arith.constant 1 : i32
        %add3A_140 = arith.addi %mul3A_89, %add3A_139 : i32
        %get3A_141 = arith.index_cast %add3A_140 : i32 to index
        %get3A_142 = arith.constant 32 : index
        %get3A_143 = tpu.vector_load %arg12[%get3A_141, %get3A_142] {strides = array<i32>} : memref<400x64xf32, #tpu.memory_space<vmem>>, vector<16xf32>,
        %mul3A_144 = arith.mulf %get3A_143, %gather3A_124 : vector<16xf32>
        %add3A_145 = arith.addf %add3A_113, %mul3A_144 : vector<16xf32>
        %add3A_146 = arith.constant 1 : i32
        %add3A_147 = arith.addi %mul3A_89, %add3A_146 : i32
        %get3A_148 = arith.index_cast %add3A_147 : i32 to index
        %get3A_149 = arith.constant 48 : index
        %get3A_150 = tpu.vector_load %arg12[%get3A_148, %get3A_149] {strides = array<i32>} : memref<400x64xf32, #tpu.memory_space<vmem>>, vector<16xf32>,
        %mul3A_151 = arith.mulf %get3A_150, %gather3A_124 : vector<16xf32>
        %add3A_152 = arith.addf %add3A_120, %mul3A_151 : vector<16xf32>
        %add3A_153 = arith.constant 2 : i32
        %add3A_154 = vector.broadcast %add3A_153 : i32 to vector<16xi32>
        %add3A_155 = arith.addi %broadcast_in_dim3A_87, %add3A_154 : vector<16xi32>
        %gather3A_156 = tpu.vector_load_idx %arg11[%add3A_155] : memref<6400xf32, #tpu.memory_space<vmem>>[vector<16xi32>], vector<16xf32>,
        %add3A_157 = arith.constant 2 : i32
        %add3A_158 = arith.addi %mul3A_89, %add3A_157 : i32
        %get3A_159 = arith.index_cast %add3A_158 : i32 to index
        %get3A_160 = arith.constant 0 : index
        %get3A_161 = tpu.vector_load %arg12[%get3A_159, %get3A_160] {strides = array<i32>} : memref<400x64xf32, #tpu.memory_space<vmem>>, vector<16xf32>,
        %mul3A_162 = arith.mulf %get3A_161, %gather3A_156 : vector<16xf32>
        %add3A_163 = arith.addf %add3A_131, %mul3A_162 : vector<16xf32>
        %add3A_164 = arith.constant 2 : i32
        %add3A_165 = arith.addi %mul3A_89, %add3A_164 : i32
        %get3A_166 = arith.index_cast %add3A_165 : i32 to index
        %get3A_167 = arith.constant 16 : index
        %get3A_168 = tpu.vector_load %arg12[%get3A_166, %get3A_167] {strides = array<i32>} : memref<400x64xf32, #tpu.memory_space<vmem>>, vector<16xf32>,
        %mul3A_169 = arith.mulf %get3A_168, %gather3A_156 : vector<16xf32>
        %add3A_170 = arith.addf %add3A_138, %mul3A_169 : vector<16xf32>
        %add3A_171 = arith.constant 2 : i32
        %add3A_172 = arith.addi %mul3A_89, %add3A_171 : i32
        %get3A_173 = arith.index_cast %add3A_172 : i32 to index
        %get3A_174 = arith.constant 32 : index
        %get3A_175 = tpu.vector_load %arg12[%get3A_173, %get3A_174] {strides = array<i32>} : memref<400x64xf32, #tpu.memory_space<vmem>>, vector<16xf32>,
        %mul3A_176 = arith.mulf %get3A_175, %gather3A_156 : vector<16xf32>
        %add3A_177 = arith.addf %add3A_145, %mul3A_176 : vector<16xf32>
        %add3A_178 = arith.constant 2 : i32
        %add3A_179 = arith.addi %mul3A_89, %add3A_178 : i32
        %get3A_180 = arith.index_cast %add3A_179 : i32 to index
        %get3A_181 = arith.constant 48 : index
        %get3A_182 = tpu.vector_load %arg12[%get3A_180, %get3A_181] {strides = array<i32>} : memref<400x64xf32, #tpu.memory_space<vmem>>, vector<16xf32>,
        %mul3A_183 = arith.mulf %get3A_182, %gather3A_156 : vector<16xf32>
        %add3A_184 = arith.addf %add3A_152, %mul3A_183 : vector<16xf32>
        %add3A_185 = arith.constant 3 : i32
        %add3A_186 = vector.broadcast %add3A_185 : i32 to vector<16xi32>
        %add3A_187 = arith.addi %broadcast_in_dim3A_87, %add3A_186 : vector<16xi32>
        %gather3A_188 = tpu.vector_load_idx %arg11[%add3A_187] : memref<6400xf32, #tpu.memory_space<vmem>>[vector<16xi32>], vector<16xf32>,
        %add3A_189 = arith.constant 3 : i32
        %add3A_190 = arith.addi %mul3A_89, %add3A_189 : i32
        %get3A_191 = arith.index_cast %add3A_190 : i32 to index
        %get3A_192 = arith.constant 0 : index
        %get3A_193 = tpu.vector_load %arg12[%get3A_191, %get3A_192] {strides = array<i32>} : memref<400x64xf32, #tpu.memory_space<vmem>>, vector<16xf32>,
        %mul3A_194 = arith.mulf %get3A_193, %gather3A_188 : vector<16xf32>
        %add3A_195 = arith.addf %add3A_163, %mul3A_194 : vector<16xf32>
        %add3A_196 = arith.constant 3 : i32
        %add3A_197 = arith.addi %mul3A_89, %add3A_196 : i32
        %get3A_198 = arith.index_cast %add3A_197 : i32 to index
        %get3A_199 = arith.constant 16 : index
        %get3A_200 = tpu.vector_load %arg12[%get3A_198, %get3A_199] {strides = array<i32>} : memref<400x64xf32, #tpu.memory_space<vmem>>, vector<16xf32>,
        %mul3A_201 = arith.mulf %get3A_200, %gather3A_188 : vector<16xf32>
        %add3A_202 = arith.addf %add3A_170, %mul3A_201 : vector<16xf32>
        %add3A_203 = arith.constant 3 : i32
        %add3A_204 = arith.addi %mul3A_89, %add3A_203 : i32
        %get3A_205 = arith.index_cast %add3A_204 : i32 to index
        %get3A_206 = arith.constant 32 : index
        %get3A_207 = tpu.vector_load %arg12[%get3A_205, %get3A_206] {strides = array<i32>} : memref<400x64xf32, #tpu.memory_space<vmem>>, vector<16xf32>,
        %mul3A_208 = arith.mulf %get3A_207, %gather3A_188 : vector<16xf32>
        %add3A_209 = arith.addf %add3A_177, %mul3A_208 : vector<16xf32>
        %add3A_210 = arith.constant 3 : i32
        %add3A_211 = arith.addi %mul3A_89, %add3A_210 : i32
        %get3A_212 = arith.index_cast %add3A_211 : i32 to index
        %get3A_213 = arith.constant 48 : index
        %get3A_214 = tpu.vector_load %arg12[%get3A_212, %get3A_213] {strides = array<i32>} : memref<400x64xf32, #tpu.memory_space<vmem>>, vector<16xf32>,
        %mul3A_215 = arith.mulf %get3A_214, %gather3A_188 : vector<16xf32>
        %add3A_216 = arith.addf %add3A_184, %mul3A_215 : vector<16xf32>
        %add3A_217 = arith.constant 4 : i32
        %add3A_218 = vector.broadcast %add3A_217 : i32 to vector<16xi32>
        %add3A_219 = arith.addi %broadcast_in_dim3A_87, %add3A_218 : vector<16xi32>
        %gather3A_220 = tpu.vector_load_idx %arg11[%add3A_219] : memref<6400xf32, #tpu.memory_space<vmem>>[vector<16xi32>], vector<16xf32>,
        %add3A_221 = arith.constant 4 : i32
        %add3A_222 = arith.addi %mul3A_89, %add3A_221 : i32
        %get3A_223 = arith.index_cast %add3A_222 : i32 to index
        %get3A_224 = arith.constant 0 : index
        %get3A_225 = tpu.vector_load %arg12[%get3A_223, %get3A_224] {strides = array<i32>} : memref<400x64xf32, #tpu.memory_space<vmem>>, vector<16xf32>,
        %mul3A_226 = arith.mulf %get3A_225, %gather3A_220 : vector<16xf32>
        %add3A_227 = arith.addf %add3A_195, %mul3A_226 : vector<16xf32>
        %add3A_228 = arith.constant 4 : i32
        %add3A_229 = arith.addi %mul3A_89, %add3A_228 : i32
        %get3A_230 = arith.index_cast %add3A_229 : i32 to index
        %get3A_231 = arith.constant 16 : index
        %get3A_232 = tpu.vector_load %arg12[%get3A_230, %get3A_231] {strides = array<i32>} : memref<400x64xf32, #tpu.memory_space<vmem>>, vector<16xf32>,
        %mul3A_233 = arith.mulf %get3A_232, %gather3A_220 : vector<16xf32>
        %add3A_234 = arith.addf %add3A_202, %mul3A_233 : vector<16xf32>
        %add3A_235 = arith.constant 4 : i32
        %add3A_236 = arith.addi %mul3A_89, %add3A_235 : i32
        %get3A_237 = arith.index_cast %add3A_236 : i32 to index
        %get3A_238 = arith.constant 32 : index
        %get3A_239 = tpu.vector_load %arg12[%get3A_237, %get3A_238] {strides = array<i32>} : memref<400x64xf32, #tpu.memory_space<vmem>>, vector<16xf32>,
        %mul3A_240 = arith.mulf %get3A_239, %gather3A_220 : vector<16xf32>
        %add3A_241 = arith.addf %add3A_209, %mul3A_240 : vector<16xf32>
        %add3A_242 = arith.constant 4 : i32
        %add3A_243 = arith.addi %mul3A_89, %add3A_242 : i32
        %get3A_244 = arith.index_cast %add3A_243 : i32 to index
        %get3A_245 = arith.constant 48 : index
        %get3A_246 = tpu.vector_load %arg12[%get3A_244, %get3A_245] {strides = array<i32>} : memref<400x64xf32, #tpu.memory_space<vmem>>, vector<16xf32>,
        %mul3A_247 = arith.mulf %get3A_246, %gather3A_220 : vector<16xf32>
        %add3A_248 = arith.addf %add3A_216, %mul3A_247 : vector<16xf32>
        %add3A_249 = arith.constant 5 : i32
        %add3A_250 = vector.broadcast %add3A_249 : i32 to vector<16xi32>
        %add3A_251 = arith.addi %broadcast_in_dim3A_87, %add3A_250 : vector<16xi32>
        %gather3A_252 = tpu.vector_load_idx %arg11[%add3A_251] : memref<6400xf32, #tpu.memory_space<vmem>>[vector<16xi32>], vector<16xf32>,
        %add3A_253 = arith.constant 5 : i32
        %add3A_254 = arith.addi %mul3A_89, %add3A_253 : i32
        %get3A_255 = arith.index_cast %add3A_254 : i32 to index
        %get3A_256 = arith.constant 0 : index
        %get3A_257 = tpu.vector_load %arg12[%get3A_255, %get3A_256] {strides = array<i32>} : memref<400x64xf32, #tpu.memory_space<vmem>>, vector<16xf32>,
        %mul3A_258 = arith.mulf %get3A_257, %gather3A_252 : vector<16xf32>
        %add3A_259 = arith.addf %add3A_227, %mul3A_258 : vector<16xf32>
        %add3A_260 = arith.constant 5 : i32
        %add3A_261 = arith.addi %mul3A_89, %add3A_260 : i32
        %get3A_262 = arith.index_cast %add3A_261 : i32 to index
        %get3A_263 = arith.constant 16 : index
        %get3A_264 = tpu.vector_load %arg12[%get3A_262, %get3A_263] {strides = array<i32>} : memref<400x64xf32, #tpu.memory_space<vmem>>, vector<16xf32>,
        %mul3A_265 = arith.mulf %get3A_264, %gather3A_252 : vector<16xf32>
        %add3A_266 = arith.addf %add3A_234, %mul3A_265 : vector<16xf32>
        %add3A_267 = arith.constant 5 : i32
        %add3A_268 = arith.addi %mul3A_89, %add3A_267 : i32
        %get3A_269 = arith.index_cast %add3A_268 : i32 to index
        %get3A_270 = arith.constant 32 : index
        %get3A_271 = tpu.vector_load %arg12[%get3A_269, %get3A_270] {strides = array<i32>} : memref<400x64xf32, #tpu.memory_space<vmem>>, vector<16xf32>,
        %mul3A_272 = arith.mulf %get3A_271, %gather3A_252 : vector<16xf32>
        %add3A_273 = arith.addf %add3A_241, %mul3A_272 : vector<16xf32>
        %add3A_274 = arith.constant 5 : i32
        %add3A_275 = arith.addi %mul3A_89, %add3A_274 : i32
        %get3A_276 = arith.index_cast %add3A_275 : i32 to index
        %get3A_277 = arith.constant 48 : index
        %get3A_278 = tpu.vector_load %arg12[%get3A_276, %get3A_277] {strides = array<i32>} : memref<400x64xf32, #tpu.memory_space<vmem>>, vector<16xf32>,
        %mul3A_279 = arith.mulf %get3A_278, %gather3A_252 : vector<16xf32>
        %add3A_280 = arith.addf %add3A_248, %mul3A_279 : vector<16xf32>
        %add3A_281 = arith.constant 6 : i32
        %add3A_282 = vector.broadcast %add3A_281 : i32 to vector<16xi32>
        %add3A_283 = arith.addi %broadcast_in_dim3A_87, %add3A_282 : vector<16xi32>
        %gather3A_284 = tpu.vector_load_idx %arg11[%add3A_283] : memref<6400xf32, #tpu.memory_space<vmem>>[vector<16xi32>], vector<16xf32>,
        %add3A_285 = arith.constant 6 : i32
        %add3A_286 = arith.addi %mul3A_89, %add3A_285 : i32
        %get3A_287 = arith.index_cast %add3A_286 : i32 to index
        %get3A_288 = arith.constant 0 : index
        %get3A_289 = tpu.vector_load %arg12[%get3A_287, %get3A_288] {strides = array<i32>} : memref<400x64xf32, #tpu.memory_space<vmem>>, vector<16xf32>,
        %mul3A_290 = arith.mulf %get3A_289, %gather3A_284 : vector<16xf32>
        %add3A_291 = arith.addf %add3A_259, %mul3A_290 : vector<16xf32>
        %add3A_292 = arith.constant 6 : i32
        %add3A_293 = arith.addi %mul3A_89, %add3A_292 : i32
        %get3A_294 = arith.index_cast %add3A_293 : i32 to index
        %get3A_295 = arith.constant 16 : index
        %get3A_296 = tpu.vector_load %arg12[%get3A_294, %get3A_295] {strides = array<i32>} : memref<400x64xf32, #tpu.memory_space<vmem>>, vector<16xf32>,
        %mul3A_297 = arith.mulf %get3A_296, %gather3A_284 : vector<16xf32>
        %add3A_298 = arith.addf %add3A_266, %mul3A_297 : vector<16xf32>
        %add3A_299 = arith.constant 6 : i32
        %add3A_300 = arith.addi %mul3A_89, %add3A_299 : i32
        %get3A_301 = arith.index_cast %add3A_300 : i32 to index
        %get3A_302 = arith.constant 32 : index
        %get3A_303 = tpu.vector_load %arg12[%get3A_301, %get3A_302] {strides = array<i32>} : memref<400x64xf32, #tpu.memory_space<vmem>>, vector<16xf32>,
        %mul3A_304 = arith.mulf %get3A_303, %gather3A_284 : vector<16xf32>
        %add3A_305 = arith.addf %add3A_273, %mul3A_304 : vector<16xf32>
        %add3A_306 = arith.constant 6 : i32
        %add3A_307 = arith.addi %mul3A_89, %add3A_306 : i32
        %get3A_308 = arith.index_cast %add3A_307 : i32 to index
        %get3A_309 = arith.constant 48 : index
        %get3A_310 = tpu.vector_load %arg12[%get3A_308, %get3A_309] {strides = array<i32>} : memref<400x64xf32, #tpu.memory_space<vmem>>, vector<16xf32>,
        %mul3A_311 = arith.mulf %get3A_310, %gather3A_284 : vector<16xf32>
        %add3A_312 = arith.addf %add3A_280, %mul3A_311 : vector<16xf32>
        %add3A_313 = arith.constant 7 : i32
        %add3A_314 = vector.broadcast %add3A_313 : i32 to vector<16xi32>
        %add3A_315 = arith.addi %broadcast_in_dim3A_87, %add3A_314 : vector<16xi32>
        %gather3A_316 = tpu.vector_load_idx %arg11[%add3A_315] : memref<6400xf32, #tpu.memory_space<vmem>>[vector<16xi32>], vector<16xf32>,
        %add3A_317 = arith.constant 7 : i32
        %add3A_318 = arith.addi %mul3A_89, %add3A_317 : i32
        %get3A_319 = arith.index_cast %add3A_318 : i32 to index
        %get3A_320 = arith.constant 0 : index
        %get3A_321 = tpu.vector_load %arg12[%get3A_319, %get3A_320] {strides = array<i32>} : memref<400x64xf32, #tpu.memory_space<vmem>>, vector<16xf32>,
        %mul3A_322 = arith.mulf %get3A_321, %gather3A_316 : vector<16xf32>
        %add3A_323 = arith.addf %add3A_291, %mul3A_322 : vector<16xf32>
        %add3A_324 = arith.constant 7 : i32
        %add3A_325 = arith.addi %mul3A_89, %add3A_324 : i32
        %get3A_326 = arith.index_cast %add3A_325 : i32 to index
        %get3A_327 = arith.constant 16 : index
        %get3A_328 = tpu.vector_load %arg12[%get3A_326, %get3A_327] {strides = array<i32>} : memref<400x64xf32, #tpu.memory_space<vmem>>, vector<16xf32>,
        %mul3A_329 = arith.mulf %get3A_328, %gather3A_316 : vector<16xf32>
        %add3A_330 = arith.addf %add3A_298, %mul3A_329 : vector<16xf32>
        %add3A_331 = arith.constant 7 : i32
        %add3A_332 = arith.addi %mul3A_89, %add3A_331 : i32
        %get3A_333 = arith.index_cast %add3A_332 : i32 to index
        %get3A_334 = arith.constant 32 : index
        %get3A_335 = tpu.vector_load %arg12[%get3A_333, %get3A_334] {strides = array<i32>} : memref<400x64xf32, #tpu.memory_space<vmem>>, vector<16xf32>,
        %mul3A_336 = arith.mulf %get3A_335, %gather3A_316 : vector<16xf32>
        %add3A_337 = arith.addf %add3A_305, %mul3A_336 : vector<16xf32>
        %add3A_338 = arith.constant 7 : i32
        %add3A_339 = arith.addi %mul3A_89, %add3A_338 : i32
        %get3A_340 = arith.index_cast %add3A_339 : i32 to index
        %get3A_341 = arith.constant 48 : index
        %get3A_342 = tpu.vector_load %arg12[%get3A_340, %get3A_341] {strides = array<i32>} : memref<400x64xf32, #tpu.memory_space<vmem>>, vector<16xf32>,
        %mul3A_343 = arith.mulf %get3A_342, %gather3A_316 : vector<16xf32>
        %add3A_344 = arith.addf %add3A_312, %mul3A_343 : vector<16xf32>
        %add3A_345 = arith.constant 8 : i32
        %add3A_346 = vector.broadcast %add3A_345 : i32 to vector<16xi32>
        %add3A_347 = arith.addi %broadcast_in_dim3A_87, %add3A_346 : vector<16xi32>
        %gather3A_348 = tpu.vector_load_idx %arg11[%add3A_347] : memref<6400xf32, #tpu.memory_space<vmem>>[vector<16xi32>], vector<16xf32>,
        %add3A_349 = arith.constant 8 : i32
        %add3A_350 = arith.addi %mul3A_89, %add3A_349 : i32
        %get3A_351 = arith.index_cast %add3A_350 : i32 to index
        %get3A_352 = arith.constant 0 : index
        %get3A_353 = tpu.vector_load %arg12[%get3A_351, %get3A_352] {strides = array<i32>} : memref<400x64xf32, #tpu.memory_space<vmem>>, vector<16xf32>,
        %mul3A_354 = arith.mulf %get3A_353, %gather3A_348 : vector<16xf32>
        %add3A_355 = arith.addf %add3A_323, %mul3A_354 : vector<16xf32>
        %add3A_356 = arith.constant 8 : i32
        %add3A_357 = arith.addi %mul3A_89, %add3A_356 : i32
        %get3A_358 = arith.index_cast %add3A_357 : i32 to index
        %get3A_359 = arith.constant 16 : index
        %get3A_360 = tpu.vector_load %arg12[%get3A_358, %get3A_359] {strides = array<i32>} : memref<400x64xf32, #tpu.memory_space<vmem>>, vector<16xf32>,
        %mul3A_361 = arith.mulf %get3A_360, %gather3A_348 : vector<16xf32>
        %add3A_362 = arith.addf %add3A_330, %mul3A_361 : vector<16xf32>
        %add3A_363 = arith.constant 8 : i32
        %add3A_364 = arith.addi %mul3A_89, %add3A_363 : i32
        %get3A_365 = arith.index_cast %add3A_364 : i32 to index
        %get3A_366 = arith.constant 32 : index
        %get3A_367 = tpu.vector_load %arg12[%get3A_365, %get3A_366] {strides = array<i32>} : memref<400x64xf32, #tpu.memory_space<vmem>>, vector<16xf32>,
        %mul3A_368 = arith.mulf %get3A_367, %gather3A_348 : vector<16xf32>
        %add3A_369 = arith.addf %add3A_337, %mul3A_368 : vector<16xf32>
        %add3A_370 = arith.constant 8 : i32
        %add3A_371 = arith.addi %mul3A_89, %add3A_370 : i32
        %get3A_372 = arith.index_cast %add3A_371 : i32 to index
        %get3A_373 = arith.constant 48 : index
        %get3A_374 = tpu.vector_load %arg12[%get3A_372, %get3A_373] {strides = array<i32>} : memref<400x64xf32, #tpu.memory_space<vmem>>, vector<16xf32>,
        %mul3A_375 = arith.mulf %get3A_374, %gather3A_348 : vector<16xf32>
        %add3A_376 = arith.addf %add3A_344, %mul3A_375 : vector<16xf32>
        %add3A_377 = arith.constant 9 : i32
        %add3A_378 = vector.broadcast %add3A_377 : i32 to vector<16xi32>
        %add3A_379 = arith.addi %broadcast_in_dim3A_87, %add3A_378 : vector<16xi32>
        %gather3A_380 = tpu.vector_load_idx %arg11[%add3A_379] : memref<6400xf32, #tpu.memory_space<vmem>>[vector<16xi32>], vector<16xf32>,
        %add3A_381 = arith.constant 9 : i32
        %add3A_382 = arith.addi %mul3A_89, %add3A_381 : i32
        %get3A_383 = arith.index_cast %add3A_382 : i32 to index
        %get3A_384 = arith.constant 0 : index
        %get3A_385 = tpu.vector_load %arg12[%get3A_383, %get3A_384] {strides = array<i32>} : memref<400x64xf32, #tpu.memory_space<vmem>>, vector<16xf32>,
        %mul3A_386 = arith.mulf %get3A_385, %gather3A_380 : vector<16xf32>
        %add3A_387 = arith.addf %add3A_355, %mul3A_386 : vector<16xf32>
        %add3A_388 = arith.constant 9 : i32
        %add3A_389 = arith.addi %mul3A_89, %add3A_388 : i32
        %get3A_390 = arith.index_cast %add3A_389 : i32 to index
        %get3A_391 = arith.constant 16 : index
        %get3A_392 = tpu.vector_load %arg12[%get3A_390, %get3A_391] {strides = array<i32>} : memref<400x64xf32, #tpu.memory_space<vmem>>, vector<16xf32>,
        %mul3A_393 = arith.mulf %get3A_392, %gather3A_380 : vector<16xf32>
        %add3A_394 = arith.addf %add3A_362, %mul3A_393 : vector<16xf32>
        %add3A_395 = arith.constant 9 : i32
        %add3A_396 = arith.addi %mul3A_89, %add3A_395 : i32
        %get3A_397 = arith.index_cast %add3A_396 : i32 to index
        %get3A_398 = arith.constant 32 : index
        %get3A_399 = tpu.vector_load %arg12[%get3A_397, %get3A_398] {strides = array<i32>} : memref<400x64xf32, #tpu.memory_space<vmem>>, vector<16xf32>,
        %mul3A_400 = arith.mulf %get3A_399, %gather3A_380 : vector<16xf32>
        %add3A_401 = arith.addf %add3A_369, %mul3A_400 : vector<16xf32>
        %add3A_402 = arith.constant 9 : i32
        %add3A_403 = arith.addi %mul3A_89, %add3A_402 : i32
        %get3A_404 = arith.index_cast %add3A_403 : i32 to index
        %get3A_405 = arith.constant 48 : index
        %get3A_406 = tpu.vector_load %arg12[%get3A_404, %get3A_405] {strides = array<i32>} : memref<400x64xf32, #tpu.memory_space<vmem>>, vector<16xf32>,
        %mul3A_407 = arith.mulf %get3A_406, %gather3A_380 : vector<16xf32>
        %add3A_408 = arith.addf %add3A_376, %mul3A_407 : vector<16xf32>
        %add3A_409 = arith.constant 10 : i32
        %add3A_410 = vector.broadcast %add3A_409 : i32 to vector<16xi32>
        %add3A_411 = arith.addi %broadcast_in_dim3A_87, %add3A_410 : vector<16xi32>
        %gather3A_412 = tpu.vector_load_idx %arg11[%add3A_411] : memref<6400xf32, #tpu.memory_space<vmem>>[vector<16xi32>], vector<16xf32>,
        %add3A_413 = arith.constant 10 : i32
        %add3A_414 = arith.addi %mul3A_89, %add3A_413 : i32
        %get3A_415 = arith.index_cast %add3A_414 : i32 to index
        %get3A_416 = arith.constant 0 : index
        %get3A_417 = tpu.vector_load %arg12[%get3A_415, %get3A_416] {strides = array<i32>} : memref<400x64xf32, #tpu.memory_space<vmem>>, vector<16xf32>,
        %mul3A_418 = arith.mulf %get3A_417, %gather3A_412 : vector<16xf32>
        %add3A_419 = arith.addf %add3A_387, %mul3A_418 : vector<16xf32>
        %add3A_420 = arith.constant 10 : i32
        %add3A_421 = arith.addi %mul3A_89, %add3A_420 : i32
        %get3A_422 = arith.index_cast %add3A_421 : i32 to index
        %get3A_423 = arith.constant 16 : index
        %get3A_424 = tpu.vector_load %arg12[%get3A_422, %get3A_423] {strides = array<i32>} : memref<400x64xf32, #tpu.memory_space<vmem>>, vector<16xf32>,
        %mul3A_425 = arith.mulf %get3A_424, %gather3A_412 : vector<16xf32>
        %add3A_426 = arith.addf %add3A_394, %mul3A_425 : vector<16xf32>
        %add3A_427 = arith.constant 10 : i32
        %add3A_428 = arith.addi %mul3A_89, %add3A_427 : i32
        %get3A_429 = arith.index_cast %add3A_428 : i32 to index
        %get3A_430 = arith.constant 32 : index
        %get3A_431 = tpu.vector_load %arg12[%get3A_429, %get3A_430] {strides = array<i32>} : memref<400x64xf32, #tpu.memory_space<vmem>>, vector<16xf32>,
        %mul3A_432 = arith.mulf %get3A_431, %gather3A_412 : vector<16xf32>
        %add3A_433 = arith.addf %add3A_401, %mul3A_432 : vector<16xf32>
        %add3A_434 = arith.constant 10 : i32
        %add3A_435 = arith.addi %mul3A_89, %add3A_434 : i32
        %get3A_436 = arith.index_cast %add3A_435 : i32 to index
        %get3A_437 = arith.constant 48 : index
        %get3A_438 = tpu.vector_load %arg12[%get3A_436, %get3A_437] {strides = array<i32>} : memref<400x64xf32, #tpu.memory_space<vmem>>, vector<16xf32>,
        %mul3A_439 = arith.mulf %get3A_438, %gather3A_412 : vector<16xf32>
        %add3A_440 = arith.addf %add3A_408, %mul3A_439 : vector<16xf32>
        %add3A_441 = arith.constant 11 : i32
        %add3A_442 = vector.broadcast %add3A_441 : i32 to vector<16xi32>
        %add3A_443 = arith.addi %broadcast_in_dim3A_87, %add3A_442 : vector<16xi32>
        %gather3A_444 = tpu.vector_load_idx %arg11[%add3A_443] : memref<6400xf32, #tpu.memory_space<vmem>>[vector<16xi32>], vector<16xf32>,
        %add3A_445 = arith.constant 11 : i32
        %add3A_446 = arith.addi %mul3A_89, %add3A_445 : i32
        %get3A_447 = arith.index_cast %add3A_446 : i32 to index
        %get3A_448 = arith.constant 0 : index
        %get3A_449 = tpu.vector_load %arg12[%get3A_447, %get3A_448] {strides = array<i32>} : memref<400x64xf32, #tpu.memory_space<vmem>>, vector<16xf32>,
        %mul3A_450 = arith.mulf %get3A_449, %gather3A_444 : vector<16xf32>
        %add3A_451 = arith.addf %add3A_419, %mul3A_450 : vector<16xf32>
        %add3A_452 = arith.constant 11 : i32
        %add3A_453 = arith.addi %mul3A_89, %add3A_452 : i32
        %get3A_454 = arith.index_cast %add3A_453 : i32 to index
        %get3A_455 = arith.constant 16 : index
        %get3A_456 = tpu.vector_load %arg12[%get3A_454, %get3A_455] {strides = array<i32>} : memref<400x64xf32, #tpu.memory_space<vmem>>, vector<16xf32>,
        %mul3A_457 = arith.mulf %get3A_456, %gather3A_444 : vector<16xf32>
        %add3A_458 = arith.addf %add3A_426, %mul3A_457 : vector<16xf32>
        %add3A_459 = arith.constant 11 : i32
        %add3A_460 = arith.addi %mul3A_89, %add3A_459 : i32
        %get3A_461 = arith.index_cast %add3A_460 : i32 to index
        %get3A_462 = arith.constant 32 : index
        %get3A_463 = tpu.vector_load %arg12[%get3A_461, %get3A_462] {strides = array<i32>} : memref<400x64xf32, #tpu.memory_space<vmem>>, vector<16xf32>,
        %mul3A_464 = arith.mulf %get3A_463, %gather3A_444 : vector<16xf32>
        %add3A_465 = arith.addf %add3A_433, %mul3A_464 : vector<16xf32>
        %add3A_466 = arith.constant 11 : i32
        %add3A_467 = arith.addi %mul3A_89, %add3A_466 : i32
        %get3A_468 = arith.index_cast %add3A_467 : i32 to index
        %get3A_469 = arith.constant 48 : index
        %get3A_470 = tpu.vector_load %arg12[%get3A_468, %get3A_469] {strides = array<i32>} : memref<400x64xf32, #tpu.memory_space<vmem>>, vector<16xf32>,
        %mul3A_471 = arith.mulf %get3A_470, %gather3A_444 : vector<16xf32>
        %add3A_472 = arith.addf %add3A_440, %mul3A_471 : vector<16xf32>
        %add3A_473 = arith.constant 12 : i32
        %add3A_474 = vector.broadcast %add3A_473 : i32 to vector<16xi32>
        %add3A_475 = arith.addi %broadcast_in_dim3A_87, %add3A_474 : vector<16xi32>
        %gather3A_476 = tpu.vector_load_idx %arg11[%add3A_475] : memref<6400xf32, #tpu.memory_space<vmem>>[vector<16xi32>], vector<16xf32>,
        %add3A_477 = arith.constant 12 : i32
        %add3A_478 = arith.addi %mul3A_89, %add3A_477 : i32
        %get3A_479 = arith.index_cast %add3A_478 : i32 to index
        %get3A_480 = arith.constant 0 : index
        %get3A_481 = tpu.vector_load %arg12[%get3A_479, %get3A_480] {strides = array<i32>} : memref<400x64xf32, #tpu.memory_space<vmem>>, vector<16xf32>,
        %mul3A_482 = arith.mulf %get3A_481, %gather3A_476 : vector<16xf32>
        %add3A_483 = arith.addf %add3A_451, %mul3A_482 : vector<16xf32>
        %add3A_484 = arith.constant 12 : i32
        %add3A_485 = arith.addi %mul3A_89, %add3A_484 : i32
        %get3A_486 = arith.index_cast %add3A_485 : i32 to index
        %get3A_487 = arith.constant 16 : index
        %get3A_488 = tpu.vector_load %arg12[%get3A_486, %get3A_487] {strides = array<i32>} : memref<400x64xf32, #tpu.memory_space<vmem>>, vector<16xf32>,
        %mul3A_489 = arith.mulf %get3A_488, %gather3A_476 : vector<16xf32>
        %add3A_490 = arith.addf %add3A_458, %mul3A_489 : vector<16xf32>
        %add3A_491 = arith.constant 12 : i32
        %add3A_492 = arith.addi %mul3A_89, %add3A_491 : i32
        %get3A_493 = arith.index_cast %add3A_492 : i32 to index
        %get3A_494 = arith.constant 32 : index
        %get3A_495 = tpu.vector_load %arg12[%get3A_493, %get3A_494] {strides = array<i32>} : memref<400x64xf32, #tpu.memory_space<vmem>>, vector<16xf32>,
        %mul3A_496 = arith.mulf %get3A_495, %gather3A_476 : vector<16xf32>
        %add3A_497 = arith.addf %add3A_465, %mul3A_496 : vector<16xf32>
        %add3A_498 = arith.constant 12 : i32
        %add3A_499 = arith.addi %mul3A_89, %add3A_498 : i32
        %get3A_500 = arith.index_cast %add3A_499 : i32 to index
        %get3A_501 = arith.constant 48 : index
        %get3A_502 = tpu.vector_load %arg12[%get3A_500, %get3A_501] {strides = array<i32>} : memref<400x64xf32, #tpu.memory_space<vmem>>, vector<16xf32>,
        %mul3A_503 = arith.mulf %get3A_502, %gather3A_476 : vector<16xf32>
        %add3A_504 = arith.addf %add3A_472, %mul3A_503 : vector<16xf32>
        %add3A_505 = arith.constant 13 : i32
        %add3A_506 = vector.broadcast %add3A_505 : i32 to vector<16xi32>
        %add3A_507 = arith.addi %broadcast_in_dim3A_87, %add3A_506 : vector<16xi32>
        %gather3A_508 = tpu.vector_load_idx %arg11[%add3A_507] : memref<6400xf32, #tpu.memory_space<vmem>>[vector<16xi32>], vector<16xf32>,
        %add3A_509 = arith.constant 13 : i32
        %add3A_510 = arith.addi %mul3A_89, %add3A_509 : i32
        %get3A_511 = arith.index_cast %add3A_510 : i32 to index
        %get3A_512 = arith.constant 0 : index
        %get3A_513 = tpu.vector_load %arg12[%get3A_511, %get3A_512] {strides = array<i32>} : memref<400x64xf32, #tpu.memory_space<vmem>>, vector<16xf32>,
        %mul3A_514 = arith.mulf %get3A_513, %gather3A_508 : vector<16xf32>
        %add3A_515 = arith.addf %add3A_483, %mul3A_514 : vector<16xf32>
        %add3A_516 = arith.constant 13 : i32
        %add3A_517 = arith.addi %mul3A_89, %add3A_516 : i32
        %get3A_518 = arith.index_cast %add3A_517 : i32 to index
        %get3A_519 = arith.constant 16 : index
        %get3A_520 = tpu.vector_load %arg12[%get3A_518, %get3A_519] {strides = array<i32>} : memref<400x64xf32, #tpu.memory_space<vmem>>, vector<16xf32>,
        %mul3A_521 = arith.mulf %get3A_520, %gather3A_508 : vector<16xf32>
        %add3A_522 = arith.addf %add3A_490, %mul3A_521 : vector<16xf32>
        %add3A_523 = arith.constant 13 : i32
        %add3A_524 = arith.addi %mul3A_89, %add3A_523 : i32
        %get3A_525 = arith.index_cast %add3A_524 : i32 to index
        %get3A_526 = arith.constant 32 : index
        %get3A_527 = tpu.vector_load %arg12[%get3A_525, %get3A_526] {strides = array<i32>} : memref<400x64xf32, #tpu.memory_space<vmem>>, vector<16xf32>,
        %mul3A_528 = arith.mulf %get3A_527, %gather3A_508 : vector<16xf32>
        %add3A_529 = arith.addf %add3A_497, %mul3A_528 : vector<16xf32>
        %add3A_530 = arith.constant 13 : i32
        %add3A_531 = arith.addi %mul3A_89, %add3A_530 : i32
        %get3A_532 = arith.index_cast %add3A_531 : i32 to index
        %get3A_533 = arith.constant 48 : index
        %get3A_534 = tpu.vector_load %arg12[%get3A_532, %get3A_533] {strides = array<i32>} : memref<400x64xf32, #tpu.memory_space<vmem>>, vector<16xf32>,
        %mul3A_535 = arith.mulf %get3A_534, %gather3A_508 : vector<16xf32>
        %add3A_536 = arith.addf %add3A_504, %mul3A_535 : vector<16xf32>
        %add3A_537 = arith.constant 14 : i32
        %add3A_538 = vector.broadcast %add3A_537 : i32 to vector<16xi32>
        %add3A_539 = arith.addi %broadcast_in_dim3A_87, %add3A_538 : vector<16xi32>
        %gather3A_540 = tpu.vector_load_idx %arg11[%add3A_539] : memref<6400xf32, #tpu.memory_space<vmem>>[vector<16xi32>], vector<16xf32>,
        %add3A_541 = arith.constant 14 : i32
        %add3A_542 = arith.addi %mul3A_89, %add3A_541 : i32
        %get3A_543 = arith.index_cast %add3A_542 : i32 to index
        %get3A_544 = arith.constant 0 : index
        %get3A_545 = tpu.vector_load %arg12[%get3A_543, %get3A_544] {strides = array<i32>} : memref<400x64xf32, #tpu.memory_space<vmem>>, vector<16xf32>,
        %mul3A_546 = arith.mulf %get3A_545, %gather3A_540 : vector<16xf32>
        %add3A_547 = arith.addf %add3A_515, %mul3A_546 : vector<16xf32>
        %add3A_548 = arith.constant 14 : i32
        %add3A_549 = arith.addi %mul3A_89, %add3A_548 : i32
        %get3A_550 = arith.index_cast %add3A_549 : i32 to index
        %get3A_551 = arith.constant 16 : index
        %get3A_552 = tpu.vector_load %arg12[%get3A_550, %get3A_551] {strides = array<i32>} : memref<400x64xf32, #tpu.memory_space<vmem>>, vector<16xf32>,
        %mul3A_553 = arith.mulf %get3A_552, %gather3A_540 : vector<16xf32>
        %add3A_554 = arith.addf %add3A_522, %mul3A_553 : vector<16xf32>
        %add3A_555 = arith.constant 14 : i32
        %add3A_556 = arith.addi %mul3A_89, %add3A_555 : i32
        %get3A_557 = arith.index_cast %add3A_556 : i32 to index
        %get3A_558 = arith.constant 32 : index
        %get3A_559 = tpu.vector_load %arg12[%get3A_557, %get3A_558] {strides = array<i32>} : memref<400x64xf32, #tpu.memory_space<vmem>>, vector<16xf32>,
        %mul3A_560 = arith.mulf %get3A_559, %gather3A_540 : vector<16xf32>
        %add3A_561 = arith.addf %add3A_529, %mul3A_560 : vector<16xf32>
        %add3A_562 = arith.constant 14 : i32
        %add3A_563 = arith.addi %mul3A_89, %add3A_562 : i32
        %get3A_564 = arith.index_cast %add3A_563 : i32 to index
        %get3A_565 = arith.constant 48 : index
        %get3A_566 = tpu.vector_load %arg12[%get3A_564, %get3A_565] {strides = array<i32>} : memref<400x64xf32, #tpu.memory_space<vmem>>, vector<16xf32>,
        %mul3A_567 = arith.mulf %get3A_566, %gather3A_540 : vector<16xf32>
        %add3A_568 = arith.addf %add3A_536, %mul3A_567 : vector<16xf32>
        %add3A_569 = arith.constant 15 : i32
        %add3A_570 = vector.broadcast %add3A_569 : i32 to vector<16xi32>
        %add3A_571 = arith.addi %broadcast_in_dim3A_87, %add3A_570 : vector<16xi32>
        %gather3A_572 = tpu.vector_load_idx %arg11[%add3A_571] : memref<6400xf32, #tpu.memory_space<vmem>>[vector<16xi32>], vector<16xf32>,
        %add3A_573 = arith.constant 15 : i32
        %add3A_574 = arith.addi %mul3A_89, %add3A_573 : i32
        %get3A_575 = arith.index_cast %add3A_574 : i32 to index
        %get3A_576 = arith.constant 0 : index
        %get3A_577 = tpu.vector_load %arg12[%get3A_575, %get3A_576] {strides = array<i32>} : memref<400x64xf32, #tpu.memory_space<vmem>>, vector<16xf32>,
        %mul3A_578 = arith.mulf %get3A_577, %gather3A_572 : vector<16xf32>
        %add3A_579 = arith.addf %add3A_547, %mul3A_578 : vector<16xf32>
        %add3A_580 = arith.constant 15 : i32
        %add3A_581 = arith.addi %mul3A_89, %add3A_580 : i32
        %get3A_582 = arith.index_cast %add3A_581 : i32 to index
        %get3A_583 = arith.constant 16 : index
        %get3A_584 = tpu.vector_load %arg12[%get3A_582, %get3A_583] {strides = array<i32>} : memref<400x64xf32, #tpu.memory_space<vmem>>, vector<16xf32>,
        %mul3A_585 = arith.mulf %get3A_584, %gather3A_572 : vector<16xf32>
        %add3A_586 = arith.addf %add3A_554, %mul3A_585 : vector<16xf32>
        %add3A_587 = arith.constant 15 : i32
        %add3A_588 = arith.addi %mul3A_89, %add3A_587 : i32
        %get3A_589 = arith.index_cast %add3A_588 : i32 to index
        %get3A_590 = arith.constant 32 : index
        %get3A_591 = tpu.vector_load %arg12[%get3A_589, %get3A_590] {strides = array<i32>} : memref<400x64xf32, #tpu.memory_space<vmem>>, vector<16xf32>,
        %mul3A_592 = arith.mulf %get3A_591, %gather3A_572 : vector<16xf32>
        %add3A_593 = arith.addf %add3A_561, %mul3A_592 : vector<16xf32>
        %add3A_594 = arith.constant 15 : i32
        %add3A_595 = arith.addi %mul3A_89, %add3A_594 : i32
        %get3A_596 = arith.index_cast %add3A_595 : i32 to index
        %get3A_597 = arith.constant 48 : index
        %get3A_598 = tpu.vector_load %arg12[%get3A_596, %get3A_597] {strides = array<i32>} : memref<400x64xf32, #tpu.memory_space<vmem>>, vector<16xf32>,
        %mul3A_599 = arith.mulf %get3A_598, %gather3A_572 : vector<16xf32>
        %add3A_600 = arith.addf %add3A_568, %mul3A_599 : vector<16xf32>
        %add3A_601 = arith.constant 16 : i32
        %add3A_602 = vector.broadcast %add3A_601 : i32 to vector<16xi32>
        %add3A_603 = arith.addi %broadcast_in_dim3A_87, %add3A_602 : vector<16xi32>
        %gather3A_604 = tpu.vector_load_idx %arg11[%add3A_603] : memref<6400xf32, #tpu.memory_space<vmem>>[vector<16xi32>], vector<16xf32>,
        %add3A_605 = arith.constant 16 : i32
        %add3A_606 = arith.addi %mul3A_89, %add3A_605 : i32
        %get3A_607 = arith.index_cast %add3A_606 : i32 to index
        %get3A_608 = arith.constant 0 : index
        %get3A_609 = tpu.vector_load %arg12[%get3A_607, %get3A_608] {strides = array<i32>} : memref<400x64xf32, #tpu.memory_space<vmem>>, vector<16xf32>,
        %mul3A_610 = arith.mulf %get3A_609, %gather3A_604 : vector<16xf32>
        %add3A_611 = arith.addf %add3A_579, %mul3A_610 : vector<16xf32>
        %add3A_612 = arith.constant 16 : i32
        %add3A_613 = arith.addi %mul3A_89, %add3A_612 : i32
        %get3A_614 = arith.index_cast %add3A_613 : i32 to index
        %get3A_615 = arith.constant 16 : index
        %get3A_616 = tpu.vector_load %arg12[%get3A_614, %get3A_615] {strides = array<i32>} : memref<400x64xf32, #tpu.memory_space<vmem>>, vector<16xf32>,
        %mul3A_617 = arith.mulf %get3A_616, %gather3A_604 : vector<16xf32>
        %add3A_618 = arith.addf %add3A_586, %mul3A_617 : vector<16xf32>
        %add3A_619 = arith.constant 16 : i32
        %add3A_620 = arith.addi %mul3A_89, %add3A_619 : i32
        %get3A_621 = arith.index_cast %add3A_620 : i32 to index
        %get3A_622 = arith.constant 32 : index
        %get3A_623 = tpu.vector_load %arg12[%get3A_621, %get3A_622] {strides = array<i32>} : memref<400x64xf32, #tpu.memory_space<vmem>>, vector<16xf32>,
        %mul3A_624 = arith.mulf %get3A_623, %gather3A_604 : vector<16xf32>
        %add3A_625 = arith.addf %add3A_593, %mul3A_624 : vector<16xf32>
        %add3A_626 = arith.constant 16 : i32
        %add3A_627 = arith.addi %mul3A_89, %add3A_626 : i32
        %get3A_628 = arith.index_cast %add3A_627 : i32 to index
        %get3A_629 = arith.constant 48 : index
        %get3A_630 = tpu.vector_load %arg12[%get3A_628, %get3A_629] {strides = array<i32>} : memref<400x64xf32, #tpu.memory_space<vmem>>, vector<16xf32>,
        %mul3A_631 = arith.mulf %get3A_630, %gather3A_604 : vector<16xf32>
        %add3A_632 = arith.addf %add3A_600, %mul3A_631 : vector<16xf32>
        %add3A_633 = arith.constant 17 : i32
        %add3A_634 = vector.broadcast %add3A_633 : i32 to vector<16xi32>
        %add3A_635 = arith.addi %broadcast_in_dim3A_87, %add3A_634 : vector<16xi32>
        %gather3A_636 = tpu.vector_load_idx %arg11[%add3A_635] : memref<6400xf32, #tpu.memory_space<vmem>>[vector<16xi32>], vector<16xf32>,
        %add3A_637 = arith.constant 17 : i32
        %add3A_638 = arith.addi %mul3A_89, %add3A_637 : i32
        %get3A_639 = arith.index_cast %add3A_638 : i32 to index
        %get3A_640 = arith.constant 0 : index
        %get3A_641 = tpu.vector_load %arg12[%get3A_639, %get3A_640] {strides = array<i32>} : memref<400x64xf32, #tpu.memory_space<vmem>>, vector<16xf32>,
        %mul3A_642 = arith.mulf %get3A_641, %gather3A_636 : vector<16xf32>
        %add3A_643 = arith.addf %add3A_611, %mul3A_642 : vector<16xf32>
        %add3A_644 = arith.constant 17 : i32
        %add3A_645 = arith.addi %mul3A_89, %add3A_644 : i32
        %get3A_646 = arith.index_cast %add3A_645 : i32 to index
        %get3A_647 = arith.constant 16 : index
        %get3A_648 = tpu.vector_load %arg12[%get3A_646, %get3A_647] {strides = array<i32>} : memref<400x64xf32, #tpu.memory_space<vmem>>, vector<16xf32>,
        %mul3A_649 = arith.mulf %get3A_648, %gather3A_636 : vector<16xf32>
        %add3A_650 = arith.addf %add3A_618, %mul3A_649 : vector<16xf32>
        %add3A_651 = arith.constant 17 : i32
        %add3A_652 = arith.addi %mul3A_89, %add3A_651 : i32
        %get3A_653 = arith.index_cast %add3A_652 : i32 to index
        %get3A_654 = arith.constant 32 : index
        %get3A_655 = tpu.vector_load %arg12[%get3A_653, %get3A_654] {strides = array<i32>} : memref<400x64xf32, #tpu.memory_space<vmem>>, vector<16xf32>,
        %mul3A_656 = arith.mulf %get3A_655, %gather3A_636 : vector<16xf32>
        %add3A_657 = arith.addf %add3A_625, %mul3A_656 : vector<16xf32>
        %add3A_658 = arith.constant 17 : i32
        %add3A_659 = arith.addi %mul3A_89, %add3A_658 : i32
        %get3A_660 = arith.index_cast %add3A_659 : i32 to index
        %get3A_661 = arith.constant 48 : index
        %get3A_662 = tpu.vector_load %arg12[%get3A_660, %get3A_661] {strides = array<i32>} : memref<400x64xf32, #tpu.memory_space<vmem>>, vector<16xf32>,
        %mul3A_663 = arith.mulf %get3A_662, %gather3A_636 : vector<16xf32>
        %add3A_664 = arith.addf %add3A_632, %mul3A_663 : vector<16xf32>
        %add3A_665 = arith.constant 18 : i32
        %add3A_666 = vector.broadcast %add3A_665 : i32 to vector<16xi32>
        %add3A_667 = arith.addi %broadcast_in_dim3A_87, %add3A_666 : vector<16xi32>
        %gather3A_668 = tpu.vector_load_idx %arg11[%add3A_667] : memref<6400xf32, #tpu.memory_space<vmem>>[vector<16xi32>], vector<16xf32>,
        %add3A_669 = arith.constant 18 : i32
        %add3A_670 = arith.addi %mul3A_89, %add3A_669 : i32
        %get3A_671 = arith.index_cast %add3A_670 : i32 to index
        %get3A_672 = arith.constant 0 : index
        %get3A_673 = tpu.vector_load %arg12[%get3A_671, %get3A_672] {strides = array<i32>} : memref<400x64xf32, #tpu.memory_space<vmem>>, vector<16xf32>,
        %mul3A_674 = arith.mulf %get3A_673, %gather3A_668 : vector<16xf32>
        %add3A_675 = arith.addf %add3A_643, %mul3A_674 : vector<16xf32>
        %add3A_676 = arith.constant 18 : i32
        %add3A_677 = arith.addi %mul3A_89, %add3A_676 : i32
        %get3A_678 = arith.index_cast %add3A_677 : i32 to index
        %get3A_679 = arith.constant 16 : index
        %get3A_680 = tpu.vector_load %arg12[%get3A_678, %get3A_679] {strides = array<i32>} : memref<400x64xf32, #tpu.memory_space<vmem>>, vector<16xf32>,
        %mul3A_681 = arith.mulf %get3A_680, %gather3A_668 : vector<16xf32>
        %add3A_682 = arith.addf %add3A_650, %mul3A_681 : vector<16xf32>
        %add3A_683 = arith.constant 18 : i32
        %add3A_684 = arith.addi %mul3A_89, %add3A_683 : i32
        %get3A_685 = arith.index_cast %add3A_684 : i32 to index
        %get3A_686 = arith.constant 32 : index
        %get3A_687 = tpu.vector_load %arg12[%get3A_685, %get3A_686] {strides = array<i32>} : memref<400x64xf32, #tpu.memory_space<vmem>>, vector<16xf32>,
        %mul3A_688 = arith.mulf %get3A_687, %gather3A_668 : vector<16xf32>
        %add3A_689 = arith.addf %add3A_657, %mul3A_688 : vector<16xf32>
        %add3A_690 = arith.constant 18 : i32
        %add3A_691 = arith.addi %mul3A_89, %add3A_690 : i32
        %get3A_692 = arith.index_cast %add3A_691 : i32 to index
        %get3A_693 = arith.constant 48 : index
        %get3A_694 = tpu.vector_load %arg12[%get3A_692, %get3A_693] {strides = array<i32>} : memref<400x64xf32, #tpu.memory_space<vmem>>, vector<16xf32>,
        %mul3A_695 = arith.mulf %get3A_694, %gather3A_668 : vector<16xf32>
        %add3A_696 = arith.addf %add3A_664, %mul3A_695 : vector<16xf32>
        %add3A_697 = arith.constant 19 : i32
        %add3A_698 = vector.broadcast %add3A_697 : i32 to vector<16xi32>
        %add3A_699 = arith.addi %broadcast_in_dim3A_87, %add3A_698 : vector<16xi32>
        %gather3A_700 = tpu.vector_load_idx %arg11[%add3A_699] : memref<6400xf32, #tpu.memory_space<vmem>>[vector<16xi32>], vector<16xf32>,
        %add3A_701 = arith.constant 19 : i32
        %add3A_702 = arith.addi %mul3A_89, %add3A_701 : i32
        %get3A_703 = arith.index_cast %add3A_702 : i32 to index
        %get3A_704 = arith.constant 0 : index
        %get3A_705 = tpu.vector_load %arg12[%get3A_703, %get3A_704] {strides = array<i32>} : memref<400x64xf32, #tpu.memory_space<vmem>>, vector<16xf32>,
        %mul3A_706 = arith.mulf %get3A_705, %gather3A_700 : vector<16xf32>
        %add3A_707 = arith.addf %add3A_675, %mul3A_706 : vector<16xf32>
        %add3A_708 = arith.constant 19 : i32
        %add3A_709 = arith.addi %mul3A_89, %add3A_708 : i32
        %get3A_710 = arith.index_cast %add3A_709 : i32 to index
        %get3A_711 = arith.constant 16 : index
        %get3A_712 = tpu.vector_load %arg12[%get3A_710, %get3A_711] {strides = array<i32>} : memref<400x64xf32, #tpu.memory_space<vmem>>, vector<16xf32>,
        %mul3A_713 = arith.mulf %get3A_712, %gather3A_700 : vector<16xf32>
        %add3A_714 = arith.addf %add3A_682, %mul3A_713 : vector<16xf32>
        %add3A_715 = arith.constant 19 : i32
        %add3A_716 = arith.addi %mul3A_89, %add3A_715 : i32
        %get3A_717 = arith.index_cast %add3A_716 : i32 to index
        %get3A_718 = arith.constant 32 : index
        %get3A_719 = tpu.vector_load %arg12[%get3A_717, %get3A_718] {strides = array<i32>} : memref<400x64xf32, #tpu.memory_space<vmem>>, vector<16xf32>,
        %mul3A_720 = arith.mulf %get3A_719, %gather3A_700 : vector<16xf32>
        %add3A_721 = arith.addf %add3A_689, %mul3A_720 : vector<16xf32>
        %add3A_722 = arith.constant 19 : i32
        %add3A_723 = arith.addi %mul3A_89, %add3A_722 : i32
        %get3A_724 = arith.index_cast %add3A_723 : i32 to index
        %get3A_725 = arith.constant 48 : index
        %get3A_726 = tpu.vector_load %arg12[%get3A_724, %get3A_725] {strides = array<i32>} : memref<400x64xf32, #tpu.memory_space<vmem>>, vector<16xf32>,
        %mul3A_727 = arith.mulf %get3A_726, %gather3A_700 : vector<16xf32>
        %add3A_728 = arith.addf %add3A_696, %mul3A_727 : vector<16xf32>
        %add3A_729 = arith.constant 20 : i32
        %add3A_730 = vector.broadcast %add3A_729 : i32 to vector<16xi32>
        %add3A_731 = arith.addi %broadcast_in_dim3A_87, %add3A_730 : vector<16xi32>
        %gather3A_732 = tpu.vector_load_idx %arg11[%add3A_731] : memref<6400xf32, #tpu.memory_space<vmem>>[vector<16xi32>], vector<16xf32>,
        %add3A_733 = arith.constant 20 : i32
        %add3A_734 = arith.addi %mul3A_89, %add3A_733 : i32
        %get3A_735 = arith.index_cast %add3A_734 : i32 to index
        %get3A_736 = arith.constant 0 : index
        %get3A_737 = tpu.vector_load %arg12[%get3A_735, %get3A_736] {strides = array<i32>} : memref<400x64xf32, #tpu.memory_space<vmem>>, vector<16xf32>,
        %mul3A_738 = arith.mulf %get3A_737, %gather3A_732 : vector<16xf32>
        %add3A_739 = arith.addf %add3A_707, %mul3A_738 : vector<16xf32>
        %add3A_740 = arith.constant 20 : i32
        %add3A_741 = arith.addi %mul3A_89, %add3A_740 : i32
        %get3A_742 = arith.index_cast %add3A_741 : i32 to index
        %get3A_743 = arith.constant 16 : index
        %get3A_744 = tpu.vector_load %arg12[%get3A_742, %get3A_743] {strides = array<i32>} : memref<400x64xf32, #tpu.memory_space<vmem>>, vector<16xf32>,
        %mul3A_745 = arith.mulf %get3A_744, %gather3A_732 : vector<16xf32>
        %add3A_746 = arith.addf %add3A_714, %mul3A_745 : vector<16xf32>
        %add3A_747 = arith.constant 20 : i32
        %add3A_748 = arith.addi %mul3A_89, %add3A_747 : i32
        %get3A_749 = arith.index_cast %add3A_748 : i32 to index
        %get3A_750 = arith.constant 32 : index
        %get3A_751 = tpu.vector_load %arg12[%get3A_749, %get3A_750] {strides = array<i32>} : memref<400x64xf32, #tpu.memory_space<vmem>>, vector<16xf32>,
        %mul3A_752 = arith.mulf %get3A_751, %gather3A_732 : vector<16xf32>
        %add3A_753 = arith.addf %add3A_721, %mul3A_752 : vector<16xf32>
        %add3A_754 = arith.constant 20 : i32
        %add3A_755 = arith.addi %mul3A_89, %add3A_754 : i32
        %get3A_756 = arith.index_cast %add3A_755 : i32 to index
        %get3A_757 = arith.constant 48 : index
        %get3A_758 = tpu.vector_load %arg12[%get3A_756, %get3A_757] {strides = array<i32>} : memref<400x64xf32, #tpu.memory_space<vmem>>, vector<16xf32>,
        %mul3A_759 = arith.mulf %get3A_758, %gather3A_732 : vector<16xf32>
        %add3A_760 = arith.addf %add3A_728, %mul3A_759 : vector<16xf32>
        %add3A_761 = arith.constant 21 : i32
        %add3A_762 = vector.broadcast %add3A_761 : i32 to vector<16xi32>
        %add3A_763 = arith.addi %broadcast_in_dim3A_87, %add3A_762 : vector<16xi32>
        %gather3A_764 = tpu.vector_load_idx %arg11[%add3A_763] : memref<6400xf32, #tpu.memory_space<vmem>>[vector<16xi32>], vector<16xf32>,
        %add3A_765 = arith.constant 21 : i32
        %add3A_766 = arith.addi %mul3A_89, %add3A_765 : i32
        %get3A_767 = arith.index_cast %add3A_766 : i32 to index
        %get3A_768 = arith.constant 0 : index
        %get3A_769 = tpu.vector_load %arg12[%get3A_767, %get3A_768] {strides = array<i32>} : memref<400x64xf32, #tpu.memory_space<vmem>>, vector<16xf32>,
        %mul3A_770 = arith.mulf %get3A_769, %gather3A_764 : vector<16xf32>
        %add3A_771 = arith.addf %add3A_739, %mul3A_770 : vector<16xf32>
        %add3A_772 = arith.constant 21 : i32
        %add3A_773 = arith.addi %mul3A_89, %add3A_772 : i32
        %get3A_774 = arith.index_cast %add3A_773 : i32 to index
        %get3A_775 = arith.constant 16 : index
        %get3A_776 = tpu.vector_load %arg12[%get3A_774, %get3A_775] {strides = array<i32>} : memref<400x64xf32, #tpu.memory_space<vmem>>, vector<16xf32>,
        %mul3A_777 = arith.mulf %get3A_776, %gather3A_764 : vector<16xf32>
        %add3A_778 = arith.addf %add3A_746, %mul3A_777 : vector<16xf32>
        %add3A_779 = arith.constant 21 : i32
        %add3A_780 = arith.addi %mul3A_89, %add3A_779 : i32
        %get3A_781 = arith.index_cast %add3A_780 : i32 to index
        %get3A_782 = arith.constant 32 : index
        %get3A_783 = tpu.vector_load %arg12[%get3A_781, %get3A_782] {strides = array<i32>} : memref<400x64xf32, #tpu.memory_space<vmem>>, vector<16xf32>,
        %mul3A_784 = arith.mulf %get3A_783, %gather3A_764 : vector<16xf32>
        %add3A_785 = arith.addf %add3A_753, %mul3A_784 : vector<16xf32>
        %add3A_786 = arith.constant 21 : i32
        %add3A_787 = arith.addi %mul3A_89, %add3A_786 : i32
        %get3A_788 = arith.index_cast %add3A_787 : i32 to index
        %get3A_789 = arith.constant 48 : index
        %get3A_790 = tpu.vector_load %arg12[%get3A_788, %get3A_789] {strides = array<i32>} : memref<400x64xf32, #tpu.memory_space<vmem>>, vector<16xf32>,
        %mul3A_791 = arith.mulf %get3A_790, %gather3A_764 : vector<16xf32>
        %add3A_792 = arith.addf %add3A_760, %mul3A_791 : vector<16xf32>
        %add3A_793 = arith.constant 22 : i32
        %add3A_794 = vector.broadcast %add3A_793 : i32 to vector<16xi32>
        %add3A_795 = arith.addi %broadcast_in_dim3A_87, %add3A_794 : vector<16xi32>
        %gather3A_796 = tpu.vector_load_idx %arg11[%add3A_795] : memref<6400xf32, #tpu.memory_space<vmem>>[vector<16xi32>], vector<16xf32>,
        %add3A_797 = arith.constant 22 : i32
        %add3A_798 = arith.addi %mul3A_89, %add3A_797 : i32
        %get3A_799 = arith.index_cast %add3A_798 : i32 to index
        %get3A_800 = arith.constant 0 : index
        %get3A_801 = tpu.vector_load %arg12[%get3A_799, %get3A_800] {strides = array<i32>} : memref<400x64xf32, #tpu.memory_space<vmem>>, vector<16xf32>,
        %mul3A_802 = arith.mulf %get3A_801, %gather3A_796 : vector<16xf32>
        %add3A_803 = arith.addf %add3A_771, %mul3A_802 : vector<16xf32>
        %add3A_804 = arith.constant 22 : i32
        %add3A_805 = arith.addi %mul3A_89, %add3A_804 : i32
        %get3A_806 = arith.index_cast %add3A_805 : i32 to index
        %get3A_807 = arith.constant 16 : index
        %get3A_808 = tpu.vector_load %arg12[%get3A_806, %get3A_807] {strides = array<i32>} : memref<400x64xf32, #tpu.memory_space<vmem>>, vector<16xf32>,
        %mul3A_809 = arith.mulf %get3A_808, %gather3A_796 : vector<16xf32>
        %add3A_810 = arith.addf %add3A_778, %mul3A_809 : vector<16xf32>
        %add3A_811 = arith.constant 22 : i32
        %add3A_812 = arith.addi %mul3A_89, %add3A_811 : i32
        %get3A_813 = arith.index_cast %add3A_812 : i32 to index
        %get3A_814 = arith.constant 32 : index
        %get3A_815 = tpu.vector_load %arg12[%get3A_813, %get3A_814] {strides = array<i32>} : memref<400x64xf32, #tpu.memory_space<vmem>>, vector<16xf32>,
        %mul3A_816 = arith.mulf %get3A_815, %gather3A_796 : vector<16xf32>
        %add3A_817 = arith.addf %add3A_785, %mul3A_816 : vector<16xf32>
        %add3A_818 = arith.constant 22 : i32
        %add3A_819 = arith.addi %mul3A_89, %add3A_818 : i32
        %get3A_820 = arith.index_cast %add3A_819 : i32 to index
        %get3A_821 = arith.constant 48 : index
        %get3A_822 = tpu.vector_load %arg12[%get3A_820, %get3A_821] {strides = array<i32>} : memref<400x64xf32, #tpu.memory_space<vmem>>, vector<16xf32>,
        %mul3A_823 = arith.mulf %get3A_822, %gather3A_796 : vector<16xf32>
        %add3A_824 = arith.addf %add3A_792, %mul3A_823 : vector<16xf32>
        %add3A_825 = arith.constant 23 : i32
        %add3A_826 = vector.broadcast %add3A_825 : i32 to vector<16xi32>
        %add3A_827 = arith.addi %broadcast_in_dim3A_87, %add3A_826 : vector<16xi32>
        %gather3A_828 = tpu.vector_load_idx %arg11[%add3A_827] : memref<6400xf32, #tpu.memory_space<vmem>>[vector<16xi32>], vector<16xf32>,
        %add3A_829 = arith.constant 23 : i32
        %add3A_830 = arith.addi %mul3A_89, %add3A_829 : i32
        %get3A_831 = arith.index_cast %add3A_830 : i32 to index
        %get3A_832 = arith.constant 0 : index
        %get3A_833 = tpu.vector_load %arg12[%get3A_831, %get3A_832] {strides = array<i32>} : memref<400x64xf32, #tpu.memory_space<vmem>>, vector<16xf32>,
        %mul3A_834 = arith.mulf %get3A_833, %gather3A_828 : vector<16xf32>
        %add3A_835 = arith.addf %add3A_803, %mul3A_834 : vector<16xf32>
        %add3A_836 = arith.constant 23 : i32
        %add3A_837 = arith.addi %mul3A_89, %add3A_836 : i32
        %get3A_838 = arith.index_cast %add3A_837 : i32 to index
        %get3A_839 = arith.constant 16 : index
        %get3A_840 = tpu.vector_load %arg12[%get3A_838, %get3A_839] {strides = array<i32>} : memref<400x64xf32, #tpu.memory_space<vmem>>, vector<16xf32>,
        %mul3A_841 = arith.mulf %get3A_840, %gather3A_828 : vector<16xf32>
        %add3A_842 = arith.addf %add3A_810, %mul3A_841 : vector<16xf32>
        %add3A_843 = arith.constant 23 : i32
        %add3A_844 = arith.addi %mul3A_89, %add3A_843 : i32
        %get3A_845 = arith.index_cast %add3A_844 : i32 to index
        %get3A_846 = arith.constant 32 : index
        %get3A_847 = tpu.vector_load %arg12[%get3A_845, %get3A_846] {strides = array<i32>} : memref<400x64xf32, #tpu.memory_space<vmem>>, vector<16xf32>,
        %mul3A_848 = arith.mulf %get3A_847, %gather3A_828 : vector<16xf32>
        %add3A_849 = arith.addf %add3A_817, %mul3A_848 : vector<16xf32>
        %add3A_850 = arith.constant 23 : i32
        %add3A_851 = arith.addi %mul3A_89, %add3A_850 : i32
        %get3A_852 = arith.index_cast %add3A_851 : i32 to index
        %get3A_853 = arith.constant 48 : index
        %get3A_854 = tpu.vector_load %arg12[%get3A_852, %get3A_853] {strides = array<i32>} : memref<400x64xf32, #tpu.memory_space<vmem>>, vector<16xf32>,
        %mul3A_855 = arith.mulf %get3A_854, %gather3A_828 : vector<16xf32>
        %add3A_856 = arith.addf %add3A_824, %mul3A_855 : vector<16xf32>
        %add3A_857 = arith.constant 24 : i32
        %add3A_858 = vector.broadcast %add3A_857 : i32 to vector<16xi32>
        %add3A_859 = arith.addi %broadcast_in_dim3A_87, %add3A_858 : vector<16xi32>
        %gather3A_860 = tpu.vector_load_idx %arg11[%add3A_859] : memref<6400xf32, #tpu.memory_space<vmem>>[vector<16xi32>], vector<16xf32>,
        %add3A_861 = arith.constant 24 : i32
        %add3A_862 = arith.addi %mul3A_89, %add3A_861 : i32
        %get3A_863 = arith.index_cast %add3A_862 : i32 to index
        %get3A_864 = arith.constant 0 : index
        %get3A_865 = tpu.vector_load %arg12[%get3A_863, %get3A_864] {strides = array<i32>} : memref<400x64xf32, #tpu.memory_space<vmem>>, vector<16xf32>,
        %mul3A_866 = arith.mulf %get3A_865, %gather3A_860 : vector<16xf32>
        %add3A_867 = arith.addf %add3A_835, %mul3A_866 : vector<16xf32>
        %add3A_868 = arith.constant 24 : i32
        %add3A_869 = arith.addi %mul3A_89, %add3A_868 : i32
        %get3A_870 = arith.index_cast %add3A_869 : i32 to index
        %get3A_871 = arith.constant 16 : index
        %get3A_872 = tpu.vector_load %arg12[%get3A_870, %get3A_871] {strides = array<i32>} : memref<400x64xf32, #tpu.memory_space<vmem>>, vector<16xf32>,
        %mul3A_873 = arith.mulf %get3A_872, %gather3A_860 : vector<16xf32>
        %add3A_874 = arith.addf %add3A_842, %mul3A_873 : vector<16xf32>
        %add3A_875 = arith.constant 24 : i32
        %add3A_876 = arith.addi %mul3A_89, %add3A_875 : i32
        %get3A_877 = arith.index_cast %add3A_876 : i32 to index
        %get3A_878 = arith.constant 32 : index
        %get3A_879 = tpu.vector_load %arg12[%get3A_877, %get3A_878] {strides = array<i32>} : memref<400x64xf32, #tpu.memory_space<vmem>>, vector<16xf32>,
        %mul3A_880 = arith.mulf %get3A_879, %gather3A_860 : vector<16xf32>
        %add3A_881 = arith.addf %add3A_849, %mul3A_880 : vector<16xf32>
        %add3A_882 = arith.constant 24 : i32
        %add3A_883 = arith.addi %mul3A_89, %add3A_882 : i32
        %get3A_884 = arith.index_cast %add3A_883 : i32 to index
        %get3A_885 = arith.constant 48 : index
        %get3A_886 = tpu.vector_load %arg12[%get3A_884, %get3A_885] {strides = array<i32>} : memref<400x64xf32, #tpu.memory_space<vmem>>, vector<16xf32>,
        %mul3A_887 = arith.mulf %get3A_886, %gather3A_860 : vector<16xf32>
        %add3A_888 = arith.addf %add3A_856, %mul3A_887 : vector<16xf32>
        %add3A_889 = arith.constant 25 : i32
        %add3A_890 = vector.broadcast %add3A_889 : i32 to vector<16xi32>
        %add3A_891 = arith.addi %broadcast_in_dim3A_87, %add3A_890 : vector<16xi32>
        %gather3A_892 = tpu.vector_load_idx %arg11[%add3A_891] : memref<6400xf32, #tpu.memory_space<vmem>>[vector<16xi32>], vector<16xf32>,
        %add3A_893 = arith.constant 25 : i32
        %add3A_894 = arith.addi %mul3A_89, %add3A_893 : i32
        %get3A_895 = arith.index_cast %add3A_894 : i32 to index
        %get3A_896 = arith.constant 0 : index
        %get3A_897 = tpu.vector_load %arg12[%get3A_895, %get3A_896] {strides = array<i32>} : memref<400x64xf32, #tpu.memory_space<vmem>>, vector<16xf32>,
        %mul3A_898 = arith.mulf %get3A_897, %gather3A_892 : vector<16xf32>
        %add3A_899 = arith.addf %add3A_867, %mul3A_898 : vector<16xf32>
        %add3A_900 = arith.constant 25 : i32
        %add3A_901 = arith.addi %mul3A_89, %add3A_900 : i32
        %get3A_902 = arith.index_cast %add3A_901 : i32 to index
        %get3A_903 = arith.constant 16 : index
        %get3A_904 = tpu.vector_load %arg12[%get3A_902, %get3A_903] {strides = array<i32>} : memref<400x64xf32, #tpu.memory_space<vmem>>, vector<16xf32>,
        %mul3A_905 = arith.mulf %get3A_904, %gather3A_892 : vector<16xf32>
        %add3A_906 = arith.addf %add3A_874, %mul3A_905 : vector<16xf32>
        %add3A_907 = arith.constant 25 : i32
        %add3A_908 = arith.addi %mul3A_89, %add3A_907 : i32
        %get3A_909 = arith.index_cast %add3A_908 : i32 to index
        %get3A_910 = arith.constant 32 : index
        %get3A_911 = tpu.vector_load %arg12[%get3A_909, %get3A_910] {strides = array<i32>} : memref<400x64xf32, #tpu.memory_space<vmem>>, vector<16xf32>,
        %mul3A_912 = arith.mulf %get3A_911, %gather3A_892 : vector<16xf32>
        %add3A_913 = arith.addf %add3A_881, %mul3A_912 : vector<16xf32>
        %add3A_914 = arith.constant 25 : i32
        %add3A_915 = arith.addi %mul3A_89, %add3A_914 : i32
        %get3A_916 = arith.index_cast %add3A_915 : i32 to index
        %get3A_917 = arith.constant 48 : index
        %get3A_918 = tpu.vector_load %arg12[%get3A_916, %get3A_917] {strides = array<i32>} : memref<400x64xf32, #tpu.memory_space<vmem>>, vector<16xf32>,
        %mul3A_919 = arith.mulf %get3A_918, %gather3A_892 : vector<16xf32>
        %add3A_920 = arith.addf %add3A_888, %mul3A_919 : vector<16xf32>
        %add3A_921 = arith.constant 26 : i32
        %add3A_922 = vector.broadcast %add3A_921 : i32 to vector<16xi32>
        %add3A_923 = arith.addi %broadcast_in_dim3A_87, %add3A_922 : vector<16xi32>
        %gather3A_924 = tpu.vector_load_idx %arg11[%add3A_923] : memref<6400xf32, #tpu.memory_space<vmem>>[vector<16xi32>], vector<16xf32>,
        %add3A_925 = arith.constant 26 : i32
        %add3A_926 = arith.addi %mul3A_89, %add3A_925 : i32
        %get3A_927 = arith.index_cast %add3A_926 : i32 to index
        %get3A_928 = arith.constant 0 : index
        %get3A_929 = tpu.vector_load %arg12[%get3A_927, %get3A_928] {strides = array<i32>} : memref<400x64xf32, #tpu.memory_space<vmem>>, vector<16xf32>,
        %mul3A_930 = arith.mulf %get3A_929, %gather3A_924 : vector<16xf32>
        %add3A_931 = arith.addf %add3A_899, %mul3A_930 : vector<16xf32>
        %add3A_932 = arith.constant 26 : i32
        %add3A_933 = arith.addi %mul3A_89, %add3A_932 : i32
        %get3A_934 = arith.index_cast %add3A_933 : i32 to index
        %get3A_935 = arith.constant 16 : index
        %get3A_936 = tpu.vector_load %arg12[%get3A_934, %get3A_935] {strides = array<i32>} : memref<400x64xf32, #tpu.memory_space<vmem>>, vector<16xf32>,
        %mul3A_937 = arith.mulf %get3A_936, %gather3A_924 : vector<16xf32>
        %add3A_938 = arith.addf %add3A_906, %mul3A_937 : vector<16xf32>
        %add3A_939 = arith.constant 26 : i32
        %add3A_940 = arith.addi %mul3A_89, %add3A_939 : i32
        %get3A_941 = arith.index_cast %add3A_940 : i32 to index
        %get3A_942 = arith.constant 32 : index
        %get3A_943 = tpu.vector_load %arg12[%get3A_941, %get3A_942] {strides = array<i32>} : memref<400x64xf32, #tpu.memory_space<vmem>>, vector<16xf32>,
        %mul3A_944 = arith.mulf %get3A_943, %gather3A_924 : vector<16xf32>
        %add3A_945 = arith.addf %add3A_913, %mul3A_944 : vector<16xf32>
        %add3A_946 = arith.constant 26 : i32
        %add3A_947 = arith.addi %mul3A_89, %add3A_946 : i32
        %get3A_948 = arith.index_cast %add3A_947 : i32 to index
        %get3A_949 = arith.constant 48 : index
        %get3A_950 = tpu.vector_load %arg12[%get3A_948, %get3A_949] {strides = array<i32>} : memref<400x64xf32, #tpu.memory_space<vmem>>, vector<16xf32>,
        %mul3A_951 = arith.mulf %get3A_950, %gather3A_924 : vector<16xf32>
        %add3A_952 = arith.addf %add3A_920, %mul3A_951 : vector<16xf32>
        %add3A_953 = arith.constant 27 : i32
        %add3A_954 = vector.broadcast %add3A_953 : i32 to vector<16xi32>
        %add3A_955 = arith.addi %broadcast_in_dim3A_87, %add3A_954 : vector<16xi32>
        %gather3A_956 = tpu.vector_load_idx %arg11[%add3A_955] : memref<6400xf32, #tpu.memory_space<vmem>>[vector<16xi32>], vector<16xf32>,
        %add3A_957 = arith.constant 27 : i32
        %add3A_958 = arith.addi %mul3A_89, %add3A_957 : i32
        %get3A_959 = arith.index_cast %add3A_958 : i32 to index
        %get3A_960 = arith.constant 0 : index
        %get3A_961 = tpu.vector_load %arg12[%get3A_959, %get3A_960] {strides = array<i32>} : memref<400x64xf32, #tpu.memory_space<vmem>>, vector<16xf32>,
        %mul3A_962 = arith.mulf %get3A_961, %gather3A_956 : vector<16xf32>
        %add3A_963 = arith.addf %add3A_931, %mul3A_962 : vector<16xf32>
        %add3A_964 = arith.constant 27 : i32
        %add3A_965 = arith.addi %mul3A_89, %add3A_964 : i32
        %get3A_966 = arith.index_cast %add3A_965 : i32 to index
        %get3A_967 = arith.constant 16 : index
        %get3A_968 = tpu.vector_load %arg12[%get3A_966, %get3A_967] {strides = array<i32>} : memref<400x64xf32, #tpu.memory_space<vmem>>, vector<16xf32>,
        %mul3A_969 = arith.mulf %get3A_968, %gather3A_956 : vector<16xf32>
        %add3A_970 = arith.addf %add3A_938, %mul3A_969 : vector<16xf32>
        %add3A_971 = arith.constant 27 : i32
        %add3A_972 = arith.addi %mul3A_89, %add3A_971 : i32
        %get3A_973 = arith.index_cast %add3A_972 : i32 to index
        %get3A_974 = arith.constant 32 : index
        %get3A_975 = tpu.vector_load %arg12[%get3A_973, %get3A_974] {strides = array<i32>} : memref<400x64xf32, #tpu.memory_space<vmem>>, vector<16xf32>,
        %mul3A_976 = arith.mulf %get3A_975, %gather3A_956 : vector<16xf32>
        %add3A_977 = arith.addf %add3A_945, %mul3A_976 : vector<16xf32>
        %add3A_978 = arith.constant 27 : i32
        %add3A_979 = arith.addi %mul3A_89, %add3A_978 : i32
        %get3A_980 = arith.index_cast %add3A_979 : i32 to index
        %get3A_981 = arith.constant 48 : index
        %get3A_982 = tpu.vector_load %arg12[%get3A_980, %get3A_981] {strides = array<i32>} : memref<400x64xf32, #tpu.memory_space<vmem>>, vector<16xf32>,
        %mul3A_983 = arith.mulf %get3A_982, %gather3A_956 : vector<16xf32>
        %add3A_984 = arith.addf %add3A_952, %mul3A_983 : vector<16xf32>
        %add3A_985 = arith.constant 28 : i32
        %add3A_986 = vector.broadcast %add3A_985 : i32 to vector<16xi32>
        %add3A_987 = arith.addi %broadcast_in_dim3A_87, %add3A_986 : vector<16xi32>
        %gather3A_988 = tpu.vector_load_idx %arg11[%add3A_987] : memref<6400xf32, #tpu.memory_space<vmem>>[vector<16xi32>], vector<16xf32>,
        %add3A_989 = arith.constant 28 : i32
        %add3A_990 = arith.addi %mul3A_89, %add3A_989 : i32
        %get3A_991 = arith.index_cast %add3A_990 : i32 to index
        %get3A_992 = arith.constant 0 : index
        %get3A_993 = tpu.vector_load %arg12[%get3A_991, %get3A_992] {strides = array<i32>} : memref<400x64xf32, #tpu.memory_space<vmem>>, vector<16xf32>,
        %mul3A_994 = arith.mulf %get3A_993, %gather3A_988 : vector<16xf32>
        %add3A_995 = arith.addf %add3A_963, %mul3A_994 : vector<16xf32>
        %add3A_996 = arith.constant 28 : i32
        %add3A_997 = arith.addi %mul3A_89, %add3A_996 : i32
        %get3A_998 = arith.index_cast %add3A_997 : i32 to index
        %get3A_999 = arith.constant 16 : index
        %get3A_1000 = tpu.vector_load %arg12[%get3A_998, %get3A_999] {strides = array<i32>} : memref<400x64xf32, #tpu.memory_space<vmem>>, vector<16xf32>,
        %mul3A_1001 = arith.mulf %get3A_1000, %gather3A_988 : vector<16xf32>
        %add3A_1002 = arith.addf %add3A_970, %mul3A_1001 : vector<16xf32>
        %add3A_1003 = arith.constant 28 : i32
        %add3A_1004 = arith.addi %mul3A_89, %add3A_1003 : i32
        %get3A_1005 = arith.index_cast %add3A_1004 : i32 to index
        %get3A_1006 = arith.constant 32 : index
        %get3A_1007 = tpu.vector_load %arg12[%get3A_1005, %get3A_1006] {strides = array<i32>} : memref<400x64xf32, #tpu.memory_space<vmem>>, vector<16xf32>,
        %mul3A_1008 = arith.mulf %get3A_1007, %gather3A_988 : vector<16xf32>
        %add3A_1009 = arith.addf %add3A_977, %mul3A_1008 : vector<16xf32>
        %add3A_1010 = arith.constant 28 : i32
        %add3A_1011 = arith.addi %mul3A_89, %add3A_1010 : i32
        %get3A_1012 = arith.index_cast %add3A_1011 : i32 to index
        %get3A_1013 = arith.constant 48 : index
        %get3A_1014 = tpu.vector_load %arg12[%get3A_1012, %get3A_1013] {strides = array<i32>} : memref<400x64xf32, #tpu.memory_space<vmem>>, vector<16xf32>,
        %mul3A_1015 = arith.mulf %get3A_1014, %gather3A_988 : vector<16xf32>
        %add3A_1016 = arith.addf %add3A_984, %mul3A_1015 : vector<16xf32>
        %add3A_1017 = arith.constant 29 : i32
        %add3A_1018 = vector.broadcast %add3A_1017 : i32 to vector<16xi32>
        %add3A_1019 = arith.addi %broadcast_in_dim3A_87, %add3A_1018 : vector<16xi32>
        %gather3A_1020 = tpu.vector_load_idx %arg11[%add3A_1019] : memref<6400xf32, #tpu.memory_space<vmem>>[vector<16xi32>], vector<16xf32>,
        %add3A_1021 = arith.constant 29 : i32
        %add3A_1022 = arith.addi %mul3A_89, %add3A_1021 : i32
        %get3A_1023 = arith.index_cast %add3A_1022 : i32 to index
        %get3A_1024 = arith.constant 0 : index
        %get3A_1025 = tpu.vector_load %arg12[%get3A_1023, %get3A_1024] {strides = array<i32>} : memref<400x64xf32, #tpu.memory_space<vmem>>, vector<16xf32>,
        %mul3A_1026 = arith.mulf %get3A_1025, %gather3A_1020 : vector<16xf32>
        %add3A_1027 = arith.addf %add3A_995, %mul3A_1026 : vector<16xf32>
        %add3A_1028 = arith.constant 29 : i32
        %add3A_1029 = arith.addi %mul3A_89, %add3A_1028 : i32
        %get3A_1030 = arith.index_cast %add3A_1029 : i32 to index
        %get3A_1031 = arith.constant 16 : index
        %get3A_1032 = tpu.vector_load %arg12[%get3A_1030, %get3A_1031] {strides = array<i32>} : memref<400x64xf32, #tpu.memory_space<vmem>>, vector<16xf32>,
        %mul3A_1033 = arith.mulf %get3A_1032, %gather3A_1020 : vector<16xf32>
        %add3A_1034 = arith.addf %add3A_1002, %mul3A_1033 : vector<16xf32>
        %add3A_1035 = arith.constant 29 : i32
        %add3A_1036 = arith.addi %mul3A_89, %add3A_1035 : i32
        %get3A_1037 = arith.index_cast %add3A_1036 : i32 to index
        %get3A_1038 = arith.constant 32 : index
        %get3A_1039 = tpu.vector_load %arg12[%get3A_1037, %get3A_1038] {strides = array<i32>} : memref<400x64xf32, #tpu.memory_space<vmem>>, vector<16xf32>,
        %mul3A_1040 = arith.mulf %get3A_1039, %gather3A_1020 : vector<16xf32>
        %add3A_1041 = arith.addf %add3A_1009, %mul3A_1040 : vector<16xf32>
        %add3A_1042 = arith.constant 29 : i32
        %add3A_1043 = arith.addi %mul3A_89, %add3A_1042 : i32
        %get3A_1044 = arith.index_cast %add3A_1043 : i32 to index
        %get3A_1045 = arith.constant 48 : index
        %get3A_1046 = tpu.vector_load %arg12[%get3A_1044, %get3A_1045] {strides = array<i32>} : memref<400x64xf32, #tpu.memory_space<vmem>>, vector<16xf32>,
        %mul3A_1047 = arith.mulf %get3A_1046, %gather3A_1020 : vector<16xf32>
        %add3A_1048 = arith.addf %add3A_1016, %mul3A_1047 : vector<16xf32>
        %add3A_1049 = arith.constant 30 : i32
        %add3A_1050 = vector.broadcast %add3A_1049 : i32 to vector<16xi32>
        %add3A_1051 = arith.addi %broadcast_in_dim3A_87, %add3A_1050 : vector<16xi32>
        %gather3A_1052 = tpu.vector_load_idx %arg11[%add3A_1051] : memref<6400xf32, #tpu.memory_space<vmem>>[vector<16xi32>], vector<16xf32>,
        %add3A_1053 = arith.constant 30 : i32
        %add3A_1054 = arith.addi %mul3A_89, %add3A_1053 : i32
        %get3A_1055 = arith.index_cast %add3A_1054 : i32 to index
        %get3A_1056 = arith.constant 0 : index
        %get3A_1057 = tpu.vector_load %arg12[%get3A_1055, %get3A_1056] {strides = array<i32>} : memref<400x64xf32, #tpu.memory_space<vmem>>, vector<16xf32>,
        %mul3A_1058 = arith.mulf %get3A_1057, %gather3A_1052 : vector<16xf32>
        %add3A_1059 = arith.addf %add3A_1027, %mul3A_1058 : vector<16xf32>
        %add3A_1060 = arith.constant 30 : i32
        %add3A_1061 = arith.addi %mul3A_89, %add3A_1060 : i32
        %get3A_1062 = arith.index_cast %add3A_1061 : i32 to index
        %get3A_1063 = arith.constant 16 : index
        %get3A_1064 = tpu.vector_load %arg12[%get3A_1062, %get3A_1063] {strides = array<i32>} : memref<400x64xf32, #tpu.memory_space<vmem>>, vector<16xf32>,
        %mul3A_1065 = arith.mulf %get3A_1064, %gather3A_1052 : vector<16xf32>
        %add3A_1066 = arith.addf %add3A_1034, %mul3A_1065 : vector<16xf32>
        %add3A_1067 = arith.constant 30 : i32
        %add3A_1068 = arith.addi %mul3A_89, %add3A_1067 : i32
        %get3A_1069 = arith.index_cast %add3A_1068 : i32 to index
        %get3A_1070 = arith.constant 32 : index
        %get3A_1071 = tpu.vector_load %arg12[%get3A_1069, %get3A_1070] {strides = array<i32>} : memref<400x64xf32, #tpu.memory_space<vmem>>, vector<16xf32>,
        %mul3A_1072 = arith.mulf %get3A_1071, %gather3A_1052 : vector<16xf32>
        %add3A_1073 = arith.addf %add3A_1041, %mul3A_1072 : vector<16xf32>
        %add3A_1074 = arith.constant 30 : i32
        %add3A_1075 = arith.addi %mul3A_89, %add3A_1074 : i32
        %get3A_1076 = arith.index_cast %add3A_1075 : i32 to index
        %get3A_1077 = arith.constant 48 : index
        %get3A_1078 = tpu.vector_load %arg12[%get3A_1076, %get3A_1077] {strides = array<i32>} : memref<400x64xf32, #tpu.memory_space<vmem>>, vector<16xf32>,
        %mul3A_1079 = arith.mulf %get3A_1078, %gather3A_1052 : vector<16xf32>
        %add3A_1080 = arith.addf %add3A_1048, %mul3A_1079 : vector<16xf32>
        %add3A_1081 = arith.constant 31 : i32
        %add3A_1082 = vector.broadcast %add3A_1081 : i32 to vector<16xi32>
        %add3A_1083 = arith.addi %broadcast_in_dim3A_87, %add3A_1082 : vector<16xi32>
        %gather3A_1084 = tpu.vector_load_idx %arg11[%add3A_1083] : memref<6400xf32, #tpu.memory_space<vmem>>[vector<16xi32>], vector<16xf32>,
        %add3A_1085 = arith.constant 31 : i32
        %add3A_1086 = arith.addi %mul3A_89, %add3A_1085 : i32
        %get3A_1087 = arith.index_cast %add3A_1086 : i32 to index
        %get3A_1088 = arith.constant 0 : index
        %get3A_1089 = tpu.vector_load %arg12[%get3A_1087, %get3A_1088] {strides = array<i32>} : memref<400x64xf32, #tpu.memory_space<vmem>>, vector<16xf32>,
        %mul3A_1090 = arith.mulf %get3A_1089, %gather3A_1084 : vector<16xf32>
        %add3A_1091 = arith.addf %add3A_1059, %mul3A_1090 : vector<16xf32>
        %add3A_1092 = arith.constant 31 : i32
        %add3A_1093 = arith.addi %mul3A_89, %add3A_1092 : i32
        %get3A_1094 = arith.index_cast %add3A_1093 : i32 to index
        %get3A_1095 = arith.constant 16 : index
        %get3A_1096 = tpu.vector_load %arg12[%get3A_1094, %get3A_1095] {strides = array<i32>} : memref<400x64xf32, #tpu.memory_space<vmem>>, vector<16xf32>,
        %mul3A_1097 = arith.mulf %get3A_1096, %gather3A_1084 : vector<16xf32>
        %add3A_1098 = arith.addf %add3A_1066, %mul3A_1097 : vector<16xf32>
        %add3A_1099 = arith.constant 31 : i32
        %add3A_1100 = arith.addi %mul3A_89, %add3A_1099 : i32
        %get3A_1101 = arith.index_cast %add3A_1100 : i32 to index
        %get3A_1102 = arith.constant 32 : index
        %get3A_1103 = tpu.vector_load %arg12[%get3A_1101, %get3A_1102] {strides = array<i32>} : memref<400x64xf32, #tpu.memory_space<vmem>>, vector<16xf32>,
        %mul3A_1104 = arith.mulf %get3A_1103, %gather3A_1084 : vector<16xf32>
        %add3A_1105 = arith.addf %add3A_1073, %mul3A_1104 : vector<16xf32>
        %add3A_1106 = arith.constant 31 : i32
        %add3A_1107 = arith.addi %mul3A_89, %add3A_1106 : i32
        %get3A_1108 = arith.index_cast %add3A_1107 : i32 to index
        %get3A_1109 = arith.constant 48 : index
        %get3A_1110 = tpu.vector_load %arg12[%get3A_1108, %get3A_1109] {strides = array<i32>} : memref<400x64xf32, #tpu.memory_space<vmem>>, vector<16xf32>,
        %mul3A_1111 = arith.mulf %get3A_1110, %gather3A_1084 : vector<16xf32>
        %add3A_1112 = arith.addf %add3A_1080, %mul3A_1111 : vector<16xf32>
        %add3A_1113 = arith.constant 32 : i32
        %add3A_1114 = vector.broadcast %add3A_1113 : i32 to vector<16xi32>
        %add3A_1115 = arith.addi %broadcast_in_dim3A_87, %add3A_1114 : vector<16xi32>
        %gather3A_1116 = tpu.vector_load_idx %arg11[%add3A_1115] : memref<6400xf32, #tpu.memory_space<vmem>>[vector<16xi32>], vector<16xf32>,
        %add3A_1117 = arith.constant 32 : i32
        %add3A_1118 = arith.addi %mul3A_89, %add3A_1117 : i32
        %get3A_1119 = arith.index_cast %add3A_1118 : i32 to index
        %get3A_1120 = arith.constant 0 : index
        %get3A_1121 = tpu.vector_load %arg12[%get3A_1119, %get3A_1120] {strides = array<i32>} : memref<400x64xf32, #tpu.memory_space<vmem>>, vector<16xf32>,
        %mul3A_1122 = arith.mulf %get3A_1121, %gather3A_1116 : vector<16xf32>
        %add3A_1123 = arith.addf %add3A_1091, %mul3A_1122 : vector<16xf32>
        %add3A_1124 = arith.constant 32 : i32
        %add3A_1125 = arith.addi %mul3A_89, %add3A_1124 : i32
        %get3A_1126 = arith.index_cast %add3A_1125 : i32 to index
        %get3A_1127 = arith.constant 16 : index
        %get3A_1128 = tpu.vector_load %arg12[%get3A_1126, %get3A_1127] {strides = array<i32>} : memref<400x64xf32, #tpu.memory_space<vmem>>, vector<16xf32>,
        %mul3A_1129 = arith.mulf %get3A_1128, %gather3A_1116 : vector<16xf32>
        %add3A_1130 = arith.addf %add3A_1098, %mul3A_1129 : vector<16xf32>
        %add3A_1131 = arith.constant 32 : i32
        %add3A_1132 = arith.addi %mul3A_89, %add3A_1131 : i32
        %get3A_1133 = arith.index_cast %add3A_1132 : i32 to index
        %get3A_1134 = arith.constant 32 : index
        %get3A_1135 = tpu.vector_load %arg12[%get3A_1133, %get3A_1134] {strides = array<i32>} : memref<400x64xf32, #tpu.memory_space<vmem>>, vector<16xf32>,
        %mul3A_1136 = arith.mulf %get3A_1135, %gather3A_1116 : vector<16xf32>
        %add3A_1137 = arith.addf %add3A_1105, %mul3A_1136 : vector<16xf32>
        %add3A_1138 = arith.constant 32 : i32
        %add3A_1139 = arith.addi %mul3A_89, %add3A_1138 : i32
        %get3A_1140 = arith.index_cast %add3A_1139 : i32 to index
        %get3A_1141 = arith.constant 48 : index
        %get3A_1142 = tpu.vector_load %arg12[%get3A_1140, %get3A_1141] {strides = array<i32>} : memref<400x64xf32, #tpu.memory_space<vmem>>, vector<16xf32>,
        %mul3A_1143 = arith.mulf %get3A_1142, %gather3A_1116 : vector<16xf32>
        %add3A_1144 = arith.addf %add3A_1112, %mul3A_1143 : vector<16xf32>
        %add3A_1145 = arith.constant 33 : i32
        %add3A_1146 = vector.broadcast %add3A_1145 : i32 to vector<16xi32>
        %add3A_1147 = arith.addi %broadcast_in_dim3A_87, %add3A_1146 : vector<16xi32>
        %gather3A_1148 = tpu.vector_load_idx %arg11[%add3A_1147] : memref<6400xf32, #tpu.memory_space<vmem>>[vector<16xi32>], vector<16xf32>,
        %add3A_1149 = arith.constant 33 : i32
        %add3A_1150 = arith.addi %mul3A_89, %add3A_1149 : i32
        %get3A_1151 = arith.index_cast %add3A_1150 : i32 to index
        %get3A_1152 = arith.constant 0 : index
        %get3A_1153 = tpu.vector_load %arg12[%get3A_1151, %get3A_1152] {strides = array<i32>} : memref<400x64xf32, #tpu.memory_space<vmem>>, vector<16xf32>,
        %mul3A_1154 = arith.mulf %get3A_1153, %gather3A_1148 : vector<16xf32>
        %add3A_1155 = arith.addf %add3A_1123, %mul3A_1154 : vector<16xf32>
        %add3A_1156 = arith.constant 33 : i32
        %add3A_1157 = arith.addi %mul3A_89, %add3A_1156 : i32
        %get3A_1158 = arith.index_cast %add3A_1157 : i32 to index
        %get3A_1159 = arith.constant 16 : index
        %get3A_1160 = tpu.vector_load %arg12[%get3A_1158, %get3A_1159] {strides = array<i32>} : memref<400x64xf32, #tpu.memory_space<vmem>>, vector<16xf32>,
        %mul3A_1161 = arith.mulf %get3A_1160, %gather3A_1148 : vector<16xf32>
        %add3A_1162 = arith.addf %add3A_1130, %mul3A_1161 : vector<16xf32>
        %add3A_1163 = arith.constant 33 : i32
        %add3A_1164 = arith.addi %mul3A_89, %add3A_1163 : i32
        %get3A_1165 = arith.index_cast %add3A_1164 : i32 to index
        %get3A_1166 = arith.constant 32 : index
        %get3A_1167 = tpu.vector_load %arg12[%get3A_1165, %get3A_1166] {strides = array<i32>} : memref<400x64xf32, #tpu.memory_space<vmem>>, vector<16xf32>,
        %mul3A_1168 = arith.mulf %get3A_1167, %gather3A_1148 : vector<16xf32>
        %add3A_1169 = arith.addf %add3A_1137, %mul3A_1168 : vector<16xf32>
        %add3A_1170 = arith.constant 33 : i32
        %add3A_1171 = arith.addi %mul3A_89, %add3A_1170 : i32
        %get3A_1172 = arith.index_cast %add3A_1171 : i32 to index
        %get3A_1173 = arith.constant 48 : index
        %get3A_1174 = tpu.vector_load %arg12[%get3A_1172, %get3A_1173] {strides = array<i32>} : memref<400x64xf32, #tpu.memory_space<vmem>>, vector<16xf32>,
        %mul3A_1175 = arith.mulf %get3A_1174, %gather3A_1148 : vector<16xf32>
        %add3A_1176 = arith.addf %add3A_1144, %mul3A_1175 : vector<16xf32>
        %add3A_1177 = arith.constant 34 : i32
        %add3A_1178 = vector.broadcast %add3A_1177 : i32 to vector<16xi32>
        %add3A_1179 = arith.addi %broadcast_in_dim3A_87, %add3A_1178 : vector<16xi32>
        %gather3A_1180 = tpu.vector_load_idx %arg11[%add3A_1179] : memref<6400xf32, #tpu.memory_space<vmem>>[vector<16xi32>], vector<16xf32>,
        %add3A_1181 = arith.constant 34 : i32
        %add3A_1182 = arith.addi %mul3A_89, %add3A_1181 : i32
        %get3A_1183 = arith.index_cast %add3A_1182 : i32 to index
        %get3A_1184 = arith.constant 0 : index
        %get3A_1185 = tpu.vector_load %arg12[%get3A_1183, %get3A_1184] {strides = array<i32>} : memref<400x64xf32, #tpu.memory_space<vmem>>, vector<16xf32>,
        %mul3A_1186 = arith.mulf %get3A_1185, %gather3A_1180 : vector<16xf32>
        %add3A_1187 = arith.addf %add3A_1155, %mul3A_1186 : vector<16xf32>
        %add3A_1188 = arith.constant 34 : i32
        %add3A_1189 = arith.addi %mul3A_89, %add3A_1188 : i32
        %get3A_1190 = arith.index_cast %add3A_1189 : i32 to index
        %get3A_1191 = arith.constant 16 : index
        %get3A_1192 = tpu.vector_load %arg12[%get3A_1190, %get3A_1191] {strides = array<i32>} : memref<400x64xf32, #tpu.memory_space<vmem>>, vector<16xf32>,
        %mul3A_1193 = arith.mulf %get3A_1192, %gather3A_1180 : vector<16xf32>
        %add3A_1194 = arith.addf %add3A_1162, %mul3A_1193 : vector<16xf32>
        %add3A_1195 = arith.constant 34 : i32
        %add3A_1196 = arith.addi %mul3A_89, %add3A_1195 : i32
        %get3A_1197 = arith.index_cast %add3A_1196 : i32 to index
        %get3A_1198 = arith.constant 32 : index
        %get3A_1199 = tpu.vector_load %arg12[%get3A_1197, %get3A_1198] {strides = array<i32>} : memref<400x64xf32, #tpu.memory_space<vmem>>, vector<16xf32>,
        %mul3A_1200 = arith.mulf %get3A_1199, %gather3A_1180 : vector<16xf32>
        %add3A_1201 = arith.addf %add3A_1169, %mul3A_1200 : vector<16xf32>
        %add3A_1202 = arith.constant 34 : i32
        %add3A_1203 = arith.addi %mul3A_89, %add3A_1202 : i32
        %get3A_1204 = arith.index_cast %add3A_1203 : i32 to index
        %get3A_1205 = arith.constant 48 : index
        %get3A_1206 = tpu.vector_load %arg12[%get3A_1204, %get3A_1205] {strides = array<i32>} : memref<400x64xf32, #tpu.memory_space<vmem>>, vector<16xf32>,
        %mul3A_1207 = arith.mulf %get3A_1206, %gather3A_1180 : vector<16xf32>
        %add3A_1208 = arith.addf %add3A_1176, %mul3A_1207 : vector<16xf32>
        %add3A_1209 = arith.constant 35 : i32
        %add3A_1210 = vector.broadcast %add3A_1209 : i32 to vector<16xi32>
        %add3A_1211 = arith.addi %broadcast_in_dim3A_87, %add3A_1210 : vector<16xi32>
        %gather3A_1212 = tpu.vector_load_idx %arg11[%add3A_1211] : memref<6400xf32, #tpu.memory_space<vmem>>[vector<16xi32>], vector<16xf32>,
        %add3A_1213 = arith.constant 35 : i32
        %add3A_1214 = arith.addi %mul3A_89, %add3A_1213 : i32
        %get3A_1215 = arith.index_cast %add3A_1214 : i32 to index
        %get3A_1216 = arith.constant 0 : index
        %get3A_1217 = tpu.vector_load %arg12[%get3A_1215, %get3A_1216] {strides = array<i32>} : memref<400x64xf32, #tpu.memory_space<vmem>>, vector<16xf32>,
        %mul3A_1218 = arith.mulf %get3A_1217, %gather3A_1212 : vector<16xf32>
        %add3A_1219 = arith.addf %add3A_1187, %mul3A_1218 : vector<16xf32>
        %add3A_1220 = arith.constant 35 : i32
        %add3A_1221 = arith.addi %mul3A_89, %add3A_1220 : i32
        %get3A_1222 = arith.index_cast %add3A_1221 : i32 to index
        %get3A_1223 = arith.constant 16 : index
        %get3A_1224 = tpu.vector_load %arg12[%get3A_1222, %get3A_1223] {strides = array<i32>} : memref<400x64xf32, #tpu.memory_space<vmem>>, vector<16xf32>,
        %mul3A_1225 = arith.mulf %get3A_1224, %gather3A_1212 : vector<16xf32>
        %add3A_1226 = arith.addf %add3A_1194, %mul3A_1225 : vector<16xf32>
        %add3A_1227 = arith.constant 35 : i32
        %add3A_1228 = arith.addi %mul3A_89, %add3A_1227 : i32
        %get3A_1229 = arith.index_cast %add3A_1228 : i32 to index
        %get3A_1230 = arith.constant 32 : index
        %get3A_1231 = tpu.vector_load %arg12[%get3A_1229, %get3A_1230] {strides = array<i32>} : memref<400x64xf32, #tpu.memory_space<vmem>>, vector<16xf32>,
        %mul3A_1232 = arith.mulf %get3A_1231, %gather3A_1212 : vector<16xf32>
        %add3A_1233 = arith.addf %add3A_1201, %mul3A_1232 : vector<16xf32>
        %add3A_1234 = arith.constant 35 : i32
        %add3A_1235 = arith.addi %mul3A_89, %add3A_1234 : i32
        %get3A_1236 = arith.index_cast %add3A_1235 : i32 to index
        %get3A_1237 = arith.constant 48 : index
        %get3A_1238 = tpu.vector_load %arg12[%get3A_1236, %get3A_1237] {strides = array<i32>} : memref<400x64xf32, #tpu.memory_space<vmem>>, vector<16xf32>,
        %mul3A_1239 = arith.mulf %get3A_1238, %gather3A_1212 : vector<16xf32>
        %add3A_1240 = arith.addf %add3A_1208, %mul3A_1239 : vector<16xf32>
        %add3A_1241 = arith.constant 36 : i32
        %add3A_1242 = vector.broadcast %add3A_1241 : i32 to vector<16xi32>
        %add3A_1243 = arith.addi %broadcast_in_dim3A_87, %add3A_1242 : vector<16xi32>
        %gather3A_1244 = tpu.vector_load_idx %arg11[%add3A_1243] : memref<6400xf32, #tpu.memory_space<vmem>>[vector<16xi32>], vector<16xf32>,
        %add3A_1245 = arith.constant 36 : i32
        %add3A_1246 = arith.addi %mul3A_89, %add3A_1245 : i32
        %get3A_1247 = arith.index_cast %add3A_1246 : i32 to index
        %get3A_1248 = arith.constant 0 : index
        %get3A_1249 = tpu.vector_load %arg12[%get3A_1247, %get3A_1248] {strides = array<i32>} : memref<400x64xf32, #tpu.memory_space<vmem>>, vector<16xf32>,
        %mul3A_1250 = arith.mulf %get3A_1249, %gather3A_1244 : vector<16xf32>
        %add3A_1251 = arith.addf %add3A_1219, %mul3A_1250 : vector<16xf32>
        %add3A_1252 = arith.constant 36 : i32
        %add3A_1253 = arith.addi %mul3A_89, %add3A_1252 : i32
        %get3A_1254 = arith.index_cast %add3A_1253 : i32 to index
        %get3A_1255 = arith.constant 16 : index
        %get3A_1256 = tpu.vector_load %arg12[%get3A_1254, %get3A_1255] {strides = array<i32>} : memref<400x64xf32, #tpu.memory_space<vmem>>, vector<16xf32>,
        %mul3A_1257 = arith.mulf %get3A_1256, %gather3A_1244 : vector<16xf32>
        %add3A_1258 = arith.addf %add3A_1226, %mul3A_1257 : vector<16xf32>
        %add3A_1259 = arith.constant 36 : i32
        %add3A_1260 = arith.addi %mul3A_89, %add3A_1259 : i32
        %get3A_1261 = arith.index_cast %add3A_1260 : i32 to index
        %get3A_1262 = arith.constant 32 : index
        %get3A_1263 = tpu.vector_load %arg12[%get3A_1261, %get3A_1262] {strides = array<i32>} : memref<400x64xf32, #tpu.memory_space<vmem>>, vector<16xf32>,
        %mul3A_1264 = arith.mulf %get3A_1263, %gather3A_1244 : vector<16xf32>
        %add3A_1265 = arith.addf %add3A_1233, %mul3A_1264 : vector<16xf32>
        %add3A_1266 = arith.constant 36 : i32
        %add3A_1267 = arith.addi %mul3A_89, %add3A_1266 : i32
        %get3A_1268 = arith.index_cast %add3A_1267 : i32 to index
        %get3A_1269 = arith.constant 48 : index
        %get3A_1270 = tpu.vector_load %arg12[%get3A_1268, %get3A_1269] {strides = array<i32>} : memref<400x64xf32, #tpu.memory_space<vmem>>, vector<16xf32>,
        %mul3A_1271 = arith.mulf %get3A_1270, %gather3A_1244 : vector<16xf32>
        %add3A_1272 = arith.addf %add3A_1240, %mul3A_1271 : vector<16xf32>
        %add3A_1273 = arith.constant 37 : i32
        %add3A_1274 = vector.broadcast %add3A_1273 : i32 to vector<16xi32>
        %add3A_1275 = arith.addi %broadcast_in_dim3A_87, %add3A_1274 : vector<16xi32>
        %gather3A_1276 = tpu.vector_load_idx %arg11[%add3A_1275] : memref<6400xf32, #tpu.memory_space<vmem>>[vector<16xi32>], vector<16xf32>,
        %add3A_1277 = arith.constant 37 : i32
        %add3A_1278 = arith.addi %mul3A_89, %add3A_1277 : i32
        %get3A_1279 = arith.index_cast %add3A_1278 : i32 to index
        %get3A_1280 = arith.constant 0 : index
        %get3A_1281 = tpu.vector_load %arg12[%get3A_1279, %get3A_1280] {strides = array<i32>} : memref<400x64xf32, #tpu.memory_space<vmem>>, vector<16xf32>,
        %mul3A_1282 = arith.mulf %get3A_1281, %gather3A_1276 : vector<16xf32>
        %add3A_1283 = arith.addf %add3A_1251, %mul3A_1282 : vector<16xf32>
        %add3A_1284 = arith.constant 37 : i32
        %add3A_1285 = arith.addi %mul3A_89, %add3A_1284 : i32
        %get3A_1286 = arith.index_cast %add3A_1285 : i32 to index
        %get3A_1287 = arith.constant 16 : index
        %get3A_1288 = tpu.vector_load %arg12[%get3A_1286, %get3A_1287] {strides = array<i32>} : memref<400x64xf32, #tpu.memory_space<vmem>>, vector<16xf32>,
        %mul3A_1289 = arith.mulf %get3A_1288, %gather3A_1276 : vector<16xf32>
        %add3A_1290 = arith.addf %add3A_1258, %mul3A_1289 : vector<16xf32>
        %add3A_1291 = arith.constant 37 : i32
        %add3A_1292 = arith.addi %mul3A_89, %add3A_1291 : i32
        %get3A_1293 = arith.index_cast %add3A_1292 : i32 to index
        %get3A_1294 = arith.constant 32 : index
        %get3A_1295 = tpu.vector_load %arg12[%get3A_1293, %get3A_1294] {strides = array<i32>} : memref<400x64xf32, #tpu.memory_space<vmem>>, vector<16xf32>,
        %mul3A_1296 = arith.mulf %get3A_1295, %gather3A_1276 : vector<16xf32>
        %add3A_1297 = arith.addf %add3A_1265, %mul3A_1296 : vector<16xf32>
        %add3A_1298 = arith.constant 37 : i32
        %add3A_1299 = arith.addi %mul3A_89, %add3A_1298 : i32
        %get3A_1300 = arith.index_cast %add3A_1299 : i32 to index
        %get3A_1301 = arith.constant 48 : index
        %get3A_1302 = tpu.vector_load %arg12[%get3A_1300, %get3A_1301] {strides = array<i32>} : memref<400x64xf32, #tpu.memory_space<vmem>>, vector<16xf32>,
        %mul3A_1303 = arith.mulf %get3A_1302, %gather3A_1276 : vector<16xf32>
        %add3A_1304 = arith.addf %add3A_1272, %mul3A_1303 : vector<16xf32>
        %add3A_1305 = arith.constant 38 : i32
        %add3A_1306 = vector.broadcast %add3A_1305 : i32 to vector<16xi32>
        %add3A_1307 = arith.addi %broadcast_in_dim3A_87, %add3A_1306 : vector<16xi32>
        %gather3A_1308 = tpu.vector_load_idx %arg11[%add3A_1307] : memref<6400xf32, #tpu.memory_space<vmem>>[vector<16xi32>], vector<16xf32>,
        %add3A_1309 = arith.constant 38 : i32
        %add3A_1310 = arith.addi %mul3A_89, %add3A_1309 : i32
        %get3A_1311 = arith.index_cast %add3A_1310 : i32 to index
        %get3A_1312 = arith.constant 0 : index
        %get3A_1313 = tpu.vector_load %arg12[%get3A_1311, %get3A_1312] {strides = array<i32>} : memref<400x64xf32, #tpu.memory_space<vmem>>, vector<16xf32>,
        %mul3A_1314 = arith.mulf %get3A_1313, %gather3A_1308 : vector<16xf32>
        %add3A_1315 = arith.addf %add3A_1283, %mul3A_1314 : vector<16xf32>
        %add3A_1316 = arith.constant 38 : i32
        %add3A_1317 = arith.addi %mul3A_89, %add3A_1316 : i32
        %get3A_1318 = arith.index_cast %add3A_1317 : i32 to index
        %get3A_1319 = arith.constant 16 : index
        %get3A_1320 = tpu.vector_load %arg12[%get3A_1318, %get3A_1319] {strides = array<i32>} : memref<400x64xf32, #tpu.memory_space<vmem>>, vector<16xf32>,
        %mul3A_1321 = arith.mulf %get3A_1320, %gather3A_1308 : vector<16xf32>
        %add3A_1322 = arith.addf %add3A_1290, %mul3A_1321 : vector<16xf32>
        %add3A_1323 = arith.constant 38 : i32
        %add3A_1324 = arith.addi %mul3A_89, %add3A_1323 : i32
        %get3A_1325 = arith.index_cast %add3A_1324 : i32 to index
        %get3A_1326 = arith.constant 32 : index
        %get3A_1327 = tpu.vector_load %arg12[%get3A_1325, %get3A_1326] {strides = array<i32>} : memref<400x64xf32, #tpu.memory_space<vmem>>, vector<16xf32>,
        %mul3A_1328 = arith.mulf %get3A_1327, %gather3A_1308 : vector<16xf32>
        %add3A_1329 = arith.addf %add3A_1297, %mul3A_1328 : vector<16xf32>
        %add3A_1330 = arith.constant 38 : i32
        %add3A_1331 = arith.addi %mul3A_89, %add3A_1330 : i32
        %get3A_1332 = arith.index_cast %add3A_1331 : i32 to index
        %get3A_1333 = arith.constant 48 : index
        %get3A_1334 = tpu.vector_load %arg12[%get3A_1332, %get3A_1333] {strides = array<i32>} : memref<400x64xf32, #tpu.memory_space<vmem>>, vector<16xf32>,
        %mul3A_1335 = arith.mulf %get3A_1334, %gather3A_1308 : vector<16xf32>
        %add3A_1336 = arith.addf %add3A_1304, %mul3A_1335 : vector<16xf32>
        %add3A_1337 = arith.constant 39 : i32
        %add3A_1338 = vector.broadcast %add3A_1337 : i32 to vector<16xi32>
        %add3A_1339 = arith.addi %broadcast_in_dim3A_87, %add3A_1338 : vector<16xi32>
        %gather3A_1340 = tpu.vector_load_idx %arg11[%add3A_1339] : memref<6400xf32, #tpu.memory_space<vmem>>[vector<16xi32>], vector<16xf32>,
        %add3A_1341 = arith.constant 39 : i32
        %add3A_1342 = arith.addi %mul3A_89, %add3A_1341 : i32
        %get3A_1343 = arith.index_cast %add3A_1342 : i32 to index
        %get3A_1344 = arith.constant 0 : index
        %get3A_1345 = tpu.vector_load %arg12[%get3A_1343, %get3A_1344] {strides = array<i32>} : memref<400x64xf32, #tpu.memory_space<vmem>>, vector<16xf32>,
        %mul3A_1346 = arith.mulf %get3A_1345, %gather3A_1340 : vector<16xf32>
        %add3A_1347 = arith.addf %add3A_1315, %mul3A_1346 : vector<16xf32>
        %add3A_1348 = arith.constant 39 : i32
        %add3A_1349 = arith.addi %mul3A_89, %add3A_1348 : i32
        %get3A_1350 = arith.index_cast %add3A_1349 : i32 to index
        %get3A_1351 = arith.constant 16 : index
        %get3A_1352 = tpu.vector_load %arg12[%get3A_1350, %get3A_1351] {strides = array<i32>} : memref<400x64xf32, #tpu.memory_space<vmem>>, vector<16xf32>,
        %mul3A_1353 = arith.mulf %get3A_1352, %gather3A_1340 : vector<16xf32>
        %add3A_1354 = arith.addf %add3A_1322, %mul3A_1353 : vector<16xf32>
        %add3A_1355 = arith.constant 39 : i32
        %add3A_1356 = arith.addi %mul3A_89, %add3A_1355 : i32
        %get3A_1357 = arith.index_cast %add3A_1356 : i32 to index
        %get3A_1358 = arith.constant 32 : index
        %get3A_1359 = tpu.vector_load %arg12[%get3A_1357, %get3A_1358] {strides = array<i32>} : memref<400x64xf32, #tpu.memory_space<vmem>>, vector<16xf32>,
        %mul3A_1360 = arith.mulf %get3A_1359, %gather3A_1340 : vector<16xf32>
        %add3A_1361 = arith.addf %add3A_1329, %mul3A_1360 : vector<16xf32>
        %add3A_1362 = arith.constant 39 : i32
        %add3A_1363 = arith.addi %mul3A_89, %add3A_1362 : i32
        %get3A_1364 = arith.index_cast %add3A_1363 : i32 to index
        %get3A_1365 = arith.constant 48 : index
        %get3A_1366 = tpu.vector_load %arg12[%get3A_1364, %get3A_1365] {strides = array<i32>} : memref<400x64xf32, #tpu.memory_space<vmem>>, vector<16xf32>,
        %mul3A_1367 = arith.mulf %get3A_1366, %gather3A_1340 : vector<16xf32>
        %add3A_1368 = arith.addf %add3A_1336, %mul3A_1367 : vector<16xf32>
        %add3A_1369 = arith.constant 40 : i32
        %add3A_1370 = vector.broadcast %add3A_1369 : i32 to vector<16xi32>
        %add3A_1371 = arith.addi %broadcast_in_dim3A_87, %add3A_1370 : vector<16xi32>
        %gather3A_1372 = tpu.vector_load_idx %arg11[%add3A_1371] : memref<6400xf32, #tpu.memory_space<vmem>>[vector<16xi32>], vector<16xf32>,
        %add3A_1373 = arith.constant 40 : i32
        %add3A_1374 = arith.addi %mul3A_89, %add3A_1373 : i32
        %get3A_1375 = arith.index_cast %add3A_1374 : i32 to index
        %get3A_1376 = arith.constant 0 : index
        %get3A_1377 = tpu.vector_load %arg12[%get3A_1375, %get3A_1376] {strides = array<i32>} : memref<400x64xf32, #tpu.memory_space<vmem>>, vector<16xf32>,
        %mul3A_1378 = arith.mulf %get3A_1377, %gather3A_1372 : vector<16xf32>
        %add3A_1379 = arith.addf %add3A_1347, %mul3A_1378 : vector<16xf32>
        %add3A_1380 = arith.constant 40 : i32
        %add3A_1381 = arith.addi %mul3A_89, %add3A_1380 : i32
        %get3A_1382 = arith.index_cast %add3A_1381 : i32 to index
        %get3A_1383 = arith.constant 16 : index
        %get3A_1384 = tpu.vector_load %arg12[%get3A_1382, %get3A_1383] {strides = array<i32>} : memref<400x64xf32, #tpu.memory_space<vmem>>, vector<16xf32>,
        %mul3A_1385 = arith.mulf %get3A_1384, %gather3A_1372 : vector<16xf32>
        %add3A_1386 = arith.addf %add3A_1354, %mul3A_1385 : vector<16xf32>
        %add3A_1387 = arith.constant 40 : i32
        %add3A_1388 = arith.addi %mul3A_89, %add3A_1387 : i32
        %get3A_1389 = arith.index_cast %add3A_1388 : i32 to index
        %get3A_1390 = arith.constant 32 : index
        %get3A_1391 = tpu.vector_load %arg12[%get3A_1389, %get3A_1390] {strides = array<i32>} : memref<400x64xf32, #tpu.memory_space<vmem>>, vector<16xf32>,
        %mul3A_1392 = arith.mulf %get3A_1391, %gather3A_1372 : vector<16xf32>
        %add3A_1393 = arith.addf %add3A_1361, %mul3A_1392 : vector<16xf32>
        %add3A_1394 = arith.constant 40 : i32
        %add3A_1395 = arith.addi %mul3A_89, %add3A_1394 : i32
        %get3A_1396 = arith.index_cast %add3A_1395 : i32 to index
        %get3A_1397 = arith.constant 48 : index
        %get3A_1398 = tpu.vector_load %arg12[%get3A_1396, %get3A_1397] {strides = array<i32>} : memref<400x64xf32, #tpu.memory_space<vmem>>, vector<16xf32>,
        %mul3A_1399 = arith.mulf %get3A_1398, %gather3A_1372 : vector<16xf32>
        %add3A_1400 = arith.addf %add3A_1368, %mul3A_1399 : vector<16xf32>
        %add3A_1401 = arith.constant 41 : i32
        %add3A_1402 = vector.broadcast %add3A_1401 : i32 to vector<16xi32>
        %add3A_1403 = arith.addi %broadcast_in_dim3A_87, %add3A_1402 : vector<16xi32>
        %gather3A_1404 = tpu.vector_load_idx %arg11[%add3A_1403] : memref<6400xf32, #tpu.memory_space<vmem>>[vector<16xi32>], vector<16xf32>,
        %add3A_1405 = arith.constant 41 : i32
        %add3A_1406 = arith.addi %mul3A_89, %add3A_1405 : i32
        %get3A_1407 = arith.index_cast %add3A_1406 : i32 to index
        %get3A_1408 = arith.constant 0 : index
        %get3A_1409 = tpu.vector_load %arg12[%get3A_1407, %get3A_1408] {strides = array<i32>} : memref<400x64xf32, #tpu.memory_space<vmem>>, vector<16xf32>,
        %mul3A_1410 = arith.mulf %get3A_1409, %gather3A_1404 : vector<16xf32>
        %add3A_1411 = arith.addf %add3A_1379, %mul3A_1410 : vector<16xf32>
        %add3A_1412 = arith.constant 41 : i32
        %add3A_1413 = arith.addi %mul3A_89, %add3A_1412 : i32
        %get3A_1414 = arith.index_cast %add3A_1413 : i32 to index
        %get3A_1415 = arith.constant 16 : index
        %get3A_1416 = tpu.vector_load %arg12[%get3A_1414, %get3A_1415] {strides = array<i32>} : memref<400x64xf32, #tpu.memory_space<vmem>>, vector<16xf32>,
        %mul3A_1417 = arith.mulf %get3A_1416, %gather3A_1404 : vector<16xf32>
        %add3A_1418 = arith.addf %add3A_1386, %mul3A_1417 : vector<16xf32>
        %add3A_1419 = arith.constant 41 : i32
        %add3A_1420 = arith.addi %mul3A_89, %add3A_1419 : i32
        %get3A_1421 = arith.index_cast %add3A_1420 : i32 to index
        %get3A_1422 = arith.constant 32 : index
        %get3A_1423 = tpu.vector_load %arg12[%get3A_1421, %get3A_1422] {strides = array<i32>} : memref<400x64xf32, #tpu.memory_space<vmem>>, vector<16xf32>,
        %mul3A_1424 = arith.mulf %get3A_1423, %gather3A_1404 : vector<16xf32>
        %add3A_1425 = arith.addf %add3A_1393, %mul3A_1424 : vector<16xf32>
        %add3A_1426 = arith.constant 41 : i32
        %add3A_1427 = arith.addi %mul3A_89, %add3A_1426 : i32
        %get3A_1428 = arith.index_cast %add3A_1427 : i32 to index
        %get3A_1429 = arith.constant 48 : index
        %get3A_1430 = tpu.vector_load %arg12[%get3A_1428, %get3A_1429] {strides = array<i32>} : memref<400x64xf32, #tpu.memory_space<vmem>>, vector<16xf32>,
        %mul3A_1431 = arith.mulf %get3A_1430, %gather3A_1404 : vector<16xf32>
        %add3A_1432 = arith.addf %add3A_1400, %mul3A_1431 : vector<16xf32>
        %add3A_1433 = arith.constant 42 : i32
        %add3A_1434 = vector.broadcast %add3A_1433 : i32 to vector<16xi32>
        %add3A_1435 = arith.addi %broadcast_in_dim3A_87, %add3A_1434 : vector<16xi32>
        %gather3A_1436 = tpu.vector_load_idx %arg11[%add3A_1435] : memref<6400xf32, #tpu.memory_space<vmem>>[vector<16xi32>], vector<16xf32>,
        %add3A_1437 = arith.constant 42 : i32
        %add3A_1438 = arith.addi %mul3A_89, %add3A_1437 : i32
        %get3A_1439 = arith.index_cast %add3A_1438 : i32 to index
        %get3A_1440 = arith.constant 0 : index
        %get3A_1441 = tpu.vector_load %arg12[%get3A_1439, %get3A_1440] {strides = array<i32>} : memref<400x64xf32, #tpu.memory_space<vmem>>, vector<16xf32>,
        %mul3A_1442 = arith.mulf %get3A_1441, %gather3A_1436 : vector<16xf32>
        %add3A_1443 = arith.addf %add3A_1411, %mul3A_1442 : vector<16xf32>
        %add3A_1444 = arith.constant 42 : i32
        %add3A_1445 = arith.addi %mul3A_89, %add3A_1444 : i32
        %get3A_1446 = arith.index_cast %add3A_1445 : i32 to index
        %get3A_1447 = arith.constant 16 : index
        %get3A_1448 = tpu.vector_load %arg12[%get3A_1446, %get3A_1447] {strides = array<i32>} : memref<400x64xf32, #tpu.memory_space<vmem>>, vector<16xf32>,
        %mul3A_1449 = arith.mulf %get3A_1448, %gather3A_1436 : vector<16xf32>
        %add3A_1450 = arith.addf %add3A_1418, %mul3A_1449 : vector<16xf32>
        %add3A_1451 = arith.constant 42 : i32
        %add3A_1452 = arith.addi %mul3A_89, %add3A_1451 : i32
        %get3A_1453 = arith.index_cast %add3A_1452 : i32 to index
        %get3A_1454 = arith.constant 32 : index
        %get3A_1455 = tpu.vector_load %arg12[%get3A_1453, %get3A_1454] {strides = array<i32>} : memref<400x64xf32, #tpu.memory_space<vmem>>, vector<16xf32>,
        %mul3A_1456 = arith.mulf %get3A_1455, %gather3A_1436 : vector<16xf32>
        %add3A_1457 = arith.addf %add3A_1425, %mul3A_1456 : vector<16xf32>
        %add3A_1458 = arith.constant 42 : i32
        %add3A_1459 = arith.addi %mul3A_89, %add3A_1458 : i32
        %get3A_1460 = arith.index_cast %add3A_1459 : i32 to index
        %get3A_1461 = arith.constant 48 : index
        %get3A_1462 = tpu.vector_load %arg12[%get3A_1460, %get3A_1461] {strides = array<i32>} : memref<400x64xf32, #tpu.memory_space<vmem>>, vector<16xf32>,
        %mul3A_1463 = arith.mulf %get3A_1462, %gather3A_1436 : vector<16xf32>
        %add3A_1464 = arith.addf %add3A_1432, %mul3A_1463 : vector<16xf32>
        %add3A_1465 = arith.constant 43 : i32
        %add3A_1466 = vector.broadcast %add3A_1465 : i32 to vector<16xi32>
        %add3A_1467 = arith.addi %broadcast_in_dim3A_87, %add3A_1466 : vector<16xi32>
        %gather3A_1468 = tpu.vector_load_idx %arg11[%add3A_1467] : memref<6400xf32, #tpu.memory_space<vmem>>[vector<16xi32>], vector<16xf32>,
        %add3A_1469 = arith.constant 43 : i32
        %add3A_1470 = arith.addi %mul3A_89, %add3A_1469 : i32
        %get3A_1471 = arith.index_cast %add3A_1470 : i32 to index
        %get3A_1472 = arith.constant 0 : index
        %get3A_1473 = tpu.vector_load %arg12[%get3A_1471, %get3A_1472] {strides = array<i32>} : memref<400x64xf32, #tpu.memory_space<vmem>>, vector<16xf32>,
        %mul3A_1474 = arith.mulf %get3A_1473, %gather3A_1468 : vector<16xf32>
        %add3A_1475 = arith.addf %add3A_1443, %mul3A_1474 : vector<16xf32>
        %add3A_1476 = arith.constant 43 : i32
        %add3A_1477 = arith.addi %mul3A_89, %add3A_1476 : i32
        %get3A_1478 = arith.index_cast %add3A_1477 : i32 to index
        %get3A_1479 = arith.constant 16 : index
        %get3A_1480 = tpu.vector_load %arg12[%get3A_1478, %get3A_1479] {strides = array<i32>} : memref<400x64xf32, #tpu.memory_space<vmem>>, vector<16xf32>,
        %mul3A_1481 = arith.mulf %get3A_1480, %gather3A_1468 : vector<16xf32>
        %add3A_1482 = arith.addf %add3A_1450, %mul3A_1481 : vector<16xf32>
        %add3A_1483 = arith.constant 43 : i32
        %add3A_1484 = arith.addi %mul3A_89, %add3A_1483 : i32
        %get3A_1485 = arith.index_cast %add3A_1484 : i32 to index
        %get3A_1486 = arith.constant 32 : index
        %get3A_1487 = tpu.vector_load %arg12[%get3A_1485, %get3A_1486] {strides = array<i32>} : memref<400x64xf32, #tpu.memory_space<vmem>>, vector<16xf32>,
        %mul3A_1488 = arith.mulf %get3A_1487, %gather3A_1468 : vector<16xf32>
        %add3A_1489 = arith.addf %add3A_1457, %mul3A_1488 : vector<16xf32>
        %add3A_1490 = arith.constant 43 : i32
        %add3A_1491 = arith.addi %mul3A_89, %add3A_1490 : i32
        %get3A_1492 = arith.index_cast %add3A_1491 : i32 to index
        %get3A_1493 = arith.constant 48 : index
        %get3A_1494 = tpu.vector_load %arg12[%get3A_1492, %get3A_1493] {strides = array<i32>} : memref<400x64xf32, #tpu.memory_space<vmem>>, vector<16xf32>,
        %mul3A_1495 = arith.mulf %get3A_1494, %gather3A_1468 : vector<16xf32>
        %add3A_1496 = arith.addf %add3A_1464, %mul3A_1495 : vector<16xf32>
        %add3A_1497 = arith.constant 44 : i32
        %add3A_1498 = vector.broadcast %add3A_1497 : i32 to vector<16xi32>
        %add3A_1499 = arith.addi %broadcast_in_dim3A_87, %add3A_1498 : vector<16xi32>
        %gather3A_1500 = tpu.vector_load_idx %arg11[%add3A_1499] : memref<6400xf32, #tpu.memory_space<vmem>>[vector<16xi32>], vector<16xf32>,
        %add3A_1501 = arith.constant 44 : i32
        %add3A_1502 = arith.addi %mul3A_89, %add3A_1501 : i32
        %get3A_1503 = arith.index_cast %add3A_1502 : i32 to index
        %get3A_1504 = arith.constant 0 : index
        %get3A_1505 = tpu.vector_load %arg12[%get3A_1503, %get3A_1504] {strides = array<i32>} : memref<400x64xf32, #tpu.memory_space<vmem>>, vector<16xf32>,
        %mul3A_1506 = arith.mulf %get3A_1505, %gather3A_1500 : vector<16xf32>
        %add3A_1507 = arith.addf %add3A_1475, %mul3A_1506 : vector<16xf32>
        %add3A_1508 = arith.constant 44 : i32
        %add3A_1509 = arith.addi %mul3A_89, %add3A_1508 : i32
        %get3A_1510 = arith.index_cast %add3A_1509 : i32 to index
        %get3A_1511 = arith.constant 16 : index
        %get3A_1512 = tpu.vector_load %arg12[%get3A_1510, %get3A_1511] {strides = array<i32>} : memref<400x64xf32, #tpu.memory_space<vmem>>, vector<16xf32>,
        %mul3A_1513 = arith.mulf %get3A_1512, %gather3A_1500 : vector<16xf32>
        %add3A_1514 = arith.addf %add3A_1482, %mul3A_1513 : vector<16xf32>
        %add3A_1515 = arith.constant 44 : i32
        %add3A_1516 = arith.addi %mul3A_89, %add3A_1515 : i32
        %get3A_1517 = arith.index_cast %add3A_1516 : i32 to index
        %get3A_1518 = arith.constant 32 : index
        %get3A_1519 = tpu.vector_load %arg12[%get3A_1517, %get3A_1518] {strides = array<i32>} : memref<400x64xf32, #tpu.memory_space<vmem>>, vector<16xf32>,
        %mul3A_1520 = arith.mulf %get3A_1519, %gather3A_1500 : vector<16xf32>
        %add3A_1521 = arith.addf %add3A_1489, %mul3A_1520 : vector<16xf32>
        %add3A_1522 = arith.constant 44 : i32
        %add3A_1523 = arith.addi %mul3A_89, %add3A_1522 : i32
        %get3A_1524 = arith.index_cast %add3A_1523 : i32 to index
        %get3A_1525 = arith.constant 48 : index
        %get3A_1526 = tpu.vector_load %arg12[%get3A_1524, %get3A_1525] {strides = array<i32>} : memref<400x64xf32, #tpu.memory_space<vmem>>, vector<16xf32>,
        %mul3A_1527 = arith.mulf %get3A_1526, %gather3A_1500 : vector<16xf32>
        %add3A_1528 = arith.addf %add3A_1496, %mul3A_1527 : vector<16xf32>
        %add3A_1529 = arith.constant 45 : i32
        %add3A_1530 = vector.broadcast %add3A_1529 : i32 to vector<16xi32>
        %add3A_1531 = arith.addi %broadcast_in_dim3A_87, %add3A_1530 : vector<16xi32>
        %gather3A_1532 = tpu.vector_load_idx %arg11[%add3A_1531] : memref<6400xf32, #tpu.memory_space<vmem>>[vector<16xi32>], vector<16xf32>,
        %add3A_1533 = arith.constant 45 : i32
        %add3A_1534 = arith.addi %mul3A_89, %add3A_1533 : i32
        %get3A_1535 = arith.index_cast %add3A_1534 : i32 to index
        %get3A_1536 = arith.constant 0 : index
        %get3A_1537 = tpu.vector_load %arg12[%get3A_1535, %get3A_1536] {strides = array<i32>} : memref<400x64xf32, #tpu.memory_space<vmem>>, vector<16xf32>,
        %mul3A_1538 = arith.mulf %get3A_1537, %gather3A_1532 : vector<16xf32>
        %add3A_1539 = arith.addf %add3A_1507, %mul3A_1538 : vector<16xf32>
        %add3A_1540 = arith.constant 45 : i32
        %add3A_1541 = arith.addi %mul3A_89, %add3A_1540 : i32
        %get3A_1542 = arith.index_cast %add3A_1541 : i32 to index
        %get3A_1543 = arith.constant 16 : index
        %get3A_1544 = tpu.vector_load %arg12[%get3A_1542, %get3A_1543] {strides = array<i32>} : memref<400x64xf32, #tpu.memory_space<vmem>>, vector<16xf32>,
        %mul3A_1545 = arith.mulf %get3A_1544, %gather3A_1532 : vector<16xf32>
        %add3A_1546 = arith.addf %add3A_1514, %mul3A_1545 : vector<16xf32>
        %add3A_1547 = arith.constant 45 : i32
        %add3A_1548 = arith.addi %mul3A_89, %add3A_1547 : i32
        %get3A_1549 = arith.index_cast %add3A_1548 : i32 to index
        %get3A_1550 = arith.constant 32 : index
        %get3A_1551 = tpu.vector_load %arg12[%get3A_1549, %get3A_1550] {strides = array<i32>} : memref<400x64xf32, #tpu.memory_space<vmem>>, vector<16xf32>,
        %mul3A_1552 = arith.mulf %get3A_1551, %gather3A_1532 : vector<16xf32>
        %add3A_1553 = arith.addf %add3A_1521, %mul3A_1552 : vector<16xf32>
        %add3A_1554 = arith.constant 45 : i32
        %add3A_1555 = arith.addi %mul3A_89, %add3A_1554 : i32
        %get3A_1556 = arith.index_cast %add3A_1555 : i32 to index
        %get3A_1557 = arith.constant 48 : index
        %get3A_1558 = tpu.vector_load %arg12[%get3A_1556, %get3A_1557] {strides = array<i32>} : memref<400x64xf32, #tpu.memory_space<vmem>>, vector<16xf32>,
        %mul3A_1559 = arith.mulf %get3A_1558, %gather3A_1532 : vector<16xf32>
        %add3A_1560 = arith.addf %add3A_1528, %mul3A_1559 : vector<16xf32>
        %add3A_1561 = arith.constant 46 : i32
        %add3A_1562 = vector.broadcast %add3A_1561 : i32 to vector<16xi32>
        %add3A_1563 = arith.addi %broadcast_in_dim3A_87, %add3A_1562 : vector<16xi32>
        %gather3A_1564 = tpu.vector_load_idx %arg11[%add3A_1563] : memref<6400xf32, #tpu.memory_space<vmem>>[vector<16xi32>], vector<16xf32>,
        %add3A_1565 = arith.constant 46 : i32
        %add3A_1566 = arith.addi %mul3A_89, %add3A_1565 : i32
        %get3A_1567 = arith.index_cast %add3A_1566 : i32 to index
        %get3A_1568 = arith.constant 0 : index
        %get3A_1569 = tpu.vector_load %arg12[%get3A_1567, %get3A_1568] {strides = array<i32>} : memref<400x64xf32, #tpu.memory_space<vmem>>, vector<16xf32>,
        %mul3A_1570 = arith.mulf %get3A_1569, %gather3A_1564 : vector<16xf32>
        %add3A_1571 = arith.addf %add3A_1539, %mul3A_1570 : vector<16xf32>
        %add3A_1572 = arith.constant 46 : i32
        %add3A_1573 = arith.addi %mul3A_89, %add3A_1572 : i32
        %get3A_1574 = arith.index_cast %add3A_1573 : i32 to index
        %get3A_1575 = arith.constant 16 : index
        %get3A_1576 = tpu.vector_load %arg12[%get3A_1574, %get3A_1575] {strides = array<i32>} : memref<400x64xf32, #tpu.memory_space<vmem>>, vector<16xf32>,
        %mul3A_1577 = arith.mulf %get3A_1576, %gather3A_1564 : vector<16xf32>
        %add3A_1578 = arith.addf %add3A_1546, %mul3A_1577 : vector<16xf32>
        %add3A_1579 = arith.constant 46 : i32
        %add3A_1580 = arith.addi %mul3A_89, %add3A_1579 : i32
        %get3A_1581 = arith.index_cast %add3A_1580 : i32 to index
        %get3A_1582 = arith.constant 32 : index
        %get3A_1583 = tpu.vector_load %arg12[%get3A_1581, %get3A_1582] {strides = array<i32>} : memref<400x64xf32, #tpu.memory_space<vmem>>, vector<16xf32>,
        %mul3A_1584 = arith.mulf %get3A_1583, %gather3A_1564 : vector<16xf32>
        %add3A_1585 = arith.addf %add3A_1553, %mul3A_1584 : vector<16xf32>
        %add3A_1586 = arith.constant 46 : i32
        %add3A_1587 = arith.addi %mul3A_89, %add3A_1586 : i32
        %get3A_1588 = arith.index_cast %add3A_1587 : i32 to index
        %get3A_1589 = arith.constant 48 : index
        %get3A_1590 = tpu.vector_load %arg12[%get3A_1588, %get3A_1589] {strides = array<i32>} : memref<400x64xf32, #tpu.memory_space<vmem>>, vector<16xf32>,
        %mul3A_1591 = arith.mulf %get3A_1590, %gather3A_1564 : vector<16xf32>
        %add3A_1592 = arith.addf %add3A_1560, %mul3A_1591 : vector<16xf32>
        %add3A_1593 = arith.constant 47 : i32
        %add3A_1594 = vector.broadcast %add3A_1593 : i32 to vector<16xi32>
        %add3A_1595 = arith.addi %broadcast_in_dim3A_87, %add3A_1594 : vector<16xi32>
        %gather3A_1596 = tpu.vector_load_idx %arg11[%add3A_1595] : memref<6400xf32, #tpu.memory_space<vmem>>[vector<16xi32>], vector<16xf32>,
        %add3A_1597 = arith.constant 47 : i32
        %add3A_1598 = arith.addi %mul3A_89, %add3A_1597 : i32
        %get3A_1599 = arith.index_cast %add3A_1598 : i32 to index
        %get3A_1600 = arith.constant 0 : index
        %get3A_1601 = tpu.vector_load %arg12[%get3A_1599, %get3A_1600] {strides = array<i32>} : memref<400x64xf32, #tpu.memory_space<vmem>>, vector<16xf32>,
        %mul3A_1602 = arith.mulf %get3A_1601, %gather3A_1596 : vector<16xf32>
        %add3A_1603 = arith.addf %add3A_1571, %mul3A_1602 : vector<16xf32>
        %add3A_1604 = arith.constant 47 : i32
        %add3A_1605 = arith.addi %mul3A_89, %add3A_1604 : i32
        %get3A_1606 = arith.index_cast %add3A_1605 : i32 to index
        %get3A_1607 = arith.constant 16 : index
        %get3A_1608 = tpu.vector_load %arg12[%get3A_1606, %get3A_1607] {strides = array<i32>} : memref<400x64xf32, #tpu.memory_space<vmem>>, vector<16xf32>,
        %mul3A_1609 = arith.mulf %get3A_1608, %gather3A_1596 : vector<16xf32>
        %add3A_1610 = arith.addf %add3A_1578, %mul3A_1609 : vector<16xf32>
        %add3A_1611 = arith.constant 47 : i32
        %add3A_1612 = arith.addi %mul3A_89, %add3A_1611 : i32
        %get3A_1613 = arith.index_cast %add3A_1612 : i32 to index
        %get3A_1614 = arith.constant 32 : index
        %get3A_1615 = tpu.vector_load %arg12[%get3A_1613, %get3A_1614] {strides = array<i32>} : memref<400x64xf32, #tpu.memory_space<vmem>>, vector<16xf32>,
        %mul3A_1616 = arith.mulf %get3A_1615, %gather3A_1596 : vector<16xf32>
        %add3A_1617 = arith.addf %add3A_1585, %mul3A_1616 : vector<16xf32>
        %add3A_1618 = arith.constant 47 : i32
        %add3A_1619 = arith.addi %mul3A_89, %add3A_1618 : i32
        %get3A_1620 = arith.index_cast %add3A_1619 : i32 to index
        %get3A_1621 = arith.constant 48 : index
        %get3A_1622 = tpu.vector_load %arg12[%get3A_1620, %get3A_1621] {strides = array<i32>} : memref<400x64xf32, #tpu.memory_space<vmem>>, vector<16xf32>,
        %mul3A_1623 = arith.mulf %get3A_1622, %gather3A_1596 : vector<16xf32>
        %add3A_1624 = arith.addf %add3A_1592, %mul3A_1623 : vector<16xf32>
        %add3A_1625 = arith.constant 48 : i32
        %add3A_1626 = vector.broadcast %add3A_1625 : i32 to vector<16xi32>
        %add3A_1627 = arith.addi %broadcast_in_dim3A_87, %add3A_1626 : vector<16xi32>
        %gather3A_1628 = tpu.vector_load_idx %arg11[%add3A_1627] : memref<6400xf32, #tpu.memory_space<vmem>>[vector<16xi32>], vector<16xf32>,
        %add3A_1629 = arith.constant 48 : i32
        %add3A_1630 = arith.addi %mul3A_89, %add3A_1629 : i32
        %get3A_1631 = arith.index_cast %add3A_1630 : i32 to index
        %get3A_1632 = arith.constant 0 : index
        %get3A_1633 = tpu.vector_load %arg12[%get3A_1631, %get3A_1632] {strides = array<i32>} : memref<400x64xf32, #tpu.memory_space<vmem>>, vector<16xf32>,
        %mul3A_1634 = arith.mulf %get3A_1633, %gather3A_1628 : vector<16xf32>
        %add3A_1635 = arith.addf %add3A_1603, %mul3A_1634 : vector<16xf32>
        %add3A_1636 = arith.constant 48 : i32
        %add3A_1637 = arith.addi %mul3A_89, %add3A_1636 : i32
        %get3A_1638 = arith.index_cast %add3A_1637 : i32 to index
        %get3A_1639 = arith.constant 16 : index
        %get3A_1640 = tpu.vector_load %arg12[%get3A_1638, %get3A_1639] {strides = array<i32>} : memref<400x64xf32, #tpu.memory_space<vmem>>, vector<16xf32>,
        %mul3A_1641 = arith.mulf %get3A_1640, %gather3A_1628 : vector<16xf32>
        %add3A_1642 = arith.addf %add3A_1610, %mul3A_1641 : vector<16xf32>
        %add3A_1643 = arith.constant 48 : i32
        %add3A_1644 = arith.addi %mul3A_89, %add3A_1643 : i32
        %get3A_1645 = arith.index_cast %add3A_1644 : i32 to index
        %get3A_1646 = arith.constant 32 : index
        %get3A_1647 = tpu.vector_load %arg12[%get3A_1645, %get3A_1646] {strides = array<i32>} : memref<400x64xf32, #tpu.memory_space<vmem>>, vector<16xf32>,
        %mul3A_1648 = arith.mulf %get3A_1647, %gather3A_1628 : vector<16xf32>
        %add3A_1649 = arith.addf %add3A_1617, %mul3A_1648 : vector<16xf32>
        %add3A_1650 = arith.constant 48 : i32
        %add3A_1651 = arith.addi %mul3A_89, %add3A_1650 : i32
        %get3A_1652 = arith.index_cast %add3A_1651 : i32 to index
        %get3A_1653 = arith.constant 48 : index
        %get3A_1654 = tpu.vector_load %arg12[%get3A_1652, %get3A_1653] {strides = array<i32>} : memref<400x64xf32, #tpu.memory_space<vmem>>, vector<16xf32>,
        %mul3A_1655 = arith.mulf %get3A_1654, %gather3A_1628 : vector<16xf32>
        %add3A_1656 = arith.addf %add3A_1624, %mul3A_1655 : vector<16xf32>
        %add3A_1657 = arith.constant 49 : i32
        %add3A_1658 = vector.broadcast %add3A_1657 : i32 to vector<16xi32>
        %add3A_1659 = arith.addi %broadcast_in_dim3A_87, %add3A_1658 : vector<16xi32>
        %gather3A_1660 = tpu.vector_load_idx %arg11[%add3A_1659] : memref<6400xf32, #tpu.memory_space<vmem>>[vector<16xi32>], vector<16xf32>,
        %add3A_1661 = arith.constant 49 : i32
        %add3A_1662 = arith.addi %mul3A_89, %add3A_1661 : i32
        %get3A_1663 = arith.index_cast %add3A_1662 : i32 to index
        %get3A_1664 = arith.constant 0 : index
        %get3A_1665 = tpu.vector_load %arg12[%get3A_1663, %get3A_1664] {strides = array<i32>} : memref<400x64xf32, #tpu.memory_space<vmem>>, vector<16xf32>,
        %mul3A_1666 = arith.mulf %get3A_1665, %gather3A_1660 : vector<16xf32>
        %add3A_1667 = arith.addf %add3A_1635, %mul3A_1666 : vector<16xf32>
        %add3A_1668 = arith.constant 49 : i32
        %add3A_1669 = arith.addi %mul3A_89, %add3A_1668 : i32
        %get3A_1670 = arith.index_cast %add3A_1669 : i32 to index
        %get3A_1671 = arith.constant 16 : index
        %get3A_1672 = tpu.vector_load %arg12[%get3A_1670, %get3A_1671] {strides = array<i32>} : memref<400x64xf32, #tpu.memory_space<vmem>>, vector<16xf32>,
        %mul3A_1673 = arith.mulf %get3A_1672, %gather3A_1660 : vector<16xf32>
        %add3A_1674 = arith.addf %add3A_1642, %mul3A_1673 : vector<16xf32>
        %add3A_1675 = arith.constant 49 : i32
        %add3A_1676 = arith.addi %mul3A_89, %add3A_1675 : i32
        %get3A_1677 = arith.index_cast %add3A_1676 : i32 to index
        %get3A_1678 = arith.constant 32 : index
        %get3A_1679 = tpu.vector_load %arg12[%get3A_1677, %get3A_1678] {strides = array<i32>} : memref<400x64xf32, #tpu.memory_space<vmem>>, vector<16xf32>,
        %mul3A_1680 = arith.mulf %get3A_1679, %gather3A_1660 : vector<16xf32>
        %add3A_1681 = arith.addf %add3A_1649, %mul3A_1680 : vector<16xf32>
        %add3A_1682 = arith.constant 49 : i32
        %add3A_1683 = arith.addi %mul3A_89, %add3A_1682 : i32
        %get3A_1684 = arith.index_cast %add3A_1683 : i32 to index
        %get3A_1685 = arith.constant 48 : index
        %get3A_1686 = tpu.vector_load %arg12[%get3A_1684, %get3A_1685] {strides = array<i32>} : memref<400x64xf32, #tpu.memory_space<vmem>>, vector<16xf32>,
        %mul3A_1687 = arith.mulf %get3A_1686, %gather3A_1660 : vector<16xf32>
        %add3A_1688 = arith.addf %add3A_1656, %mul3A_1687 : vector<16xf32>
        %swap3A = arith.index_cast %add3A_84 : i32 to index
        %swap3A_1689 = arith.constant 0 : index
        %swap3A_1690 = tpu.vector_load %arg14[%swap3A, %swap3A_1689] {strides = array<i32>} : memref<128x64xf32, #tpu.memory_space<vmem>>, vector<16xf32>,
        tpu.vector_store %arg14[%swap3A, %swap3A_1689], %add3A_1667 {strides = array<i32>} : memref<128x64xf32, #tpu.memory_space<vmem>>, vector<16xf32>,
        %swap3A_1691 = arith.index_cast %add3A_84 : i32 to index
        %swap3A_1692 = arith.constant 16 : index
        %swap3A_1693 = tpu.vector_load %arg14[%swap3A_1691, %swap3A_1692] {strides = array<i32>} : memref<128x64xf32, #tpu.memory_space<vmem>>, vector<16xf32>,
        tpu.vector_store %arg14[%swap3A_1691, %swap3A_1692], %add3A_1674 {strides = array<i32>} : memref<128x64xf32, #tpu.memory_space<vmem>>, vector<16xf32>,
        %swap3A_1694 = arith.index_cast %add3A_84 : i32 to index
        %swap3A_1695 = arith.constant 32 : index
        %swap3A_1696 = tpu.vector_load %arg14[%swap3A_1694, %swap3A_1695] {strides = array<i32>} : memref<128x64xf32, #tpu.memory_space<vmem>>, vector<16xf32>,
        tpu.vector_store %arg14[%swap3A_1694, %swap3A_1695], %add3A_1681 {strides = array<i32>} : memref<128x64xf32, #tpu.memory_space<vmem>>, vector<16xf32>,
        %swap3A_1697 = arith.index_cast %add3A_84 : i32 to index
        %swap3A_1698 = arith.constant 48 : index
        %swap3A_1699 = tpu.vector_load %arg14[%swap3A_1697, %swap3A_1698] {strides = array<i32>} : memref<128x64xf32, #tpu.memory_space<vmem>>, vector<16xf32>,
        tpu.vector_store %arg14[%swap3A_1697, %swap3A_1698], %add3A_1688 {strides = array<i32>} : memref<128x64xf32, #tpu.memory_space<vmem>>, vector<16xf32>,
      }
      %scan3A_55 = arith.constant 8 : i32
      %add3A_56 = arith.constant 2 : i32
      %add3A_57 = arith.addi %add3A_48, %add3A_56 : i32
      %lt3A = arith.constant 16 : i32
      %lt3A_58 = arith.cmpi slt, %add3A_57, %lt3A : i32
      %convert_element_type3A = arith.extui %lt3A_58 : i1 to i32
      %cond3A = arith.constant 0 : i32
      %cond3A_59 = arith.cmpi ne, %convert_element_type3A, %cond3A : i32
      scf.if %cond3A_59 {
        %dma_wait3A_77 = tpu.memref_slice %arg3[%mul3A_2] : memref<204800xi32, #tpu.memory_space<hbm>> -> memref<400xi32, #tpu.memory_space<hbm>>
        %dma_wait3A_78 = tpu.memref_slice %arg3[%mul3A_2] : memref<204800xi32, #tpu.memory_space<hbm>> -> memref<400xi32, #tpu.memory_space<hbm>>
        tpu.wait_dma2 semaphore(%arg16 : memref<!tpu.dma_semaphore, #tpu.memory_space<semaphore_mem>>) src(%dma_wait3A_78 : memref<400xi32, #tpu.memory_space<hbm>>) dst(%arg7 : memref<400xi32, #tpu.memory_space<vmem>>)
        %scan3A_79 = arith.constant 0 : i32
        %scan3A_80 = arith.constant 25 : i32
        %scan3A_81 = arith.addi %scan3A_79, %scan3A_80 : i32
        %scan3A_82 = arith.constant 1 : i32
        scf.for %scan3A_94 = %scan3A_79 to %scan3A_81 step %scan3A_82  : i32 {
          %mul3A_95 = arith.constant 16 : i32
          %mul3A_96 = arith.muli %scan3A_94, %mul3A_95 : i32
          %add3A_97 = arith.constant 0 : i32
          %add3A_98 = arith.addi %add3A_97, %mul3A_96 : i32
          %get3A_99 = arith.index_cast %add3A_98 : i32 to index
          %get3A_100 = tpu.vector_load %arg7[%get3A_99] {strides = array<i32>} : memref<400xi32, #tpu.memory_space<vmem>>, vector<16xi32>,
          %shift_right_logical3A = arith.constant 14 : i32
          %shift_right_logical3A_101 = vector.broadcast %shift_right_logical3A : i32 to vector<16xi32>
          %shift_right_logical3A_102 = arith.shrui %get3A_100, %shift_right_logical3A_101 : vector<16xi32>
          %shift_left3A = arith.constant 14 : i32
          %shift_left3A_103 = vector.broadcast %shift_left3A : i32 to vector<16xi32>
          %shift_left3A_104 = arith.shli %shift_right_logical3A_102, %shift_left3A_103 : vector<16xi32>
          %and3A = arith.andi %get3A_100, %broadcast_in_dim3A_3 : vector<16xi32>
          %shift_left3A_105 = arith.constant 1 : i32
          %shift_left3A_106 = vector.broadcast %shift_left3A_105 : i32 to vector<16xi32>
          %shift_left3A_107 = arith.shli %and3A, %shift_left3A_106 : vector<16xi32>
          %shift_right_logical3A_108 = arith.constant 13 : i32
          %shift_right_logical3A_109 = vector.broadcast %shift_right_logical3A_108 : i32 to vector<16xi32>
          %shift_right_logical3A_110 = arith.shrui %get3A_100, %shift_right_logical3A_109 : vector<16xi32>
          %and3A_111 = arith.andi %shift_right_logical3A_110, %broadcast_in_dim3A_5 : vector<16xi32>
          %add3A_112 = arith.addi %shift_left3A_104, %shift_left3A_107 : vector<16xi32>
          %add3A_113 = arith.addi %add3A_112, %and3A_111 : vector<16xi32>
          %swap3A = arith.index_cast %add3A_98 : i32 to index
          %swap3A_114 = tpu.vector_load %arg9[%swap3A] {strides = array<i32>} : memref<400xi32, #tpu.memory_space<vmem>>, vector<16xi32>,
          tpu.vector_store %arg9[%swap3A], %add3A_113 {strides = array<i32>} : memref<400xi32, #tpu.memory_space<vmem>>, vector<16xi32>,
        }
        %scan3A_83 = arith.constant 25 : i32
        %dma_start3A_84 = arith.constant 0 : i32
        %dma_start3A_85 = arith.constant 0 : i32
        %dma_start3A_86 = tpu.memref_slice %arg2[%dma_start3A_84, %dma_start3A_85] : memref<1015808x64xf32, #tpu.memory_space<hbm>> -> memref<1015808x64xf32, #tpu.memory_space<hbm>>
        tpu.enqueue_indirect_dma source(%dma_start3A_86 : memref<1015808x64xf32, #tpu.memory_space<hbm>>) target(%arg12 : memref<400x64xf32, #tpu.memory_space<vmem>>) offsets(%arg9 : memref<400xi32, #tpu.memory_space<vmem>>) semaphore(%arg18 : memref<!tpu.dma_semaphore, #tpu.memory_space<semaphore_mem>>)
        %add3A_87 = arith.constant 4 : i32
        %add3A_88 = arith.addi %add3A_48, %add3A_87 : i32
        %lt3A_89 = arith.constant 16 : i32
        %lt3A_90 = arith.cmpi slt, %add3A_88, %lt3A_89 : i32
        %convert_element_type3A_91 = arith.extui %lt3A_90 : i1 to i32
        %cond3A_92 = arith.constant 0 : i32
        %cond3A_93 = arith.cmpi ne, %convert_element_type3A_91, %cond3A_92 : i32
        scf.if %cond3A_93 {
          %add3A_94 = arith.constant 4 : i32
          %add3A_95 = arith.addi %add3A_48, %add3A_94 : i32
          %mul3A_96 = arith.constant 400 : i32
          %mul3A_97 = arith.muli %add3A_95, %mul3A_96 : i32
          %add3A_98 = arith.addi %mul3A_2, %mul3A_97 : i32
          %dma_start3A_99 = tpu.memref_slice %arg3[%add3A_98] : memref<204800xi32, #tpu.memory_space<hbm>> -> memref<400xi32, #tpu.memory_space<hbm>>
          %dma_start3A_100 = tpu.memref_slice %arg3[%add3A_98] : memref<204800xi32, #tpu.memory_space<hbm>> -> memref<400xi32, #tpu.memory_space<hbm>>
          tpu.enqueue_dma source(%dma_start3A_100 : memref<400xi32, #tpu.memory_space<hbm>>) target(%arg7 : memref<400xi32, #tpu.memory_space<vmem>>) target_semaphore(%arg16 : memref<!tpu.dma_semaphore, #tpu.memory_space<semaphore_mem>>)
        } else {
        }
      } else {
      }
      %dma_wait3A_60 = arith.constant 0 : i32
      %dma_wait3A_61 = arith.constant 0 : i32
      %dma_wait3A_62 = tpu.memref_slice %arg2[%dma_wait3A_60, %dma_wait3A_61] : memref<1015808x64xf32, #tpu.memory_space<hbm>> -> memref<1015808x64xf32, #tpu.memory_space<hbm>>
      tpu.wait_indirect_dma semaphore(%arg19 : memref<!tpu.dma_semaphore, #tpu.memory_space<semaphore_mem>>) src(%dma_wait3A_62 : memref<1015808x64xf32, #tpu.memory_space<hbm>>) dst(%arg13 : memref<400x64xf32, #tpu.memory_space<vmem>>)
      %add3A_63 = arith.constant 1 : i32
      %add3A_64 = arith.addi %add3A_48, %add3A_63 : i32
      %scan3A_65 = arith.constant 0 : i32
      %scan3A_66 = arith.constant 8 : i32
      %scan3A_67 = arith.addi %scan3A_65, %scan3A_66 : i32
      %scan3A_68 = arith.constant 1 : i32
      scf.for %scan3A_77 = %scan3A_65 to %scan3A_67 step %scan3A_68  : i32 {
        %mul3A_78 = arith.constant 1 : i32
        %mul3A_79 = arith.muli %scan3A_77, %mul3A_78 : i32
        %add3A_80 = arith.constant 0 : i32
        %add3A_81 = arith.addi %add3A_80, %mul3A_79 : i32
        %mul3A_82 = arith.constant 8 : i32
        %mul3A_83 = arith.muli %add3A_64, %mul3A_82 : i32
        %add3A_84 = arith.addi %mul3A_83, %add3A_81 : i32
        %mul3A_85 = arith.constant 50 : i32
        %mul3A_86 = arith.muli %add3A_84, %mul3A_85 : i32
        %broadcast_in_dim3A_87 = vector.broadcast %mul3A_86 : i32 to vector<16xi32>
        %mul3A_88 = arith.constant 50 : i32
        %mul3A_89 = arith.muli %add3A_81, %mul3A_88 : i32
        %add3A_90 = arith.constant 0 : i32
        %add3A_91 = vector.broadcast %add3A_90 : i32 to vector<16xi32>
        %add3A_92 = arith.addi %broadcast_in_dim3A_87, %add3A_91 : vector<16xi32>
        %gather3A = tpu.vector_load_idx %arg11[%add3A_92] : memref<6400xf32, #tpu.memory_space<vmem>>[vector<16xi32>], vector<16xf32>,
        %add3A_93 = arith.constant 0 : i32
        %add3A_94 = arith.addi %mul3A_89, %add3A_93 : i32
        %get3A_95 = arith.index_cast %add3A_94 : i32 to index
        %get3A_96 = arith.constant 0 : index
        %get3A_97 = tpu.vector_load %arg13[%get3A_95, %get3A_96] {strides = array<i32>} : memref<400x64xf32, #tpu.memory_space<vmem>>, vector<16xf32>,
        %mul3A_98 = arith.mulf %get3A_97, %gather3A : vector<16xf32>
        %add3A_99 = arith.addf %get3A_30, %mul3A_98 : vector<16xf32>
        %add3A_100 = arith.constant 0 : i32
        %add3A_101 = arith.addi %mul3A_89, %add3A_100 : i32
        %get3A_102 = arith.index_cast %add3A_101 : i32 to index
        %get3A_103 = arith.constant 16 : index
        %get3A_104 = tpu.vector_load %arg13[%get3A_102, %get3A_103] {strides = array<i32>} : memref<400x64xf32, #tpu.memory_space<vmem>>, vector<16xf32>,
        %mul3A_105 = arith.mulf %get3A_104, %gather3A : vector<16xf32>
        %add3A_106 = arith.addf %get3A_32, %mul3A_105 : vector<16xf32>
        %add3A_107 = arith.constant 0 : i32
        %add3A_108 = arith.addi %mul3A_89, %add3A_107 : i32
        %get3A_109 = arith.index_cast %add3A_108 : i32 to index
        %get3A_110 = arith.constant 32 : index
        %get3A_111 = tpu.vector_load %arg13[%get3A_109, %get3A_110] {strides = array<i32>} : memref<400x64xf32, #tpu.memory_space<vmem>>, vector<16xf32>,
        %mul3A_112 = arith.mulf %get3A_111, %gather3A : vector<16xf32>
        %add3A_113 = arith.addf %get3A_34, %mul3A_112 : vector<16xf32>
        %add3A_114 = arith.constant 0 : i32
        %add3A_115 = arith.addi %mul3A_89, %add3A_114 : i32
        %get3A_116 = arith.index_cast %add3A_115 : i32 to index
        %get3A_117 = arith.constant 48 : index
        %get3A_118 = tpu.vector_load %arg13[%get3A_116, %get3A_117] {strides = array<i32>} : memref<400x64xf32, #tpu.memory_space<vmem>>, vector<16xf32>,
        %mul3A_119 = arith.mulf %get3A_118, %gather3A : vector<16xf32>
        %add3A_120 = arith.addf %get3A_36, %mul3A_119 : vector<16xf32>
        %add3A_121 = arith.constant 1 : i32
        %add3A_122 = vector.broadcast %add3A_121 : i32 to vector<16xi32>
        %add3A_123 = arith.addi %broadcast_in_dim3A_87, %add3A_122 : vector<16xi32>
        %gather3A_124 = tpu.vector_load_idx %arg11[%add3A_123] : memref<6400xf32, #tpu.memory_space<vmem>>[vector<16xi32>], vector<16xf32>,
        %add3A_125 = arith.constant 1 : i32
        %add3A_126 = arith.addi %mul3A_89, %add3A_125 : i32
        %get3A_127 = arith.index_cast %add3A_126 : i32 to index
        %get3A_128 = arith.constant 0 : index
        %get3A_129 = tpu.vector_load %arg13[%get3A_127, %get3A_128] {strides = array<i32>} : memref<400x64xf32, #tpu.memory_space<vmem>>, vector<16xf32>,
        %mul3A_130 = arith.mulf %get3A_129, %gather3A_124 : vector<16xf32>
        %add3A_131 = arith.addf %add3A_99, %mul3A_130 : vector<16xf32>
        %add3A_132 = arith.constant 1 : i32
        %add3A_133 = arith.addi %mul3A_89, %add3A_132 : i32
        %get3A_134 = arith.index_cast %add3A_133 : i32 to index
        %get3A_135 = arith.constant 16 : index
        %get3A_136 = tpu.vector_load %arg13[%get3A_134, %get3A_135] {strides = array<i32>} : memref<400x64xf32, #tpu.memory_space<vmem>>, vector<16xf32>,
        %mul3A_137 = arith.mulf %get3A_136, %gather3A_124 : vector<16xf32>
        %add3A_138 = arith.addf %add3A_106, %mul3A_137 : vector<16xf32>
        %add3A_139 = arith.constant 1 : i32
        %add3A_140 = arith.addi %mul3A_89, %add3A_139 : i32
        %get3A_141 = arith.index_cast %add3A_140 : i32 to index
        %get3A_142 = arith.constant 32 : index
        %get3A_143 = tpu.vector_load %arg13[%get3A_141, %get3A_142] {strides = array<i32>} : memref<400x64xf32, #tpu.memory_space<vmem>>, vector<16xf32>,
        %mul3A_144 = arith.mulf %get3A_143, %gather3A_124 : vector<16xf32>
        %add3A_145 = arith.addf %add3A_113, %mul3A_144 : vector<16xf32>
        %add3A_146 = arith.constant 1 : i32
        %add3A_147 = arith.addi %mul3A_89, %add3A_146 : i32
        %get3A_148 = arith.index_cast %add3A_147 : i32 to index
        %get3A_149 = arith.constant 48 : index
        %get3A_150 = tpu.vector_load %arg13[%get3A_148, %get3A_149] {strides = array<i32>} : memref<400x64xf32, #tpu.memory_space<vmem>>, vector<16xf32>,
        %mul3A_151 = arith.mulf %get3A_150, %gather3A_124 : vector<16xf32>
        %add3A_152 = arith.addf %add3A_120, %mul3A_151 : vector<16xf32>
        %add3A_153 = arith.constant 2 : i32
        %add3A_154 = vector.broadcast %add3A_153 : i32 to vector<16xi32>
        %add3A_155 = arith.addi %broadcast_in_dim3A_87, %add3A_154 : vector<16xi32>
        %gather3A_156 = tpu.vector_load_idx %arg11[%add3A_155] : memref<6400xf32, #tpu.memory_space<vmem>>[vector<16xi32>], vector<16xf32>,
        %add3A_157 = arith.constant 2 : i32
        %add3A_158 = arith.addi %mul3A_89, %add3A_157 : i32
        %get3A_159 = arith.index_cast %add3A_158 : i32 to index
        %get3A_160 = arith.constant 0 : index
        %get3A_161 = tpu.vector_load %arg13[%get3A_159, %get3A_160] {strides = array<i32>} : memref<400x64xf32, #tpu.memory_space<vmem>>, vector<16xf32>,
        %mul3A_162 = arith.mulf %get3A_161, %gather3A_156 : vector<16xf32>
        %add3A_163 = arith.addf %add3A_131, %mul3A_162 : vector<16xf32>
        %add3A_164 = arith.constant 2 : i32
        %add3A_165 = arith.addi %mul3A_89, %add3A_164 : i32
        %get3A_166 = arith.index_cast %add3A_165 : i32 to index
        %get3A_167 = arith.constant 16 : index
        %get3A_168 = tpu.vector_load %arg13[%get3A_166, %get3A_167] {strides = array<i32>} : memref<400x64xf32, #tpu.memory_space<vmem>>, vector<16xf32>,
        %mul3A_169 = arith.mulf %get3A_168, %gather3A_156 : vector<16xf32>
        %add3A_170 = arith.addf %add3A_138, %mul3A_169 : vector<16xf32>
        %add3A_171 = arith.constant 2 : i32
        %add3A_172 = arith.addi %mul3A_89, %add3A_171 : i32
        %get3A_173 = arith.index_cast %add3A_172 : i32 to index
        %get3A_174 = arith.constant 32 : index
        %get3A_175 = tpu.vector_load %arg13[%get3A_173, %get3A_174] {strides = array<i32>} : memref<400x64xf32, #tpu.memory_space<vmem>>, vector<16xf32>,
        %mul3A_176 = arith.mulf %get3A_175, %gather3A_156 : vector<16xf32>
        %add3A_177 = arith.addf %add3A_145, %mul3A_176 : vector<16xf32>
        %add3A_178 = arith.constant 2 : i32
        %add3A_179 = arith.addi %mul3A_89, %add3A_178 : i32
        %get3A_180 = arith.index_cast %add3A_179 : i32 to index
        %get3A_181 = arith.constant 48 : index
        %get3A_182 = tpu.vector_load %arg13[%get3A_180, %get3A_181] {strides = array<i32>} : memref<400x64xf32, #tpu.memory_space<vmem>>, vector<16xf32>,
        %mul3A_183 = arith.mulf %get3A_182, %gather3A_156 : vector<16xf32>
        %add3A_184 = arith.addf %add3A_152, %mul3A_183 : vector<16xf32>
        %add3A_185 = arith.constant 3 : i32
        %add3A_186 = vector.broadcast %add3A_185 : i32 to vector<16xi32>
        %add3A_187 = arith.addi %broadcast_in_dim3A_87, %add3A_186 : vector<16xi32>
        %gather3A_188 = tpu.vector_load_idx %arg11[%add3A_187] : memref<6400xf32, #tpu.memory_space<vmem>>[vector<16xi32>], vector<16xf32>,
        %add3A_189 = arith.constant 3 : i32
        %add3A_190 = arith.addi %mul3A_89, %add3A_189 : i32
        %get3A_191 = arith.index_cast %add3A_190 : i32 to index
        %get3A_192 = arith.constant 0 : index
        %get3A_193 = tpu.vector_load %arg13[%get3A_191, %get3A_192] {strides = array<i32>} : memref<400x64xf32, #tpu.memory_space<vmem>>, vector<16xf32>,
        %mul3A_194 = arith.mulf %get3A_193, %gather3A_188 : vector<16xf32>
        %add3A_195 = arith.addf %add3A_163, %mul3A_194 : vector<16xf32>
        %add3A_196 = arith.constant 3 : i32
        %add3A_197 = arith.addi %mul3A_89, %add3A_196 : i32
        %get3A_198 = arith.index_cast %add3A_197 : i32 to index
        %get3A_199 = arith.constant 16 : index
        %get3A_200 = tpu.vector_load %arg13[%get3A_198, %get3A_199] {strides = array<i32>} : memref<400x64xf32, #tpu.memory_space<vmem>>, vector<16xf32>,
        %mul3A_201 = arith.mulf %get3A_200, %gather3A_188 : vector<16xf32>
        %add3A_202 = arith.addf %add3A_170, %mul3A_201 : vector<16xf32>
        %add3A_203 = arith.constant 3 : i32
        %add3A_204 = arith.addi %mul3A_89, %add3A_203 : i32
        %get3A_205 = arith.index_cast %add3A_204 : i32 to index
        %get3A_206 = arith.constant 32 : index
        %get3A_207 = tpu.vector_load %arg13[%get3A_205, %get3A_206] {strides = array<i32>} : memref<400x64xf32, #tpu.memory_space<vmem>>, vector<16xf32>,
        %mul3A_208 = arith.mulf %get3A_207, %gather3A_188 : vector<16xf32>
        %add3A_209 = arith.addf %add3A_177, %mul3A_208 : vector<16xf32>
        %add3A_210 = arith.constant 3 : i32
        %add3A_211 = arith.addi %mul3A_89, %add3A_210 : i32
        %get3A_212 = arith.index_cast %add3A_211 : i32 to index
        %get3A_213 = arith.constant 48 : index
        %get3A_214 = tpu.vector_load %arg13[%get3A_212, %get3A_213] {strides = array<i32>} : memref<400x64xf32, #tpu.memory_space<vmem>>, vector<16xf32>,
        %mul3A_215 = arith.mulf %get3A_214, %gather3A_188 : vector<16xf32>
        %add3A_216 = arith.addf %add3A_184, %mul3A_215 : vector<16xf32>
        %add3A_217 = arith.constant 4 : i32
        %add3A_218 = vector.broadcast %add3A_217 : i32 to vector<16xi32>
        %add3A_219 = arith.addi %broadcast_in_dim3A_87, %add3A_218 : vector<16xi32>
        %gather3A_220 = tpu.vector_load_idx %arg11[%add3A_219] : memref<6400xf32, #tpu.memory_space<vmem>>[vector<16xi32>], vector<16xf32>,
        %add3A_221 = arith.constant 4 : i32
        %add3A_222 = arith.addi %mul3A_89, %add3A_221 : i32
        %get3A_223 = arith.index_cast %add3A_222 : i32 to index
        %get3A_224 = arith.constant 0 : index
        %get3A_225 = tpu.vector_load %arg13[%get3A_223, %get3A_224] {strides = array<i32>} : memref<400x64xf32, #tpu.memory_space<vmem>>, vector<16xf32>,
        %mul3A_226 = arith.mulf %get3A_225, %gather3A_220 : vector<16xf32>
        %add3A_227 = arith.addf %add3A_195, %mul3A_226 : vector<16xf32>
        %add3A_228 = arith.constant 4 : i32
        %add3A_229 = arith.addi %mul3A_89, %add3A_228 : i32
        %get3A_230 = arith.index_cast %add3A_229 : i32 to index
        %get3A_231 = arith.constant 16 : index
        %get3A_232 = tpu.vector_load %arg13[%get3A_230, %get3A_231] {strides = array<i32>} : memref<400x64xf32, #tpu.memory_space<vmem>>, vector<16xf32>,
        %mul3A_233 = arith.mulf %get3A_232, %gather3A_220 : vector<16xf32>
        %add3A_234 = arith.addf %add3A_202, %mul3A_233 : vector<16xf32>
        %add3A_235 = arith.constant 4 : i32
        %add3A_236 = arith.addi %mul3A_89, %add3A_235 : i32
        %get3A_237 = arith.index_cast %add3A_236 : i32 to index
        %get3A_238 = arith.constant 32 : index
        %get3A_239 = tpu.vector_load %arg13[%get3A_237, %get3A_238] {strides = array<i32>} : memref<400x64xf32, #tpu.memory_space<vmem>>, vector<16xf32>,
        %mul3A_240 = arith.mulf %get3A_239, %gather3A_220 : vector<16xf32>
        %add3A_241 = arith.addf %add3A_209, %mul3A_240 : vector<16xf32>
        %add3A_242 = arith.constant 4 : i32
        %add3A_243 = arith.addi %mul3A_89, %add3A_242 : i32
        %get3A_244 = arith.index_cast %add3A_243 : i32 to index
        %get3A_245 = arith.constant 48 : index
        %get3A_246 = tpu.vector_load %arg13[%get3A_244, %get3A_245] {strides = array<i32>} : memref<400x64xf32, #tpu.memory_space<vmem>>, vector<16xf32>,
        %mul3A_247 = arith.mulf %get3A_246, %gather3A_220 : vector<16xf32>
        %add3A_248 = arith.addf %add3A_216, %mul3A_247 : vector<16xf32>
        %add3A_249 = arith.constant 5 : i32
        %add3A_250 = vector.broadcast %add3A_249 : i32 to vector<16xi32>
        %add3A_251 = arith.addi %broadcast_in_dim3A_87, %add3A_250 : vector<16xi32>
        %gather3A_252 = tpu.vector_load_idx %arg11[%add3A_251] : memref<6400xf32, #tpu.memory_space<vmem>>[vector<16xi32>], vector<16xf32>,
        %add3A_253 = arith.constant 5 : i32
        %add3A_254 = arith.addi %mul3A_89, %add3A_253 : i32
        %get3A_255 = arith.index_cast %add3A_254 : i32 to index
        %get3A_256 = arith.constant 0 : index
        %get3A_257 = tpu.vector_load %arg13[%get3A_255, %get3A_256] {strides = array<i32>} : memref<400x64xf32, #tpu.memory_space<vmem>>, vector<16xf32>,
        %mul3A_258 = arith.mulf %get3A_257, %gather3A_252 : vector<16xf32>
        %add3A_259 = arith.addf %add3A_227, %mul3A_258 : vector<16xf32>
        %add3A_260 = arith.constant 5 : i32
        %add3A_261 = arith.addi %mul3A_89, %add3A_260 : i32
        %get3A_262 = arith.index_cast %add3A_261 : i32 to index
        %get3A_263 = arith.constant 16 : index
        %get3A_264 = tpu.vector_load %arg13[%get3A_262, %get3A_263] {strides = array<i32>} : memref<400x64xf32, #tpu.memory_space<vmem>>, vector<16xf32>,
        %mul3A_265 = arith.mulf %get3A_264, %gather3A_252 : vector<16xf32>
        %add3A_266 = arith.addf %add3A_234, %mul3A_265 : vector<16xf32>
        %add3A_267 = arith.constant 5 : i32
        %add3A_268 = arith.addi %mul3A_89, %add3A_267 : i32
        %get3A_269 = arith.index_cast %add3A_268 : i32 to index
        %get3A_270 = arith.constant 32 : index
        %get3A_271 = tpu.vector_load %arg13[%get3A_269, %get3A_270] {strides = array<i32>} : memref<400x64xf32, #tpu.memory_space<vmem>>, vector<16xf32>,
        %mul3A_272 = arith.mulf %get3A_271, %gather3A_252 : vector<16xf32>
        %add3A_273 = arith.addf %add3A_241, %mul3A_272 : vector<16xf32>
        %add3A_274 = arith.constant 5 : i32
        %add3A_275 = arith.addi %mul3A_89, %add3A_274 : i32
        %get3A_276 = arith.index_cast %add3A_275 : i32 to index
        %get3A_277 = arith.constant 48 : index
        %get3A_278 = tpu.vector_load %arg13[%get3A_276, %get3A_277] {strides = array<i32>} : memref<400x64xf32, #tpu.memory_space<vmem>>, vector<16xf32>,
        %mul3A_279 = arith.mulf %get3A_278, %gather3A_252 : vector<16xf32>
        %add3A_280 = arith.addf %add3A_248, %mul3A_279 : vector<16xf32>
        %add3A_281 = arith.constant 6 : i32
        %add3A_282 = vector.broadcast %add3A_281 : i32 to vector<16xi32>
        %add3A_283 = arith.addi %broadcast_in_dim3A_87, %add3A_282 : vector<16xi32>
        %gather3A_284 = tpu.vector_load_idx %arg11[%add3A_283] : memref<6400xf32, #tpu.memory_space<vmem>>[vector<16xi32>], vector<16xf32>,
        %add3A_285 = arith.constant 6 : i32
        %add3A_286 = arith.addi %mul3A_89, %add3A_285 : i32
        %get3A_287 = arith.index_cast %add3A_286 : i32 to index
        %get3A_288 = arith.constant 0 : index
        %get3A_289 = tpu.vector_load %arg13[%get3A_287, %get3A_288] {strides = array<i32>} : memref<400x64xf32, #tpu.memory_space<vmem>>, vector<16xf32>,
        %mul3A_290 = arith.mulf %get3A_289, %gather3A_284 : vector<16xf32>
        %add3A_291 = arith.addf %add3A_259, %mul3A_290 : vector<16xf32>
        %add3A_292 = arith.constant 6 : i32
        %add3A_293 = arith.addi %mul3A_89, %add3A_292 : i32
        %get3A_294 = arith.index_cast %add3A_293 : i32 to index
        %get3A_295 = arith.constant 16 : index
        %get3A_296 = tpu.vector_load %arg13[%get3A_294, %get3A_295] {strides = array<i32>} : memref<400x64xf32, #tpu.memory_space<vmem>>, vector<16xf32>,
        %mul3A_297 = arith.mulf %get3A_296, %gather3A_284 : vector<16xf32>
        %add3A_298 = arith.addf %add3A_266, %mul3A_297 : vector<16xf32>
        %add3A_299 = arith.constant 6 : i32
        %add3A_300 = arith.addi %mul3A_89, %add3A_299 : i32
        %get3A_301 = arith.index_cast %add3A_300 : i32 to index
        %get3A_302 = arith.constant 32 : index
        %get3A_303 = tpu.vector_load %arg13[%get3A_301, %get3A_302] {strides = array<i32>} : memref<400x64xf32, #tpu.memory_space<vmem>>, vector<16xf32>,
        %mul3A_304 = arith.mulf %get3A_303, %gather3A_284 : vector<16xf32>
        %add3A_305 = arith.addf %add3A_273, %mul3A_304 : vector<16xf32>
        %add3A_306 = arith.constant 6 : i32
        %add3A_307 = arith.addi %mul3A_89, %add3A_306 : i32
        %get3A_308 = arith.index_cast %add3A_307 : i32 to index
        %get3A_309 = arith.constant 48 : index
        %get3A_310 = tpu.vector_load %arg13[%get3A_308, %get3A_309] {strides = array<i32>} : memref<400x64xf32, #tpu.memory_space<vmem>>, vector<16xf32>,
        %mul3A_311 = arith.mulf %get3A_310, %gather3A_284 : vector<16xf32>
        %add3A_312 = arith.addf %add3A_280, %mul3A_311 : vector<16xf32>
        %add3A_313 = arith.constant 7 : i32
        %add3A_314 = vector.broadcast %add3A_313 : i32 to vector<16xi32>
        %add3A_315 = arith.addi %broadcast_in_dim3A_87, %add3A_314 : vector<16xi32>
        %gather3A_316 = tpu.vector_load_idx %arg11[%add3A_315] : memref<6400xf32, #tpu.memory_space<vmem>>[vector<16xi32>], vector<16xf32>,
        %add3A_317 = arith.constant 7 : i32
        %add3A_318 = arith.addi %mul3A_89, %add3A_317 : i32
        %get3A_319 = arith.index_cast %add3A_318 : i32 to index
        %get3A_320 = arith.constant 0 : index
        %get3A_321 = tpu.vector_load %arg13[%get3A_319, %get3A_320] {strides = array<i32>} : memref<400x64xf32, #tpu.memory_space<vmem>>, vector<16xf32>,
        %mul3A_322 = arith.mulf %get3A_321, %gather3A_316 : vector<16xf32>
        %add3A_323 = arith.addf %add3A_291, %mul3A_322 : vector<16xf32>
        %add3A_324 = arith.constant 7 : i32
        %add3A_325 = arith.addi %mul3A_89, %add3A_324 : i32
        %get3A_326 = arith.index_cast %add3A_325 : i32 to index
        %get3A_327 = arith.constant 16 : index
        %get3A_328 = tpu.vector_load %arg13[%get3A_326, %get3A_327] {strides = array<i32>} : memref<400x64xf32, #tpu.memory_space<vmem>>, vector<16xf32>,
        %mul3A_329 = arith.mulf %get3A_328, %gather3A_316 : vector<16xf32>
        %add3A_330 = arith.addf %add3A_298, %mul3A_329 : vector<16xf32>
        %add3A_331 = arith.constant 7 : i32
        %add3A_332 = arith.addi %mul3A_89, %add3A_331 : i32
        %get3A_333 = arith.index_cast %add3A_332 : i32 to index
        %get3A_334 = arith.constant 32 : index
        %get3A_335 = tpu.vector_load %arg13[%get3A_333, %get3A_334] {strides = array<i32>} : memref<400x64xf32, #tpu.memory_space<vmem>>, vector<16xf32>,
        %mul3A_336 = arith.mulf %get3A_335, %gather3A_316 : vector<16xf32>
        %add3A_337 = arith.addf %add3A_305, %mul3A_336 : vector<16xf32>
        %add3A_338 = arith.constant 7 : i32
        %add3A_339 = arith.addi %mul3A_89, %add3A_338 : i32
        %get3A_340 = arith.index_cast %add3A_339 : i32 to index
        %get3A_341 = arith.constant 48 : index
        %get3A_342 = tpu.vector_load %arg13[%get3A_340, %get3A_341] {strides = array<i32>} : memref<400x64xf32, #tpu.memory_space<vmem>>, vector<16xf32>,
        %mul3A_343 = arith.mulf %get3A_342, %gather3A_316 : vector<16xf32>
        %add3A_344 = arith.addf %add3A_312, %mul3A_343 : vector<16xf32>
        %add3A_345 = arith.constant 8 : i32
        %add3A_346 = vector.broadcast %add3A_345 : i32 to vector<16xi32>
        %add3A_347 = arith.addi %broadcast_in_dim3A_87, %add3A_346 : vector<16xi32>
        %gather3A_348 = tpu.vector_load_idx %arg11[%add3A_347] : memref<6400xf32, #tpu.memory_space<vmem>>[vector<16xi32>], vector<16xf32>,
        %add3A_349 = arith.constant 8 : i32
        %add3A_350 = arith.addi %mul3A_89, %add3A_349 : i32
        %get3A_351 = arith.index_cast %add3A_350 : i32 to index
        %get3A_352 = arith.constant 0 : index
        %get3A_353 = tpu.vector_load %arg13[%get3A_351, %get3A_352] {strides = array<i32>} : memref<400x64xf32, #tpu.memory_space<vmem>>, vector<16xf32>,
        %mul3A_354 = arith.mulf %get3A_353, %gather3A_348 : vector<16xf32>
        %add3A_355 = arith.addf %add3A_323, %mul3A_354 : vector<16xf32>
        %add3A_356 = arith.constant 8 : i32
        %add3A_357 = arith.addi %mul3A_89, %add3A_356 : i32
        %get3A_358 = arith.index_cast %add3A_357 : i32 to index
        %get3A_359 = arith.constant 16 : index
        %get3A_360 = tpu.vector_load %arg13[%get3A_358, %get3A_359] {strides = array<i32>} : memref<400x64xf32, #tpu.memory_space<vmem>>, vector<16xf32>,
        %mul3A_361 = arith.mulf %get3A_360, %gather3A_348 : vector<16xf32>
        %add3A_362 = arith.addf %add3A_330, %mul3A_361 : vector<16xf32>
        %add3A_363 = arith.constant 8 : i32
        %add3A_364 = arith.addi %mul3A_89, %add3A_363 : i32
        %get3A_365 = arith.index_cast %add3A_364 : i32 to index
        %get3A_366 = arith.constant 32 : index
        %get3A_367 = tpu.vector_load %arg13[%get3A_365, %get3A_366] {strides = array<i32>} : memref<400x64xf32, #tpu.memory_space<vmem>>, vector<16xf32>,
        %mul3A_368 = arith.mulf %get3A_367, %gather3A_348 : vector<16xf32>
        %add3A_369 = arith.addf %add3A_337, %mul3A_368 : vector<16xf32>
        %add3A_370 = arith.constant 8 : i32
        %add3A_371 = arith.addi %mul3A_89, %add3A_370 : i32
        %get3A_372 = arith.index_cast %add3A_371 : i32 to index
        %get3A_373 = arith.constant 48 : index
        %get3A_374 = tpu.vector_load %arg13[%get3A_372, %get3A_373] {strides = array<i32>} : memref<400x64xf32, #tpu.memory_space<vmem>>, vector<16xf32>,
        %mul3A_375 = arith.mulf %get3A_374, %gather3A_348 : vector<16xf32>
        %add3A_376 = arith.addf %add3A_344, %mul3A_375 : vector<16xf32>
        %add3A_377 = arith.constant 9 : i32
        %add3A_378 = vector.broadcast %add3A_377 : i32 to vector<16xi32>
        %add3A_379 = arith.addi %broadcast_in_dim3A_87, %add3A_378 : vector<16xi32>
        %gather3A_380 = tpu.vector_load_idx %arg11[%add3A_379] : memref<6400xf32, #tpu.memory_space<vmem>>[vector<16xi32>], vector<16xf32>,
        %add3A_381 = arith.constant 9 : i32
        %add3A_382 = arith.addi %mul3A_89, %add3A_381 : i32
        %get3A_383 = arith.index_cast %add3A_382 : i32 to index
        %get3A_384 = arith.constant 0 : index
        %get3A_385 = tpu.vector_load %arg13[%get3A_383, %get3A_384] {strides = array<i32>} : memref<400x64xf32, #tpu.memory_space<vmem>>, vector<16xf32>,
        %mul3A_386 = arith.mulf %get3A_385, %gather3A_380 : vector<16xf32>
        %add3A_387 = arith.addf %add3A_355, %mul3A_386 : vector<16xf32>
        %add3A_388 = arith.constant 9 : i32
        %add3A_389 = arith.addi %mul3A_89, %add3A_388 : i32
        %get3A_390 = arith.index_cast %add3A_389 : i32 to index
        %get3A_391 = arith.constant 16 : index
        %get3A_392 = tpu.vector_load %arg13[%get3A_390, %get3A_391] {strides = array<i32>} : memref<400x64xf32, #tpu.memory_space<vmem>>, vector<16xf32>,
        %mul3A_393 = arith.mulf %get3A_392, %gather3A_380 : vector<16xf32>
        %add3A_394 = arith.addf %add3A_362, %mul3A_393 : vector<16xf32>
        %add3A_395 = arith.constant 9 : i32
        %add3A_396 = arith.addi %mul3A_89, %add3A_395 : i32
        %get3A_397 = arith.index_cast %add3A_396 : i32 to index
        %get3A_398 = arith.constant 32 : index
        %get3A_399 = tpu.vector_load %arg13[%get3A_397, %get3A_398] {strides = array<i32>} : memref<400x64xf32, #tpu.memory_space<vmem>>, vector<16xf32>,
        %mul3A_400 = arith.mulf %get3A_399, %gather3A_380 : vector<16xf32>
        %add3A_401 = arith.addf %add3A_369, %mul3A_400 : vector<16xf32>
        %add3A_402 = arith.constant 9 : i32
        %add3A_403 = arith.addi %mul3A_89, %add3A_402 : i32
        %get3A_404 = arith.index_cast %add3A_403 : i32 to index
        %get3A_405 = arith.constant 48 : index
        %get3A_406 = tpu.vector_load %arg13[%get3A_404, %get3A_405] {strides = array<i32>} : memref<400x64xf32, #tpu.memory_space<vmem>>, vector<16xf32>,
        %mul3A_407 = arith.mulf %get3A_406, %gather3A_380 : vector<16xf32>
        %add3A_408 = arith.addf %add3A_376, %mul3A_407 : vector<16xf32>
        %add3A_409 = arith.constant 10 : i32
        %add3A_410 = vector.broadcast %add3A_409 : i32 to vector<16xi32>
        %add3A_411 = arith.addi %broadcast_in_dim3A_87, %add3A_410 : vector<16xi32>
        %gather3A_412 = tpu.vector_load_idx %arg11[%add3A_411] : memref<6400xf32, #tpu.memory_space<vmem>>[vector<16xi32>], vector<16xf32>,
        %add3A_413 = arith.constant 10 : i32
        %add3A_414 = arith.addi %mul3A_89, %add3A_413 : i32
        %get3A_415 = arith.index_cast %add3A_414 : i32 to index
        %get3A_416 = arith.constant 0 : index
        %get3A_417 = tpu.vector_load %arg13[%get3A_415, %get3A_416] {strides = array<i32>} : memref<400x64xf32, #tpu.memory_space<vmem>>, vector<16xf32>,
        %mul3A_418 = arith.mulf %get3A_417, %gather3A_412 : vector<16xf32>
        %add3A_419 = arith.addf %add3A_387, %mul3A_418 : vector<16xf32>
        %add3A_420 = arith.constant 10 : i32
        %add3A_421 = arith.addi %mul3A_89, %add3A_420 : i32
        %get3A_422 = arith.index_cast %add3A_421 : i32 to index
        %get3A_423 = arith.constant 16 : index
        %get3A_424 = tpu.vector_load %arg13[%get3A_422, %get3A_423] {strides = array<i32>} : memref<400x64xf32, #tpu.memory_space<vmem>>, vector<16xf32>,
        %mul3A_425 = arith.mulf %get3A_424, %gather3A_412 : vector<16xf32>
        %add3A_426 = arith.addf %add3A_394, %mul3A_425 : vector<16xf32>
        %add3A_427 = arith.constant 10 : i32
        %add3A_428 = arith.addi %mul3A_89, %add3A_427 : i32
        %get3A_429 = arith.index_cast %add3A_428 : i32 to index
        %get3A_430 = arith.constant 32 : index
        %get3A_431 = tpu.vector_load %arg13[%get3A_429, %get3A_430] {strides = array<i32>} : memref<400x64xf32, #tpu.memory_space<vmem>>, vector<16xf32>,
        %mul3A_432 = arith.mulf %get3A_431, %gather3A_412 : vector<16xf32>
        %add3A_433 = arith.addf %add3A_401, %mul3A_432 : vector<16xf32>
        %add3A_434 = arith.constant 10 : i32
        %add3A_435 = arith.addi %mul3A_89, %add3A_434 : i32
        %get3A_436 = arith.index_cast %add3A_435 : i32 to index
        %get3A_437 = arith.constant 48 : index
        %get3A_438 = tpu.vector_load %arg13[%get3A_436, %get3A_437] {strides = array<i32>} : memref<400x64xf32, #tpu.memory_space<vmem>>, vector<16xf32>,
        %mul3A_439 = arith.mulf %get3A_438, %gather3A_412 : vector<16xf32>
        %add3A_440 = arith.addf %add3A_408, %mul3A_439 : vector<16xf32>
        %add3A_441 = arith.constant 11 : i32
        %add3A_442 = vector.broadcast %add3A_441 : i32 to vector<16xi32>
        %add3A_443 = arith.addi %broadcast_in_dim3A_87, %add3A_442 : vector<16xi32>
        %gather3A_444 = tpu.vector_load_idx %arg11[%add3A_443] : memref<6400xf32, #tpu.memory_space<vmem>>[vector<16xi32>], vector<16xf32>,
        %add3A_445 = arith.constant 11 : i32
        %add3A_446 = arith.addi %mul3A_89, %add3A_445 : i32
        %get3A_447 = arith.index_cast %add3A_446 : i32 to index
        %get3A_448 = arith.constant 0 : index
        %get3A_449 = tpu.vector_load %arg13[%get3A_447, %get3A_448] {strides = array<i32>} : memref<400x64xf32, #tpu.memory_space<vmem>>, vector<16xf32>,
        %mul3A_450 = arith.mulf %get3A_449, %gather3A_444 : vector<16xf32>
        %add3A_451 = arith.addf %add3A_419, %mul3A_450 : vector<16xf32>
        %add3A_452 = arith.constant 11 : i32
        %add3A_453 = arith.addi %mul3A_89, %add3A_452 : i32
        %get3A_454 = arith.index_cast %add3A_453 : i32 to index
        %get3A_455 = arith.constant 16 : index
        %get3A_456 = tpu.vector_load %arg13[%get3A_454, %get3A_455] {strides = array<i32>} : memref<400x64xf32, #tpu.memory_space<vmem>>, vector<16xf32>,
        %mul3A_457 = arith.mulf %get3A_456, %gather3A_444 : vector<16xf32>
        %add3A_458 = arith.addf %add3A_426, %mul3A_457 : vector<16xf32>
        %add3A_459 = arith.constant 11 : i32
        %add3A_460 = arith.addi %mul3A_89, %add3A_459 : i32
        %get3A_461 = arith.index_cast %add3A_460 : i32 to index
        %get3A_462 = arith.constant 32 : index
        %get3A_463 = tpu.vector_load %arg13[%get3A_461, %get3A_462] {strides = array<i32>} : memref<400x64xf32, #tpu.memory_space<vmem>>, vector<16xf32>,
        %mul3A_464 = arith.mulf %get3A_463, %gather3A_444 : vector<16xf32>
        %add3A_465 = arith.addf %add3A_433, %mul3A_464 : vector<16xf32>
        %add3A_466 = arith.constant 11 : i32
        %add3A_467 = arith.addi %mul3A_89, %add3A_466 : i32
        %get3A_468 = arith.index_cast %add3A_467 : i32 to index
        %get3A_469 = arith.constant 48 : index
        %get3A_470 = tpu.vector_load %arg13[%get3A_468, %get3A_469] {strides = array<i32>} : memref<400x64xf32, #tpu.memory_space<vmem>>, vector<16xf32>,
        %mul3A_471 = arith.mulf %get3A_470, %gather3A_444 : vector<16xf32>
        %add3A_472 = arith.addf %add3A_440, %mul3A_471 : vector<16xf32>
        %add3A_473 = arith.constant 12 : i32
        %add3A_474 = vector.broadcast %add3A_473 : i32 to vector<16xi32>
        %add3A_475 = arith.addi %broadcast_in_dim3A_87, %add3A_474 : vector<16xi32>
        %gather3A_476 = tpu.vector_load_idx %arg11[%add3A_475] : memref<6400xf32, #tpu.memory_space<vmem>>[vector<16xi32>], vector<16xf32>,
        %add3A_477 = arith.constant 12 : i32
        %add3A_478 = arith.addi %mul3A_89, %add3A_477 : i32
        %get3A_479 = arith.index_cast %add3A_478 : i32 to index
        %get3A_480 = arith.constant 0 : index
        %get3A_481 = tpu.vector_load %arg13[%get3A_479, %get3A_480] {strides = array<i32>} : memref<400x64xf32, #tpu.memory_space<vmem>>, vector<16xf32>,
        %mul3A_482 = arith.mulf %get3A_481, %gather3A_476 : vector<16xf32>
        %add3A_483 = arith.addf %add3A_451, %mul3A_482 : vector<16xf32>
        %add3A_484 = arith.constant 12 : i32
        %add3A_485 = arith.addi %mul3A_89, %add3A_484 : i32
        %get3A_486 = arith.index_cast %add3A_485 : i32 to index
        %get3A_487 = arith.constant 16 : index
        %get3A_488 = tpu.vector_load %arg13[%get3A_486, %get3A_487] {strides = array<i32>} : memref<400x64xf32, #tpu.memory_space<vmem>>, vector<16xf32>,
        %mul3A_489 = arith.mulf %get3A_488, %gather3A_476 : vector<16xf32>
        %add3A_490 = arith.addf %add3A_458, %mul3A_489 : vector<16xf32>
        %add3A_491 = arith.constant 12 : i32
        %add3A_492 = arith.addi %mul3A_89, %add3A_491 : i32
        %get3A_493 = arith.index_cast %add3A_492 : i32 to index
        %get3A_494 = arith.constant 32 : index
        %get3A_495 = tpu.vector_load %arg13[%get3A_493, %get3A_494] {strides = array<i32>} : memref<400x64xf32, #tpu.memory_space<vmem>>, vector<16xf32>,
        %mul3A_496 = arith.mulf %get3A_495, %gather3A_476 : vector<16xf32>
        %add3A_497 = arith.addf %add3A_465, %mul3A_496 : vector<16xf32>
        %add3A_498 = arith.constant 12 : i32
        %add3A_499 = arith.addi %mul3A_89, %add3A_498 : i32
        %get3A_500 = arith.index_cast %add3A_499 : i32 to index
        %get3A_501 = arith.constant 48 : index
        %get3A_502 = tpu.vector_load %arg13[%get3A_500, %get3A_501] {strides = array<i32>} : memref<400x64xf32, #tpu.memory_space<vmem>>, vector<16xf32>,
        %mul3A_503 = arith.mulf %get3A_502, %gather3A_476 : vector<16xf32>
        %add3A_504 = arith.addf %add3A_472, %mul3A_503 : vector<16xf32>
        %add3A_505 = arith.constant 13 : i32
        %add3A_506 = vector.broadcast %add3A_505 : i32 to vector<16xi32>
        %add3A_507 = arith.addi %broadcast_in_dim3A_87, %add3A_506 : vector<16xi32>
        %gather3A_508 = tpu.vector_load_idx %arg11[%add3A_507] : memref<6400xf32, #tpu.memory_space<vmem>>[vector<16xi32>], vector<16xf32>,
        %add3A_509 = arith.constant 13 : i32
        %add3A_510 = arith.addi %mul3A_89, %add3A_509 : i32
        %get3A_511 = arith.index_cast %add3A_510 : i32 to index
        %get3A_512 = arith.constant 0 : index
        %get3A_513 = tpu.vector_load %arg13[%get3A_511, %get3A_512] {strides = array<i32>} : memref<400x64xf32, #tpu.memory_space<vmem>>, vector<16xf32>,
        %mul3A_514 = arith.mulf %get3A_513, %gather3A_508 : vector<16xf32>
        %add3A_515 = arith.addf %add3A_483, %mul3A_514 : vector<16xf32>
        %add3A_516 = arith.constant 13 : i32
        %add3A_517 = arith.addi %mul3A_89, %add3A_516 : i32
        %get3A_518 = arith.index_cast %add3A_517 : i32 to index
        %get3A_519 = arith.constant 16 : index
        %get3A_520 = tpu.vector_load %arg13[%get3A_518, %get3A_519] {strides = array<i32>} : memref<400x64xf32, #tpu.memory_space<vmem>>, vector<16xf32>,
        %mul3A_521 = arith.mulf %get3A_520, %gather3A_508 : vector<16xf32>
        %add3A_522 = arith.addf %add3A_490, %mul3A_521 : vector<16xf32>
        %add3A_523 = arith.constant 13 : i32
        %add3A_524 = arith.addi %mul3A_89, %add3A_523 : i32
        %get3A_525 = arith.index_cast %add3A_524 : i32 to index
        %get3A_526 = arith.constant 32 : index
        %get3A_527 = tpu.vector_load %arg13[%get3A_525, %get3A_526] {strides = array<i32>} : memref<400x64xf32, #tpu.memory_space<vmem>>, vector<16xf32>,
        %mul3A_528 = arith.mulf %get3A_527, %gather3A_508 : vector<16xf32>
        %add3A_529 = arith.addf %add3A_497, %mul3A_528 : vector<16xf32>
        %add3A_530 = arith.constant 13 : i32
        %add3A_531 = arith.addi %mul3A_89, %add3A_530 : i32
        %get3A_532 = arith.index_cast %add3A_531 : i32 to index
        %get3A_533 = arith.constant 48 : index
        %get3A_534 = tpu.vector_load %arg13[%get3A_532, %get3A_533] {strides = array<i32>} : memref<400x64xf32, #tpu.memory_space<vmem>>, vector<16xf32>,
        %mul3A_535 = arith.mulf %get3A_534, %gather3A_508 : vector<16xf32>
        %add3A_536 = arith.addf %add3A_504, %mul3A_535 : vector<16xf32>
        %add3A_537 = arith.constant 14 : i32
        %add3A_538 = vector.broadcast %add3A_537 : i32 to vector<16xi32>
        %add3A_539 = arith.addi %broadcast_in_dim3A_87, %add3A_538 : vector<16xi32>
        %gather3A_540 = tpu.vector_load_idx %arg11[%add3A_539] : memref<6400xf32, #tpu.memory_space<vmem>>[vector<16xi32>], vector<16xf32>,
        %add3A_541 = arith.constant 14 : i32
        %add3A_542 = arith.addi %mul3A_89, %add3A_541 : i32
        %get3A_543 = arith.index_cast %add3A_542 : i32 to index
        %get3A_544 = arith.constant 0 : index
        %get3A_545 = tpu.vector_load %arg13[%get3A_543, %get3A_544] {strides = array<i32>} : memref<400x64xf32, #tpu.memory_space<vmem>>, vector<16xf32>,
        %mul3A_546 = arith.mulf %get3A_545, %gather3A_540 : vector<16xf32>
        %add3A_547 = arith.addf %add3A_515, %mul3A_546 : vector<16xf32>
        %add3A_548 = arith.constant 14 : i32
        %add3A_549 = arith.addi %mul3A_89, %add3A_548 : i32
        %get3A_550 = arith.index_cast %add3A_549 : i32 to index
        %get3A_551 = arith.constant 16 : index
        %get3A_552 = tpu.vector_load %arg13[%get3A_550, %get3A_551] {strides = array<i32>} : memref<400x64xf32, #tpu.memory_space<vmem>>, vector<16xf32>,
        %mul3A_553 = arith.mulf %get3A_552, %gather3A_540 : vector<16xf32>
        %add3A_554 = arith.addf %add3A_522, %mul3A_553 : vector<16xf32>
        %add3A_555 = arith.constant 14 : i32
        %add3A_556 = arith.addi %mul3A_89, %add3A_555 : i32
        %get3A_557 = arith.index_cast %add3A_556 : i32 to index
        %get3A_558 = arith.constant 32 : index
        %get3A_559 = tpu.vector_load %arg13[%get3A_557, %get3A_558] {strides = array<i32>} : memref<400x64xf32, #tpu.memory_space<vmem>>, vector<16xf32>,
        %mul3A_560 = arith.mulf %get3A_559, %gather3A_540 : vector<16xf32>
        %add3A_561 = arith.addf %add3A_529, %mul3A_560 : vector<16xf32>
        %add3A_562 = arith.constant 14 : i32
        %add3A_563 = arith.addi %mul3A_89, %add3A_562 : i32
        %get3A_564 = arith.index_cast %add3A_563 : i32 to index
        %get3A_565 = arith.constant 48 : index
        %get3A_566 = tpu.vector_load %arg13[%get3A_564, %get3A_565] {strides = array<i32>} : memref<400x64xf32, #tpu.memory_space<vmem>>, vector<16xf32>,
        %mul3A_567 = arith.mulf %get3A_566, %gather3A_540 : vector<16xf32>
        %add3A_568 = arith.addf %add3A_536, %mul3A_567 : vector<16xf32>
        %add3A_569 = arith.constant 15 : i32
        %add3A_570 = vector.broadcast %add3A_569 : i32 to vector<16xi32>
        %add3A_571 = arith.addi %broadcast_in_dim3A_87, %add3A_570 : vector<16xi32>
        %gather3A_572 = tpu.vector_load_idx %arg11[%add3A_571] : memref<6400xf32, #tpu.memory_space<vmem>>[vector<16xi32>], vector<16xf32>,
        %add3A_573 = arith.constant 15 : i32
        %add3A_574 = arith.addi %mul3A_89, %add3A_573 : i32
        %get3A_575 = arith.index_cast %add3A_574 : i32 to index
        %get3A_576 = arith.constant 0 : index
        %get3A_577 = tpu.vector_load %arg13[%get3A_575, %get3A_576] {strides = array<i32>} : memref<400x64xf32, #tpu.memory_space<vmem>>, vector<16xf32>,
        %mul3A_578 = arith.mulf %get3A_577, %gather3A_572 : vector<16xf32>
        %add3A_579 = arith.addf %add3A_547, %mul3A_578 : vector<16xf32>
        %add3A_580 = arith.constant 15 : i32
        %add3A_581 = arith.addi %mul3A_89, %add3A_580 : i32
        %get3A_582 = arith.index_cast %add3A_581 : i32 to index
        %get3A_583 = arith.constant 16 : index
        %get3A_584 = tpu.vector_load %arg13[%get3A_582, %get3A_583] {strides = array<i32>} : memref<400x64xf32, #tpu.memory_space<vmem>>, vector<16xf32>,
        %mul3A_585 = arith.mulf %get3A_584, %gather3A_572 : vector<16xf32>
        %add3A_586 = arith.addf %add3A_554, %mul3A_585 : vector<16xf32>
        %add3A_587 = arith.constant 15 : i32
        %add3A_588 = arith.addi %mul3A_89, %add3A_587 : i32
        %get3A_589 = arith.index_cast %add3A_588 : i32 to index
        %get3A_590 = arith.constant 32 : index
        %get3A_591 = tpu.vector_load %arg13[%get3A_589, %get3A_590] {strides = array<i32>} : memref<400x64xf32, #tpu.memory_space<vmem>>, vector<16xf32>,
        %mul3A_592 = arith.mulf %get3A_591, %gather3A_572 : vector<16xf32>
        %add3A_593 = arith.addf %add3A_561, %mul3A_592 : vector<16xf32>
        %add3A_594 = arith.constant 15 : i32
        %add3A_595 = arith.addi %mul3A_89, %add3A_594 : i32
        %get3A_596 = arith.index_cast %add3A_595 : i32 to index
        %get3A_597 = arith.constant 48 : index
        %get3A_598 = tpu.vector_load %arg13[%get3A_596, %get3A_597] {strides = array<i32>} : memref<400x64xf32, #tpu.memory_space<vmem>>, vector<16xf32>,
        %mul3A_599 = arith.mulf %get3A_598, %gather3A_572 : vector<16xf32>
        %add3A_600 = arith.addf %add3A_568, %mul3A_599 : vector<16xf32>
        %add3A_601 = arith.constant 16 : i32
        %add3A_602 = vector.broadcast %add3A_601 : i32 to vector<16xi32>
        %add3A_603 = arith.addi %broadcast_in_dim3A_87, %add3A_602 : vector<16xi32>
        %gather3A_604 = tpu.vector_load_idx %arg11[%add3A_603] : memref<6400xf32, #tpu.memory_space<vmem>>[vector<16xi32>], vector<16xf32>,
        %add3A_605 = arith.constant 16 : i32
        %add3A_606 = arith.addi %mul3A_89, %add3A_605 : i32
        %get3A_607 = arith.index_cast %add3A_606 : i32 to index
        %get3A_608 = arith.constant 0 : index
        %get3A_609 = tpu.vector_load %arg13[%get3A_607, %get3A_608] {strides = array<i32>} : memref<400x64xf32, #tpu.memory_space<vmem>>, vector<16xf32>,
        %mul3A_610 = arith.mulf %get3A_609, %gather3A_604 : vector<16xf32>
        %add3A_611 = arith.addf %add3A_579, %mul3A_610 : vector<16xf32>
        %add3A_612 = arith.constant 16 : i32
        %add3A_613 = arith.addi %mul3A_89, %add3A_612 : i32
        %get3A_614 = arith.index_cast %add3A_613 : i32 to index
        %get3A_615 = arith.constant 16 : index
        %get3A_616 = tpu.vector_load %arg13[%get3A_614, %get3A_615] {strides = array<i32>} : memref<400x64xf32, #tpu.memory_space<vmem>>, vector<16xf32>,
        %mul3A_617 = arith.mulf %get3A_616, %gather3A_604 : vector<16xf32>
        %add3A_618 = arith.addf %add3A_586, %mul3A_617 : vector<16xf32>
        %add3A_619 = arith.constant 16 : i32
        %add3A_620 = arith.addi %mul3A_89, %add3A_619 : i32
        %get3A_621 = arith.index_cast %add3A_620 : i32 to index
        %get3A_622 = arith.constant 32 : index
        %get3A_623 = tpu.vector_load %arg13[%get3A_621, %get3A_622] {strides = array<i32>} : memref<400x64xf32, #tpu.memory_space<vmem>>, vector<16xf32>,
        %mul3A_624 = arith.mulf %get3A_623, %gather3A_604 : vector<16xf32>
        %add3A_625 = arith.addf %add3A_593, %mul3A_624 : vector<16xf32>
        %add3A_626 = arith.constant 16 : i32
        %add3A_627 = arith.addi %mul3A_89, %add3A_626 : i32
        %get3A_628 = arith.index_cast %add3A_627 : i32 to index
        %get3A_629 = arith.constant 48 : index
        %get3A_630 = tpu.vector_load %arg13[%get3A_628, %get3A_629] {strides = array<i32>} : memref<400x64xf32, #tpu.memory_space<vmem>>, vector<16xf32>,
        %mul3A_631 = arith.mulf %get3A_630, %gather3A_604 : vector<16xf32>
        %add3A_632 = arith.addf %add3A_600, %mul3A_631 : vector<16xf32>
        %add3A_633 = arith.constant 17 : i32
        %add3A_634 = vector.broadcast %add3A_633 : i32 to vector<16xi32>
        %add3A_635 = arith.addi %broadcast_in_dim3A_87, %add3A_634 : vector<16xi32>
        %gather3A_636 = tpu.vector_load_idx %arg11[%add3A_635] : memref<6400xf32, #tpu.memory_space<vmem>>[vector<16xi32>], vector<16xf32>,
        %add3A_637 = arith.constant 17 : i32
        %add3A_638 = arith.addi %mul3A_89, %add3A_637 : i32
        %get3A_639 = arith.index_cast %add3A_638 : i32 to index
        %get3A_640 = arith.constant 0 : index
        %get3A_641 = tpu.vector_load %arg13[%get3A_639, %get3A_640] {strides = array<i32>} : memref<400x64xf32, #tpu.memory_space<vmem>>, vector<16xf32>,
        %mul3A_642 = arith.mulf %get3A_641, %gather3A_636 : vector<16xf32>
        %add3A_643 = arith.addf %add3A_611, %mul3A_642 : vector<16xf32>
        %add3A_644 = arith.constant 17 : i32
        %add3A_645 = arith.addi %mul3A_89, %add3A_644 : i32
        %get3A_646 = arith.index_cast %add3A_645 : i32 to index
        %get3A_647 = arith.constant 16 : index
        %get3A_648 = tpu.vector_load %arg13[%get3A_646, %get3A_647] {strides = array<i32>} : memref<400x64xf32, #tpu.memory_space<vmem>>, vector<16xf32>,
        %mul3A_649 = arith.mulf %get3A_648, %gather3A_636 : vector<16xf32>
        %add3A_650 = arith.addf %add3A_618, %mul3A_649 : vector<16xf32>
        %add3A_651 = arith.constant 17 : i32
        %add3A_652 = arith.addi %mul3A_89, %add3A_651 : i32
        %get3A_653 = arith.index_cast %add3A_652 : i32 to index
        %get3A_654 = arith.constant 32 : index
        %get3A_655 = tpu.vector_load %arg13[%get3A_653, %get3A_654] {strides = array<i32>} : memref<400x64xf32, #tpu.memory_space<vmem>>, vector<16xf32>,
        %mul3A_656 = arith.mulf %get3A_655, %gather3A_636 : vector<16xf32>
        %add3A_657 = arith.addf %add3A_625, %mul3A_656 : vector<16xf32>
        %add3A_658 = arith.constant 17 : i32
        %add3A_659 = arith.addi %mul3A_89, %add3A_658 : i32
        %get3A_660 = arith.index_cast %add3A_659 : i32 to index
        %get3A_661 = arith.constant 48 : index
        %get3A_662 = tpu.vector_load %arg13[%get3A_660, %get3A_661] {strides = array<i32>} : memref<400x64xf32, #tpu.memory_space<vmem>>, vector<16xf32>,
        %mul3A_663 = arith.mulf %get3A_662, %gather3A_636 : vector<16xf32>
        %add3A_664 = arith.addf %add3A_632, %mul3A_663 : vector<16xf32>
        %add3A_665 = arith.constant 18 : i32
        %add3A_666 = vector.broadcast %add3A_665 : i32 to vector<16xi32>
        %add3A_667 = arith.addi %broadcast_in_dim3A_87, %add3A_666 : vector<16xi32>
        %gather3A_668 = tpu.vector_load_idx %arg11[%add3A_667] : memref<6400xf32, #tpu.memory_space<vmem>>[vector<16xi32>], vector<16xf32>,
        %add3A_669 = arith.constant 18 : i32
        %add3A_670 = arith.addi %mul3A_89, %add3A_669 : i32
        %get3A_671 = arith.index_cast %add3A_670 : i32 to index
        %get3A_672 = arith.constant 0 : index
        %get3A_673 = tpu.vector_load %arg13[%get3A_671, %get3A_672] {strides = array<i32>} : memref<400x64xf32, #tpu.memory_space<vmem>>, vector<16xf32>,
        %mul3A_674 = arith.mulf %get3A_673, %gather3A_668 : vector<16xf32>
        %add3A_675 = arith.addf %add3A_643, %mul3A_674 : vector<16xf32>
        %add3A_676 = arith.constant 18 : i32
        %add3A_677 = arith.addi %mul3A_89, %add3A_676 : i32
        %get3A_678 = arith.index_cast %add3A_677 : i32 to index
        %get3A_679 = arith.constant 16 : index
        %get3A_680 = tpu.vector_load %arg13[%get3A_678, %get3A_679] {strides = array<i32>} : memref<400x64xf32, #tpu.memory_space<vmem>>, vector<16xf32>,
        %mul3A_681 = arith.mulf %get3A_680, %gather3A_668 : vector<16xf32>
        %add3A_682 = arith.addf %add3A_650, %mul3A_681 : vector<16xf32>
        %add3A_683 = arith.constant 18 : i32
        %add3A_684 = arith.addi %mul3A_89, %add3A_683 : i32
        %get3A_685 = arith.index_cast %add3A_684 : i32 to index
        %get3A_686 = arith.constant 32 : index
        %get3A_687 = tpu.vector_load %arg13[%get3A_685, %get3A_686] {strides = array<i32>} : memref<400x64xf32, #tpu.memory_space<vmem>>, vector<16xf32>,
        %mul3A_688 = arith.mulf %get3A_687, %gather3A_668 : vector<16xf32>
        %add3A_689 = arith.addf %add3A_657, %mul3A_688 : vector<16xf32>
        %add3A_690 = arith.constant 18 : i32
        %add3A_691 = arith.addi %mul3A_89, %add3A_690 : i32
        %get3A_692 = arith.index_cast %add3A_691 : i32 to index
        %get3A_693 = arith.constant 48 : index
        %get3A_694 = tpu.vector_load %arg13[%get3A_692, %get3A_693] {strides = array<i32>} : memref<400x64xf32, #tpu.memory_space<vmem>>, vector<16xf32>,
        %mul3A_695 = arith.mulf %get3A_694, %gather3A_668 : vector<16xf32>
        %add3A_696 = arith.addf %add3A_664, %mul3A_695 : vector<16xf32>
        %add3A_697 = arith.constant 19 : i32
        %add3A_698 = vector.broadcast %add3A_697 : i32 to vector<16xi32>
        %add3A_699 = arith.addi %broadcast_in_dim3A_87, %add3A_698 : vector<16xi32>
        %gather3A_700 = tpu.vector_load_idx %arg11[%add3A_699] : memref<6400xf32, #tpu.memory_space<vmem>>[vector<16xi32>], vector<16xf32>,
        %add3A_701 = arith.constant 19 : i32
        %add3A_702 = arith.addi %mul3A_89, %add3A_701 : i32
        %get3A_703 = arith.index_cast %add3A_702 : i32 to index
        %get3A_704 = arith.constant 0 : index
        %get3A_705 = tpu.vector_load %arg13[%get3A_703, %get3A_704] {strides = array<i32>} : memref<400x64xf32, #tpu.memory_space<vmem>>, vector<16xf32>,
        %mul3A_706 = arith.mulf %get3A_705, %gather3A_700 : vector<16xf32>
        %add3A_707 = arith.addf %add3A_675, %mul3A_706 : vector<16xf32>
        %add3A_708 = arith.constant 19 : i32
        %add3A_709 = arith.addi %mul3A_89, %add3A_708 : i32
        %get3A_710 = arith.index_cast %add3A_709 : i32 to index
        %get3A_711 = arith.constant 16 : index
        %get3A_712 = tpu.vector_load %arg13[%get3A_710, %get3A_711] {strides = array<i32>} : memref<400x64xf32, #tpu.memory_space<vmem>>, vector<16xf32>,
        %mul3A_713 = arith.mulf %get3A_712, %gather3A_700 : vector<16xf32>
        %add3A_714 = arith.addf %add3A_682, %mul3A_713 : vector<16xf32>
        %add3A_715 = arith.constant 19 : i32
        %add3A_716 = arith.addi %mul3A_89, %add3A_715 : i32
        %get3A_717 = arith.index_cast %add3A_716 : i32 to index
        %get3A_718 = arith.constant 32 : index
        %get3A_719 = tpu.vector_load %arg13[%get3A_717, %get3A_718] {strides = array<i32>} : memref<400x64xf32, #tpu.memory_space<vmem>>, vector<16xf32>,
        %mul3A_720 = arith.mulf %get3A_719, %gather3A_700 : vector<16xf32>
        %add3A_721 = arith.addf %add3A_689, %mul3A_720 : vector<16xf32>
        %add3A_722 = arith.constant 19 : i32
        %add3A_723 = arith.addi %mul3A_89, %add3A_722 : i32
        %get3A_724 = arith.index_cast %add3A_723 : i32 to index
        %get3A_725 = arith.constant 48 : index
        %get3A_726 = tpu.vector_load %arg13[%get3A_724, %get3A_725] {strides = array<i32>} : memref<400x64xf32, #tpu.memory_space<vmem>>, vector<16xf32>,
        %mul3A_727 = arith.mulf %get3A_726, %gather3A_700 : vector<16xf32>
        %add3A_728 = arith.addf %add3A_696, %mul3A_727 : vector<16xf32>
        %add3A_729 = arith.constant 20 : i32
        %add3A_730 = vector.broadcast %add3A_729 : i32 to vector<16xi32>
        %add3A_731 = arith.addi %broadcast_in_dim3A_87, %add3A_730 : vector<16xi32>
        %gather3A_732 = tpu.vector_load_idx %arg11[%add3A_731] : memref<6400xf32, #tpu.memory_space<vmem>>[vector<16xi32>], vector<16xf32>,
        %add3A_733 = arith.constant 20 : i32
        %add3A_734 = arith.addi %mul3A_89, %add3A_733 : i32
        %get3A_735 = arith.index_cast %add3A_734 : i32 to index
        %get3A_736 = arith.constant 0 : index
        %get3A_737 = tpu.vector_load %arg13[%get3A_735, %get3A_736] {strides = array<i32>} : memref<400x64xf32, #tpu.memory_space<vmem>>, vector<16xf32>,
        %mul3A_738 = arith.mulf %get3A_737, %gather3A_732 : vector<16xf32>
        %add3A_739 = arith.addf %add3A_707, %mul3A_738 : vector<16xf32>
        %add3A_740 = arith.constant 20 : i32
        %add3A_741 = arith.addi %mul3A_89, %add3A_740 : i32
        %get3A_742 = arith.index_cast %add3A_741 : i32 to index
        %get3A_743 = arith.constant 16 : index
        %get3A_744 = tpu.vector_load %arg13[%get3A_742, %get3A_743] {strides = array<i32>} : memref<400x64xf32, #tpu.memory_space<vmem>>, vector<16xf32>,
        %mul3A_745 = arith.mulf %get3A_744, %gather3A_732 : vector<16xf32>
        %add3A_746 = arith.addf %add3A_714, %mul3A_745 : vector<16xf32>
        %add3A_747 = arith.constant 20 : i32
        %add3A_748 = arith.addi %mul3A_89, %add3A_747 : i32
        %get3A_749 = arith.index_cast %add3A_748 : i32 to index
        %get3A_750 = arith.constant 32 : index
        %get3A_751 = tpu.vector_load %arg13[%get3A_749, %get3A_750] {strides = array<i32>} : memref<400x64xf32, #tpu.memory_space<vmem>>, vector<16xf32>,
        %mul3A_752 = arith.mulf %get3A_751, %gather3A_732 : vector<16xf32>
        %add3A_753 = arith.addf %add3A_721, %mul3A_752 : vector<16xf32>
        %add3A_754 = arith.constant 20 : i32
        %add3A_755 = arith.addi %mul3A_89, %add3A_754 : i32
        %get3A_756 = arith.index_cast %add3A_755 : i32 to index
        %get3A_757 = arith.constant 48 : index
        %get3A_758 = tpu.vector_load %arg13[%get3A_756, %get3A_757] {strides = array<i32>} : memref<400x64xf32, #tpu.memory_space<vmem>>, vector<16xf32>,
        %mul3A_759 = arith.mulf %get3A_758, %gather3A_732 : vector<16xf32>
        %add3A_760 = arith.addf %add3A_728, %mul3A_759 : vector<16xf32>
        %add3A_761 = arith.constant 21 : i32
        %add3A_762 = vector.broadcast %add3A_761 : i32 to vector<16xi32>
        %add3A_763 = arith.addi %broadcast_in_dim3A_87, %add3A_762 : vector<16xi32>
        %gather3A_764 = tpu.vector_load_idx %arg11[%add3A_763] : memref<6400xf32, #tpu.memory_space<vmem>>[vector<16xi32>], vector<16xf32>,
        %add3A_765 = arith.constant 21 : i32
        %add3A_766 = arith.addi %mul3A_89, %add3A_765 : i32
        %get3A_767 = arith.index_cast %add3A_766 : i32 to index
        %get3A_768 = arith.constant 0 : index
        %get3A_769 = tpu.vector_load %arg13[%get3A_767, %get3A_768] {strides = array<i32>} : memref<400x64xf32, #tpu.memory_space<vmem>>, vector<16xf32>,
        %mul3A_770 = arith.mulf %get3A_769, %gather3A_764 : vector<16xf32>
        %add3A_771 = arith.addf %add3A_739, %mul3A_770 : vector<16xf32>
        %add3A_772 = arith.constant 21 : i32
        %add3A_773 = arith.addi %mul3A_89, %add3A_772 : i32
        %get3A_774 = arith.index_cast %add3A_773 : i32 to index
        %get3A_775 = arith.constant 16 : index
        %get3A_776 = tpu.vector_load %arg13[%get3A_774, %get3A_775] {strides = array<i32>} : memref<400x64xf32, #tpu.memory_space<vmem>>, vector<16xf32>,
        %mul3A_777 = arith.mulf %get3A_776, %gather3A_764 : vector<16xf32>
        %add3A_778 = arith.addf %add3A_746, %mul3A_777 : vector<16xf32>
        %add3A_779 = arith.constant 21 : i32
        %add3A_780 = arith.addi %mul3A_89, %add3A_779 : i32
        %get3A_781 = arith.index_cast %add3A_780 : i32 to index
        %get3A_782 = arith.constant 32 : index
        %get3A_783 = tpu.vector_load %arg13[%get3A_781, %get3A_782] {strides = array<i32>} : memref<400x64xf32, #tpu.memory_space<vmem>>, vector<16xf32>,
        %mul3A_784 = arith.mulf %get3A_783, %gather3A_764 : vector<16xf32>
        %add3A_785 = arith.addf %add3A_753, %mul3A_784 : vector<16xf32>
        %add3A_786 = arith.constant 21 : i32
        %add3A_787 = arith.addi %mul3A_89, %add3A_786 : i32
        %get3A_788 = arith.index_cast %add3A_787 : i32 to index
        %get3A_789 = arith.constant 48 : index
        %get3A_790 = tpu.vector_load %arg13[%get3A_788, %get3A_789] {strides = array<i32>} : memref<400x64xf32, #tpu.memory_space<vmem>>, vector<16xf32>,
        %mul3A_791 = arith.mulf %get3A_790, %gather3A_764 : vector<16xf32>
        %add3A_792 = arith.addf %add3A_760, %mul3A_791 : vector<16xf32>
        %add3A_793 = arith.constant 22 : i32
        %add3A_794 = vector.broadcast %add3A_793 : i32 to vector<16xi32>
        %add3A_795 = arith.addi %broadcast_in_dim3A_87, %add3A_794 : vector<16xi32>
        %gather3A_796 = tpu.vector_load_idx %arg11[%add3A_795] : memref<6400xf32, #tpu.memory_space<vmem>>[vector<16xi32>], vector<16xf32>,
        %add3A_797 = arith.constant 22 : i32
        %add3A_798 = arith.addi %mul3A_89, %add3A_797 : i32
        %get3A_799 = arith.index_cast %add3A_798 : i32 to index
        %get3A_800 = arith.constant 0 : index
        %get3A_801 = tpu.vector_load %arg13[%get3A_799, %get3A_800] {strides = array<i32>} : memref<400x64xf32, #tpu.memory_space<vmem>>, vector<16xf32>,
        %mul3A_802 = arith.mulf %get3A_801, %gather3A_796 : vector<16xf32>
        %add3A_803 = arith.addf %add3A_771, %mul3A_802 : vector<16xf32>
        %add3A_804 = arith.constant 22 : i32
        %add3A_805 = arith.addi %mul3A_89, %add3A_804 : i32
        %get3A_806 = arith.index_cast %add3A_805 : i32 to index
        %get3A_807 = arith.constant 16 : index
        %get3A_808 = tpu.vector_load %arg13[%get3A_806, %get3A_807] {strides = array<i32>} : memref<400x64xf32, #tpu.memory_space<vmem>>, vector<16xf32>,
        %mul3A_809 = arith.mulf %get3A_808, %gather3A_796 : vector<16xf32>
        %add3A_810 = arith.addf %add3A_778, %mul3A_809 : vector<16xf32>
        %add3A_811 = arith.constant 22 : i32
        %add3A_812 = arith.addi %mul3A_89, %add3A_811 : i32
        %get3A_813 = arith.index_cast %add3A_812 : i32 to index
        %get3A_814 = arith.constant 32 : index
        %get3A_815 = tpu.vector_load %arg13[%get3A_813, %get3A_814] {strides = array<i32>} : memref<400x64xf32, #tpu.memory_space<vmem>>, vector<16xf32>,
        %mul3A_816 = arith.mulf %get3A_815, %gather3A_796 : vector<16xf32>
        %add3A_817 = arith.addf %add3A_785, %mul3A_816 : vector<16xf32>
        %add3A_818 = arith.constant 22 : i32
        %add3A_819 = arith.addi %mul3A_89, %add3A_818 : i32
        %get3A_820 = arith.index_cast %add3A_819 : i32 to index
        %get3A_821 = arith.constant 48 : index
        %get3A_822 = tpu.vector_load %arg13[%get3A_820, %get3A_821] {strides = array<i32>} : memref<400x64xf32, #tpu.memory_space<vmem>>, vector<16xf32>,
        %mul3A_823 = arith.mulf %get3A_822, %gather3A_796 : vector<16xf32>
        %add3A_824 = arith.addf %add3A_792, %mul3A_823 : vector<16xf32>
        %add3A_825 = arith.constant 23 : i32
        %add3A_826 = vector.broadcast %add3A_825 : i32 to vector<16xi32>
        %add3A_827 = arith.addi %broadcast_in_dim3A_87, %add3A_826 : vector<16xi32>
        %gather3A_828 = tpu.vector_load_idx %arg11[%add3A_827] : memref<6400xf32, #tpu.memory_space<vmem>>[vector<16xi32>], vector<16xf32>,
        %add3A_829 = arith.constant 23 : i32
        %add3A_830 = arith.addi %mul3A_89, %add3A_829 : i32
        %get3A_831 = arith.index_cast %add3A_830 : i32 to index
        %get3A_832 = arith.constant 0 : index
        %get3A_833 = tpu.vector_load %arg13[%get3A_831, %get3A_832] {strides = array<i32>} : memref<400x64xf32, #tpu.memory_space<vmem>>, vector<16xf32>,
        %mul3A_834 = arith.mulf %get3A_833, %gather3A_828 : vector<16xf32>
        %add3A_835 = arith.addf %add3A_803, %mul3A_834 : vector<16xf32>
        %add3A_836 = arith.constant 23 : i32
        %add3A_837 = arith.addi %mul3A_89, %add3A_836 : i32
        %get3A_838 = arith.index_cast %add3A_837 : i32 to index
        %get3A_839 = arith.constant 16 : index
        %get3A_840 = tpu.vector_load %arg13[%get3A_838, %get3A_839] {strides = array<i32>} : memref<400x64xf32, #tpu.memory_space<vmem>>, vector<16xf32>,
        %mul3A_841 = arith.mulf %get3A_840, %gather3A_828 : vector<16xf32>
        %add3A_842 = arith.addf %add3A_810, %mul3A_841 : vector<16xf32>
        %add3A_843 = arith.constant 23 : i32
        %add3A_844 = arith.addi %mul3A_89, %add3A_843 : i32
        %get3A_845 = arith.index_cast %add3A_844 : i32 to index
        %get3A_846 = arith.constant 32 : index
        %get3A_847 = tpu.vector_load %arg13[%get3A_845, %get3A_846] {strides = array<i32>} : memref<400x64xf32, #tpu.memory_space<vmem>>, vector<16xf32>,
        %mul3A_848 = arith.mulf %get3A_847, %gather3A_828 : vector<16xf32>
        %add3A_849 = arith.addf %add3A_817, %mul3A_848 : vector<16xf32>
        %add3A_850 = arith.constant 23 : i32
        %add3A_851 = arith.addi %mul3A_89, %add3A_850 : i32
        %get3A_852 = arith.index_cast %add3A_851 : i32 to index
        %get3A_853 = arith.constant 48 : index
        %get3A_854 = tpu.vector_load %arg13[%get3A_852, %get3A_853] {strides = array<i32>} : memref<400x64xf32, #tpu.memory_space<vmem>>, vector<16xf32>,
        %mul3A_855 = arith.mulf %get3A_854, %gather3A_828 : vector<16xf32>
        %add3A_856 = arith.addf %add3A_824, %mul3A_855 : vector<16xf32>
        %add3A_857 = arith.constant 24 : i32
        %add3A_858 = vector.broadcast %add3A_857 : i32 to vector<16xi32>
        %add3A_859 = arith.addi %broadcast_in_dim3A_87, %add3A_858 : vector<16xi32>
        %gather3A_860 = tpu.vector_load_idx %arg11[%add3A_859] : memref<6400xf32, #tpu.memory_space<vmem>>[vector<16xi32>], vector<16xf32>,
        %add3A_861 = arith.constant 24 : i32
        %add3A_862 = arith.addi %mul3A_89, %add3A_861 : i32
        %get3A_863 = arith.index_cast %add3A_862 : i32 to index
        %get3A_864 = arith.constant 0 : index
        %get3A_865 = tpu.vector_load %arg13[%get3A_863, %get3A_864] {strides = array<i32>} : memref<400x64xf32, #tpu.memory_space<vmem>>, vector<16xf32>,
        %mul3A_866 = arith.mulf %get3A_865, %gather3A_860 : vector<16xf32>
        %add3A_867 = arith.addf %add3A_835, %mul3A_866 : vector<16xf32>
        %add3A_868 = arith.constant 24 : i32
        %add3A_869 = arith.addi %mul3A_89, %add3A_868 : i32
        %get3A_870 = arith.index_cast %add3A_869 : i32 to index
        %get3A_871 = arith.constant 16 : index
        %get3A_872 = tpu.vector_load %arg13[%get3A_870, %get3A_871] {strides = array<i32>} : memref<400x64xf32, #tpu.memory_space<vmem>>, vector<16xf32>,
        %mul3A_873 = arith.mulf %get3A_872, %gather3A_860 : vector<16xf32>
        %add3A_874 = arith.addf %add3A_842, %mul3A_873 : vector<16xf32>
        %add3A_875 = arith.constant 24 : i32
        %add3A_876 = arith.addi %mul3A_89, %add3A_875 : i32
        %get3A_877 = arith.index_cast %add3A_876 : i32 to index
        %get3A_878 = arith.constant 32 : index
        %get3A_879 = tpu.vector_load %arg13[%get3A_877, %get3A_878] {strides = array<i32>} : memref<400x64xf32, #tpu.memory_space<vmem>>, vector<16xf32>,
        %mul3A_880 = arith.mulf %get3A_879, %gather3A_860 : vector<16xf32>
        %add3A_881 = arith.addf %add3A_849, %mul3A_880 : vector<16xf32>
        %add3A_882 = arith.constant 24 : i32
        %add3A_883 = arith.addi %mul3A_89, %add3A_882 : i32
        %get3A_884 = arith.index_cast %add3A_883 : i32 to index
        %get3A_885 = arith.constant 48 : index
        %get3A_886 = tpu.vector_load %arg13[%get3A_884, %get3A_885] {strides = array<i32>} : memref<400x64xf32, #tpu.memory_space<vmem>>, vector<16xf32>,
        %mul3A_887 = arith.mulf %get3A_886, %gather3A_860 : vector<16xf32>
        %add3A_888 = arith.addf %add3A_856, %mul3A_887 : vector<16xf32>
        %add3A_889 = arith.constant 25 : i32
        %add3A_890 = vector.broadcast %add3A_889 : i32 to vector<16xi32>
        %add3A_891 = arith.addi %broadcast_in_dim3A_87, %add3A_890 : vector<16xi32>
        %gather3A_892 = tpu.vector_load_idx %arg11[%add3A_891] : memref<6400xf32, #tpu.memory_space<vmem>>[vector<16xi32>], vector<16xf32>,
        %add3A_893 = arith.constant 25 : i32
        %add3A_894 = arith.addi %mul3A_89, %add3A_893 : i32
        %get3A_895 = arith.index_cast %add3A_894 : i32 to index
        %get3A_896 = arith.constant 0 : index
        %get3A_897 = tpu.vector_load %arg13[%get3A_895, %get3A_896] {strides = array<i32>} : memref<400x64xf32, #tpu.memory_space<vmem>>, vector<16xf32>,
        %mul3A_898 = arith.mulf %get3A_897, %gather3A_892 : vector<16xf32>
        %add3A_899 = arith.addf %add3A_867, %mul3A_898 : vector<16xf32>
        %add3A_900 = arith.constant 25 : i32
        %add3A_901 = arith.addi %mul3A_89, %add3A_900 : i32
        %get3A_902 = arith.index_cast %add3A_901 : i32 to index
        %get3A_903 = arith.constant 16 : index
        %get3A_904 = tpu.vector_load %arg13[%get3A_902, %get3A_903] {strides = array<i32>} : memref<400x64xf32, #tpu.memory_space<vmem>>, vector<16xf32>,
        %mul3A_905 = arith.mulf %get3A_904, %gather3A_892 : vector<16xf32>
        %add3A_906 = arith.addf %add3A_874, %mul3A_905 : vector<16xf32>
        %add3A_907 = arith.constant 25 : i32
        %add3A_908 = arith.addi %mul3A_89, %add3A_907 : i32
        %get3A_909 = arith.index_cast %add3A_908 : i32 to index
        %get3A_910 = arith.constant 32 : index
        %get3A_911 = tpu.vector_load %arg13[%get3A_909, %get3A_910] {strides = array<i32>} : memref<400x64xf32, #tpu.memory_space<vmem>>, vector<16xf32>,
        %mul3A_912 = arith.mulf %get3A_911, %gather3A_892 : vector<16xf32>
        %add3A_913 = arith.addf %add3A_881, %mul3A_912 : vector<16xf32>
        %add3A_914 = arith.constant 25 : i32
        %add3A_915 = arith.addi %mul3A_89, %add3A_914 : i32
        %get3A_916 = arith.index_cast %add3A_915 : i32 to index
        %get3A_917 = arith.constant 48 : index
        %get3A_918 = tpu.vector_load %arg13[%get3A_916, %get3A_917] {strides = array<i32>} : memref<400x64xf32, #tpu.memory_space<vmem>>, vector<16xf32>,
        %mul3A_919 = arith.mulf %get3A_918, %gather3A_892 : vector<16xf32>
        %add3A_920 = arith.addf %add3A_888, %mul3A_919 : vector<16xf32>
        %add3A_921 = arith.constant 26 : i32
        %add3A_922 = vector.broadcast %add3A_921 : i32 to vector<16xi32>
        %add3A_923 = arith.addi %broadcast_in_dim3A_87, %add3A_922 : vector<16xi32>
        %gather3A_924 = tpu.vector_load_idx %arg11[%add3A_923] : memref<6400xf32, #tpu.memory_space<vmem>>[vector<16xi32>], vector<16xf32>,
        %add3A_925 = arith.constant 26 : i32
        %add3A_926 = arith.addi %mul3A_89, %add3A_925 : i32
        %get3A_927 = arith.index_cast %add3A_926 : i32 to index
        %get3A_928 = arith.constant 0 : index
        %get3A_929 = tpu.vector_load %arg13[%get3A_927, %get3A_928] {strides = array<i32>} : memref<400x64xf32, #tpu.memory_space<vmem>>, vector<16xf32>,
        %mul3A_930 = arith.mulf %get3A_929, %gather3A_924 : vector<16xf32>
        %add3A_931 = arith.addf %add3A_899, %mul3A_930 : vector<16xf32>
        %add3A_932 = arith.constant 26 : i32
        %add3A_933 = arith.addi %mul3A_89, %add3A_932 : i32
        %get3A_934 = arith.index_cast %add3A_933 : i32 to index
        %get3A_935 = arith.constant 16 : index
        %get3A_936 = tpu.vector_load %arg13[%get3A_934, %get3A_935] {strides = array<i32>} : memref<400x64xf32, #tpu.memory_space<vmem>>, vector<16xf32>,
        %mul3A_937 = arith.mulf %get3A_936, %gather3A_924 : vector<16xf32>
        %add3A_938 = arith.addf %add3A_906, %mul3A_937 : vector<16xf32>
        %add3A_939 = arith.constant 26 : i32
        %add3A_940 = arith.addi %mul3A_89, %add3A_939 : i32
        %get3A_941 = arith.index_cast %add3A_940 : i32 to index
        %get3A_942 = arith.constant 32 : index
        %get3A_943 = tpu.vector_load %arg13[%get3A_941, %get3A_942] {strides = array<i32>} : memref<400x64xf32, #tpu.memory_space<vmem>>, vector<16xf32>,
        %mul3A_944 = arith.mulf %get3A_943, %gather3A_924 : vector<16xf32>
        %add3A_945 = arith.addf %add3A_913, %mul3A_944 : vector<16xf32>
        %add3A_946 = arith.constant 26 : i32
        %add3A_947 = arith.addi %mul3A_89, %add3A_946 : i32
        %get3A_948 = arith.index_cast %add3A_947 : i32 to index
        %get3A_949 = arith.constant 48 : index
        %get3A_950 = tpu.vector_load %arg13[%get3A_948, %get3A_949] {strides = array<i32>} : memref<400x64xf32, #tpu.memory_space<vmem>>, vector<16xf32>,
        %mul3A_951 = arith.mulf %get3A_950, %gather3A_924 : vector<16xf32>
        %add3A_952 = arith.addf %add3A_920, %mul3A_951 : vector<16xf32>
        %add3A_953 = arith.constant 27 : i32
        %add3A_954 = vector.broadcast %add3A_953 : i32 to vector<16xi32>
        %add3A_955 = arith.addi %broadcast_in_dim3A_87, %add3A_954 : vector<16xi32>
        %gather3A_956 = tpu.vector_load_idx %arg11[%add3A_955] : memref<6400xf32, #tpu.memory_space<vmem>>[vector<16xi32>], vector<16xf32>,
        %add3A_957 = arith.constant 27 : i32
        %add3A_958 = arith.addi %mul3A_89, %add3A_957 : i32
        %get3A_959 = arith.index_cast %add3A_958 : i32 to index
        %get3A_960 = arith.constant 0 : index
        %get3A_961 = tpu.vector_load %arg13[%get3A_959, %get3A_960] {strides = array<i32>} : memref<400x64xf32, #tpu.memory_space<vmem>>, vector<16xf32>,
        %mul3A_962 = arith.mulf %get3A_961, %gather3A_956 : vector<16xf32>
        %add3A_963 = arith.addf %add3A_931, %mul3A_962 : vector<16xf32>
        %add3A_964 = arith.constant 27 : i32
        %add3A_965 = arith.addi %mul3A_89, %add3A_964 : i32
        %get3A_966 = arith.index_cast %add3A_965 : i32 to index
        %get3A_967 = arith.constant 16 : index
        %get3A_968 = tpu.vector_load %arg13[%get3A_966, %get3A_967] {strides = array<i32>} : memref<400x64xf32, #tpu.memory_space<vmem>>, vector<16xf32>,
        %mul3A_969 = arith.mulf %get3A_968, %gather3A_956 : vector<16xf32>
        %add3A_970 = arith.addf %add3A_938, %mul3A_969 : vector<16xf32>
        %add3A_971 = arith.constant 27 : i32
        %add3A_972 = arith.addi %mul3A_89, %add3A_971 : i32
        %get3A_973 = arith.index_cast %add3A_972 : i32 to index
        %get3A_974 = arith.constant 32 : index
        %get3A_975 = tpu.vector_load %arg13[%get3A_973, %get3A_974] {strides = array<i32>} : memref<400x64xf32, #tpu.memory_space<vmem>>, vector<16xf32>,
        %mul3A_976 = arith.mulf %get3A_975, %gather3A_956 : vector<16xf32>
        %add3A_977 = arith.addf %add3A_945, %mul3A_976 : vector<16xf32>
        %add3A_978 = arith.constant 27 : i32
        %add3A_979 = arith.addi %mul3A_89, %add3A_978 : i32
        %get3A_980 = arith.index_cast %add3A_979 : i32 to index
        %get3A_981 = arith.constant 48 : index
        %get3A_982 = tpu.vector_load %arg13[%get3A_980, %get3A_981] {strides = array<i32>} : memref<400x64xf32, #tpu.memory_space<vmem>>, vector<16xf32>,
        %mul3A_983 = arith.mulf %get3A_982, %gather3A_956 : vector<16xf32>
        %add3A_984 = arith.addf %add3A_952, %mul3A_983 : vector<16xf32>
        %add3A_985 = arith.constant 28 : i32
        %add3A_986 = vector.broadcast %add3A_985 : i32 to vector<16xi32>
        %add3A_987 = arith.addi %broadcast_in_dim3A_87, %add3A_986 : vector<16xi32>
        %gather3A_988 = tpu.vector_load_idx %arg11[%add3A_987] : memref<6400xf32, #tpu.memory_space<vmem>>[vector<16xi32>], vector<16xf32>,
        %add3A_989 = arith.constant 28 : i32
        %add3A_990 = arith.addi %mul3A_89, %add3A_989 : i32
        %get3A_991 = arith.index_cast %add3A_990 : i32 to index
        %get3A_992 = arith.constant 0 : index
        %get3A_993 = tpu.vector_load %arg13[%get3A_991, %get3A_992] {strides = array<i32>} : memref<400x64xf32, #tpu.memory_space<vmem>>, vector<16xf32>,
        %mul3A_994 = arith.mulf %get3A_993, %gather3A_988 : vector<16xf32>
        %add3A_995 = arith.addf %add3A_963, %mul3A_994 : vector<16xf32>
        %add3A_996 = arith.constant 28 : i32
        %add3A_997 = arith.addi %mul3A_89, %add3A_996 : i32
        %get3A_998 = arith.index_cast %add3A_997 : i32 to index
        %get3A_999 = arith.constant 16 : index
        %get3A_1000 = tpu.vector_load %arg13[%get3A_998, %get3A_999] {strides = array<i32>} : memref<400x64xf32, #tpu.memory_space<vmem>>, vector<16xf32>,
        %mul3A_1001 = arith.mulf %get3A_1000, %gather3A_988 : vector<16xf32>
        %add3A_1002 = arith.addf %add3A_970, %mul3A_1001 : vector<16xf32>
        %add3A_1003 = arith.constant 28 : i32
        %add3A_1004 = arith.addi %mul3A_89, %add3A_1003 : i32
        %get3A_1005 = arith.index_cast %add3A_1004 : i32 to index
        %get3A_1006 = arith.constant 32 : index
        %get3A_1007 = tpu.vector_load %arg13[%get3A_1005, %get3A_1006] {strides = array<i32>} : memref<400x64xf32, #tpu.memory_space<vmem>>, vector<16xf32>,
        %mul3A_1008 = arith.mulf %get3A_1007, %gather3A_988 : vector<16xf32>
        %add3A_1009 = arith.addf %add3A_977, %mul3A_1008 : vector<16xf32>
        %add3A_1010 = arith.constant 28 : i32
        %add3A_1011 = arith.addi %mul3A_89, %add3A_1010 : i32
        %get3A_1012 = arith.index_cast %add3A_1011 : i32 to index
        %get3A_1013 = arith.constant 48 : index
        %get3A_1014 = tpu.vector_load %arg13[%get3A_1012, %get3A_1013] {strides = array<i32>} : memref<400x64xf32, #tpu.memory_space<vmem>>, vector<16xf32>,
        %mul3A_1015 = arith.mulf %get3A_1014, %gather3A_988 : vector<16xf32>
        %add3A_1016 = arith.addf %add3A_984, %mul3A_1015 : vector<16xf32>
        %add3A_1017 = arith.constant 29 : i32
        %add3A_1018 = vector.broadcast %add3A_1017 : i32 to vector<16xi32>
        %add3A_1019 = arith.addi %broadcast_in_dim3A_87, %add3A_1018 : vector<16xi32>
        %gather3A_1020 = tpu.vector_load_idx %arg11[%add3A_1019] : memref<6400xf32, #tpu.memory_space<vmem>>[vector<16xi32>], vector<16xf32>,
        %add3A_1021 = arith.constant 29 : i32
        %add3A_1022 = arith.addi %mul3A_89, %add3A_1021 : i32
        %get3A_1023 = arith.index_cast %add3A_1022 : i32 to index
        %get3A_1024 = arith.constant 0 : index
        %get3A_1025 = tpu.vector_load %arg13[%get3A_1023, %get3A_1024] {strides = array<i32>} : memref<400x64xf32, #tpu.memory_space<vmem>>, vector<16xf32>,
        %mul3A_1026 = arith.mulf %get3A_1025, %gather3A_1020 : vector<16xf32>
        %add3A_1027 = arith.addf %add3A_995, %mul3A_1026 : vector<16xf32>
        %add3A_1028 = arith.constant 29 : i32
        %add3A_1029 = arith.addi %mul3A_89, %add3A_1028 : i32
        %get3A_1030 = arith.index_cast %add3A_1029 : i32 to index
        %get3A_1031 = arith.constant 16 : index
        %get3A_1032 = tpu.vector_load %arg13[%get3A_1030, %get3A_1031] {strides = array<i32>} : memref<400x64xf32, #tpu.memory_space<vmem>>, vector<16xf32>,
        %mul3A_1033 = arith.mulf %get3A_1032, %gather3A_1020 : vector<16xf32>
        %add3A_1034 = arith.addf %add3A_1002, %mul3A_1033 : vector<16xf32>
        %add3A_1035 = arith.constant 29 : i32
        %add3A_1036 = arith.addi %mul3A_89, %add3A_1035 : i32
        %get3A_1037 = arith.index_cast %add3A_1036 : i32 to index
        %get3A_1038 = arith.constant 32 : index
        %get3A_1039 = tpu.vector_load %arg13[%get3A_1037, %get3A_1038] {strides = array<i32>} : memref<400x64xf32, #tpu.memory_space<vmem>>, vector<16xf32>,
        %mul3A_1040 = arith.mulf %get3A_1039, %gather3A_1020 : vector<16xf32>
        %add3A_1041 = arith.addf %add3A_1009, %mul3A_1040 : vector<16xf32>
        %add3A_1042 = arith.constant 29 : i32
        %add3A_1043 = arith.addi %mul3A_89, %add3A_1042 : i32
        %get3A_1044 = arith.index_cast %add3A_1043 : i32 to index
        %get3A_1045 = arith.constant 48 : index
        %get3A_1046 = tpu.vector_load %arg13[%get3A_1044, %get3A_1045] {strides = array<i32>} : memref<400x64xf32, #tpu.memory_space<vmem>>, vector<16xf32>,
        %mul3A_1047 = arith.mulf %get3A_1046, %gather3A_1020 : vector<16xf32>
        %add3A_1048 = arith.addf %add3A_1016, %mul3A_1047 : vector<16xf32>
        %add3A_1049 = arith.constant 30 : i32
        %add3A_1050 = vector.broadcast %add3A_1049 : i32 to vector<16xi32>
        %add3A_1051 = arith.addi %broadcast_in_dim3A_87, %add3A_1050 : vector<16xi32>
        %gather3A_1052 = tpu.vector_load_idx %arg11[%add3A_1051] : memref<6400xf32, #tpu.memory_space<vmem>>[vector<16xi32>], vector<16xf32>,
        %add3A_1053 = arith.constant 30 : i32
        %add3A_1054 = arith.addi %mul3A_89, %add3A_1053 : i32
        %get3A_1055 = arith.index_cast %add3A_1054 : i32 to index
        %get3A_1056 = arith.constant 0 : index
        %get3A_1057 = tpu.vector_load %arg13[%get3A_1055, %get3A_1056] {strides = array<i32>} : memref<400x64xf32, #tpu.memory_space<vmem>>, vector<16xf32>,
        %mul3A_1058 = arith.mulf %get3A_1057, %gather3A_1052 : vector<16xf32>
        %add3A_1059 = arith.addf %add3A_1027, %mul3A_1058 : vector<16xf32>
        %add3A_1060 = arith.constant 30 : i32
        %add3A_1061 = arith.addi %mul3A_89, %add3A_1060 : i32
        %get3A_1062 = arith.index_cast %add3A_1061 : i32 to index
        %get3A_1063 = arith.constant 16 : index
        %get3A_1064 = tpu.vector_load %arg13[%get3A_1062, %get3A_1063] {strides = array<i32>} : memref<400x64xf32, #tpu.memory_space<vmem>>, vector<16xf32>,
        %mul3A_1065 = arith.mulf %get3A_1064, %gather3A_1052 : vector<16xf32>
        %add3A_1066 = arith.addf %add3A_1034, %mul3A_1065 : vector<16xf32>
        %add3A_1067 = arith.constant 30 : i32
        %add3A_1068 = arith.addi %mul3A_89, %add3A_1067 : i32
        %get3A_1069 = arith.index_cast %add3A_1068 : i32 to index
        %get3A_1070 = arith.constant 32 : index
        %get3A_1071 = tpu.vector_load %arg13[%get3A_1069, %get3A_1070] {strides = array<i32>} : memref<400x64xf32, #tpu.memory_space<vmem>>, vector<16xf32>,
        %mul3A_1072 = arith.mulf %get3A_1071, %gather3A_1052 : vector<16xf32>
        %add3A_1073 = arith.addf %add3A_1041, %mul3A_1072 : vector<16xf32>
        %add3A_1074 = arith.constant 30 : i32
        %add3A_1075 = arith.addi %mul3A_89, %add3A_1074 : i32
        %get3A_1076 = arith.index_cast %add3A_1075 : i32 to index
        %get3A_1077 = arith.constant 48 : index
        %get3A_1078 = tpu.vector_load %arg13[%get3A_1076, %get3A_1077] {strides = array<i32>} : memref<400x64xf32, #tpu.memory_space<vmem>>, vector<16xf32>,
        %mul3A_1079 = arith.mulf %get3A_1078, %gather3A_1052 : vector<16xf32>
        %add3A_1080 = arith.addf %add3A_1048, %mul3A_1079 : vector<16xf32>
        %add3A_1081 = arith.constant 31 : i32
        %add3A_1082 = vector.broadcast %add3A_1081 : i32 to vector<16xi32>
        %add3A_1083 = arith.addi %broadcast_in_dim3A_87, %add3A_1082 : vector<16xi32>
        %gather3A_1084 = tpu.vector_load_idx %arg11[%add3A_1083] : memref<6400xf32, #tpu.memory_space<vmem>>[vector<16xi32>], vector<16xf32>,
        %add3A_1085 = arith.constant 31 : i32
        %add3A_1086 = arith.addi %mul3A_89, %add3A_1085 : i32
        %get3A_1087 = arith.index_cast %add3A_1086 : i32 to index
        %get3A_1088 = arith.constant 0 : index
        %get3A_1089 = tpu.vector_load %arg13[%get3A_1087, %get3A_1088] {strides = array<i32>} : memref<400x64xf32, #tpu.memory_space<vmem>>, vector<16xf32>,
        %mul3A_1090 = arith.mulf %get3A_1089, %gather3A_1084 : vector<16xf32>
        %add3A_1091 = arith.addf %add3A_1059, %mul3A_1090 : vector<16xf32>
        %add3A_1092 = arith.constant 31 : i32
        %add3A_1093 = arith.addi %mul3A_89, %add3A_1092 : i32
        %get3A_1094 = arith.index_cast %add3A_1093 : i32 to index
        %get3A_1095 = arith.constant 16 : index
        %get3A_1096 = tpu.vector_load %arg13[%get3A_1094, %get3A_1095] {strides = array<i32>} : memref<400x64xf32, #tpu.memory_space<vmem>>, vector<16xf32>,
        %mul3A_1097 = arith.mulf %get3A_1096, %gather3A_1084 : vector<16xf32>
        %add3A_1098 = arith.addf %add3A_1066, %mul3A_1097 : vector<16xf32>
        %add3A_1099 = arith.constant 31 : i32
        %add3A_1100 = arith.addi %mul3A_89, %add3A_1099 : i32
        %get3A_1101 = arith.index_cast %add3A_1100 : i32 to index
        %get3A_1102 = arith.constant 32 : index
        %get3A_1103 = tpu.vector_load %arg13[%get3A_1101, %get3A_1102] {strides = array<i32>} : memref<400x64xf32, #tpu.memory_space<vmem>>, vector<16xf32>,
        %mul3A_1104 = arith.mulf %get3A_1103, %gather3A_1084 : vector<16xf32>
        %add3A_1105 = arith.addf %add3A_1073, %mul3A_1104 : vector<16xf32>
        %add3A_1106 = arith.constant 31 : i32
        %add3A_1107 = arith.addi %mul3A_89, %add3A_1106 : i32
        %get3A_1108 = arith.index_cast %add3A_1107 : i32 to index
        %get3A_1109 = arith.constant 48 : index
        %get3A_1110 = tpu.vector_load %arg13[%get3A_1108, %get3A_1109] {strides = array<i32>} : memref<400x64xf32, #tpu.memory_space<vmem>>, vector<16xf32>,
        %mul3A_1111 = arith.mulf %get3A_1110, %gather3A_1084 : vector<16xf32>
        %add3A_1112 = arith.addf %add3A_1080, %mul3A_1111 : vector<16xf32>
        %add3A_1113 = arith.constant 32 : i32
        %add3A_1114 = vector.broadcast %add3A_1113 : i32 to vector<16xi32>
        %add3A_1115 = arith.addi %broadcast_in_dim3A_87, %add3A_1114 : vector<16xi32>
        %gather3A_1116 = tpu.vector_load_idx %arg11[%add3A_1115] : memref<6400xf32, #tpu.memory_space<vmem>>[vector<16xi32>], vector<16xf32>,
        %add3A_1117 = arith.constant 32 : i32
        %add3A_1118 = arith.addi %mul3A_89, %add3A_1117 : i32
        %get3A_1119 = arith.index_cast %add3A_1118 : i32 to index
        %get3A_1120 = arith.constant 0 : index
        %get3A_1121 = tpu.vector_load %arg13[%get3A_1119, %get3A_1120] {strides = array<i32>} : memref<400x64xf32, #tpu.memory_space<vmem>>, vector<16xf32>,
        %mul3A_1122 = arith.mulf %get3A_1121, %gather3A_1116 : vector<16xf32>
        %add3A_1123 = arith.addf %add3A_1091, %mul3A_1122 : vector<16xf32>
        %add3A_1124 = arith.constant 32 : i32
        %add3A_1125 = arith.addi %mul3A_89, %add3A_1124 : i32
        %get3A_1126 = arith.index_cast %add3A_1125 : i32 to index
        %get3A_1127 = arith.constant 16 : index
        %get3A_1128 = tpu.vector_load %arg13[%get3A_1126, %get3A_1127] {strides = array<i32>} : memref<400x64xf32, #tpu.memory_space<vmem>>, vector<16xf32>,
        %mul3A_1129 = arith.mulf %get3A_1128, %gather3A_1116 : vector<16xf32>
        %add3A_1130 = arith.addf %add3A_1098, %mul3A_1129 : vector<16xf32>
        %add3A_1131 = arith.constant 32 : i32
        %add3A_1132 = arith.addi %mul3A_89, %add3A_1131 : i32
        %get3A_1133 = arith.index_cast %add3A_1132 : i32 to index
        %get3A_1134 = arith.constant 32 : index
        %get3A_1135 = tpu.vector_load %arg13[%get3A_1133, %get3A_1134] {strides = array<i32>} : memref<400x64xf32, #tpu.memory_space<vmem>>, vector<16xf32>,
        %mul3A_1136 = arith.mulf %get3A_1135, %gather3A_1116 : vector<16xf32>
        %add3A_1137 = arith.addf %add3A_1105, %mul3A_1136 : vector<16xf32>
        %add3A_1138 = arith.constant 32 : i32
        %add3A_1139 = arith.addi %mul3A_89, %add3A_1138 : i32
        %get3A_1140 = arith.index_cast %add3A_1139 : i32 to index
        %get3A_1141 = arith.constant 48 : index
        %get3A_1142 = tpu.vector_load %arg13[%get3A_1140, %get3A_1141] {strides = array<i32>} : memref<400x64xf32, #tpu.memory_space<vmem>>, vector<16xf32>,
        %mul3A_1143 = arith.mulf %get3A_1142, %gather3A_1116 : vector<16xf32>
        %add3A_1144 = arith.addf %add3A_1112, %mul3A_1143 : vector<16xf32>
        %add3A_1145 = arith.constant 33 : i32
        %add3A_1146 = vector.broadcast %add3A_1145 : i32 to vector<16xi32>
        %add3A_1147 = arith.addi %broadcast_in_dim3A_87, %add3A_1146 : vector<16xi32>
        %gather3A_1148 = tpu.vector_load_idx %arg11[%add3A_1147] : memref<6400xf32, #tpu.memory_space<vmem>>[vector<16xi32>], vector<16xf32>,
        %add3A_1149 = arith.constant 33 : i32
        %add3A_1150 = arith.addi %mul3A_89, %add3A_1149 : i32
        %get3A_1151 = arith.index_cast %add3A_1150 : i32 to index
        %get3A_1152 = arith.constant 0 : index
        %get3A_1153 = tpu.vector_load %arg13[%get3A_1151, %get3A_1152] {strides = array<i32>} : memref<400x64xf32, #tpu.memory_space<vmem>>, vector<16xf32>,
        %mul3A_1154 = arith.mulf %get3A_1153, %gather3A_1148 : vector<16xf32>
        %add3A_1155 = arith.addf %add3A_1123, %mul3A_1154 : vector<16xf32>
        %add3A_1156 = arith.constant 33 : i32
        %add3A_1157 = arith.addi %mul3A_89, %add3A_1156 : i32
        %get3A_1158 = arith.index_cast %add3A_1157 : i32 to index
        %get3A_1159 = arith.constant 16 : index
        %get3A_1160 = tpu.vector_load %arg13[%get3A_1158, %get3A_1159] {strides = array<i32>} : memref<400x64xf32, #tpu.memory_space<vmem>>, vector<16xf32>,
        %mul3A_1161 = arith.mulf %get3A_1160, %gather3A_1148 : vector<16xf32>
        %add3A_1162 = arith.addf %add3A_1130, %mul3A_1161 : vector<16xf32>
        %add3A_1163 = arith.constant 33 : i32
        %add3A_1164 = arith.addi %mul3A_89, %add3A_1163 : i32
        %get3A_1165 = arith.index_cast %add3A_1164 : i32 to index
        %get3A_1166 = arith.constant 32 : index
        %get3A_1167 = tpu.vector_load %arg13[%get3A_1165, %get3A_1166] {strides = array<i32>} : memref<400x64xf32, #tpu.memory_space<vmem>>, vector<16xf32>,
        %mul3A_1168 = arith.mulf %get3A_1167, %gather3A_1148 : vector<16xf32>
        %add3A_1169 = arith.addf %add3A_1137, %mul3A_1168 : vector<16xf32>
        %add3A_1170 = arith.constant 33 : i32
        %add3A_1171 = arith.addi %mul3A_89, %add3A_1170 : i32
        %get3A_1172 = arith.index_cast %add3A_1171 : i32 to index
        %get3A_1173 = arith.constant 48 : index
        %get3A_1174 = tpu.vector_load %arg13[%get3A_1172, %get3A_1173] {strides = array<i32>} : memref<400x64xf32, #tpu.memory_space<vmem>>, vector<16xf32>,
        %mul3A_1175 = arith.mulf %get3A_1174, %gather3A_1148 : vector<16xf32>
        %add3A_1176 = arith.addf %add3A_1144, %mul3A_1175 : vector<16xf32>
        %add3A_1177 = arith.constant 34 : i32
        %add3A_1178 = vector.broadcast %add3A_1177 : i32 to vector<16xi32>
        %add3A_1179 = arith.addi %broadcast_in_dim3A_87, %add3A_1178 : vector<16xi32>
        %gather3A_1180 = tpu.vector_load_idx %arg11[%add3A_1179] : memref<6400xf32, #tpu.memory_space<vmem>>[vector<16xi32>], vector<16xf32>,
        %add3A_1181 = arith.constant 34 : i32
        %add3A_1182 = arith.addi %mul3A_89, %add3A_1181 : i32
        %get3A_1183 = arith.index_cast %add3A_1182 : i32 to index
        %get3A_1184 = arith.constant 0 : index
        %get3A_1185 = tpu.vector_load %arg13[%get3A_1183, %get3A_1184] {strides = array<i32>} : memref<400x64xf32, #tpu.memory_space<vmem>>, vector<16xf32>,
        %mul3A_1186 = arith.mulf %get3A_1185, %gather3A_1180 : vector<16xf32>
        %add3A_1187 = arith.addf %add3A_1155, %mul3A_1186 : vector<16xf32>
        %add3A_1188 = arith.constant 34 : i32
        %add3A_1189 = arith.addi %mul3A_89, %add3A_1188 : i32
        %get3A_1190 = arith.index_cast %add3A_1189 : i32 to index
        %get3A_1191 = arith.constant 16 : index
        %get3A_1192 = tpu.vector_load %arg13[%get3A_1190, %get3A_1191] {strides = array<i32>} : memref<400x64xf32, #tpu.memory_space<vmem>>, vector<16xf32>,
        %mul3A_1193 = arith.mulf %get3A_1192, %gather3A_1180 : vector<16xf32>
        %add3A_1194 = arith.addf %add3A_1162, %mul3A_1193 : vector<16xf32>
        %add3A_1195 = arith.constant 34 : i32
        %add3A_1196 = arith.addi %mul3A_89, %add3A_1195 : i32
        %get3A_1197 = arith.index_cast %add3A_1196 : i32 to index
        %get3A_1198 = arith.constant 32 : index
        %get3A_1199 = tpu.vector_load %arg13[%get3A_1197, %get3A_1198] {strides = array<i32>} : memref<400x64xf32, #tpu.memory_space<vmem>>, vector<16xf32>,
        %mul3A_1200 = arith.mulf %get3A_1199, %gather3A_1180 : vector<16xf32>
        %add3A_1201 = arith.addf %add3A_1169, %mul3A_1200 : vector<16xf32>
        %add3A_1202 = arith.constant 34 : i32
        %add3A_1203 = arith.addi %mul3A_89, %add3A_1202 : i32
        %get3A_1204 = arith.index_cast %add3A_1203 : i32 to index
        %get3A_1205 = arith.constant 48 : index
        %get3A_1206 = tpu.vector_load %arg13[%get3A_1204, %get3A_1205] {strides = array<i32>} : memref<400x64xf32, #tpu.memory_space<vmem>>, vector<16xf32>,
        %mul3A_1207 = arith.mulf %get3A_1206, %gather3A_1180 : vector<16xf32>
        %add3A_1208 = arith.addf %add3A_1176, %mul3A_1207 : vector<16xf32>
        %add3A_1209 = arith.constant 35 : i32
        %add3A_1210 = vector.broadcast %add3A_1209 : i32 to vector<16xi32>
        %add3A_1211 = arith.addi %broadcast_in_dim3A_87, %add3A_1210 : vector<16xi32>
        %gather3A_1212 = tpu.vector_load_idx %arg11[%add3A_1211] : memref<6400xf32, #tpu.memory_space<vmem>>[vector<16xi32>], vector<16xf32>,
        %add3A_1213 = arith.constant 35 : i32
        %add3A_1214 = arith.addi %mul3A_89, %add3A_1213 : i32
        %get3A_1215 = arith.index_cast %add3A_1214 : i32 to index
        %get3A_1216 = arith.constant 0 : index
        %get3A_1217 = tpu.vector_load %arg13[%get3A_1215, %get3A_1216] {strides = array<i32>} : memref<400x64xf32, #tpu.memory_space<vmem>>, vector<16xf32>,
        %mul3A_1218 = arith.mulf %get3A_1217, %gather3A_1212 : vector<16xf32>
        %add3A_1219 = arith.addf %add3A_1187, %mul3A_1218 : vector<16xf32>
        %add3A_1220 = arith.constant 35 : i32
        %add3A_1221 = arith.addi %mul3A_89, %add3A_1220 : i32
        %get3A_1222 = arith.index_cast %add3A_1221 : i32 to index
        %get3A_1223 = arith.constant 16 : index
        %get3A_1224 = tpu.vector_load %arg13[%get3A_1222, %get3A_1223] {strides = array<i32>} : memref<400x64xf32, #tpu.memory_space<vmem>>, vector<16xf32>,
        %mul3A_1225 = arith.mulf %get3A_1224, %gather3A_1212 : vector<16xf32>
        %add3A_1226 = arith.addf %add3A_1194, %mul3A_1225 : vector<16xf32>
        %add3A_1227 = arith.constant 35 : i32
        %add3A_1228 = arith.addi %mul3A_89, %add3A_1227 : i32
        %get3A_1229 = arith.index_cast %add3A_1228 : i32 to index
        %get3A_1230 = arith.constant 32 : index
        %get3A_1231 = tpu.vector_load %arg13[%get3A_1229, %get3A_1230] {strides = array<i32>} : memref<400x64xf32, #tpu.memory_space<vmem>>, vector<16xf32>,
        %mul3A_1232 = arith.mulf %get3A_1231, %gather3A_1212 : vector<16xf32>
        %add3A_1233 = arith.addf %add3A_1201, %mul3A_1232 : vector<16xf32>
        %add3A_1234 = arith.constant 35 : i32
        %add3A_1235 = arith.addi %mul3A_89, %add3A_1234 : i32
        %get3A_1236 = arith.index_cast %add3A_1235 : i32 to index
        %get3A_1237 = arith.constant 48 : index
        %get3A_1238 = tpu.vector_load %arg13[%get3A_1236, %get3A_1237] {strides = array<i32>} : memref<400x64xf32, #tpu.memory_space<vmem>>, vector<16xf32>,
        %mul3A_1239 = arith.mulf %get3A_1238, %gather3A_1212 : vector<16xf32>
        %add3A_1240 = arith.addf %add3A_1208, %mul3A_1239 : vector<16xf32>
        %add3A_1241 = arith.constant 36 : i32
        %add3A_1242 = vector.broadcast %add3A_1241 : i32 to vector<16xi32>
        %add3A_1243 = arith.addi %broadcast_in_dim3A_87, %add3A_1242 : vector<16xi32>
        %gather3A_1244 = tpu.vector_load_idx %arg11[%add3A_1243] : memref<6400xf32, #tpu.memory_space<vmem>>[vector<16xi32>], vector<16xf32>,
        %add3A_1245 = arith.constant 36 : i32
        %add3A_1246 = arith.addi %mul3A_89, %add3A_1245 : i32
        %get3A_1247 = arith.index_cast %add3A_1246 : i32 to index
        %get3A_1248 = arith.constant 0 : index
        %get3A_1249 = tpu.vector_load %arg13[%get3A_1247, %get3A_1248] {strides = array<i32>} : memref<400x64xf32, #tpu.memory_space<vmem>>, vector<16xf32>,
        %mul3A_1250 = arith.mulf %get3A_1249, %gather3A_1244 : vector<16xf32>
        %add3A_1251 = arith.addf %add3A_1219, %mul3A_1250 : vector<16xf32>
        %add3A_1252 = arith.constant 36 : i32
        %add3A_1253 = arith.addi %mul3A_89, %add3A_1252 : i32
        %get3A_1254 = arith.index_cast %add3A_1253 : i32 to index
        %get3A_1255 = arith.constant 16 : index
        %get3A_1256 = tpu.vector_load %arg13[%get3A_1254, %get3A_1255] {strides = array<i32>} : memref<400x64xf32, #tpu.memory_space<vmem>>, vector<16xf32>,
        %mul3A_1257 = arith.mulf %get3A_1256, %gather3A_1244 : vector<16xf32>
        %add3A_1258 = arith.addf %add3A_1226, %mul3A_1257 : vector<16xf32>
        %add3A_1259 = arith.constant 36 : i32
        %add3A_1260 = arith.addi %mul3A_89, %add3A_1259 : i32
        %get3A_1261 = arith.index_cast %add3A_1260 : i32 to index
        %get3A_1262 = arith.constant 32 : index
        %get3A_1263 = tpu.vector_load %arg13[%get3A_1261, %get3A_1262] {strides = array<i32>} : memref<400x64xf32, #tpu.memory_space<vmem>>, vector<16xf32>,
        %mul3A_1264 = arith.mulf %get3A_1263, %gather3A_1244 : vector<16xf32>
        %add3A_1265 = arith.addf %add3A_1233, %mul3A_1264 : vector<16xf32>
        %add3A_1266 = arith.constant 36 : i32
        %add3A_1267 = arith.addi %mul3A_89, %add3A_1266 : i32
        %get3A_1268 = arith.index_cast %add3A_1267 : i32 to index
        %get3A_1269 = arith.constant 48 : index
        %get3A_1270 = tpu.vector_load %arg13[%get3A_1268, %get3A_1269] {strides = array<i32>} : memref<400x64xf32, #tpu.memory_space<vmem>>, vector<16xf32>,
        %mul3A_1271 = arith.mulf %get3A_1270, %gather3A_1244 : vector<16xf32>
        %add3A_1272 = arith.addf %add3A_1240, %mul3A_1271 : vector<16xf32>
        %add3A_1273 = arith.constant 37 : i32
        %add3A_1274 = vector.broadcast %add3A_1273 : i32 to vector<16xi32>
        %add3A_1275 = arith.addi %broadcast_in_dim3A_87, %add3A_1274 : vector<16xi32>
        %gather3A_1276 = tpu.vector_load_idx %arg11[%add3A_1275] : memref<6400xf32, #tpu.memory_space<vmem>>[vector<16xi32>], vector<16xf32>,
        %add3A_1277 = arith.constant 37 : i32
        %add3A_1278 = arith.addi %mul3A_89, %add3A_1277 : i32
        %get3A_1279 = arith.index_cast %add3A_1278 : i32 to index
        %get3A_1280 = arith.constant 0 : index
        %get3A_1281 = tpu.vector_load %arg13[%get3A_1279, %get3A_1280] {strides = array<i32>} : memref<400x64xf32, #tpu.memory_space<vmem>>, vector<16xf32>,
        %mul3A_1282 = arith.mulf %get3A_1281, %gather3A_1276 : vector<16xf32>
        %add3A_1283 = arith.addf %add3A_1251, %mul3A_1282 : vector<16xf32>
        %add3A_1284 = arith.constant 37 : i32
        %add3A_1285 = arith.addi %mul3A_89, %add3A_1284 : i32
        %get3A_1286 = arith.index_cast %add3A_1285 : i32 to index
        %get3A_1287 = arith.constant 16 : index
        %get3A_1288 = tpu.vector_load %arg13[%get3A_1286, %get3A_1287] {strides = array<i32>} : memref<400x64xf32, #tpu.memory_space<vmem>>, vector<16xf32>,
        %mul3A_1289 = arith.mulf %get3A_1288, %gather3A_1276 : vector<16xf32>
        %add3A_1290 = arith.addf %add3A_1258, %mul3A_1289 : vector<16xf32>
        %add3A_1291 = arith.constant 37 : i32
        %add3A_1292 = arith.addi %mul3A_89, %add3A_1291 : i32
        %get3A_1293 = arith.index_cast %add3A_1292 : i32 to index
        %get3A_1294 = arith.constant 32 : index
        %get3A_1295 = tpu.vector_load %arg13[%get3A_1293, %get3A_1294] {strides = array<i32>} : memref<400x64xf32, #tpu.memory_space<vmem>>, vector<16xf32>,
        %mul3A_1296 = arith.mulf %get3A_1295, %gather3A_1276 : vector<16xf32>
        %add3A_1297 = arith.addf %add3A_1265, %mul3A_1296 : vector<16xf32>
        %add3A_1298 = arith.constant 37 : i32
        %add3A_1299 = arith.addi %mul3A_89, %add3A_1298 : i32
        %get3A_1300 = arith.index_cast %add3A_1299 : i32 to index
        %get3A_1301 = arith.constant 48 : index
        %get3A_1302 = tpu.vector_load %arg13[%get3A_1300, %get3A_1301] {strides = array<i32>} : memref<400x64xf32, #tpu.memory_space<vmem>>, vector<16xf32>,
        %mul3A_1303 = arith.mulf %get3A_1302, %gather3A_1276 : vector<16xf32>
        %add3A_1304 = arith.addf %add3A_1272, %mul3A_1303 : vector<16xf32>
        %add3A_1305 = arith.constant 38 : i32
        %add3A_1306 = vector.broadcast %add3A_1305 : i32 to vector<16xi32>
        %add3A_1307 = arith.addi %broadcast_in_dim3A_87, %add3A_1306 : vector<16xi32>
        %gather3A_1308 = tpu.vector_load_idx %arg11[%add3A_1307] : memref<6400xf32, #tpu.memory_space<vmem>>[vector<16xi32>], vector<16xf32>,
        %add3A_1309 = arith.constant 38 : i32
        %add3A_1310 = arith.addi %mul3A_89, %add3A_1309 : i32
        %get3A_1311 = arith.index_cast %add3A_1310 : i32 to index
        %get3A_1312 = arith.constant 0 : index
        %get3A_1313 = tpu.vector_load %arg13[%get3A_1311, %get3A_1312] {strides = array<i32>} : memref<400x64xf32, #tpu.memory_space<vmem>>, vector<16xf32>,
        %mul3A_1314 = arith.mulf %get3A_1313, %gather3A_1308 : vector<16xf32>
        %add3A_1315 = arith.addf %add3A_1283, %mul3A_1314 : vector<16xf32>
        %add3A_1316 = arith.constant 38 : i32
        %add3A_1317 = arith.addi %mul3A_89, %add3A_1316 : i32
        %get3A_1318 = arith.index_cast %add3A_1317 : i32 to index
        %get3A_1319 = arith.constant 16 : index
        %get3A_1320 = tpu.vector_load %arg13[%get3A_1318, %get3A_1319] {strides = array<i32>} : memref<400x64xf32, #tpu.memory_space<vmem>>, vector<16xf32>,
        %mul3A_1321 = arith.mulf %get3A_1320, %gather3A_1308 : vector<16xf32>
        %add3A_1322 = arith.addf %add3A_1290, %mul3A_1321 : vector<16xf32>
        %add3A_1323 = arith.constant 38 : i32
        %add3A_1324 = arith.addi %mul3A_89, %add3A_1323 : i32
        %get3A_1325 = arith.index_cast %add3A_1324 : i32 to index
        %get3A_1326 = arith.constant 32 : index
        %get3A_1327 = tpu.vector_load %arg13[%get3A_1325, %get3A_1326] {strides = array<i32>} : memref<400x64xf32, #tpu.memory_space<vmem>>, vector<16xf32>,
        %mul3A_1328 = arith.mulf %get3A_1327, %gather3A_1308 : vector<16xf32>
        %add3A_1329 = arith.addf %add3A_1297, %mul3A_1328 : vector<16xf32>
        %add3A_1330 = arith.constant 38 : i32
        %add3A_1331 = arith.addi %mul3A_89, %add3A_1330 : i32
        %get3A_1332 = arith.index_cast %add3A_1331 : i32 to index
        %get3A_1333 = arith.constant 48 : index
        %get3A_1334 = tpu.vector_load %arg13[%get3A_1332, %get3A_1333] {strides = array<i32>} : memref<400x64xf32, #tpu.memory_space<vmem>>, vector<16xf32>,
        %mul3A_1335 = arith.mulf %get3A_1334, %gather3A_1308 : vector<16xf32>
        %add3A_1336 = arith.addf %add3A_1304, %mul3A_1335 : vector<16xf32>
        %add3A_1337 = arith.constant 39 : i32
        %add3A_1338 = vector.broadcast %add3A_1337 : i32 to vector<16xi32>
        %add3A_1339 = arith.addi %broadcast_in_dim3A_87, %add3A_1338 : vector<16xi32>
        %gather3A_1340 = tpu.vector_load_idx %arg11[%add3A_1339] : memref<6400xf32, #tpu.memory_space<vmem>>[vector<16xi32>], vector<16xf32>,
        %add3A_1341 = arith.constant 39 : i32
        %add3A_1342 = arith.addi %mul3A_89, %add3A_1341 : i32
        %get3A_1343 = arith.index_cast %add3A_1342 : i32 to index
        %get3A_1344 = arith.constant 0 : index
        %get3A_1345 = tpu.vector_load %arg13[%get3A_1343, %get3A_1344] {strides = array<i32>} : memref<400x64xf32, #tpu.memory_space<vmem>>, vector<16xf32>,
        %mul3A_1346 = arith.mulf %get3A_1345, %gather3A_1340 : vector<16xf32>
        %add3A_1347 = arith.addf %add3A_1315, %mul3A_1346 : vector<16xf32>
        %add3A_1348 = arith.constant 39 : i32
        %add3A_1349 = arith.addi %mul3A_89, %add3A_1348 : i32
        %get3A_1350 = arith.index_cast %add3A_1349 : i32 to index
        %get3A_1351 = arith.constant 16 : index
        %get3A_1352 = tpu.vector_load %arg13[%get3A_1350, %get3A_1351] {strides = array<i32>} : memref<400x64xf32, #tpu.memory_space<vmem>>, vector<16xf32>,
        %mul3A_1353 = arith.mulf %get3A_1352, %gather3A_1340 : vector<16xf32>
        %add3A_1354 = arith.addf %add3A_1322, %mul3A_1353 : vector<16xf32>
        %add3A_1355 = arith.constant 39 : i32
        %add3A_1356 = arith.addi %mul3A_89, %add3A_1355 : i32
        %get3A_1357 = arith.index_cast %add3A_1356 : i32 to index
        %get3A_1358 = arith.constant 32 : index
        %get3A_1359 = tpu.vector_load %arg13[%get3A_1357, %get3A_1358] {strides = array<i32>} : memref<400x64xf32, #tpu.memory_space<vmem>>, vector<16xf32>,
        %mul3A_1360 = arith.mulf %get3A_1359, %gather3A_1340 : vector<16xf32>
        %add3A_1361 = arith.addf %add3A_1329, %mul3A_1360 : vector<16xf32>
        %add3A_1362 = arith.constant 39 : i32
        %add3A_1363 = arith.addi %mul3A_89, %add3A_1362 : i32
        %get3A_1364 = arith.index_cast %add3A_1363 : i32 to index
        %get3A_1365 = arith.constant 48 : index
        %get3A_1366 = tpu.vector_load %arg13[%get3A_1364, %get3A_1365] {strides = array<i32>} : memref<400x64xf32, #tpu.memory_space<vmem>>, vector<16xf32>,
        %mul3A_1367 = arith.mulf %get3A_1366, %gather3A_1340 : vector<16xf32>
        %add3A_1368 = arith.addf %add3A_1336, %mul3A_1367 : vector<16xf32>
        %add3A_1369 = arith.constant 40 : i32
        %add3A_1370 = vector.broadcast %add3A_1369 : i32 to vector<16xi32>
        %add3A_1371 = arith.addi %broadcast_in_dim3A_87, %add3A_1370 : vector<16xi32>
        %gather3A_1372 = tpu.vector_load_idx %arg11[%add3A_1371] : memref<6400xf32, #tpu.memory_space<vmem>>[vector<16xi32>], vector<16xf32>,
        %add3A_1373 = arith.constant 40 : i32
        %add3A_1374 = arith.addi %mul3A_89, %add3A_1373 : i32
        %get3A_1375 = arith.index_cast %add3A_1374 : i32 to index
        %get3A_1376 = arith.constant 0 : index
        %get3A_1377 = tpu.vector_load %arg13[%get3A_1375, %get3A_1376] {strides = array<i32>} : memref<400x64xf32, #tpu.memory_space<vmem>>, vector<16xf32>,
        %mul3A_1378 = arith.mulf %get3A_1377, %gather3A_1372 : vector<16xf32>
        %add3A_1379 = arith.addf %add3A_1347, %mul3A_1378 : vector<16xf32>
        %add3A_1380 = arith.constant 40 : i32
        %add3A_1381 = arith.addi %mul3A_89, %add3A_1380 : i32
        %get3A_1382 = arith.index_cast %add3A_1381 : i32 to index
        %get3A_1383 = arith.constant 16 : index
        %get3A_1384 = tpu.vector_load %arg13[%get3A_1382, %get3A_1383] {strides = array<i32>} : memref<400x64xf32, #tpu.memory_space<vmem>>, vector<16xf32>,
        %mul3A_1385 = arith.mulf %get3A_1384, %gather3A_1372 : vector<16xf32>
        %add3A_1386 = arith.addf %add3A_1354, %mul3A_1385 : vector<16xf32>
        %add3A_1387 = arith.constant 40 : i32
        %add3A_1388 = arith.addi %mul3A_89, %add3A_1387 : i32
        %get3A_1389 = arith.index_cast %add3A_1388 : i32 to index
        %get3A_1390 = arith.constant 32 : index
        %get3A_1391 = tpu.vector_load %arg13[%get3A_1389, %get3A_1390] {strides = array<i32>} : memref<400x64xf32, #tpu.memory_space<vmem>>, vector<16xf32>,
        %mul3A_1392 = arith.mulf %get3A_1391, %gather3A_1372 : vector<16xf32>
        %add3A_1393 = arith.addf %add3A_1361, %mul3A_1392 : vector<16xf32>
        %add3A_1394 = arith.constant 40 : i32
        %add3A_1395 = arith.addi %mul3A_89, %add3A_1394 : i32
        %get3A_1396 = arith.index_cast %add3A_1395 : i32 to index
        %get3A_1397 = arith.constant 48 : index
        %get3A_1398 = tpu.vector_load %arg13[%get3A_1396, %get3A_1397] {strides = array<i32>} : memref<400x64xf32, #tpu.memory_space<vmem>>, vector<16xf32>,
        %mul3A_1399 = arith.mulf %get3A_1398, %gather3A_1372 : vector<16xf32>
        %add3A_1400 = arith.addf %add3A_1368, %mul3A_1399 : vector<16xf32>
        %add3A_1401 = arith.constant 41 : i32
        %add3A_1402 = vector.broadcast %add3A_1401 : i32 to vector<16xi32>
        %add3A_1403 = arith.addi %broadcast_in_dim3A_87, %add3A_1402 : vector<16xi32>
        %gather3A_1404 = tpu.vector_load_idx %arg11[%add3A_1403] : memref<6400xf32, #tpu.memory_space<vmem>>[vector<16xi32>], vector<16xf32>,
        %add3A_1405 = arith.constant 41 : i32
        %add3A_1406 = arith.addi %mul3A_89, %add3A_1405 : i32
        %get3A_1407 = arith.index_cast %add3A_1406 : i32 to index
        %get3A_1408 = arith.constant 0 : index
        %get3A_1409 = tpu.vector_load %arg13[%get3A_1407, %get3A_1408] {strides = array<i32>} : memref<400x64xf32, #tpu.memory_space<vmem>>, vector<16xf32>,
        %mul3A_1410 = arith.mulf %get3A_1409, %gather3A_1404 : vector<16xf32>
        %add3A_1411 = arith.addf %add3A_1379, %mul3A_1410 : vector<16xf32>
        %add3A_1412 = arith.constant 41 : i32
        %add3A_1413 = arith.addi %mul3A_89, %add3A_1412 : i32
        %get3A_1414 = arith.index_cast %add3A_1413 : i32 to index
        %get3A_1415 = arith.constant 16 : index
        %get3A_1416 = tpu.vector_load %arg13[%get3A_1414, %get3A_1415] {strides = array<i32>} : memref<400x64xf32, #tpu.memory_space<vmem>>, vector<16xf32>,
        %mul3A_1417 = arith.mulf %get3A_1416, %gather3A_1404 : vector<16xf32>
        %add3A_1418 = arith.addf %add3A_1386, %mul3A_1417 : vector<16xf32>
        %add3A_1419 = arith.constant 41 : i32
        %add3A_1420 = arith.addi %mul3A_89, %add3A_1419 : i32
        %get3A_1421 = arith.index_cast %add3A_1420 : i32 to index
        %get3A_1422 = arith.constant 32 : index
        %get3A_1423 = tpu.vector_load %arg13[%get3A_1421, %get3A_1422] {strides = array<i32>} : memref<400x64xf32, #tpu.memory_space<vmem>>, vector<16xf32>,
        %mul3A_1424 = arith.mulf %get3A_1423, %gather3A_1404 : vector<16xf32>
        %add3A_1425 = arith.addf %add3A_1393, %mul3A_1424 : vector<16xf32>
        %add3A_1426 = arith.constant 41 : i32
        %add3A_1427 = arith.addi %mul3A_89, %add3A_1426 : i32
        %get3A_1428 = arith.index_cast %add3A_1427 : i32 to index
        %get3A_1429 = arith.constant 48 : index
        %get3A_1430 = tpu.vector_load %arg13[%get3A_1428, %get3A_1429] {strides = array<i32>} : memref<400x64xf32, #tpu.memory_space<vmem>>, vector<16xf32>,
        %mul3A_1431 = arith.mulf %get3A_1430, %gather3A_1404 : vector<16xf32>
        %add3A_1432 = arith.addf %add3A_1400, %mul3A_1431 : vector<16xf32>
        %add3A_1433 = arith.constant 42 : i32
        %add3A_1434 = vector.broadcast %add3A_1433 : i32 to vector<16xi32>
        %add3A_1435 = arith.addi %broadcast_in_dim3A_87, %add3A_1434 : vector<16xi32>
        %gather3A_1436 = tpu.vector_load_idx %arg11[%add3A_1435] : memref<6400xf32, #tpu.memory_space<vmem>>[vector<16xi32>], vector<16xf32>,
        %add3A_1437 = arith.constant 42 : i32
        %add3A_1438 = arith.addi %mul3A_89, %add3A_1437 : i32
        %get3A_1439 = arith.index_cast %add3A_1438 : i32 to index
        %get3A_1440 = arith.constant 0 : index
        %get3A_1441 = tpu.vector_load %arg13[%get3A_1439, %get3A_1440] {strides = array<i32>} : memref<400x64xf32, #tpu.memory_space<vmem>>, vector<16xf32>,
        %mul3A_1442 = arith.mulf %get3A_1441, %gather3A_1436 : vector<16xf32>
        %add3A_1443 = arith.addf %add3A_1411, %mul3A_1442 : vector<16xf32>
        %add3A_1444 = arith.constant 42 : i32
        %add3A_1445 = arith.addi %mul3A_89, %add3A_1444 : i32
        %get3A_1446 = arith.index_cast %add3A_1445 : i32 to index
        %get3A_1447 = arith.constant 16 : index
        %get3A_1448 = tpu.vector_load %arg13[%get3A_1446, %get3A_1447] {strides = array<i32>} : memref<400x64xf32, #tpu.memory_space<vmem>>, vector<16xf32>,
        %mul3A_1449 = arith.mulf %get3A_1448, %gather3A_1436 : vector<16xf32>
        %add3A_1450 = arith.addf %add3A_1418, %mul3A_1449 : vector<16xf32>
        %add3A_1451 = arith.constant 42 : i32
        %add3A_1452 = arith.addi %mul3A_89, %add3A_1451 : i32
        %get3A_1453 = arith.index_cast %add3A_1452 : i32 to index
        %get3A_1454 = arith.constant 32 : index
        %get3A_1455 = tpu.vector_load %arg13[%get3A_1453, %get3A_1454] {strides = array<i32>} : memref<400x64xf32, #tpu.memory_space<vmem>>, vector<16xf32>,
        %mul3A_1456 = arith.mulf %get3A_1455, %gather3A_1436 : vector<16xf32>
        %add3A_1457 = arith.addf %add3A_1425, %mul3A_1456 : vector<16xf32>
        %add3A_1458 = arith.constant 42 : i32
        %add3A_1459 = arith.addi %mul3A_89, %add3A_1458 : i32
        %get3A_1460 = arith.index_cast %add3A_1459 : i32 to index
        %get3A_1461 = arith.constant 48 : index
        %get3A_1462 = tpu.vector_load %arg13[%get3A_1460, %get3A_1461] {strides = array<i32>} : memref<400x64xf32, #tpu.memory_space<vmem>>, vector<16xf32>,
        %mul3A_1463 = arith.mulf %get3A_1462, %gather3A_1436 : vector<16xf32>
        %add3A_1464 = arith.addf %add3A_1432, %mul3A_1463 : vector<16xf32>
        %add3A_1465 = arith.constant 43 : i32
        %add3A_1466 = vector.broadcast %add3A_1465 : i32 to vector<16xi32>
        %add3A_1467 = arith.addi %broadcast_in_dim3A_87, %add3A_1466 : vector<16xi32>
        %gather3A_1468 = tpu.vector_load_idx %arg11[%add3A_1467] : memref<6400xf32, #tpu.memory_space<vmem>>[vector<16xi32>], vector<16xf32>,
        %add3A_1469 = arith.constant 43 : i32
        %add3A_1470 = arith.addi %mul3A_89, %add3A_1469 : i32
        %get3A_1471 = arith.index_cast %add3A_1470 : i32 to index
        %get3A_1472 = arith.constant 0 : index
        %get3A_1473 = tpu.vector_load %arg13[%get3A_1471, %get3A_1472] {strides = array<i32>} : memref<400x64xf32, #tpu.memory_space<vmem>>, vector<16xf32>,
        %mul3A_1474 = arith.mulf %get3A_1473, %gather3A_1468 : vector<16xf32>
        %add3A_1475 = arith.addf %add3A_1443, %mul3A_1474 : vector<16xf32>
        %add3A_1476 = arith.constant 43 : i32
        %add3A_1477 = arith.addi %mul3A_89, %add3A_1476 : i32
        %get3A_1478 = arith.index_cast %add3A_1477 : i32 to index
        %get3A_1479 = arith.constant 16 : index
        %get3A_1480 = tpu.vector_load %arg13[%get3A_1478, %get3A_1479] {strides = array<i32>} : memref<400x64xf32, #tpu.memory_space<vmem>>, vector<16xf32>,
        %mul3A_1481 = arith.mulf %get3A_1480, %gather3A_1468 : vector<16xf32>
        %add3A_1482 = arith.addf %add3A_1450, %mul3A_1481 : vector<16xf32>
        %add3A_1483 = arith.constant 43 : i32
        %add3A_1484 = arith.addi %mul3A_89, %add3A_1483 : i32
        %get3A_1485 = arith.index_cast %add3A_1484 : i32 to index
        %get3A_1486 = arith.constant 32 : index
        %get3A_1487 = tpu.vector_load %arg13[%get3A_1485, %get3A_1486] {strides = array<i32>} : memref<400x64xf32, #tpu.memory_space<vmem>>, vector<16xf32>,
        %mul3A_1488 = arith.mulf %get3A_1487, %gather3A_1468 : vector<16xf32>
        %add3A_1489 = arith.addf %add3A_1457, %mul3A_1488 : vector<16xf32>
        %add3A_1490 = arith.constant 43 : i32
        %add3A_1491 = arith.addi %mul3A_89, %add3A_1490 : i32
        %get3A_1492 = arith.index_cast %add3A_1491 : i32 to index
        %get3A_1493 = arith.constant 48 : index
        %get3A_1494 = tpu.vector_load %arg13[%get3A_1492, %get3A_1493] {strides = array<i32>} : memref<400x64xf32, #tpu.memory_space<vmem>>, vector<16xf32>,
        %mul3A_1495 = arith.mulf %get3A_1494, %gather3A_1468 : vector<16xf32>
        %add3A_1496 = arith.addf %add3A_1464, %mul3A_1495 : vector<16xf32>
        %add3A_1497 = arith.constant 44 : i32
        %add3A_1498 = vector.broadcast %add3A_1497 : i32 to vector<16xi32>
        %add3A_1499 = arith.addi %broadcast_in_dim3A_87, %add3A_1498 : vector<16xi32>
        %gather3A_1500 = tpu.vector_load_idx %arg11[%add3A_1499] : memref<6400xf32, #tpu.memory_space<vmem>>[vector<16xi32>], vector<16xf32>,
        %add3A_1501 = arith.constant 44 : i32
        %add3A_1502 = arith.addi %mul3A_89, %add3A_1501 : i32
        %get3A_1503 = arith.index_cast %add3A_1502 : i32 to index
        %get3A_1504 = arith.constant 0 : index
        %get3A_1505 = tpu.vector_load %arg13[%get3A_1503, %get3A_1504] {strides = array<i32>} : memref<400x64xf32, #tpu.memory_space<vmem>>, vector<16xf32>,
        %mul3A_1506 = arith.mulf %get3A_1505, %gather3A_1500 : vector<16xf32>
        %add3A_1507 = arith.addf %add3A_1475, %mul3A_1506 : vector<16xf32>
        %add3A_1508 = arith.constant 44 : i32
        %add3A_1509 = arith.addi %mul3A_89, %add3A_1508 : i32
        %get3A_1510 = arith.index_cast %add3A_1509 : i32 to index
        %get3A_1511 = arith.constant 16 : index
        %get3A_1512 = tpu.vector_load %arg13[%get3A_1510, %get3A_1511] {strides = array<i32>} : memref<400x64xf32, #tpu.memory_space<vmem>>, vector<16xf32>,
        %mul3A_1513 = arith.mulf %get3A_1512, %gather3A_1500 : vector<16xf32>
        %add3A_1514 = arith.addf %add3A_1482, %mul3A_1513 : vector<16xf32>
        %add3A_1515 = arith.constant 44 : i32
        %add3A_1516 = arith.addi %mul3A_89, %add3A_1515 : i32
        %get3A_1517 = arith.index_cast %add3A_1516 : i32 to index
        %get3A_1518 = arith.constant 32 : index
        %get3A_1519 = tpu.vector_load %arg13[%get3A_1517, %get3A_1518] {strides = array<i32>} : memref<400x64xf32, #tpu.memory_space<vmem>>, vector<16xf32>,
        %mul3A_1520 = arith.mulf %get3A_1519, %gather3A_1500 : vector<16xf32>
        %add3A_1521 = arith.addf %add3A_1489, %mul3A_1520 : vector<16xf32>
        %add3A_1522 = arith.constant 44 : i32
        %add3A_1523 = arith.addi %mul3A_89, %add3A_1522 : i32
        %get3A_1524 = arith.index_cast %add3A_1523 : i32 to index
        %get3A_1525 = arith.constant 48 : index
        %get3A_1526 = tpu.vector_load %arg13[%get3A_1524, %get3A_1525] {strides = array<i32>} : memref<400x64xf32, #tpu.memory_space<vmem>>, vector<16xf32>,
        %mul3A_1527 = arith.mulf %get3A_1526, %gather3A_1500 : vector<16xf32>
        %add3A_1528 = arith.addf %add3A_1496, %mul3A_1527 : vector<16xf32>
        %add3A_1529 = arith.constant 45 : i32
        %add3A_1530 = vector.broadcast %add3A_1529 : i32 to vector<16xi32>
        %add3A_1531 = arith.addi %broadcast_in_dim3A_87, %add3A_1530 : vector<16xi32>
        %gather3A_1532 = tpu.vector_load_idx %arg11[%add3A_1531] : memref<6400xf32, #tpu.memory_space<vmem>>[vector<16xi32>], vector<16xf32>,
        %add3A_1533 = arith.constant 45 : i32
        %add3A_1534 = arith.addi %mul3A_89, %add3A_1533 : i32
        %get3A_1535 = arith.index_cast %add3A_1534 : i32 to index
        %get3A_1536 = arith.constant 0 : index
        %get3A_1537 = tpu.vector_load %arg13[%get3A_1535, %get3A_1536] {strides = array<i32>} : memref<400x64xf32, #tpu.memory_space<vmem>>, vector<16xf32>,
        %mul3A_1538 = arith.mulf %get3A_1537, %gather3A_1532 : vector<16xf32>
        %add3A_1539 = arith.addf %add3A_1507, %mul3A_1538 : vector<16xf32>
        %add3A_1540 = arith.constant 45 : i32
        %add3A_1541 = arith.addi %mul3A_89, %add3A_1540 : i32
        %get3A_1542 = arith.index_cast %add3A_1541 : i32 to index
        %get3A_1543 = arith.constant 16 : index
        %get3A_1544 = tpu.vector_load %arg13[%get3A_1542, %get3A_1543] {strides = array<i32>} : memref<400x64xf32, #tpu.memory_space<vmem>>, vector<16xf32>,
        %mul3A_1545 = arith.mulf %get3A_1544, %gather3A_1532 : vector<16xf32>
        %add3A_1546 = arith.addf %add3A_1514, %mul3A_1545 : vector<16xf32>
        %add3A_1547 = arith.constant 45 : i32
        %add3A_1548 = arith.addi %mul3A_89, %add3A_1547 : i32
        %get3A_1549 = arith.index_cast %add3A_1548 : i32 to index
        %get3A_1550 = arith.constant 32 : index
        %get3A_1551 = tpu.vector_load %arg13[%get3A_1549, %get3A_1550] {strides = array<i32>} : memref<400x64xf32, #tpu.memory_space<vmem>>, vector<16xf32>,
        %mul3A_1552 = arith.mulf %get3A_1551, %gather3A_1532 : vector<16xf32>
        %add3A_1553 = arith.addf %add3A_1521, %mul3A_1552 : vector<16xf32>
        %add3A_1554 = arith.constant 45 : i32
        %add3A_1555 = arith.addi %mul3A_89, %add3A_1554 : i32
        %get3A_1556 = arith.index_cast %add3A_1555 : i32 to index
        %get3A_1557 = arith.constant 48 : index
        %get3A_1558 = tpu.vector_load %arg13[%get3A_1556, %get3A_1557] {strides = array<i32>} : memref<400x64xf32, #tpu.memory_space<vmem>>, vector<16xf32>,
        %mul3A_1559 = arith.mulf %get3A_1558, %gather3A_1532 : vector<16xf32>
        %add3A_1560 = arith.addf %add3A_1528, %mul3A_1559 : vector<16xf32>
        %add3A_1561 = arith.constant 46 : i32
        %add3A_1562 = vector.broadcast %add3A_1561 : i32 to vector<16xi32>
        %add3A_1563 = arith.addi %broadcast_in_dim3A_87, %add3A_1562 : vector<16xi32>
        %gather3A_1564 = tpu.vector_load_idx %arg11[%add3A_1563] : memref<6400xf32, #tpu.memory_space<vmem>>[vector<16xi32>], vector<16xf32>,
        %add3A_1565 = arith.constant 46 : i32
        %add3A_1566 = arith.addi %mul3A_89, %add3A_1565 : i32
        %get3A_1567 = arith.index_cast %add3A_1566 : i32 to index
        %get3A_1568 = arith.constant 0 : index
        %get3A_1569 = tpu.vector_load %arg13[%get3A_1567, %get3A_1568] {strides = array<i32>} : memref<400x64xf32, #tpu.memory_space<vmem>>, vector<16xf32>,
        %mul3A_1570 = arith.mulf %get3A_1569, %gather3A_1564 : vector<16xf32>
        %add3A_1571 = arith.addf %add3A_1539, %mul3A_1570 : vector<16xf32>
        %add3A_1572 = arith.constant 46 : i32
        %add3A_1573 = arith.addi %mul3A_89, %add3A_1572 : i32
        %get3A_1574 = arith.index_cast %add3A_1573 : i32 to index
        %get3A_1575 = arith.constant 16 : index
        %get3A_1576 = tpu.vector_load %arg13[%get3A_1574, %get3A_1575] {strides = array<i32>} : memref<400x64xf32, #tpu.memory_space<vmem>>, vector<16xf32>,
        %mul3A_1577 = arith.mulf %get3A_1576, %gather3A_1564 : vector<16xf32>
        %add3A_1578 = arith.addf %add3A_1546, %mul3A_1577 : vector<16xf32>
        %add3A_1579 = arith.constant 46 : i32
        %add3A_1580 = arith.addi %mul3A_89, %add3A_1579 : i32
        %get3A_1581 = arith.index_cast %add3A_1580 : i32 to index
        %get3A_1582 = arith.constant 32 : index
        %get3A_1583 = tpu.vector_load %arg13[%get3A_1581, %get3A_1582] {strides = array<i32>} : memref<400x64xf32, #tpu.memory_space<vmem>>, vector<16xf32>,
        %mul3A_1584 = arith.mulf %get3A_1583, %gather3A_1564 : vector<16xf32>
        %add3A_1585 = arith.addf %add3A_1553, %mul3A_1584 : vector<16xf32>
        %add3A_1586 = arith.constant 46 : i32
        %add3A_1587 = arith.addi %mul3A_89, %add3A_1586 : i32
        %get3A_1588 = arith.index_cast %add3A_1587 : i32 to index
        %get3A_1589 = arith.constant 48 : index
        %get3A_1590 = tpu.vector_load %arg13[%get3A_1588, %get3A_1589] {strides = array<i32>} : memref<400x64xf32, #tpu.memory_space<vmem>>, vector<16xf32>,
        %mul3A_1591 = arith.mulf %get3A_1590, %gather3A_1564 : vector<16xf32>
        %add3A_1592 = arith.addf %add3A_1560, %mul3A_1591 : vector<16xf32>
        %add3A_1593 = arith.constant 47 : i32
        %add3A_1594 = vector.broadcast %add3A_1593 : i32 to vector<16xi32>
        %add3A_1595 = arith.addi %broadcast_in_dim3A_87, %add3A_1594 : vector<16xi32>
        %gather3A_1596 = tpu.vector_load_idx %arg11[%add3A_1595] : memref<6400xf32, #tpu.memory_space<vmem>>[vector<16xi32>], vector<16xf32>,
        %add3A_1597 = arith.constant 47 : i32
        %add3A_1598 = arith.addi %mul3A_89, %add3A_1597 : i32
        %get3A_1599 = arith.index_cast %add3A_1598 : i32 to index
        %get3A_1600 = arith.constant 0 : index
        %get3A_1601 = tpu.vector_load %arg13[%get3A_1599, %get3A_1600] {strides = array<i32>} : memref<400x64xf32, #tpu.memory_space<vmem>>, vector<16xf32>,
        %mul3A_1602 = arith.mulf %get3A_1601, %gather3A_1596 : vector<16xf32>
        %add3A_1603 = arith.addf %add3A_1571, %mul3A_1602 : vector<16xf32>
        %add3A_1604 = arith.constant 47 : i32
        %add3A_1605 = arith.addi %mul3A_89, %add3A_1604 : i32
        %get3A_1606 = arith.index_cast %add3A_1605 : i32 to index
        %get3A_1607 = arith.constant 16 : index
        %get3A_1608 = tpu.vector_load %arg13[%get3A_1606, %get3A_1607] {strides = array<i32>} : memref<400x64xf32, #tpu.memory_space<vmem>>, vector<16xf32>,
        %mul3A_1609 = arith.mulf %get3A_1608, %gather3A_1596 : vector<16xf32>
        %add3A_1610 = arith.addf %add3A_1578, %mul3A_1609 : vector<16xf32>
        %add3A_1611 = arith.constant 47 : i32
        %add3A_1612 = arith.addi %mul3A_89, %add3A_1611 : i32
        %get3A_1613 = arith.index_cast %add3A_1612 : i32 to index
        %get3A_1614 = arith.constant 32 : index
        %get3A_1615 = tpu.vector_load %arg13[%get3A_1613, %get3A_1614] {strides = array<i32>} : memref<400x64xf32, #tpu.memory_space<vmem>>, vector<16xf32>,
        %mul3A_1616 = arith.mulf %get3A_1615, %gather3A_1596 : vector<16xf32>
        %add3A_1617 = arith.addf %add3A_1585, %mul3A_1616 : vector<16xf32>
        %add3A_1618 = arith.constant 47 : i32
        %add3A_1619 = arith.addi %mul3A_89, %add3A_1618 : i32
        %get3A_1620 = arith.index_cast %add3A_1619 : i32 to index
        %get3A_1621 = arith.constant 48 : index
        %get3A_1622 = tpu.vector_load %arg13[%get3A_1620, %get3A_1621] {strides = array<i32>} : memref<400x64xf32, #tpu.memory_space<vmem>>, vector<16xf32>,
        %mul3A_1623 = arith.mulf %get3A_1622, %gather3A_1596 : vector<16xf32>
        %add3A_1624 = arith.addf %add3A_1592, %mul3A_1623 : vector<16xf32>
        %add3A_1625 = arith.constant 48 : i32
        %add3A_1626 = vector.broadcast %add3A_1625 : i32 to vector<16xi32>
        %add3A_1627 = arith.addi %broadcast_in_dim3A_87, %add3A_1626 : vector<16xi32>
        %gather3A_1628 = tpu.vector_load_idx %arg11[%add3A_1627] : memref<6400xf32, #tpu.memory_space<vmem>>[vector<16xi32>], vector<16xf32>,
        %add3A_1629 = arith.constant 48 : i32
        %add3A_1630 = arith.addi %mul3A_89, %add3A_1629 : i32
        %get3A_1631 = arith.index_cast %add3A_1630 : i32 to index
        %get3A_1632 = arith.constant 0 : index
        %get3A_1633 = tpu.vector_load %arg13[%get3A_1631, %get3A_1632] {strides = array<i32>} : memref<400x64xf32, #tpu.memory_space<vmem>>, vector<16xf32>,
        %mul3A_1634 = arith.mulf %get3A_1633, %gather3A_1628 : vector<16xf32>
        %add3A_1635 = arith.addf %add3A_1603, %mul3A_1634 : vector<16xf32>
        %add3A_1636 = arith.constant 48 : i32
        %add3A_1637 = arith.addi %mul3A_89, %add3A_1636 : i32
        %get3A_1638 = arith.index_cast %add3A_1637 : i32 to index
        %get3A_1639 = arith.constant 16 : index
        %get3A_1640 = tpu.vector_load %arg13[%get3A_1638, %get3A_1639] {strides = array<i32>} : memref<400x64xf32, #tpu.memory_space<vmem>>, vector<16xf32>,
        %mul3A_1641 = arith.mulf %get3A_1640, %gather3A_1628 : vector<16xf32>
        %add3A_1642 = arith.addf %add3A_1610, %mul3A_1641 : vector<16xf32>
        %add3A_1643 = arith.constant 48 : i32
        %add3A_1644 = arith.addi %mul3A_89, %add3A_1643 : i32
        %get3A_1645 = arith.index_cast %add3A_1644 : i32 to index
        %get3A_1646 = arith.constant 32 : index
        %get3A_1647 = tpu.vector_load %arg13[%get3A_1645, %get3A_1646] {strides = array<i32>} : memref<400x64xf32, #tpu.memory_space<vmem>>, vector<16xf32>,
        %mul3A_1648 = arith.mulf %get3A_1647, %gather3A_1628 : vector<16xf32>
        %add3A_1649 = arith.addf %add3A_1617, %mul3A_1648 : vector<16xf32>
        %add3A_1650 = arith.constant 48 : i32
        %add3A_1651 = arith.addi %mul3A_89, %add3A_1650 : i32
        %get3A_1652 = arith.index_cast %add3A_1651 : i32 to index
        %get3A_1653 = arith.constant 48 : index
        %get3A_1654 = tpu.vector_load %arg13[%get3A_1652, %get3A_1653] {strides = array<i32>} : memref<400x64xf32, #tpu.memory_space<vmem>>, vector<16xf32>,
        %mul3A_1655 = arith.mulf %get3A_1654, %gather3A_1628 : vector<16xf32>
        %add3A_1656 = arith.addf %add3A_1624, %mul3A_1655 : vector<16xf32>
        %add3A_1657 = arith.constant 49 : i32
        %add3A_1658 = vector.broadcast %add3A_1657 : i32 to vector<16xi32>
        %add3A_1659 = arith.addi %broadcast_in_dim3A_87, %add3A_1658 : vector<16xi32>
        %gather3A_1660 = tpu.vector_load_idx %arg11[%add3A_1659] : memref<6400xf32, #tpu.memory_space<vmem>>[vector<16xi32>], vector<16xf32>,
        %add3A_1661 = arith.constant 49 : i32
        %add3A_1662 = arith.addi %mul3A_89, %add3A_1661 : i32
        %get3A_1663 = arith.index_cast %add3A_1662 : i32 to index
        %get3A_1664 = arith.constant 0 : index
        %get3A_1665 = tpu.vector_load %arg13[%get3A_1663, %get3A_1664] {strides = array<i32>} : memref<400x64xf32, #tpu.memory_space<vmem>>, vector<16xf32>,
        %mul3A_1666 = arith.mulf %get3A_1665, %gather3A_1660 : vector<16xf32>
        %add3A_1667 = arith.addf %add3A_1635, %mul3A_1666 : vector<16xf32>
        %add3A_1668 = arith.constant 49 : i32
        %add3A_1669 = arith.addi %mul3A_89, %add3A_1668 : i32
        %get3A_1670 = arith.index_cast %add3A_1669 : i32 to index
        %get3A_1671 = arith.constant 16 : index
        %get3A_1672 = tpu.vector_load %arg13[%get3A_1670, %get3A_1671] {strides = array<i32>} : memref<400x64xf32, #tpu.memory_space<vmem>>, vector<16xf32>,
        %mul3A_1673 = arith.mulf %get3A_1672, %gather3A_1660 : vector<16xf32>
        %add3A_1674 = arith.addf %add3A_1642, %mul3A_1673 : vector<16xf32>
        %add3A_1675 = arith.constant 49 : i32
        %add3A_1676 = arith.addi %mul3A_89, %add3A_1675 : i32
        %get3A_1677 = arith.index_cast %add3A_1676 : i32 to index
        %get3A_1678 = arith.constant 32 : index
        %get3A_1679 = tpu.vector_load %arg13[%get3A_1677, %get3A_1678] {strides = array<i32>} : memref<400x64xf32, #tpu.memory_space<vmem>>, vector<16xf32>,
        %mul3A_1680 = arith.mulf %get3A_1679, %gather3A_1660 : vector<16xf32>
        %add3A_1681 = arith.addf %add3A_1649, %mul3A_1680 : vector<16xf32>
        %add3A_1682 = arith.constant 49 : i32
        %add3A_1683 = arith.addi %mul3A_89, %add3A_1682 : i32
        %get3A_1684 = arith.index_cast %add3A_1683 : i32 to index
        %get3A_1685 = arith.constant 48 : index
        %get3A_1686 = tpu.vector_load %arg13[%get3A_1684, %get3A_1685] {strides = array<i32>} : memref<400x64xf32, #tpu.memory_space<vmem>>, vector<16xf32>,
        %mul3A_1687 = arith.mulf %get3A_1686, %gather3A_1660 : vector<16xf32>
        %add3A_1688 = arith.addf %add3A_1656, %mul3A_1687 : vector<16xf32>
        %swap3A = arith.index_cast %add3A_84 : i32 to index
        %swap3A_1689 = arith.constant 0 : index
        %swap3A_1690 = tpu.vector_load %arg14[%swap3A, %swap3A_1689] {strides = array<i32>} : memref<128x64xf32, #tpu.memory_space<vmem>>, vector<16xf32>,
        tpu.vector_store %arg14[%swap3A, %swap3A_1689], %add3A_1667 {strides = array<i32>} : memref<128x64xf32, #tpu.memory_space<vmem>>, vector<16xf32>,
        %swap3A_1691 = arith.index_cast %add3A_84 : i32 to index
        %swap3A_1692 = arith.constant 16 : index
        %swap3A_1693 = tpu.vector_load %arg14[%swap3A_1691, %swap3A_1692] {strides = array<i32>} : memref<128x64xf32, #tpu.memory_space<vmem>>, vector<16xf32>,
        tpu.vector_store %arg14[%swap3A_1691, %swap3A_1692], %add3A_1674 {strides = array<i32>} : memref<128x64xf32, #tpu.memory_space<vmem>>, vector<16xf32>,
        %swap3A_1694 = arith.index_cast %add3A_84 : i32 to index
        %swap3A_1695 = arith.constant 32 : index
        %swap3A_1696 = tpu.vector_load %arg14[%swap3A_1694, %swap3A_1695] {strides = array<i32>} : memref<128x64xf32, #tpu.memory_space<vmem>>, vector<16xf32>,
        tpu.vector_store %arg14[%swap3A_1694, %swap3A_1695], %add3A_1681 {strides = array<i32>} : memref<128x64xf32, #tpu.memory_space<vmem>>, vector<16xf32>,
        %swap3A_1697 = arith.index_cast %add3A_84 : i32 to index
        %swap3A_1698 = arith.constant 48 : index
        %swap3A_1699 = tpu.vector_load %arg14[%swap3A_1697, %swap3A_1698] {strides = array<i32>} : memref<128x64xf32, #tpu.memory_space<vmem>>, vector<16xf32>,
        tpu.vector_store %arg14[%swap3A_1697, %swap3A_1698], %add3A_1688 {strides = array<i32>} : memref<128x64xf32, #tpu.memory_space<vmem>>, vector<16xf32>,
      }
      %scan3A_69 = arith.constant 8 : i32
      %add3A_70 = arith.constant 3 : i32
      %add3A_71 = arith.addi %add3A_48, %add3A_70 : i32
      %lt3A_72 = arith.constant 16 : i32
      %lt3A_73 = arith.cmpi slt, %add3A_71, %lt3A_72 : i32
      %convert_element_type3A_74 = arith.extui %lt3A_73 : i1 to i32
      %cond3A_75 = arith.constant 0 : i32
      %cond3A_76 = arith.cmpi ne, %convert_element_type3A_74, %cond3A_75 : i32
      scf.if %cond3A_76 {
        %dma_wait3A_77 = tpu.memref_slice %arg3[%mul3A_2] : memref<204800xi32, #tpu.memory_space<hbm>> -> memref<400xi32, #tpu.memory_space<hbm>>
        %dma_wait3A_78 = tpu.memref_slice %arg3[%mul3A_2] : memref<204800xi32, #tpu.memory_space<hbm>> -> memref<400xi32, #tpu.memory_space<hbm>>
        tpu.wait_dma2 semaphore(%arg17 : memref<!tpu.dma_semaphore, #tpu.memory_space<semaphore_mem>>) src(%dma_wait3A_78 : memref<400xi32, #tpu.memory_space<hbm>>) dst(%arg8 : memref<400xi32, #tpu.memory_space<vmem>>)
        %scan3A_79 = arith.constant 0 : i32
        %scan3A_80 = arith.constant 25 : i32
        %scan3A_81 = arith.addi %scan3A_79, %scan3A_80 : i32
        %scan3A_82 = arith.constant 1 : i32
        scf.for %scan3A_94 = %scan3A_79 to %scan3A_81 step %scan3A_82  : i32 {
          %mul3A_95 = arith.constant 16 : i32
          %mul3A_96 = arith.muli %scan3A_94, %mul3A_95 : i32
          %add3A_97 = arith.constant 0 : i32
          %add3A_98 = arith.addi %add3A_97, %mul3A_96 : i32
          %get3A_99 = arith.index_cast %add3A_98 : i32 to index
          %get3A_100 = tpu.vector_load %arg8[%get3A_99] {strides = array<i32>} : memref<400xi32, #tpu.memory_space<vmem>>, vector<16xi32>,
          %shift_right_logical3A = arith.constant 14 : i32
          %shift_right_logical3A_101 = vector.broadcast %shift_right_logical3A : i32 to vector<16xi32>
          %shift_right_logical3A_102 = arith.shrui %get3A_100, %shift_right_logical3A_101 : vector<16xi32>
          %shift_left3A = arith.constant 14 : i32
          %shift_left3A_103 = vector.broadcast %shift_left3A : i32 to vector<16xi32>
          %shift_left3A_104 = arith.shli %shift_right_logical3A_102, %shift_left3A_103 : vector<16xi32>
          %and3A = arith.andi %get3A_100, %broadcast_in_dim3A_3 : vector<16xi32>
          %shift_left3A_105 = arith.constant 1 : i32
          %shift_left3A_106 = vector.broadcast %shift_left3A_105 : i32 to vector<16xi32>
          %shift_left3A_107 = arith.shli %and3A, %shift_left3A_106 : vector<16xi32>
          %shift_right_logical3A_108 = arith.constant 13 : i32
          %shift_right_logical3A_109 = vector.broadcast %shift_right_logical3A_108 : i32 to vector<16xi32>
          %shift_right_logical3A_110 = arith.shrui %get3A_100, %shift_right_logical3A_109 : vector<16xi32>
          %and3A_111 = arith.andi %shift_right_logical3A_110, %broadcast_in_dim3A_5 : vector<16xi32>
          %add3A_112 = arith.addi %shift_left3A_104, %shift_left3A_107 : vector<16xi32>
          %add3A_113 = arith.addi %add3A_112, %and3A_111 : vector<16xi32>
          %swap3A = arith.index_cast %add3A_98 : i32 to index
          %swap3A_114 = tpu.vector_load %arg10[%swap3A] {strides = array<i32>} : memref<400xi32, #tpu.memory_space<vmem>>, vector<16xi32>,
          tpu.vector_store %arg10[%swap3A], %add3A_113 {strides = array<i32>} : memref<400xi32, #tpu.memory_space<vmem>>, vector<16xi32>,
        }
        %scan3A_83 = arith.constant 25 : i32
        %dma_start3A_84 = arith.constant 0 : i32
        %dma_start3A_85 = arith.constant 0 : i32
        %dma_start3A_86 = tpu.memref_slice %arg2[%dma_start3A_84, %dma_start3A_85] : memref<1015808x64xf32, #tpu.memory_space<hbm>> -> memref<1015808x64xf32, #tpu.memory_space<hbm>>
        tpu.enqueue_indirect_dma source(%dma_start3A_86 : memref<1015808x64xf32, #tpu.memory_space<hbm>>) target(%arg13 : memref<400x64xf32, #tpu.memory_space<vmem>>) offsets(%arg10 : memref<400xi32, #tpu.memory_space<vmem>>) semaphore(%arg19 : memref<!tpu.dma_semaphore, #tpu.memory_space<semaphore_mem>>)
        %add3A_87 = arith.constant 5 : i32
        %add3A_88 = arith.addi %add3A_48, %add3A_87 : i32
        %lt3A_89 = arith.constant 16 : i32
        %lt3A_90 = arith.cmpi slt, %add3A_88, %lt3A_89 : i32
        %convert_element_type3A_91 = arith.extui %lt3A_90 : i1 to i32
        %cond3A_92 = arith.constant 0 : i32
        %cond3A_93 = arith.cmpi ne, %convert_element_type3A_91, %cond3A_92 : i32
        scf.if %cond3A_93 {
          %add3A_94 = arith.constant 5 : i32
          %add3A_95 = arith.addi %add3A_48, %add3A_94 : i32
          %mul3A_96 = arith.constant 400 : i32
          %mul3A_97 = arith.muli %add3A_95, %mul3A_96 : i32
          %add3A_98 = arith.addi %mul3A_2, %mul3A_97 : i32
          %dma_start3A_99 = tpu.memref_slice %arg3[%add3A_98] : memref<204800xi32, #tpu.memory_space<hbm>> -> memref<400xi32, #tpu.memory_space<hbm>>
          %dma_start3A_100 = tpu.memref_slice %arg3[%add3A_98] : memref<204800xi32, #tpu.memory_space<hbm>> -> memref<400xi32, #tpu.memory_space<hbm>>
          tpu.enqueue_dma source(%dma_start3A_100 : memref<400xi32, #tpu.memory_space<hbm>>) target(%arg8 : memref<400xi32, #tpu.memory_space<vmem>>) target_semaphore(%arg17 : memref<!tpu.dma_semaphore, #tpu.memory_space<semaphore_mem>>)
        } else {
        }
      } else {
      }
    }
    %scan3A_41 = arith.constant 8 : i32
    %mul3A_42 = arith.constant 128 : i32
    %mul3A_43 = arith.muli %add3A, %mul3A_42 : i32
    "tpu.region"() ({
      %run_scoped3A = tpu.sem_alloc : memref<!tpu.dma_semaphore, #tpu.memory_space<semaphore_mem>>
      %dma_start3A_44 = arith.constant 0 : i32
      %dma_start3A_45 = tpu.memref_slice %arg6[%mul3A_43, %dma_start3A_44] : memref<4096x64xf32, #tpu.memory_space<hbm>> -> memref<128x64xf32, #tpu.memory_space<hbm>>
      %dma_start3A_46 = arith.constant 0 : i32
      %dma_start3A_47 = tpu.memref_slice %arg6[%mul3A_43, %dma_start3A_46] : memref<4096x64xf32, #tpu.memory_space<hbm>> -> memref<128x64xf32, #tpu.memory_space<hbm>>
      tpu.enqueue_dma source(%arg14 : memref<128x64xf32, #tpu.memory_space<vmem>>) target(%dma_start3A_47 : memref<128x64xf32, #tpu.memory_space<hbm>>) target_semaphore(%run_scoped3A : memref<!tpu.dma_semaphore, #tpu.memory_space<semaphore_mem>>)
      %dma_wait3A = arith.constant 0 : i32
      %dma_wait3A_48 = tpu.memref_slice %arg6[%mul3A_43, %dma_wait3A] : memref<4096x64xf32, #tpu.memory_space<hbm>> -> memref<128x64xf32, #tpu.memory_space<hbm>>
      %dma_wait3A_49 = arith.constant 0 : i32
      %dma_wait3A_50 = tpu.memref_slice %arg6[%mul3A_43, %dma_wait3A_49] : memref<4096x64xf32, #tpu.memory_space<hbm>> -> memref<128x64xf32, #tpu.memory_space<hbm>>
      tpu.wait_dma2 semaphore(%run_scoped3A : memref<!tpu.dma_semaphore, #tpu.memory_space<semaphore_mem>>) src(%arg14 : memref<128x64xf32, #tpu.memory_space<vmem>>) dst(%dma_wait3A_50 : memref<128x64xf32, #tpu.memory_space<hbm>>)
      tpu.yield
    }) : () -> ()
    return
  }
}

module attributes {stable_mosaic.version = 14 : i64} {
  func.func @body(%arg0: i32, %arg1: memref<64x16384xf32, #tpu.memory_space<vmem>>, %arg2: memref<8192x128xf32, #tpu.memory_space<vmem>>) attributes {dimension_semantics = [#tpu.dimension_semantics<parallel>], iteration_bounds = array<i64: 62>, scalar_prefetch = 0 : i64, scratch_operands = 0 : i64, tpu.core_type = #tpu.core_type<tc>, window_params = [{transform_indices = @transform_0, window_bounds = array<i64: 64, 16384>}, {transform_indices = @transform_1, window_bounds = array<i64: 8192, 128>}]} {
    %get3A = arith.constant 0 : index
    %get3A_0 = arith.constant 0 : index
    %get3A_1 = vector.load %arg1[%get3A, %get3A_0] : memref<64x16384xf32, #tpu.memory_space<vmem>>, vector<64x256xf32>
    %transpose3A = tpu.transpose %get3A_1, [1, 0] : vector<64x256xf32> -> vector<256x64xf32>
    %swap3A = arith.constant 0 : index
    %swap3A_2 = arith.constant 0 : index
    %swap3A_3 = vector.load %arg2[%swap3A, %swap3A_2] : memref<8192x128xf32, #tpu.memory_space<vmem>>, vector<256x64xf32>
    tpu.vector_store %arg2[%swap3A, %swap3A_2], %transpose3A {strides = array<i32>} : memref<8192x128xf32, #tpu.memory_space<vmem>>, vector<256x64xf32>,
    %get3A_4 = arith.constant 0 : index
    %get3A_5 = arith.constant 256 : index
    %get3A_6 = vector.load %arg1[%get3A_4, %get3A_5] : memref<64x16384xf32, #tpu.memory_space<vmem>>, vector<64x256xf32>
    %transpose3A_7 = tpu.transpose %get3A_6, [1, 0] : vector<64x256xf32> -> vector<256x64xf32>
    %swap3A_8 = arith.constant 256 : index
    %swap3A_9 = arith.constant 0 : index
    %swap3A_10 = vector.load %arg2[%swap3A_8, %swap3A_9] : memref<8192x128xf32, #tpu.memory_space<vmem>>, vector<256x64xf32>
    tpu.vector_store %arg2[%swap3A_8, %swap3A_9], %transpose3A_7 {strides = array<i32>} : memref<8192x128xf32, #tpu.memory_space<vmem>>, vector<256x64xf32>,
    %get3A_11 = arith.constant 0 : index
    %get3A_12 = arith.constant 512 : index
    %get3A_13 = vector.load %arg1[%get3A_11, %get3A_12] : memref<64x16384xf32, #tpu.memory_space<vmem>>, vector<64x256xf32>
    %transpose3A_14 = tpu.transpose %get3A_13, [1, 0] : vector<64x256xf32> -> vector<256x64xf32>
    %swap3A_15 = arith.constant 512 : index
    %swap3A_16 = arith.constant 0 : index
    %swap3A_17 = vector.load %arg2[%swap3A_15, %swap3A_16] : memref<8192x128xf32, #tpu.memory_space<vmem>>, vector<256x64xf32>
    tpu.vector_store %arg2[%swap3A_15, %swap3A_16], %transpose3A_14 {strides = array<i32>} : memref<8192x128xf32, #tpu.memory_space<vmem>>, vector<256x64xf32>,
    %get3A_18 = arith.constant 0 : index
    %get3A_19 = arith.constant 768 : index
    %get3A_20 = vector.load %arg1[%get3A_18, %get3A_19] : memref<64x16384xf32, #tpu.memory_space<vmem>>, vector<64x256xf32>
    %transpose3A_21 = tpu.transpose %get3A_20, [1, 0] : vector<64x256xf32> -> vector<256x64xf32>
    %swap3A_22 = arith.constant 768 : index
    %swap3A_23 = arith.constant 0 : index
    %swap3A_24 = vector.load %arg2[%swap3A_22, %swap3A_23] : memref<8192x128xf32, #tpu.memory_space<vmem>>, vector<256x64xf32>
    tpu.vector_store %arg2[%swap3A_22, %swap3A_23], %transpose3A_21 {strides = array<i32>} : memref<8192x128xf32, #tpu.memory_space<vmem>>, vector<256x64xf32>,
    %get3A_25 = arith.constant 0 : index
    %get3A_26 = arith.constant 1024 : index
    %get3A_27 = vector.load %arg1[%get3A_25, %get3A_26] : memref<64x16384xf32, #tpu.memory_space<vmem>>, vector<64x256xf32>
    %transpose3A_28 = tpu.transpose %get3A_27, [1, 0] : vector<64x256xf32> -> vector<256x64xf32>
    %swap3A_29 = arith.constant 1024 : index
    %swap3A_30 = arith.constant 0 : index
    %swap3A_31 = vector.load %arg2[%swap3A_29, %swap3A_30] : memref<8192x128xf32, #tpu.memory_space<vmem>>, vector<256x64xf32>
    tpu.vector_store %arg2[%swap3A_29, %swap3A_30], %transpose3A_28 {strides = array<i32>} : memref<8192x128xf32, #tpu.memory_space<vmem>>, vector<256x64xf32>,
    %get3A_32 = arith.constant 0 : index
    %get3A_33 = arith.constant 1280 : index
    %get3A_34 = vector.load %arg1[%get3A_32, %get3A_33] : memref<64x16384xf32, #tpu.memory_space<vmem>>, vector<64x256xf32>
    %transpose3A_35 = tpu.transpose %get3A_34, [1, 0] : vector<64x256xf32> -> vector<256x64xf32>
    %swap3A_36 = arith.constant 1280 : index
    %swap3A_37 = arith.constant 0 : index
    %swap3A_38 = vector.load %arg2[%swap3A_36, %swap3A_37] : memref<8192x128xf32, #tpu.memory_space<vmem>>, vector<256x64xf32>
    tpu.vector_store %arg2[%swap3A_36, %swap3A_37], %transpose3A_35 {strides = array<i32>} : memref<8192x128xf32, #tpu.memory_space<vmem>>, vector<256x64xf32>,
    %get3A_39 = arith.constant 0 : index
    %get3A_40 = arith.constant 1536 : index
    %get3A_41 = vector.load %arg1[%get3A_39, %get3A_40] : memref<64x16384xf32, #tpu.memory_space<vmem>>, vector<64x256xf32>
    %transpose3A_42 = tpu.transpose %get3A_41, [1, 0] : vector<64x256xf32> -> vector<256x64xf32>
    %swap3A_43 = arith.constant 1536 : index
    %swap3A_44 = arith.constant 0 : index
    %swap3A_45 = vector.load %arg2[%swap3A_43, %swap3A_44] : memref<8192x128xf32, #tpu.memory_space<vmem>>, vector<256x64xf32>
    tpu.vector_store %arg2[%swap3A_43, %swap3A_44], %transpose3A_42 {strides = array<i32>} : memref<8192x128xf32, #tpu.memory_space<vmem>>, vector<256x64xf32>,
    %get3A_46 = arith.constant 0 : index
    %get3A_47 = arith.constant 1792 : index
    %get3A_48 = vector.load %arg1[%get3A_46, %get3A_47] : memref<64x16384xf32, #tpu.memory_space<vmem>>, vector<64x256xf32>
    %transpose3A_49 = tpu.transpose %get3A_48, [1, 0] : vector<64x256xf32> -> vector<256x64xf32>
    %swap3A_50 = arith.constant 1792 : index
    %swap3A_51 = arith.constant 0 : index
    %swap3A_52 = vector.load %arg2[%swap3A_50, %swap3A_51] : memref<8192x128xf32, #tpu.memory_space<vmem>>, vector<256x64xf32>
    tpu.vector_store %arg2[%swap3A_50, %swap3A_51], %transpose3A_49 {strides = array<i32>} : memref<8192x128xf32, #tpu.memory_space<vmem>>, vector<256x64xf32>,
    %get3A_53 = arith.constant 0 : index
    %get3A_54 = arith.constant 2048 : index
    %get3A_55 = vector.load %arg1[%get3A_53, %get3A_54] : memref<64x16384xf32, #tpu.memory_space<vmem>>, vector<64x256xf32>
    %transpose3A_56 = tpu.transpose %get3A_55, [1, 0] : vector<64x256xf32> -> vector<256x64xf32>
    %swap3A_57 = arith.constant 2048 : index
    %swap3A_58 = arith.constant 0 : index
    %swap3A_59 = vector.load %arg2[%swap3A_57, %swap3A_58] : memref<8192x128xf32, #tpu.memory_space<vmem>>, vector<256x64xf32>
    tpu.vector_store %arg2[%swap3A_57, %swap3A_58], %transpose3A_56 {strides = array<i32>} : memref<8192x128xf32, #tpu.memory_space<vmem>>, vector<256x64xf32>,
    %get3A_60 = arith.constant 0 : index
    %get3A_61 = arith.constant 2304 : index
    %get3A_62 = vector.load %arg1[%get3A_60, %get3A_61] : memref<64x16384xf32, #tpu.memory_space<vmem>>, vector<64x256xf32>
    %transpose3A_63 = tpu.transpose %get3A_62, [1, 0] : vector<64x256xf32> -> vector<256x64xf32>
    %swap3A_64 = arith.constant 2304 : index
    %swap3A_65 = arith.constant 0 : index
    %swap3A_66 = vector.load %arg2[%swap3A_64, %swap3A_65] : memref<8192x128xf32, #tpu.memory_space<vmem>>, vector<256x64xf32>
    tpu.vector_store %arg2[%swap3A_64, %swap3A_65], %transpose3A_63 {strides = array<i32>} : memref<8192x128xf32, #tpu.memory_space<vmem>>, vector<256x64xf32>,
    %get3A_67 = arith.constant 0 : index
    %get3A_68 = arith.constant 2560 : index
    %get3A_69 = vector.load %arg1[%get3A_67, %get3A_68] : memref<64x16384xf32, #tpu.memory_space<vmem>>, vector<64x256xf32>
    %transpose3A_70 = tpu.transpose %get3A_69, [1, 0] : vector<64x256xf32> -> vector<256x64xf32>
    %swap3A_71 = arith.constant 2560 : index
    %swap3A_72 = arith.constant 0 : index
    %swap3A_73 = vector.load %arg2[%swap3A_71, %swap3A_72] : memref<8192x128xf32, #tpu.memory_space<vmem>>, vector<256x64xf32>
    tpu.vector_store %arg2[%swap3A_71, %swap3A_72], %transpose3A_70 {strides = array<i32>} : memref<8192x128xf32, #tpu.memory_space<vmem>>, vector<256x64xf32>,
    %get3A_74 = arith.constant 0 : index
    %get3A_75 = arith.constant 2816 : index
    %get3A_76 = vector.load %arg1[%get3A_74, %get3A_75] : memref<64x16384xf32, #tpu.memory_space<vmem>>, vector<64x256xf32>
    %transpose3A_77 = tpu.transpose %get3A_76, [1, 0] : vector<64x256xf32> -> vector<256x64xf32>
    %swap3A_78 = arith.constant 2816 : index
    %swap3A_79 = arith.constant 0 : index
    %swap3A_80 = vector.load %arg2[%swap3A_78, %swap3A_79] : memref<8192x128xf32, #tpu.memory_space<vmem>>, vector<256x64xf32>
    tpu.vector_store %arg2[%swap3A_78, %swap3A_79], %transpose3A_77 {strides = array<i32>} : memref<8192x128xf32, #tpu.memory_space<vmem>>, vector<256x64xf32>,
    %get3A_81 = arith.constant 0 : index
    %get3A_82 = arith.constant 3072 : index
    %get3A_83 = vector.load %arg1[%get3A_81, %get3A_82] : memref<64x16384xf32, #tpu.memory_space<vmem>>, vector<64x256xf32>
    %transpose3A_84 = tpu.transpose %get3A_83, [1, 0] : vector<64x256xf32> -> vector<256x64xf32>
    %swap3A_85 = arith.constant 3072 : index
    %swap3A_86 = arith.constant 0 : index
    %swap3A_87 = vector.load %arg2[%swap3A_85, %swap3A_86] : memref<8192x128xf32, #tpu.memory_space<vmem>>, vector<256x64xf32>
    tpu.vector_store %arg2[%swap3A_85, %swap3A_86], %transpose3A_84 {strides = array<i32>} : memref<8192x128xf32, #tpu.memory_space<vmem>>, vector<256x64xf32>,
    %get3A_88 = arith.constant 0 : index
    %get3A_89 = arith.constant 3328 : index
    %get3A_90 = vector.load %arg1[%get3A_88, %get3A_89] : memref<64x16384xf32, #tpu.memory_space<vmem>>, vector<64x256xf32>
    %transpose3A_91 = tpu.transpose %get3A_90, [1, 0] : vector<64x256xf32> -> vector<256x64xf32>
    %swap3A_92 = arith.constant 3328 : index
    %swap3A_93 = arith.constant 0 : index
    %swap3A_94 = vector.load %arg2[%swap3A_92, %swap3A_93] : memref<8192x128xf32, #tpu.memory_space<vmem>>, vector<256x64xf32>
    tpu.vector_store %arg2[%swap3A_92, %swap3A_93], %transpose3A_91 {strides = array<i32>} : memref<8192x128xf32, #tpu.memory_space<vmem>>, vector<256x64xf32>,
    %get3A_95 = arith.constant 0 : index
    %get3A_96 = arith.constant 3584 : index
    %get3A_97 = vector.load %arg1[%get3A_95, %get3A_96] : memref<64x16384xf32, #tpu.memory_space<vmem>>, vector<64x256xf32>
    %transpose3A_98 = tpu.transpose %get3A_97, [1, 0] : vector<64x256xf32> -> vector<256x64xf32>
    %swap3A_99 = arith.constant 3584 : index
    %swap3A_100 = arith.constant 0 : index
    %swap3A_101 = vector.load %arg2[%swap3A_99, %swap3A_100] : memref<8192x128xf32, #tpu.memory_space<vmem>>, vector<256x64xf32>
    tpu.vector_store %arg2[%swap3A_99, %swap3A_100], %transpose3A_98 {strides = array<i32>} : memref<8192x128xf32, #tpu.memory_space<vmem>>, vector<256x64xf32>,
    %get3A_102 = arith.constant 0 : index
    %get3A_103 = arith.constant 3840 : index
    %get3A_104 = vector.load %arg1[%get3A_102, %get3A_103] : memref<64x16384xf32, #tpu.memory_space<vmem>>, vector<64x256xf32>
    %transpose3A_105 = tpu.transpose %get3A_104, [1, 0] : vector<64x256xf32> -> vector<256x64xf32>
    %swap3A_106 = arith.constant 3840 : index
    %swap3A_107 = arith.constant 0 : index
    %swap3A_108 = vector.load %arg2[%swap3A_106, %swap3A_107] : memref<8192x128xf32, #tpu.memory_space<vmem>>, vector<256x64xf32>
    tpu.vector_store %arg2[%swap3A_106, %swap3A_107], %transpose3A_105 {strides = array<i32>} : memref<8192x128xf32, #tpu.memory_space<vmem>>, vector<256x64xf32>,
    %get3A_109 = arith.constant 0 : index
    %get3A_110 = arith.constant 4096 : index
    %get3A_111 = vector.load %arg1[%get3A_109, %get3A_110] : memref<64x16384xf32, #tpu.memory_space<vmem>>, vector<64x256xf32>
    %transpose3A_112 = tpu.transpose %get3A_111, [1, 0] : vector<64x256xf32> -> vector<256x64xf32>
    %swap3A_113 = arith.constant 4096 : index
    %swap3A_114 = arith.constant 0 : index
    %swap3A_115 = vector.load %arg2[%swap3A_113, %swap3A_114] : memref<8192x128xf32, #tpu.memory_space<vmem>>, vector<256x64xf32>
    tpu.vector_store %arg2[%swap3A_113, %swap3A_114], %transpose3A_112 {strides = array<i32>} : memref<8192x128xf32, #tpu.memory_space<vmem>>, vector<256x64xf32>,
    %get3A_116 = arith.constant 0 : index
    %get3A_117 = arith.constant 4352 : index
    %get3A_118 = vector.load %arg1[%get3A_116, %get3A_117] : memref<64x16384xf32, #tpu.memory_space<vmem>>, vector<64x256xf32>
    %transpose3A_119 = tpu.transpose %get3A_118, [1, 0] : vector<64x256xf32> -> vector<256x64xf32>
    %swap3A_120 = arith.constant 4352 : index
    %swap3A_121 = arith.constant 0 : index
    %swap3A_122 = vector.load %arg2[%swap3A_120, %swap3A_121] : memref<8192x128xf32, #tpu.memory_space<vmem>>, vector<256x64xf32>
    tpu.vector_store %arg2[%swap3A_120, %swap3A_121], %transpose3A_119 {strides = array<i32>} : memref<8192x128xf32, #tpu.memory_space<vmem>>, vector<256x64xf32>,
    %get3A_123 = arith.constant 0 : index
    %get3A_124 = arith.constant 4608 : index
    %get3A_125 = vector.load %arg1[%get3A_123, %get3A_124] : memref<64x16384xf32, #tpu.memory_space<vmem>>, vector<64x256xf32>
    %transpose3A_126 = tpu.transpose %get3A_125, [1, 0] : vector<64x256xf32> -> vector<256x64xf32>
    %swap3A_127 = arith.constant 4608 : index
    %swap3A_128 = arith.constant 0 : index
    %swap3A_129 = vector.load %arg2[%swap3A_127, %swap3A_128] : memref<8192x128xf32, #tpu.memory_space<vmem>>, vector<256x64xf32>
    tpu.vector_store %arg2[%swap3A_127, %swap3A_128], %transpose3A_126 {strides = array<i32>} : memref<8192x128xf32, #tpu.memory_space<vmem>>, vector<256x64xf32>,
    %get3A_130 = arith.constant 0 : index
    %get3A_131 = arith.constant 4864 : index
    %get3A_132 = vector.load %arg1[%get3A_130, %get3A_131] : memref<64x16384xf32, #tpu.memory_space<vmem>>, vector<64x256xf32>
    %transpose3A_133 = tpu.transpose %get3A_132, [1, 0] : vector<64x256xf32> -> vector<256x64xf32>
    %swap3A_134 = arith.constant 4864 : index
    %swap3A_135 = arith.constant 0 : index
    %swap3A_136 = vector.load %arg2[%swap3A_134, %swap3A_135] : memref<8192x128xf32, #tpu.memory_space<vmem>>, vector<256x64xf32>
    tpu.vector_store %arg2[%swap3A_134, %swap3A_135], %transpose3A_133 {strides = array<i32>} : memref<8192x128xf32, #tpu.memory_space<vmem>>, vector<256x64xf32>,
    %get3A_137 = arith.constant 0 : index
    %get3A_138 = arith.constant 5120 : index
    %get3A_139 = vector.load %arg1[%get3A_137, %get3A_138] : memref<64x16384xf32, #tpu.memory_space<vmem>>, vector<64x256xf32>
    %transpose3A_140 = tpu.transpose %get3A_139, [1, 0] : vector<64x256xf32> -> vector<256x64xf32>
    %swap3A_141 = arith.constant 5120 : index
    %swap3A_142 = arith.constant 0 : index
    %swap3A_143 = vector.load %arg2[%swap3A_141, %swap3A_142] : memref<8192x128xf32, #tpu.memory_space<vmem>>, vector<256x64xf32>
    tpu.vector_store %arg2[%swap3A_141, %swap3A_142], %transpose3A_140 {strides = array<i32>} : memref<8192x128xf32, #tpu.memory_space<vmem>>, vector<256x64xf32>,
    %get3A_144 = arith.constant 0 : index
    %get3A_145 = arith.constant 5376 : index
    %get3A_146 = vector.load %arg1[%get3A_144, %get3A_145] : memref<64x16384xf32, #tpu.memory_space<vmem>>, vector<64x256xf32>
    %transpose3A_147 = tpu.transpose %get3A_146, [1, 0] : vector<64x256xf32> -> vector<256x64xf32>
    %swap3A_148 = arith.constant 5376 : index
    %swap3A_149 = arith.constant 0 : index
    %swap3A_150 = vector.load %arg2[%swap3A_148, %swap3A_149] : memref<8192x128xf32, #tpu.memory_space<vmem>>, vector<256x64xf32>
    tpu.vector_store %arg2[%swap3A_148, %swap3A_149], %transpose3A_147 {strides = array<i32>} : memref<8192x128xf32, #tpu.memory_space<vmem>>, vector<256x64xf32>,
    %get3A_151 = arith.constant 0 : index
    %get3A_152 = arith.constant 5632 : index
    %get3A_153 = vector.load %arg1[%get3A_151, %get3A_152] : memref<64x16384xf32, #tpu.memory_space<vmem>>, vector<64x256xf32>
    %transpose3A_154 = tpu.transpose %get3A_153, [1, 0] : vector<64x256xf32> -> vector<256x64xf32>
    %swap3A_155 = arith.constant 5632 : index
    %swap3A_156 = arith.constant 0 : index
    %swap3A_157 = vector.load %arg2[%swap3A_155, %swap3A_156] : memref<8192x128xf32, #tpu.memory_space<vmem>>, vector<256x64xf32>
    tpu.vector_store %arg2[%swap3A_155, %swap3A_156], %transpose3A_154 {strides = array<i32>} : memref<8192x128xf32, #tpu.memory_space<vmem>>, vector<256x64xf32>,
    %get3A_158 = arith.constant 0 : index
    %get3A_159 = arith.constant 5888 : index
    %get3A_160 = vector.load %arg1[%get3A_158, %get3A_159] : memref<64x16384xf32, #tpu.memory_space<vmem>>, vector<64x256xf32>
    %transpose3A_161 = tpu.transpose %get3A_160, [1, 0] : vector<64x256xf32> -> vector<256x64xf32>
    %swap3A_162 = arith.constant 5888 : index
    %swap3A_163 = arith.constant 0 : index
    %swap3A_164 = vector.load %arg2[%swap3A_162, %swap3A_163] : memref<8192x128xf32, #tpu.memory_space<vmem>>, vector<256x64xf32>
    tpu.vector_store %arg2[%swap3A_162, %swap3A_163], %transpose3A_161 {strides = array<i32>} : memref<8192x128xf32, #tpu.memory_space<vmem>>, vector<256x64xf32>,
    %get3A_165 = arith.constant 0 : index
    %get3A_166 = arith.constant 6144 : index
    %get3A_167 = vector.load %arg1[%get3A_165, %get3A_166] : memref<64x16384xf32, #tpu.memory_space<vmem>>, vector<64x256xf32>
    %transpose3A_168 = tpu.transpose %get3A_167, [1, 0] : vector<64x256xf32> -> vector<256x64xf32>
    %swap3A_169 = arith.constant 6144 : index
    %swap3A_170 = arith.constant 0 : index
    %swap3A_171 = vector.load %arg2[%swap3A_169, %swap3A_170] : memref<8192x128xf32, #tpu.memory_space<vmem>>, vector<256x64xf32>
    tpu.vector_store %arg2[%swap3A_169, %swap3A_170], %transpose3A_168 {strides = array<i32>} : memref<8192x128xf32, #tpu.memory_space<vmem>>, vector<256x64xf32>,
    %get3A_172 = arith.constant 0 : index
    %get3A_173 = arith.constant 6400 : index
    %get3A_174 = vector.load %arg1[%get3A_172, %get3A_173] : memref<64x16384xf32, #tpu.memory_space<vmem>>, vector<64x256xf32>
    %transpose3A_175 = tpu.transpose %get3A_174, [1, 0] : vector<64x256xf32> -> vector<256x64xf32>
    %swap3A_176 = arith.constant 6400 : index
    %swap3A_177 = arith.constant 0 : index
    %swap3A_178 = vector.load %arg2[%swap3A_176, %swap3A_177] : memref<8192x128xf32, #tpu.memory_space<vmem>>, vector<256x64xf32>
    tpu.vector_store %arg2[%swap3A_176, %swap3A_177], %transpose3A_175 {strides = array<i32>} : memref<8192x128xf32, #tpu.memory_space<vmem>>, vector<256x64xf32>,
    %get3A_179 = arith.constant 0 : index
    %get3A_180 = arith.constant 6656 : index
    %get3A_181 = vector.load %arg1[%get3A_179, %get3A_180] : memref<64x16384xf32, #tpu.memory_space<vmem>>, vector<64x256xf32>
    %transpose3A_182 = tpu.transpose %get3A_181, [1, 0] : vector<64x256xf32> -> vector<256x64xf32>
    %swap3A_183 = arith.constant 6656 : index
    %swap3A_184 = arith.constant 0 : index
    %swap3A_185 = vector.load %arg2[%swap3A_183, %swap3A_184] : memref<8192x128xf32, #tpu.memory_space<vmem>>, vector<256x64xf32>
    tpu.vector_store %arg2[%swap3A_183, %swap3A_184], %transpose3A_182 {strides = array<i32>} : memref<8192x128xf32, #tpu.memory_space<vmem>>, vector<256x64xf32>,
    %get3A_186 = arith.constant 0 : index
    %get3A_187 = arith.constant 6912 : index
    %get3A_188 = vector.load %arg1[%get3A_186, %get3A_187] : memref<64x16384xf32, #tpu.memory_space<vmem>>, vector<64x256xf32>
    %transpose3A_189 = tpu.transpose %get3A_188, [1, 0] : vector<64x256xf32> -> vector<256x64xf32>
    %swap3A_190 = arith.constant 6912 : index
    %swap3A_191 = arith.constant 0 : index
    %swap3A_192 = vector.load %arg2[%swap3A_190, %swap3A_191] : memref<8192x128xf32, #tpu.memory_space<vmem>>, vector<256x64xf32>
    tpu.vector_store %arg2[%swap3A_190, %swap3A_191], %transpose3A_189 {strides = array<i32>} : memref<8192x128xf32, #tpu.memory_space<vmem>>, vector<256x64xf32>,
    %get3A_193 = arith.constant 0 : index
    %get3A_194 = arith.constant 7168 : index
    %get3A_195 = vector.load %arg1[%get3A_193, %get3A_194] : memref<64x16384xf32, #tpu.memory_space<vmem>>, vector<64x256xf32>
    %transpose3A_196 = tpu.transpose %get3A_195, [1, 0] : vector<64x256xf32> -> vector<256x64xf32>
    %swap3A_197 = arith.constant 7168 : index
    %swap3A_198 = arith.constant 0 : index
    %swap3A_199 = vector.load %arg2[%swap3A_197, %swap3A_198] : memref<8192x128xf32, #tpu.memory_space<vmem>>, vector<256x64xf32>
    tpu.vector_store %arg2[%swap3A_197, %swap3A_198], %transpose3A_196 {strides = array<i32>} : memref<8192x128xf32, #tpu.memory_space<vmem>>, vector<256x64xf32>,
    %get3A_200 = arith.constant 0 : index
    %get3A_201 = arith.constant 7424 : index
    %get3A_202 = vector.load %arg1[%get3A_200, %get3A_201] : memref<64x16384xf32, #tpu.memory_space<vmem>>, vector<64x256xf32>
    %transpose3A_203 = tpu.transpose %get3A_202, [1, 0] : vector<64x256xf32> -> vector<256x64xf32>
    %swap3A_204 = arith.constant 7424 : index
    %swap3A_205 = arith.constant 0 : index
    %swap3A_206 = vector.load %arg2[%swap3A_204, %swap3A_205] : memref<8192x128xf32, #tpu.memory_space<vmem>>, vector<256x64xf32>
    tpu.vector_store %arg2[%swap3A_204, %swap3A_205], %transpose3A_203 {strides = array<i32>} : memref<8192x128xf32, #tpu.memory_space<vmem>>, vector<256x64xf32>,
    %get3A_207 = arith.constant 0 : index
    %get3A_208 = arith.constant 7680 : index
    %get3A_209 = vector.load %arg1[%get3A_207, %get3A_208] : memref<64x16384xf32, #tpu.memory_space<vmem>>, vector<64x256xf32>
    %transpose3A_210 = tpu.transpose %get3A_209, [1, 0] : vector<64x256xf32> -> vector<256x64xf32>
    %swap3A_211 = arith.constant 7680 : index
    %swap3A_212 = arith.constant 0 : index
    %swap3A_213 = vector.load %arg2[%swap3A_211, %swap3A_212] : memref<8192x128xf32, #tpu.memory_space<vmem>>, vector<256x64xf32>
    tpu.vector_store %arg2[%swap3A_211, %swap3A_212], %transpose3A_210 {strides = array<i32>} : memref<8192x128xf32, #tpu.memory_space<vmem>>, vector<256x64xf32>,
    %get3A_214 = arith.constant 0 : index
    %get3A_215 = arith.constant 7936 : index
    %get3A_216 = vector.load %arg1[%get3A_214, %get3A_215] : memref<64x16384xf32, #tpu.memory_space<vmem>>, vector<64x256xf32>
    %transpose3A_217 = tpu.transpose %get3A_216, [1, 0] : vector<64x256xf32> -> vector<256x64xf32>
    %swap3A_218 = arith.constant 7936 : index
    %swap3A_219 = arith.constant 0 : index
    %swap3A_220 = vector.load %arg2[%swap3A_218, %swap3A_219] : memref<8192x128xf32, #tpu.memory_space<vmem>>, vector<256x64xf32>
    tpu.vector_store %arg2[%swap3A_218, %swap3A_219], %transpose3A_217 {strides = array<i32>} : memref<8192x128xf32, #tpu.memory_space<vmem>>, vector<256x64xf32>,
    %get3A_221 = arith.constant 0 : index
    %get3A_222 = arith.constant 8192 : index
    %get3A_223 = vector.load %arg1[%get3A_221, %get3A_222] : memref<64x16384xf32, #tpu.memory_space<vmem>>, vector<64x256xf32>
    %transpose3A_224 = tpu.transpose %get3A_223, [1, 0] : vector<64x256xf32> -> vector<256x64xf32>
    %swap3A_225 = arith.constant 0 : index
    %swap3A_226 = arith.constant 64 : index
    %swap3A_227 = vector.load %arg2[%swap3A_225, %swap3A_226] : memref<8192x128xf32, #tpu.memory_space<vmem>>, vector<256x64xf32>
    tpu.vector_store %arg2[%swap3A_225, %swap3A_226], %transpose3A_224 {strides = array<i32>} : memref<8192x128xf32, #tpu.memory_space<vmem>>, vector<256x64xf32>,
    %get3A_228 = arith.constant 0 : index
    %get3A_229 = arith.constant 8448 : index
    %get3A_230 = vector.load %arg1[%get3A_228, %get3A_229] : memref<64x16384xf32, #tpu.memory_space<vmem>>, vector<64x256xf32>
    %transpose3A_231 = tpu.transpose %get3A_230, [1, 0] : vector<64x256xf32> -> vector<256x64xf32>
    %swap3A_232 = arith.constant 256 : index
    %swap3A_233 = arith.constant 64 : index
    %swap3A_234 = vector.load %arg2[%swap3A_232, %swap3A_233] : memref<8192x128xf32, #tpu.memory_space<vmem>>, vector<256x64xf32>
    tpu.vector_store %arg2[%swap3A_232, %swap3A_233], %transpose3A_231 {strides = array<i32>} : memref<8192x128xf32, #tpu.memory_space<vmem>>, vector<256x64xf32>,
    %get3A_235 = arith.constant 0 : index
    %get3A_236 = arith.constant 8704 : index
    %get3A_237 = vector.load %arg1[%get3A_235, %get3A_236] : memref<64x16384xf32, #tpu.memory_space<vmem>>, vector<64x256xf32>
    %transpose3A_238 = tpu.transpose %get3A_237, [1, 0] : vector<64x256xf32> -> vector<256x64xf32>
    %swap3A_239 = arith.constant 512 : index
    %swap3A_240 = arith.constant 64 : index
    %swap3A_241 = vector.load %arg2[%swap3A_239, %swap3A_240] : memref<8192x128xf32, #tpu.memory_space<vmem>>, vector<256x64xf32>
    tpu.vector_store %arg2[%swap3A_239, %swap3A_240], %transpose3A_238 {strides = array<i32>} : memref<8192x128xf32, #tpu.memory_space<vmem>>, vector<256x64xf32>,
    %get3A_242 = arith.constant 0 : index
    %get3A_243 = arith.constant 8960 : index
    %get3A_244 = vector.load %arg1[%get3A_242, %get3A_243] : memref<64x16384xf32, #tpu.memory_space<vmem>>, vector<64x256xf32>
    %transpose3A_245 = tpu.transpose %get3A_244, [1, 0] : vector<64x256xf32> -> vector<256x64xf32>
    %swap3A_246 = arith.constant 768 : index
    %swap3A_247 = arith.constant 64 : index
    %swap3A_248 = vector.load %arg2[%swap3A_246, %swap3A_247] : memref<8192x128xf32, #tpu.memory_space<vmem>>, vector<256x64xf32>
    tpu.vector_store %arg2[%swap3A_246, %swap3A_247], %transpose3A_245 {strides = array<i32>} : memref<8192x128xf32, #tpu.memory_space<vmem>>, vector<256x64xf32>,
    %get3A_249 = arith.constant 0 : index
    %get3A_250 = arith.constant 9216 : index
    %get3A_251 = vector.load %arg1[%get3A_249, %get3A_250] : memref<64x16384xf32, #tpu.memory_space<vmem>>, vector<64x256xf32>
    %transpose3A_252 = tpu.transpose %get3A_251, [1, 0] : vector<64x256xf32> -> vector<256x64xf32>
    %swap3A_253 = arith.constant 1024 : index
    %swap3A_254 = arith.constant 64 : index
    %swap3A_255 = vector.load %arg2[%swap3A_253, %swap3A_254] : memref<8192x128xf32, #tpu.memory_space<vmem>>, vector<256x64xf32>
    tpu.vector_store %arg2[%swap3A_253, %swap3A_254], %transpose3A_252 {strides = array<i32>} : memref<8192x128xf32, #tpu.memory_space<vmem>>, vector<256x64xf32>,
    %get3A_256 = arith.constant 0 : index
    %get3A_257 = arith.constant 9472 : index
    %get3A_258 = vector.load %arg1[%get3A_256, %get3A_257] : memref<64x16384xf32, #tpu.memory_space<vmem>>, vector<64x256xf32>
    %transpose3A_259 = tpu.transpose %get3A_258, [1, 0] : vector<64x256xf32> -> vector<256x64xf32>
    %swap3A_260 = arith.constant 1280 : index
    %swap3A_261 = arith.constant 64 : index
    %swap3A_262 = vector.load %arg2[%swap3A_260, %swap3A_261] : memref<8192x128xf32, #tpu.memory_space<vmem>>, vector<256x64xf32>
    tpu.vector_store %arg2[%swap3A_260, %swap3A_261], %transpose3A_259 {strides = array<i32>} : memref<8192x128xf32, #tpu.memory_space<vmem>>, vector<256x64xf32>,
    %get3A_263 = arith.constant 0 : index
    %get3A_264 = arith.constant 9728 : index
    %get3A_265 = vector.load %arg1[%get3A_263, %get3A_264] : memref<64x16384xf32, #tpu.memory_space<vmem>>, vector<64x256xf32>
    %transpose3A_266 = tpu.transpose %get3A_265, [1, 0] : vector<64x256xf32> -> vector<256x64xf32>
    %swap3A_267 = arith.constant 1536 : index
    %swap3A_268 = arith.constant 64 : index
    %swap3A_269 = vector.load %arg2[%swap3A_267, %swap3A_268] : memref<8192x128xf32, #tpu.memory_space<vmem>>, vector<256x64xf32>
    tpu.vector_store %arg2[%swap3A_267, %swap3A_268], %transpose3A_266 {strides = array<i32>} : memref<8192x128xf32, #tpu.memory_space<vmem>>, vector<256x64xf32>,
    %get3A_270 = arith.constant 0 : index
    %get3A_271 = arith.constant 9984 : index
    %get3A_272 = vector.load %arg1[%get3A_270, %get3A_271] : memref<64x16384xf32, #tpu.memory_space<vmem>>, vector<64x256xf32>
    %transpose3A_273 = tpu.transpose %get3A_272, [1, 0] : vector<64x256xf32> -> vector<256x64xf32>
    %swap3A_274 = arith.constant 1792 : index
    %swap3A_275 = arith.constant 64 : index
    %swap3A_276 = vector.load %arg2[%swap3A_274, %swap3A_275] : memref<8192x128xf32, #tpu.memory_space<vmem>>, vector<256x64xf32>
    tpu.vector_store %arg2[%swap3A_274, %swap3A_275], %transpose3A_273 {strides = array<i32>} : memref<8192x128xf32, #tpu.memory_space<vmem>>, vector<256x64xf32>,
    %get3A_277 = arith.constant 0 : index
    %get3A_278 = arith.constant 10240 : index
    %get3A_279 = vector.load %arg1[%get3A_277, %get3A_278] : memref<64x16384xf32, #tpu.memory_space<vmem>>, vector<64x256xf32>
    %transpose3A_280 = tpu.transpose %get3A_279, [1, 0] : vector<64x256xf32> -> vector<256x64xf32>
    %swap3A_281 = arith.constant 2048 : index
    %swap3A_282 = arith.constant 64 : index
    %swap3A_283 = vector.load %arg2[%swap3A_281, %swap3A_282] : memref<8192x128xf32, #tpu.memory_space<vmem>>, vector<256x64xf32>
    tpu.vector_store %arg2[%swap3A_281, %swap3A_282], %transpose3A_280 {strides = array<i32>} : memref<8192x128xf32, #tpu.memory_space<vmem>>, vector<256x64xf32>,
    %get3A_284 = arith.constant 0 : index
    %get3A_285 = arith.constant 10496 : index
    %get3A_286 = vector.load %arg1[%get3A_284, %get3A_285] : memref<64x16384xf32, #tpu.memory_space<vmem>>, vector<64x256xf32>
    %transpose3A_287 = tpu.transpose %get3A_286, [1, 0] : vector<64x256xf32> -> vector<256x64xf32>
    %swap3A_288 = arith.constant 2304 : index
    %swap3A_289 = arith.constant 64 : index
    %swap3A_290 = vector.load %arg2[%swap3A_288, %swap3A_289] : memref<8192x128xf32, #tpu.memory_space<vmem>>, vector<256x64xf32>
    tpu.vector_store %arg2[%swap3A_288, %swap3A_289], %transpose3A_287 {strides = array<i32>} : memref<8192x128xf32, #tpu.memory_space<vmem>>, vector<256x64xf32>,
    %get3A_291 = arith.constant 0 : index
    %get3A_292 = arith.constant 10752 : index
    %get3A_293 = vector.load %arg1[%get3A_291, %get3A_292] : memref<64x16384xf32, #tpu.memory_space<vmem>>, vector<64x256xf32>
    %transpose3A_294 = tpu.transpose %get3A_293, [1, 0] : vector<64x256xf32> -> vector<256x64xf32>
    %swap3A_295 = arith.constant 2560 : index
    %swap3A_296 = arith.constant 64 : index
    %swap3A_297 = vector.load %arg2[%swap3A_295, %swap3A_296] : memref<8192x128xf32, #tpu.memory_space<vmem>>, vector<256x64xf32>
    tpu.vector_store %arg2[%swap3A_295, %swap3A_296], %transpose3A_294 {strides = array<i32>} : memref<8192x128xf32, #tpu.memory_space<vmem>>, vector<256x64xf32>,
    %get3A_298 = arith.constant 0 : index
    %get3A_299 = arith.constant 11008 : index
    %get3A_300 = vector.load %arg1[%get3A_298, %get3A_299] : memref<64x16384xf32, #tpu.memory_space<vmem>>, vector<64x256xf32>
    %transpose3A_301 = tpu.transpose %get3A_300, [1, 0] : vector<64x256xf32> -> vector<256x64xf32>
    %swap3A_302 = arith.constant 2816 : index
    %swap3A_303 = arith.constant 64 : index
    %swap3A_304 = vector.load %arg2[%swap3A_302, %swap3A_303] : memref<8192x128xf32, #tpu.memory_space<vmem>>, vector<256x64xf32>
    tpu.vector_store %arg2[%swap3A_302, %swap3A_303], %transpose3A_301 {strides = array<i32>} : memref<8192x128xf32, #tpu.memory_space<vmem>>, vector<256x64xf32>,
    %get3A_305 = arith.constant 0 : index
    %get3A_306 = arith.constant 11264 : index
    %get3A_307 = vector.load %arg1[%get3A_305, %get3A_306] : memref<64x16384xf32, #tpu.memory_space<vmem>>, vector<64x256xf32>
    %transpose3A_308 = tpu.transpose %get3A_307, [1, 0] : vector<64x256xf32> -> vector<256x64xf32>
    %swap3A_309 = arith.constant 3072 : index
    %swap3A_310 = arith.constant 64 : index
    %swap3A_311 = vector.load %arg2[%swap3A_309, %swap3A_310] : memref<8192x128xf32, #tpu.memory_space<vmem>>, vector<256x64xf32>
    tpu.vector_store %arg2[%swap3A_309, %swap3A_310], %transpose3A_308 {strides = array<i32>} : memref<8192x128xf32, #tpu.memory_space<vmem>>, vector<256x64xf32>,
    %get3A_312 = arith.constant 0 : index
    %get3A_313 = arith.constant 11520 : index
    %get3A_314 = vector.load %arg1[%get3A_312, %get3A_313] : memref<64x16384xf32, #tpu.memory_space<vmem>>, vector<64x256xf32>
    %transpose3A_315 = tpu.transpose %get3A_314, [1, 0] : vector<64x256xf32> -> vector<256x64xf32>
    %swap3A_316 = arith.constant 3328 : index
    %swap3A_317 = arith.constant 64 : index
    %swap3A_318 = vector.load %arg2[%swap3A_316, %swap3A_317] : memref<8192x128xf32, #tpu.memory_space<vmem>>, vector<256x64xf32>
    tpu.vector_store %arg2[%swap3A_316, %swap3A_317], %transpose3A_315 {strides = array<i32>} : memref<8192x128xf32, #tpu.memory_space<vmem>>, vector<256x64xf32>,
    %get3A_319 = arith.constant 0 : index
    %get3A_320 = arith.constant 11776 : index
    %get3A_321 = vector.load %arg1[%get3A_319, %get3A_320] : memref<64x16384xf32, #tpu.memory_space<vmem>>, vector<64x256xf32>
    %transpose3A_322 = tpu.transpose %get3A_321, [1, 0] : vector<64x256xf32> -> vector<256x64xf32>
    %swap3A_323 = arith.constant 3584 : index
    %swap3A_324 = arith.constant 64 : index
    %swap3A_325 = vector.load %arg2[%swap3A_323, %swap3A_324] : memref<8192x128xf32, #tpu.memory_space<vmem>>, vector<256x64xf32>
    tpu.vector_store %arg2[%swap3A_323, %swap3A_324], %transpose3A_322 {strides = array<i32>} : memref<8192x128xf32, #tpu.memory_space<vmem>>, vector<256x64xf32>,
    %get3A_326 = arith.constant 0 : index
    %get3A_327 = arith.constant 12032 : index
    %get3A_328 = vector.load %arg1[%get3A_326, %get3A_327] : memref<64x16384xf32, #tpu.memory_space<vmem>>, vector<64x256xf32>
    %transpose3A_329 = tpu.transpose %get3A_328, [1, 0] : vector<64x256xf32> -> vector<256x64xf32>
    %swap3A_330 = arith.constant 3840 : index
    %swap3A_331 = arith.constant 64 : index
    %swap3A_332 = vector.load %arg2[%swap3A_330, %swap3A_331] : memref<8192x128xf32, #tpu.memory_space<vmem>>, vector<256x64xf32>
    tpu.vector_store %arg2[%swap3A_330, %swap3A_331], %transpose3A_329 {strides = array<i32>} : memref<8192x128xf32, #tpu.memory_space<vmem>>, vector<256x64xf32>,
    %get3A_333 = arith.constant 0 : index
    %get3A_334 = arith.constant 12288 : index
    %get3A_335 = vector.load %arg1[%get3A_333, %get3A_334] : memref<64x16384xf32, #tpu.memory_space<vmem>>, vector<64x256xf32>
    %transpose3A_336 = tpu.transpose %get3A_335, [1, 0] : vector<64x256xf32> -> vector<256x64xf32>
    %swap3A_337 = arith.constant 4096 : index
    %swap3A_338 = arith.constant 64 : index
    %swap3A_339 = vector.load %arg2[%swap3A_337, %swap3A_338] : memref<8192x128xf32, #tpu.memory_space<vmem>>, vector<256x64xf32>
    tpu.vector_store %arg2[%swap3A_337, %swap3A_338], %transpose3A_336 {strides = array<i32>} : memref<8192x128xf32, #tpu.memory_space<vmem>>, vector<256x64xf32>,
    %get3A_340 = arith.constant 0 : index
    %get3A_341 = arith.constant 12544 : index
    %get3A_342 = vector.load %arg1[%get3A_340, %get3A_341] : memref<64x16384xf32, #tpu.memory_space<vmem>>, vector<64x256xf32>
    %transpose3A_343 = tpu.transpose %get3A_342, [1, 0] : vector<64x256xf32> -> vector<256x64xf32>
    %swap3A_344 = arith.constant 4352 : index
    %swap3A_345 = arith.constant 64 : index
    %swap3A_346 = vector.load %arg2[%swap3A_344, %swap3A_345] : memref<8192x128xf32, #tpu.memory_space<vmem>>, vector<256x64xf32>
    tpu.vector_store %arg2[%swap3A_344, %swap3A_345], %transpose3A_343 {strides = array<i32>} : memref<8192x128xf32, #tpu.memory_space<vmem>>, vector<256x64xf32>,
    %get3A_347 = arith.constant 0 : index
    %get3A_348 = arith.constant 12800 : index
    %get3A_349 = vector.load %arg1[%get3A_347, %get3A_348] : memref<64x16384xf32, #tpu.memory_space<vmem>>, vector<64x256xf32>
    %transpose3A_350 = tpu.transpose %get3A_349, [1, 0] : vector<64x256xf32> -> vector<256x64xf32>
    %swap3A_351 = arith.constant 4608 : index
    %swap3A_352 = arith.constant 64 : index
    %swap3A_353 = vector.load %arg2[%swap3A_351, %swap3A_352] : memref<8192x128xf32, #tpu.memory_space<vmem>>, vector<256x64xf32>
    tpu.vector_store %arg2[%swap3A_351, %swap3A_352], %transpose3A_350 {strides = array<i32>} : memref<8192x128xf32, #tpu.memory_space<vmem>>, vector<256x64xf32>,
    %get3A_354 = arith.constant 0 : index
    %get3A_355 = arith.constant 13056 : index
    %get3A_356 = vector.load %arg1[%get3A_354, %get3A_355] : memref<64x16384xf32, #tpu.memory_space<vmem>>, vector<64x256xf32>
    %transpose3A_357 = tpu.transpose %get3A_356, [1, 0] : vector<64x256xf32> -> vector<256x64xf32>
    %swap3A_358 = arith.constant 4864 : index
    %swap3A_359 = arith.constant 64 : index
    %swap3A_360 = vector.load %arg2[%swap3A_358, %swap3A_359] : memref<8192x128xf32, #tpu.memory_space<vmem>>, vector<256x64xf32>
    tpu.vector_store %arg2[%swap3A_358, %swap3A_359], %transpose3A_357 {strides = array<i32>} : memref<8192x128xf32, #tpu.memory_space<vmem>>, vector<256x64xf32>,
    %get3A_361 = arith.constant 0 : index
    %get3A_362 = arith.constant 13312 : index
    %get3A_363 = vector.load %arg1[%get3A_361, %get3A_362] : memref<64x16384xf32, #tpu.memory_space<vmem>>, vector<64x256xf32>
    %transpose3A_364 = tpu.transpose %get3A_363, [1, 0] : vector<64x256xf32> -> vector<256x64xf32>
    %swap3A_365 = arith.constant 5120 : index
    %swap3A_366 = arith.constant 64 : index
    %swap3A_367 = vector.load %arg2[%swap3A_365, %swap3A_366] : memref<8192x128xf32, #tpu.memory_space<vmem>>, vector<256x64xf32>
    tpu.vector_store %arg2[%swap3A_365, %swap3A_366], %transpose3A_364 {strides = array<i32>} : memref<8192x128xf32, #tpu.memory_space<vmem>>, vector<256x64xf32>,
    %get3A_368 = arith.constant 0 : index
    %get3A_369 = arith.constant 13568 : index
    %get3A_370 = vector.load %arg1[%get3A_368, %get3A_369] : memref<64x16384xf32, #tpu.memory_space<vmem>>, vector<64x256xf32>
    %transpose3A_371 = tpu.transpose %get3A_370, [1, 0] : vector<64x256xf32> -> vector<256x64xf32>
    %swap3A_372 = arith.constant 5376 : index
    %swap3A_373 = arith.constant 64 : index
    %swap3A_374 = vector.load %arg2[%swap3A_372, %swap3A_373] : memref<8192x128xf32, #tpu.memory_space<vmem>>, vector<256x64xf32>
    tpu.vector_store %arg2[%swap3A_372, %swap3A_373], %transpose3A_371 {strides = array<i32>} : memref<8192x128xf32, #tpu.memory_space<vmem>>, vector<256x64xf32>,
    %get3A_375 = arith.constant 0 : index
    %get3A_376 = arith.constant 13824 : index
    %get3A_377 = vector.load %arg1[%get3A_375, %get3A_376] : memref<64x16384xf32, #tpu.memory_space<vmem>>, vector<64x256xf32>
    %transpose3A_378 = tpu.transpose %get3A_377, [1, 0] : vector<64x256xf32> -> vector<256x64xf32>
    %swap3A_379 = arith.constant 5632 : index
    %swap3A_380 = arith.constant 64 : index
    %swap3A_381 = vector.load %arg2[%swap3A_379, %swap3A_380] : memref<8192x128xf32, #tpu.memory_space<vmem>>, vector<256x64xf32>
    tpu.vector_store %arg2[%swap3A_379, %swap3A_380], %transpose3A_378 {strides = array<i32>} : memref<8192x128xf32, #tpu.memory_space<vmem>>, vector<256x64xf32>,
    %get3A_382 = arith.constant 0 : index
    %get3A_383 = arith.constant 14080 : index
    %get3A_384 = vector.load %arg1[%get3A_382, %get3A_383] : memref<64x16384xf32, #tpu.memory_space<vmem>>, vector<64x256xf32>
    %transpose3A_385 = tpu.transpose %get3A_384, [1, 0] : vector<64x256xf32> -> vector<256x64xf32>
    %swap3A_386 = arith.constant 5888 : index
    %swap3A_387 = arith.constant 64 : index
    %swap3A_388 = vector.load %arg2[%swap3A_386, %swap3A_387] : memref<8192x128xf32, #tpu.memory_space<vmem>>, vector<256x64xf32>
    tpu.vector_store %arg2[%swap3A_386, %swap3A_387], %transpose3A_385 {strides = array<i32>} : memref<8192x128xf32, #tpu.memory_space<vmem>>, vector<256x64xf32>,
    %get3A_389 = arith.constant 0 : index
    %get3A_390 = arith.constant 14336 : index
    %get3A_391 = vector.load %arg1[%get3A_389, %get3A_390] : memref<64x16384xf32, #tpu.memory_space<vmem>>, vector<64x256xf32>
    %transpose3A_392 = tpu.transpose %get3A_391, [1, 0] : vector<64x256xf32> -> vector<256x64xf32>
    %swap3A_393 = arith.constant 6144 : index
    %swap3A_394 = arith.constant 64 : index
    %swap3A_395 = vector.load %arg2[%swap3A_393, %swap3A_394] : memref<8192x128xf32, #tpu.memory_space<vmem>>, vector<256x64xf32>
    tpu.vector_store %arg2[%swap3A_393, %swap3A_394], %transpose3A_392 {strides = array<i32>} : memref<8192x128xf32, #tpu.memory_space<vmem>>, vector<256x64xf32>,
    %get3A_396 = arith.constant 0 : index
    %get3A_397 = arith.constant 14592 : index
    %get3A_398 = vector.load %arg1[%get3A_396, %get3A_397] : memref<64x16384xf32, #tpu.memory_space<vmem>>, vector<64x256xf32>
    %transpose3A_399 = tpu.transpose %get3A_398, [1, 0] : vector<64x256xf32> -> vector<256x64xf32>
    %swap3A_400 = arith.constant 6400 : index
    %swap3A_401 = arith.constant 64 : index
    %swap3A_402 = vector.load %arg2[%swap3A_400, %swap3A_401] : memref<8192x128xf32, #tpu.memory_space<vmem>>, vector<256x64xf32>
    tpu.vector_store %arg2[%swap3A_400, %swap3A_401], %transpose3A_399 {strides = array<i32>} : memref<8192x128xf32, #tpu.memory_space<vmem>>, vector<256x64xf32>,
    %get3A_403 = arith.constant 0 : index
    %get3A_404 = arith.constant 14848 : index
    %get3A_405 = vector.load %arg1[%get3A_403, %get3A_404] : memref<64x16384xf32, #tpu.memory_space<vmem>>, vector<64x256xf32>
    %transpose3A_406 = tpu.transpose %get3A_405, [1, 0] : vector<64x256xf32> -> vector<256x64xf32>
    %swap3A_407 = arith.constant 6656 : index
    %swap3A_408 = arith.constant 64 : index
    %swap3A_409 = vector.load %arg2[%swap3A_407, %swap3A_408] : memref<8192x128xf32, #tpu.memory_space<vmem>>, vector<256x64xf32>
    tpu.vector_store %arg2[%swap3A_407, %swap3A_408], %transpose3A_406 {strides = array<i32>} : memref<8192x128xf32, #tpu.memory_space<vmem>>, vector<256x64xf32>,
    %get3A_410 = arith.constant 0 : index
    %get3A_411 = arith.constant 15104 : index
    %get3A_412 = vector.load %arg1[%get3A_410, %get3A_411] : memref<64x16384xf32, #tpu.memory_space<vmem>>, vector<64x256xf32>
    %transpose3A_413 = tpu.transpose %get3A_412, [1, 0] : vector<64x256xf32> -> vector<256x64xf32>
    %swap3A_414 = arith.constant 6912 : index
    %swap3A_415 = arith.constant 64 : index
    %swap3A_416 = vector.load %arg2[%swap3A_414, %swap3A_415] : memref<8192x128xf32, #tpu.memory_space<vmem>>, vector<256x64xf32>
    tpu.vector_store %arg2[%swap3A_414, %swap3A_415], %transpose3A_413 {strides = array<i32>} : memref<8192x128xf32, #tpu.memory_space<vmem>>, vector<256x64xf32>,
    %get3A_417 = arith.constant 0 : index
    %get3A_418 = arith.constant 15360 : index
    %get3A_419 = vector.load %arg1[%get3A_417, %get3A_418] : memref<64x16384xf32, #tpu.memory_space<vmem>>, vector<64x256xf32>
    %transpose3A_420 = tpu.transpose %get3A_419, [1, 0] : vector<64x256xf32> -> vector<256x64xf32>
    %swap3A_421 = arith.constant 7168 : index
    %swap3A_422 = arith.constant 64 : index
    %swap3A_423 = vector.load %arg2[%swap3A_421, %swap3A_422] : memref<8192x128xf32, #tpu.memory_space<vmem>>, vector<256x64xf32>
    tpu.vector_store %arg2[%swap3A_421, %swap3A_422], %transpose3A_420 {strides = array<i32>} : memref<8192x128xf32, #tpu.memory_space<vmem>>, vector<256x64xf32>,
    %get3A_424 = arith.constant 0 : index
    %get3A_425 = arith.constant 15616 : index
    %get3A_426 = vector.load %arg1[%get3A_424, %get3A_425] : memref<64x16384xf32, #tpu.memory_space<vmem>>, vector<64x256xf32>
    %transpose3A_427 = tpu.transpose %get3A_426, [1, 0] : vector<64x256xf32> -> vector<256x64xf32>
    %swap3A_428 = arith.constant 7424 : index
    %swap3A_429 = arith.constant 64 : index
    %swap3A_430 = vector.load %arg2[%swap3A_428, %swap3A_429] : memref<8192x128xf32, #tpu.memory_space<vmem>>, vector<256x64xf32>
    tpu.vector_store %arg2[%swap3A_428, %swap3A_429], %transpose3A_427 {strides = array<i32>} : memref<8192x128xf32, #tpu.memory_space<vmem>>, vector<256x64xf32>,
    %get3A_431 = arith.constant 0 : index
    %get3A_432 = arith.constant 15872 : index
    %get3A_433 = vector.load %arg1[%get3A_431, %get3A_432] : memref<64x16384xf32, #tpu.memory_space<vmem>>, vector<64x256xf32>
    %transpose3A_434 = tpu.transpose %get3A_433, [1, 0] : vector<64x256xf32> -> vector<256x64xf32>
    %swap3A_435 = arith.constant 7680 : index
    %swap3A_436 = arith.constant 64 : index
    %swap3A_437 = vector.load %arg2[%swap3A_435, %swap3A_436] : memref<8192x128xf32, #tpu.memory_space<vmem>>, vector<256x64xf32>
    tpu.vector_store %arg2[%swap3A_435, %swap3A_436], %transpose3A_434 {strides = array<i32>} : memref<8192x128xf32, #tpu.memory_space<vmem>>, vector<256x64xf32>,
    %get3A_438 = arith.constant 0 : index
    %get3A_439 = arith.constant 16128 : index
    %get3A_440 = vector.load %arg1[%get3A_438, %get3A_439] : memref<64x16384xf32, #tpu.memory_space<vmem>>, vector<64x256xf32>
    %transpose3A_441 = tpu.transpose %get3A_440, [1, 0] : vector<64x256xf32> -> vector<256x64xf32>
    %swap3A_442 = arith.constant 7936 : index
    %swap3A_443 = arith.constant 64 : index
    %swap3A_444 = vector.load %arg2[%swap3A_442, %swap3A_443] : memref<8192x128xf32, #tpu.memory_space<vmem>>, vector<256x64xf32>
    tpu.vector_store %arg2[%swap3A_442, %swap3A_443], %transpose3A_441 {strides = array<i32>} : memref<8192x128xf32, #tpu.memory_space<vmem>>, vector<256x64xf32>,
    return
  }
  func.func @transform_0(%arg0: i32) -> (i32, i32) {
    %c0_i32 = arith.constant 0 : i32
    %c0_i32_0 = arith.constant 0 : i32
    return %c0_i32, %arg0 : i32, i32
  }
  func.func @transform_1(%arg0: i32) -> (i32, i32) {
    %c0_i32 = arith.constant 0 : i32
    %c0_i32_0 = arith.constant 0 : i32
    return %arg0, %c0_i32 : i32, i32
  }
}

</mosaic_0001>

<sc_bundles>
// kernel: kernel.4.cloned.1.call-start
scs
__scs_entry_jumppad:
0x0: {  	(pc) =	sbr.rel $0x88, $3  }
0x1: {  	(tag) =	ssettag $0x0;
	lr =	simm.s32 $0x1  }
0x2: {  	[smem:$0x3F9D] =	sst lr;
	_ =	strace $0xD0000000  }
0x3: {  	_ = 	snop  }
0x4: {  	_ = 	snop  }
0x5: {  	_ = 	snop  }
0x6: {  	_ = 	snop  }
0x7: {  	_ = 	snop  }
__scs_overlays_trampoline_lowered:
0x8: {  	[smem:$0x3FAC] =	sst s0  }
0x9: {  	[smem:$0x3FAD] =	sst s1  }
0xa: {  	[smem:$0x3FAE] =	sst s2  }
0xb: {  	[smem:$0x3FAF] =	sst s3  }
0xc: {  	[smem:$0x3FB0] =	sst s4  }
0xd: {  	[smem:$0x3FB1] =	sst s5  }
0xe: {  	[smem:$0x3FB2] =	sst s6  }
0xf: {  	[smem:$0x3FB3] =	sst s7  }
0x10: {  	[smem:$0x3FB4] =	sst s8  }
0x11: {  	[smem:$0x3FB5] =	sst s9;
	s0 =	simm.s32 @!p0 $0x0  }
0x12: {  	s1 =	sld [smem:$0x3F9B];
	s0 =	simm.s32 @p0 $0x1  }
0x13: {  	[smem:$0x3FB6] =	sst s0;
	s0 =	simm.s32 @!p1 $0x0  }
0x14: {  	s2 =	sld [smem:$0x3F9A];
	s0 =	simm.s32 @p1 $0x1  }
0x15: {  	[smem:$0x3FB7] =	sst s0;
	s0 =	simm.s32 @!p2 $0x0  }
0x16: {  	s3 =	sld [smem:$0x3FDB];
	s0 =	simm.s32 @p2 $0x1  }
0x17: {  	s4 =	simm.s32 $0x1BF5;
	[smem:$0x3FB9] =	sst s0  }
0x18: {  	s0 =	sld [smem:$0x3F9C];
	_ =	swait.ge [sflag:s4], $0x0  }
0x19: {  	s7 =	sld [smem:$0x3F9D]  }
0x1a: {  	s8 =	sadd.s32 $0xFFFFE003, lr  }
0x1b: {  	s9 =	sadd.s32 $0xFFFFFEF7, lr;
	s5 =	simm.s32 $0xFFFFFFFF;
	p2 =	slt.u32 s8, $0xFFFFF086  }
0x1c: {  	p1 =	slt.u32 s9, $0xF7A;
	s5 =	simm.s32 @!p2 $0x0  }
0x1d: {  	s5 =	simm.s32 @p1 $0x1;
	p0 =	seq.s32 s7, s2  }
0x1e: {  	s7 =	smul.u32 @!p0 $0xF7A, s2;
	p2 =	seq.s32 @!p0 s5, $0x0  }
0x1f: {  	s9 =	smul.u32 $0xF7A, s1;
	s8 =	simm.s32 @!p0 $0x1BF5;
	p2 =	por !p2, p0  }
0x20: {  	[sflag:s8] =	ssyncset.s32 @!p0 $0xFFFFF086;
	s6 =	sadd.s32 @!p0 s3, s7;
	s7 =	simm.s32 @!p0 $0x108  }
0x21: {  	s3 =	sadd.s32 s3, s9;
	s6 =	sadd.s32 @!p0 $0x88, s6;
	s7 =	simm.s32 @p2 $0x1082  }
0x22: {  	[simem:s7], [sflag:s8] =	dma.local @!p0 [hbm:s6], $0xF7A  }
0x23: {  	s9 =	sor.u32 $0xD0000000, s2;
	s6 =	simm.s32 $0x108;
	_ =	swait.ge @!p0 [sflag:s8], $0x0  }
0x24: {  	s3 =	sadd.s32 $0x88, s3;
	s6 =	simm.s32 @!p1 $0x1082;
	[sflag:s4] =	ssyncset.s32 $0xFFFFF086  }
0x25: {  	[simem:s6], [sflag:s4] =	dma.local [hbm:s3], $0xF7A  }
0x26: {  	[smem:$0x3F9D] =	sst s1;
	(tag) =	ssettag s2;
	_ =	strace s9  }
0x27: {  	s1 =	sld [smem:$0x3FAD]  }
0x28: {  	s2 =	sld [smem:$0x3FAE]  }
0x29: {  	s4 =	sld [smem:$0x3FB0]  }
0x2a: {  	p0 =	seq.s32 s5, $0x0;
	s5 =	sld [smem:$0x3FB1]  }
0x2b: {  	s6 =	sld [smem:$0x3FB2]  }
0x2c: {  	s7 =	sld [smem:$0x3FB3]  }
0x2d: {  	s3 =	simm.s32 $0x108;
	s8 =	sld [smem:$0x3FB4]  }
0x2e: {  	s3 =	simm.s32 @!p0 $0x1082;
	s9 =	sld [smem:$0x3FB5]  }
0x2f: {  	lr =	sadd.s32 s0, s3;
	s0 =	sld [smem:$0x3FAC]  }
0x30: {  	s3 =	sld [smem:$0x3FAF]  }
0x31: {  	[smem:$0x3FB8] =	sst s10  }
0x32: {  	s10 =	sld [smem:$0x3FB6];
	_ =	sdelay $0x3  }
0x33: {  	p0 =	seq.s32 s10, $0x1;
	s10 =	sld [smem:$0x3FB8];
	_ =	sdelay $0x3  }
0x34: {  	[smem:$0x3FB8] =	sst s10  }
0x35: {  	s10 =	sld [smem:$0x3FB7];
	_ =	sdelay $0x3  }
0x36: {  	p1 =	seq.s32 s10, $0x1;
	s10 =	sld [smem:$0x3FB8];
	_ =	sdelay $0x3  }
0x37: {  	[smem:$0x3FB8] =	sst s10  }
0x38: {  	s10 =	sld [smem:$0x3FB9]  }
0x39: {  	_ = 	snop;
	(pc) =	sbr.ind lr, $3  }
0x3a: {  	_ = 	snop  }
0x3b: {  	_ = 	snop  }
0x3c: {  	p2 =	seq.s32 s10, $0x1;
	s10 =	sld [smem:$0x3FB8]  }
0x3d: {  	_ =	shalt  }
0x3e: {  	_ =	shalt  }
0x3f: {  	_ =	shalt  }
0x40: {  	_ =	shalt  }
0x41: {  	_ =	shalt  }
0x42: {  	_ =	shalt  }
0x43: {  	_ =	shalt  }
0x44: {  	_ =	shalt  }
0x45: {  	_ =	shalt  }
0x46: {  	_ =	shalt  }
0x47: {  	_ =	shalt  }
0x48: {  	_ =	shalt  }
0x49: {  	_ =	shalt  }
0x4a: {  	_ =	shalt  }
0x4b: {  	_ =	shalt  }
0x4c: {  	_ =	shalt  }
0x4d: {  	_ =	shalt  }
0x4e: {  	_ =	shalt  }
0x4f: {  	_ =	shalt  }
0x50: {  	_ =	shalt  }
0x51: {  	_ =	shalt  }
0x52: {  	_ =	shalt  }
0x53: {  	_ =	shalt  }
0x54: {  	_ =	shalt  }
0x55: {  	_ =	shalt  }
0x56: {  	_ =	shalt  }
0x57: {  	_ =	shalt  }
0x58: {  	_ =	shalt  }
0x59: {  	_ =	shalt  }
0x5a: {  	_ =	shalt  }
0x5b: {  	_ =	shalt  }
0x5c: {  	_ =	shalt  }
0x5d: {  	_ =	shalt  }
0x5e: {  	_ =	shalt  }
0x5f: {  	_ =	shalt  }
0x60: {  	_ =	shalt  }
0x61: {  	_ =	shalt  }
0x62: {  	_ =	shalt  }
0x63: {  	_ =	shalt  }
0x64: {  	_ =	shalt  }
0x65: {  	_ =	shalt  }
0x66: {  	_ =	shalt  }
0x67: {  	_ =	shalt  }
0x68: {  	_ =	shalt  }
0x69: {  	_ =	shalt  }
0x6a: {  	_ =	shalt  }
0x6b: {  	_ =	shalt  }
0x6c: {  	_ =	shalt  }
0x6d: {  	_ =	shalt  }
0x6e: {  	_ =	shalt  }
0x6f: {  	_ =	shalt  }
0x70: {  	_ =	shalt  }
0x71: {  	_ =	shalt  }
0x72: {  	_ =	shalt  }
0x73: {  	_ =	shalt  }
0x74: {  	_ =	shalt  }
0x75: {  	_ =	shalt  }
0x76: {  	_ =	shalt  }
0x77: {  	_ =	shalt  }
0x78: {  	_ =	shalt  }
0x79: {  	_ =	shalt  }
0x7a: {  	_ =	shalt  }
0x7b: {  	_ =	shalt  }
0x7c: {  	_ =	shalt  }
0x7d: {  	_ =	shalt  }
0x7e: {  	_ =	shalt  }
0x7f: {  	_ =	shalt  }
0x80: {  	_ =	shalt  }
0x81: {  	_ =	shalt  }
0x82: {  	_ =	shalt  }
0x83: {  	_ =	shalt  }
0x84: {  	_ =	shalt  }
0x85: {  	_ =	shalt  }
0x86: {  	_ =	shalt  }
0x87: {  	_ =	shalt  }
.Lfunc_end0:
.L_simem_size_0:
called_computation_lowered:
.L_overlay_start_0:
0x88: {  	s2 =	sld [smem:$0x3FD9]  }
0x89: {  	s3 =	sld [smem:$0x3FFE];
	_ =	sdelay $0x1  }
0x8a: {  	s1 =	srdreg.scid  }
0x8b: {  	s0 =	sand.u32 $0x1, s1  }
0x8c: {  	s17 =	sshll.u32 s0, $0xA;
	s2 =	sadd.s32 s3, s2  }
0x8d: {  	s2 =	sadd.s32 s2, s17  }
0x8e: {  	[smem:$0x3FC4] =	sst s2  }
0x8f: {  	_ = 	snop  }
0x90: {  	s2 =	sld [smem:$0x3FC6]  }
0x91: {  	s18 =	sld [smem:$0x3FD0];
	(tm) =	ssettm $0x1  }
0x92: {  	s4 =	sld [smem:$0x3FFB];
	_ =	sdelay $0x3  }
0x93: {  	_ =	strace s4  }
0x94: {  	s4 =	sld [smem:$0x3FFC];
	_ =	sdelay $0x3  }
0x95: {  	_ =	strace s4  }
0x96: {  	s4 =	sld [smem:$0x3FFD];
	_ =	sdelay $0x3  }
0x97: {  	_ =	strace s4  }
0x98: {  	_ =	strace $0x8FFFFFFF  }
0x99: {  	s19 =	sld [smem:$0x3FDB];
	_ =	sdelay $0x1  }
0x9a: {  	s5 =	simm.s32 $_scs_section_size  }
0x9b: {  	s6 =	simm.s32 $_size__tile_overlayer_lowered;
	s7 =	simm.s32 $_tile_overlayer_lowered  }
0x9c: {  	s22 =	simm.s32 $0x1BFF;
	s21 =	sshll.u32 s7, $0x1;
	s4 =	sadd.s32 s5, s19  }
0x9d: {  	s8 =	simm.s32 $0x0;
	s20 =	sshll.u32 s6, $0x1;
	s6 =	sadd.s32 s21, s4  }
0x9e: {  	[timem:s8], [sflag:s22] =	dma.local [hbm:s6], s20  }
0x9f: {  	_ =	swait.ge [sflag:s22], s20  }
0xa0: {  	s5 =	ssub.s32 $0x0, s20;
	[sflag:s22] =	ssyncset.done $0x0  }
0xa1: {  	[sflag:s22] =	ssyncadd.s32 s5;
	_ =	sdelay $0x1  }
0xa2: {  	s23 =	simm.s32 $0x1B8B  }
0xa3: {  	_ =	swait.ge [sflag:s23], $0x1  }
0xa4: {  	[sflag:s23] =	ssyncset.done $0x0  }
0xa5: {  	s25 =	simm.s32 $0x1B8E;
	s24 =	sld [smem:$0x3FFE];
	[sflag:s23] =	ssyncadd.s32 $0xFFFFFFFF  }
0xa6: {  	s26 =	simm.s32 $execute0_lowered;
	[smem:$0x3FD2] =	sst s25  }
0xa7: {  	s6 =	sshll.u32 s26, $0x1;
	_ =	strace $0x80000046;
	[dreg:$0x1] =	wrdreg $0xFFFFFFFF  }
0xa8: {  	s28 =	simm.s32 $_size_execute0_lowered;
	s4 =	sadd.s32 s4, s6;
	[dreg:$0x0] =	wrdreg $0x0  }
0xa9: {  	s6 =	sshll.u32 s28, $0x1;
	[dreg:$0x2] =	wrdreg s4  }
0xaa: {  	[dreg:$0x3] =	wrdreg s6  }
0xab: {  	[dreg:$0x4] =	wrdreg $0xC0  }
0xac: {  	_ =	task [dreg:s8], $0x5FFFF  }
0xad: {  	[dreg:$0x1] =	wrdreg $0xFFFFFFFF  }
0xae: {  	[dreg:$0x0] =	wrdreg $0x60  }
0xaf: {  	[dreg:$0x2] =	wrdreg s24  }
0xb0: {  	[dreg:$0x3] =	wrdreg s2  }
0xb1: {  	[dreg:$0x4] =	wrdreg s18  }
0xb2: {  	[dreg:$0x5] =	wrdreg $0x9  }
0xb3: {  	_ =	task.clear_ibuf [dreg:s8], $0x6FFFF;
	_ =	strace $0x90000046  }
0xb4: {  	s29 =	simm.s32 $0x9;
	_ =	strace $0x80000048  }
0xb5: {  	_ =	swait.ge [sflag:s29], $0x1  }
0xb6: {  	[sflag:s29] =	ssyncadd.s32 $0xFFFFFFFF  }
0xb7: {  	_ =	strace $0x90000048  }
0xb8: {  	_ =	sfence  }
0xb9: {  	s30 =	sld [smem:$0x0];
	_ =	sdelay $0x2  }
0xba: {  	s31 =	sshll.u32 s1, $0xD;
	s1 =	sshrl.u32 s1, $0x2  }
0xbb: {  	s3 =	sand.u32 $0x4000, s31;
	s1 =	sadd.s32 s1, s30  }
0xbc: {  	s0 =	sor.u32 s3, s0;
	s1 =	sshll.u32 s1, $0x11  }
0xbd: {  	s0 =	sor.u32 s1, s0  }
0xbe: {  	s0 =	sadd.s32 $0x8F2B, s0  }
0xbf: {  	[sflag:s0] =	ssyncadd.remote.s32 $0x1  }
0xc0: {  	_ =	sfence.sel $0xFFFF  }
0xc1: {  	[dreg:$0x0] =	wrdreg $0xFFFFFFFF;
	(pc) =	sbr.abs _section_cstart, $3  }
0xc2: {  	[dreg:$0x1] =	wrdreg $0xFFFFFFFF  }
0xc3: {  	_ =	task.clear_ibuf [dreg:s8], $0x2FFFF;
	_ =	strace $0x9FFFFFFF  }
0xc4: {  	(tm) =	ssettm $0x7FFFFFFF  }
0xc5: {  	_ =	shalt  }
tec
execute0_lowered:
.L_overlay_start_1:
0x0: {  	(tag) =	ssettag $0x1  }
0x1: {  	s0 =	rddreg [dreg:$0x0];
	s1 =	srdreg.scid  }
0x2: {  	s3 =	stileid.u32;
	s2 =	rddreg [dreg:$0x2]  }
0x3: {  	s15 =	simm.s32 $0x640;
	s16 =	simm.s32 $0x5;
	s17 =	simm.s32 $0x10740  }
0x4: {  	s18 =	simm.s32 $0x190;
	s19 =	simm.s32 $0x320;
	s20 =	simm.s32 $0x1F40  }
0x5: {  	s21 =	simm.s32 $0x4B0;
	s22 =	simm.s32 $0x8340;
	s23 =	simm.s32 $0x3  }
0x6: {  	s24 =	simm.s32 $0x4;
	s25 =	simm.s32 $0xE740;
	s26 =	simm.s32 $0x2  }
0x7: {  	s28 =	simm.s32 $0x1;
	s29 =	simm.s32 $0x0;
	s1 =	sand.u32 $0x1, s1  }
0x8: {  	s4 =	sshll.u32 s3, $0x1;
	s3 =	simm.s32 $0x0;
	s5 =	sadd.s32 $0x600, s0  }
0x9: {  	s11 =	sor.u32 s1, s4;
	[smem:$0x7FF] =	sst s3;
	s4 =	sadd.s32 $0xCE00, s0  }
0xa: {  	s1 =	ssub.s32 $0x2, s1;
	s12 =	smul.u32 $0x1900, s11;
	_ =	strace $0x80000047  }
.Ltmp0:
0xb: {  	s7 =	sshrl.u32 s1, $0x1;
	s31 =	sshll.u32 s11, $0xA;
	(pc) =	sbr.rel .LBB2_1-.Ltmp0, $4  }
0xc: {  	s1 =	ssub.s32 s1, s7;
	s13 =	sadd.s32 s2, s31;
	s6 =	sshrl.u32 s12, $0x3  }
0xd: {  	s11 =	sadd.s32 $0x640, s12;
	s12 =	sadd.s32 $0x7D0, s12;
	s0 =	sadd.s32 s6, s0  }
0xe: {  	s14 =	smax.u32 s1, $0x1;
	s6 =	sadd.s32 s5, s6;
	s7 =	sadd.s32 $0x6A00, s0  }
0xf: {  	s8 =	sadd.s32 $0x32, s6;
	s9 =	sadd.s32 $0x64, s6;
	s10 =	sadd.s32 $0x96, s6  }
.LBB2_18:
0x10: {  	s29 =	sadd.s32 $0x1, s29  }
0x11: {  	p0 =	sne.s32 s29, s14  }
.Ltmp1:
0x12: {  	_ = 	snop;
	(pc) =	sbr.rel @!p0 .LBB2_19-.Ltmp1, $4  }
0x13: {  	[hbm4b:s13+s3] =	stream.linear.scatter [tilespmem:s25], [sflag:$0x5], $0x2000, $0x38;
	[tilespmem:$0x10780] =	vst v63  }
0x14: {  	_ =	swait.ge [sflag:s16], $0x2000  }
0x15: {  	[sflag:s16] =	ssyncset.done $0x0  }
0x16: {  	[sflag:s16] =	ssyncadd.s32 $0xFFFFE000  }
.LBB2_1:
0x17: {  	[tilespmem:s15], [sflag:$0x5] =	stream.linear.gather [hbm4b:s7+s3], $0x1900, $0x38;
	[tilespmem:$0x10780] =	vst v63  }
0x18: {  	_ =	swait.ge [sflag:s16], $0x1900  }
0x19: {  	[sflag:s16] =	ssyncset.done $0x0  }
0x1a: {  	[sflag:s16] =	ssyncadd.s32 $0xFFFFE700  }
0x1b: {  	s0 =	rddreg [dreg:$0x1]  }
0x1c: {  	[tilespmem:s17], [sflag:$0x5] =	stream.linear.gather [hbm4b:s0+s3], $0x40, $0x38;
	[tilespmem:$0x10780] =	vst v63  }
0x1d: {  	_ =	swait.ge [sflag:s16], $0x40  }
0x1e: {  	[sflag:s16] =	ssyncset.done $0x0  }
0x1f: {  	[sflag:s16] =	ssyncadd.s32 $0xFFFFFFC0  }
0x20: {  	[tilespmem:s3], [sflag:$0x5] =	stream.linear.gather [hbm4b:s6+s3], $0x190, $0x38;
	[tilespmem:$0x10780] =	vst v63  }
0x21: {  	_ =	swait.ge [sflag:s16], $0x190  }
0x22: {  	[sflag:s16] =	ssyncset.done $0x0  }
0x23: {  	s0 =	simm.s32 $0x0;
	[sflag:s16] =	ssyncadd.s32 $0xFFFFFE70  }
0x24: {  	v0 =	vld [tilespmem:s0+$0x0];
	_ =	sdelay $0x2  }
0x25: {  	s1 =	simm.s32 $0x40  }
.LBB2_2:
0x26: {  	p0 =	sne.s32 s1, $0x600  }
.Ltmp2:
0x27: {  	s2 =	sshra.s32 s1, $0x2;
	s1 =	sadd.s32 $0x40, s1;
	v1 =	vshll.u32 v0, $0x1;
	(pc) =	sbr.rel @p0 .LBB2_2-.Ltmp2, $4  }
0x28: {  	v2 =	vand.u32 $0xFFFFC000, v0;
	v3 =	vshrl.u32 v0, $0xD;
	v1 =	vand.u32 $0x3FFE, v1;
	v0 =	vld [tilespmem:s2+$0x0]  }
0x29: {  	v3 =	vand.u32 $0x1, v3;
	v1 =	vor.u32 v2, v1  }
0x2a: {  	v1 =	vor.u32 v3, v1  }
0x2b: {  	[tilespmem:s0+$0x320] =	vst v1;
	s0 =	smov.u32 s2  }
0x2c: {  	_ = 	snop  }
0x2d: {  	v1 =	vshll.u32 v0, $0x1  }
0x2e: {  	v2 =	vand.u32 $0xFFFFC000, v0;
	v0 =	vshrl.u32 v0, $0xD;
	v1 =	vand.u32 $0x3FFE, v1  }
0x2f: {  	v0 =	vand.u32 $0x1, v0;
	v1 =	vor.u32 v2, v1  }
0x30: {  	v0 =	vor.u32 v0, v1  }
0x31: {  	[tilespmem:s0+$0x320] =	vst v0  }
0x32: {  	[tilespmem:s20], [sflag:$0x3] =	stream.indirect.gather [hbm4b:s4+s18], $0x40, s19, s18, $0xb8;
	[tilespmem:$0x10780] =	vst v63  }
0x33: {  	s31 =	simm.s32 $0x0  }
0x34: {  	[tilespmem:s18], [sflag:$0x5] =	stream.linear.gather [hbm4b:s8+s31], $0x190, $0x38;
	[tilespmem:$0x10780] =	vst v63  }
0x35: {  	_ =	swait.ge [sflag:s16], $0x190  }
0x36: {  	[sflag:s16] =	ssyncset.done $0x0  }
0x37: {  	s0 =	simm.s32 $0x0;
	[sflag:s16] =	ssyncadd.s32 $0xFFFFFE70  }
0x38: {  	v0 =	vld [tilespmem:s0+$0x190];
	_ =	sdelay $0x2  }
0x39: {  	s1 =	simm.s32 $0x40  }
.LBB2_4:
0x3a: {  	p0 =	sne.s32 s1, $0x600  }
.Ltmp3:
0x3b: {  	s2 =	sshra.s32 s1, $0x2;
	s1 =	sadd.s32 $0x40, s1;
	v1 =	vshll.u32 v0, $0x1;
	(pc) =	sbr.rel @p0 .LBB2_4-.Ltmp3, $4  }
0x3c: {  	v2 =	vand.u32 $0xFFFFC000, v0;
	v3 =	vshrl.u32 v0, $0xD;
	v1 =	vand.u32 $0x3FFE, v1;
	v0 =	vld [tilespmem:s2+$0x190]  }
0x3d: {  	v3 =	vand.u32 $0x1, v3;
	v1 =	vor.u32 v2, v1  }
0x3e: {  	v1 =	vor.u32 v3, v1  }
0x3f: {  	[tilespmem:s0+$0x4B0] =	vst v1;
	s0 =	smov.u32 s2  }
0x40: {  	_ = 	snop  }
0x41: {  	v1 =	vshll.u32 v0, $0x1  }
0x42: {  	v2 =	vand.u32 $0xFFFFC000, v0;
	v0 =	vshrl.u32 v0, $0xD;
	v1 =	vand.u32 $0x3FFE, v1  }
0x43: {  	v0 =	vand.u32 $0x1, v0;
	v1 =	vor.u32 v2, v1  }
0x44: {  	v0 =	vor.u32 v0, v1  }
0x45: {  	[tilespmem:s0+$0x4B0] =	vst v0  }
0x46: {  	[tilespmem:s22], [sflag:$0x4] =	stream.indirect.gather [hbm4b:s4+s18], $0x40, s21, s18, $0xb8;
	[tilespmem:$0x10780] =	vst v63  }
0x47: {  	s30 =	simm.s32 $0x0  }
0x48: {  	[tilespmem:s30], [sflag:$0x1] =	stream.linear.gather [hbm4b:s9+s30], $0x190, $0x38;
	[tilespmem:$0x10780] =	vst v63  }
0x49: {  	_ = 	snop  }
0x4a: {  	[tilespmem:s18], [sflag:$0x2] =	stream.linear.gather [hbm4b:s10+s30], $0x190, $0x38;
	[tilespmem:$0x10780] =	vst v63  }
0x4b: {  	v1 =	vld [tilespmem:$0x10750];
	_ =	sdelay $0x4  }
0x4c: {  	[tilespmem:$0x1FFC0] =	vst v1;
	v1 =	vld [tilespmem:$0x10760];
	_ =	sdelay $0x3  }
0x4d: {  	v0 =	vld [tilespmem:$0x10740]  }
0x4e: {  	[tilespmem:$0x1FFD0] =	vst v1;
	v1 =	vld [tilespmem:$0x10770];
	_ =	sdelay $0x3  }
0x4f: {  	[tilespmem:$0x1FFF0] =	vst v0  }
0x50: {  	[tilespmem:$0x1FFE0] =	vst v1  }
.LBB2_6:
0x51: {  	_ =	swait.ge [sflag:s23], $0x6400  }
0x52: {  	[sflag:s23] =	ssyncset.done $0x0  }
0x53: {  	s31 =	sshll.u32 s30, $0x4;
	s1 =	simm.s32 $0x0;
	[sflag:s23] =	ssyncadd.s32 $0xFFFF9C00  }
.LBB2_7:
0x54: {  	s0 =	sadd.s32 s31, s1  }
0x55: {  	s2 =	smul.u32 $0x32, s0;
	_ =	sdelay $0x1  }
0x56: {  	v4 =	vmov s2  }
0x57: {  	v1 =	vor.u32 $0x1, v4;
	_ =	sdelay $0x2  }
0x58: {  	s2 =	smul.u32 $0x3200, s1;
	_ =	sdelay $0x1  }
0x59: {  	s2 =	sshra.s32 s2, $0x2;
	v10 =	vld.idx.msk [tilespmem:v1+s15+$0x0], $0xffff  }
0x5a: {  	v1 =	vld [tilespmem:s2+$0x1F90];
	_ =	sdelay $0x4  }
0x5b: {  	[tilespmem:$0x1FB20] =	vst v1;
	v1 =	vld [tilespmem:s2+$0x1FA0];
	_ =	sdelay $0x4  }
0x5c: {  	[tilespmem:$0x1FB30] =	vst v1;
	v1 =	vld [tilespmem:s2+$0x1FB0];
	_ =	sdelay $0x4  }
0x5d: {  	[tilespmem:$0x1FB40] =	vst v1;
	v1 =	vld [tilespmem:s2+$0x1FD0];
	_ =	sdelay $0x4  }
0x5e: {  	[tilespmem:$0x1FB50] =	vst v1;
	v1 =	vld [tilespmem:s2+$0x1FE0];
	_ =	sdelay $0x4  }
0x5f: {  	[tilespmem:$0x1FB60] =	vst v1;
	v1 =	vld [tilespmem:s2+$0x1FF0];
	_ =	sdelay $0x4  }
0x60: {  	[tilespmem:$0x1FB70] =	vst v1;
	v1 =	vld [tilespmem:s2+$0x2000];
	_ =	sdelay $0x4  }
0x61: {  	[tilespmem:$0x1FB80] =	vst v1;
	v1 =	vld [tilespmem:s2+$0x2010];
	_ =	sdelay $0x4  }
0x62: {  	[tilespmem:$0x1FB90] =	vst v1;
	v1 =	vld [tilespmem:s2+$0x2020];
	_ =	sdelay $0x4  }
0x63: {  	[tilespmem:$0x1FBA0] =	vst v1;
	v1 =	vld [tilespmem:s2+$0x2030];
	_ =	sdelay $0x4  }
0x64: {  	[tilespmem:$0x1FBB0] =	vst v1;
	v1 =	vld [tilespmem:s2+$0x2040];
	_ =	sdelay $0x4  }
0x65: {  	[tilespmem:$0x1FBC0] =	vst v1;
	v1 =	vld [tilespmem:s2+$0x2050];
	_ =	sdelay $0x4  }
0x66: {  	[tilespmem:$0x1FBD0] =	vst v1;
	v1 =	vld [tilespmem:s2+$0x2060];
	_ =	sdelay $0x4  }
0x67: {  	[tilespmem:$0x1FBE0] =	vst v1;
	v1 =	vld [tilespmem:s2+$0x2070];
	_ =	sdelay $0x4  }
0x68: {  	[tilespmem:$0x1FBF0] =	vst v1;
	v1 =	vld [tilespmem:s2+$0x2080];
	_ =	sdelay $0x4  }
0x69: {  	[tilespmem:$0x1FC00] =	vst v1;
	v1 =	vld [tilespmem:s2+$0x2090];
	_ =	sdelay $0x3  }
0x6a: {  	v49 =	vadd.s32 $0x15, v4  }
0x6b: {  	[tilespmem:$0x1FC10] =	vst v1;
	v1 =	vld [tilespmem:s2+$0x20A0];
	_ =	sdelay $0x3  }
0x6c: {  	v51 =	vadd.s32 $0x16, v4;
	v22 =	vld.idx.msk [tilespmem:v49+s15+$0x0], $0xffff  }
0x6d: {  	v49 =	vadd.s32 $0x21, v4;
	[tilespmem:$0x1FC20] =	vst v1;
	v1 =	vld [tilespmem:s2+$0x20B0];
	_ =	sdelay $0x3  }
0x6e: {  	v53 =	vadd.s32 $0x17, v4;
	v21 =	vld.idx.msk [tilespmem:v51+s15+$0x0], $0xffff  }
0x6f: {  	v51 =	vadd.s32 $0x22, v4;
	[tilespmem:$0x1FC30] =	vst v1;
	v1 =	vld.idx.msk [tilespmem:v49+s15+$0x0], $0xffff;
	_ =	sdelay $0x2  }
0x70: {  	v60 =	vand.u32 $0x1FFE, v4  }
0x71: {  	v54 =	vadd.s32 $0x18, v60;
	v20 =	vld.idx.msk [tilespmem:v53+s15+$0x0], $0xffff  }
0x72: {  	v53 =	vadd.s32 $0x23, v4;
	[tilespmem:$0x1FF70] =	vst v1;
	v1 =	vld.idx.msk [tilespmem:v51+s15+$0x0], $0xffff;
	_ =	sdelay $0x3  }
0x73: {  	v59 =	vadd.s32 $0x1B, v4;
	v19 =	vld.idx.msk [tilespmem:v54+s15+$0x0], $0xffff  }
0x74: {  	v54 =	vadd.s32 $0x24, v4;
	[tilespmem:$0x1FF80] =	vst v1;
	v1 =	vld.idx.msk [tilespmem:v53+s15+$0x0], $0xffff;
	_ =	sdelay $0x3  }
0x75: {  	v36 =	vld.idx.msk [tilespmem:v59+s15+$0x0], $0xffff  }
0x76: {  	v59 =	vadd.s32 $0x25, v4;
	[tilespmem:$0x1FF90] =	vst v1;
	v1 =	vld.idx.msk [tilespmem:v54+s15+$0x0], $0xffff;
	_ =	sdelay $0x4  }
0x77: {  	[tilespmem:$0x1FFA0] =	vst v1;
	v1 =	vld.idx.msk [tilespmem:v59+s15+$0x0], $0xffff;
	_ =	sdelay $0x4  }
0x78: {  	[tilespmem:$0x1FFB0] =	vst v1;
	v1 =	vld [tilespmem:s2+$0x2220];
	_ =	sdelay $0x4  }
0x79: {  	[tilespmem:$0x1FC40] =	vst v1;
	v1 =	vld [tilespmem:s2+$0x2230];
	_ =	sdelay $0x4  }
0x7a: {  	[tilespmem:$0x1FC50] =	vst v1;
	v1 =	vld [tilespmem:s2+$0x2240];
	_ =	sdelay $0x4  }
0x7b: {  	[tilespmem:$0x1FC60] =	vst v1;
	v1 =	vld [tilespmem:s2+$0x2250];
	_ =	sdelay $0x4  }
0x7c: {  	[tilespmem:$0x1FC70] =	vst v1;
	v1 =	vld [tilespmem:s2+$0x2260];
	_ =	sdelay $0x4  }
0x7d: {  	[tilespmem:$0x1FC80] =	vst v1;
	v1 =	vld [tilespmem:s2+$0x2270];
	_ =	sdelay $0x4  }
0x7e: {  	[tilespmem:$0x1FC90] =	vst v1;
	v1 =	vld [tilespmem:s2+$0x2280];
	_ =	sdelay $0x4  }
0x7f: {  	[tilespmem:$0x1FCA0] =	vst v1;
	v1 =	vld [tilespmem:s2+$0x2290];
	_ =	sdelay $0x4  }
0x80: {  	[tilespmem:$0x1FCB0] =	vst v1;
	v1 =	vld [tilespmem:s2+$0x22A0];
	_ =	sdelay $0x4  }
0x81: {  	[tilespmem:$0x1FCC0] =	vst v1;
	v1 =	vld [tilespmem:s2+$0x22B0];
	_ =	sdelay $0x4  }
0x82: {  	[tilespmem:$0x1FCD0] =	vst v1;
	v1 =	vld [tilespmem:s2+$0x22C0];
	_ =	sdelay $0x4  }
0x83: {  	[tilespmem:$0x1FCE0] =	vst v1;
	v1 =	vld [tilespmem:s2+$0x22D0];
	_ =	sdelay $0x4  }
0x84: {  	[tilespmem:$0x1FCF0] =	vst v1;
	v1 =	vld [tilespmem:s2+$0x22E0];
	_ =	sdelay $0x4  }
0x85: {  	[tilespmem:$0x1FD00] =	vst v1;
	v1 =	vld [tilespmem:s2+$0x22F0];
	_ =	sdelay $0x4  }
0x86: {  	[tilespmem:$0x1FD10] =	vst v1;
	v1 =	vld [tilespmem:s2+$0x2300];
	_ =	sdelay $0x4  }
0x87: {  	[tilespmem:$0x1FD20] =	vst v1;
	v1 =	vld [tilespmem:s2+$0x2310];
	_ =	sdelay $0x4  }
0x88: {  	[tilespmem:$0x1FD30] =	vst v1;
	v1 =	vld [tilespmem:s2+$0x2320];
	_ =	sdelay $0x4  }
0x89: {  	[tilespmem:$0x1FD40] =	vst v1;
	v1 =	vld [tilespmem:s2+$0x2330];
	_ =	sdelay $0x4  }
0x8a: {  	[tilespmem:$0x1FD50] =	vst v1;
	v1 =	vld [tilespmem:s2+$0x2340];
	_ =	sdelay $0x4  }
0x8b: {  	[tilespmem:$0x1FD60] =	vst v1;
	v1 =	vld [tilespmem:s2+$0x2350];
	_ =	sdelay $0x4  }
0x8c: {  	[tilespmem:$0x1FD70] =	vst v1;
	v1 =	vld [tilespmem:s2+$0x2360];
	_ =	sdelay $0x4  }
0x8d: {  	[tilespmem:$0x1FD80] =	vst v1;
	v1 =	vld [tilespmem:s2+$0x2370];
	_ =	sdelay $0x4  }
0x8e: {  	[tilespmem:$0x1FD90] =	vst v1;
	v1 =	vld [tilespmem:s2+$0x2380];
	_ =	sdelay $0x4  }
0x8f: {  	[tilespmem:$0x1FDA0] =	vst v1;
	v1 =	vld [tilespmem:s2+$0x2390];
	_ =	sdelay $0x4  }
0x90: {  	[tilespmem:$0x1FDB0] =	vst v1;
	v1 =	vld [tilespmem:s2+$0x23A0];
	_ =	sdelay $0x4  }
0x91: {  	[tilespmem:$0x1FDC0] =	vst v1;
	v1 =	vld [tilespmem:s2+$0x23B0];
	_ =	sdelay $0x4  }
0x92: {  	[tilespmem:$0x1FDD0] =	vst v1;
	v1 =	vld [tilespmem:s2+$0x23C0];
	_ =	sdelay $0x4  }
0x93: {  	[tilespmem:$0x1FDE0] =	vst v1;
	v1 =	vld [tilespmem:s2+$0x23D0];
	_ =	sdelay $0x4  }
0x94: {  	[tilespmem:$0x1FDF0] =	vst v1;
	v1 =	vld [tilespmem:s2+$0x23E0];
	_ =	sdelay $0x4  }
0x95: {  	[tilespmem:$0x1FE00] =	vst v1;
	v1 =	vld [tilespmem:s2+$0x23F0]  }
0x96: {  	v55 =	vld [tilespmem:s2+$0x1F40]  }
0x97: {  	v3 =	vld.idx.msk [tilespmem:v4+s15+$0x0], $0xffff;
	_ =	sdelay $0x2  }
0x98: {  	[tilespmem:$0x1FE10] =	vst v1;
	v1 =	vld [tilespmem:s2+$0x2400];
	_ =	sdelay $0x1  }
0x99: {  	v55 =	vmul.f32 v55, v3  }
0x9a: {  	v2 =	vld [tilespmem:s2+$0x1F60]  }
0x9b: {  	v55 =	vadd.f32 v55, v0;
	v0 =	vld [tilespmem:s2+$0x2430]  }
0x9c: {  	[tilespmem:$0x1FE20] =	vst v1;
	v1 =	vld [tilespmem:s2+$0x2410];
	_ =	sdelay $0x2  }
0x9d: {  	[tilespmem:$0x1FB00] =	vst v2;
	v2 =	vld [tilespmem:s2+$0x1F70]  }
0x9e: {  	[tilespmem:$0x1FE50] =	vst v0;
	v0 =	vld [tilespmem:s2+$0x2440]  }
0x9f: {  	[tilespmem:$0x1FE30] =	vst v1;
	v1 =	vld [tilespmem:s2+$0x2420];
	_ =	sdelay $0x2  }
0xa0: {  	v61 =	vld [tilespmem:s2+$0x1F50];
	[tilespmem:$0x1FB10] =	vst v2  }
0xa1: {  	v2 =	vadd.s32 $0x2, v4;
	[tilespmem:$0x1FE60] =	vst v0;
	v0 =	vld [tilespmem:$0x1FB00]  }
0xa2: {  	[tilespmem:$0x1FE40] =	vst v1;
	v1 =	vld [tilespmem:$0x1FB10];
	_ =	sdelay $0x3  }
0xa3: {  	v61 =	vmul.f32 v61, v3;
	v50 =	vld.idx.msk [tilespmem:v2+s15+$0x0], $0xffff;
	v2 =	vadd.s32 $0x3, v4  }
0xa4: {  	v0 =	vmul.f32 v0, v3;
	v3 =	vmul.f32 v1, v3;
	v1 =	vld [tilespmem:s2+$0x2450];
	_ =	sdelay $0x2  }
0xa5: {  	v52 =	vld [tilespmem:s2+$0x1F80]  }
0xa6: {  	v40 =	vld.idx.msk [tilespmem:v2+s15+$0x0], $0xffff;
	v2 =	vadd.s32 $0x4, v4  }
0xa7: {  	[tilespmem:$0x1FE70] =	vst v1;
	v1 =	vld [tilespmem:$0x1FFC0]  }
0xa8: {  	v5 =	vadd.s32 $0x7, v4;
	v63 =	vld [tilespmem:s2+$0x1FC0]  }
0xa9: {  	v7 =	vadd.s32 $0x9, v4;
	v15 =	vld [tilespmem:s2+$0x2120]  }
0xaa: {  	v8 =	vadd.s32 $0xA, v4;
	v16 =	vld [tilespmem:s2+$0x2150];
	v52 =	vmul.f32 v52, v10  }
0xab: {  	v37 =	vld.idx.msk [tilespmem:v2+s15+$0x0], $0xffff;
	v2 =	vadd.s32 $0x5, v4  }
0xac: {  	v52 =	vadd.f32 v52, v55;
	v55 =	vadd.f32 v61, v1;
	v1 =	vld [tilespmem:$0x1FB20]  }
0xad: {  	v9 =	vadd.s32 $0xB, v4;
	v57 =	vld.idx.msk [tilespmem:v5+s15+$0x0], $0xffff  }
0xae: {  	v38 =	vadd.s32 $0xC, v4;
	v34 =	vld.idx.msk [tilespmem:v7+s15+$0x0], $0xffff  }
0xaf: {  	v39 =	vadd.s32 $0xD, v4;
	v33 =	vld.idx.msk [tilespmem:v8+s15+$0x0], $0xffff  }
0xb0: {  	v12 =	vld.idx.msk [tilespmem:v2+s15+$0x0], $0xffff;
	v2 =	vadd.s32 $0x6, v4  }
0xb1: {  	v61 =	vmul.f32 v1, v10;
	v1 =	vld [tilespmem:$0x1FB30]  }
0xb2: {  	v41 =	vadd.s32 $0xE, v4;
	v32 =	vld.idx.msk [tilespmem:v9+s15+$0x0], $0xffff  }
0xb3: {  	v42 =	vadd.s32 $0xF, v4;
	v31 =	vld.idx.msk [tilespmem:v38+s15+$0x0], $0xffff  }
0xb4: {  	v45 =	vadd.s32 $0x11, v4;
	v30 =	vld.idx.msk [tilespmem:v39+s15+$0x0], $0xffff  }
0xb5: {  	v46 =	vadd.s32 $0x12, v4;
	v11 =	vld.idx.msk [tilespmem:v2+s15+$0x0], $0xffff  }
0xb6: {  	v2 =	vmul.f32 v1, v10;
	v1 =	vld [tilespmem:s2+$0x2460]  }
0xb7: {  	v47 =	vadd.s32 $0x13, v4;
	v29 =	vld.idx.msk [tilespmem:v41+s15+$0x0], $0xffff  }
0xb8: {  	v48 =	vadd.s32 $0x14, v4;
	v28 =	vld.idx.msk [tilespmem:v42+s15+$0x0], $0xffff  }
0xb9: {  	v56 =	vadd.s32 $0x19, v4;
	v26 =	vld.idx.msk [tilespmem:v45+s15+$0x0], $0xffff  }
0xba: {  	v58 =	vadd.s32 $0x1A, v4;
	v25 =	vld.idx.msk [tilespmem:v46+s15+$0x0], $0xffff  }
0xbb: {  	[tilespmem:$0x1FE80] =	vst v1;
	v1 =	vld [tilespmem:$0x1FB40]  }
0xbc: {  	v62 =	vadd.s32 $0x1C, v4;
	v24 =	vld.idx.msk [tilespmem:v47+s15+$0x0], $0xffff  }
0xbd: {  	v13 =	vadd.s32 $0x1D, v4;
	v23 =	vld.idx.msk [tilespmem:v48+s15+$0x0], $0xffff  }
0xbe: {  	v14 =	vadd.s32 $0x1E, v4;
	v18 =	vld.idx.msk [tilespmem:v56+s15+$0x0], $0xffff  }
0xbf: {  	v35 =	vadd.s32 $0x1F, v4;
	v17 =	vld.idx.msk [tilespmem:v58+s15+$0x0], $0xffff  }
0xc0: {  	v10 =	vmul.f32 v1, v10;
	v1 =	vld [tilespmem:$0x1FFD0]  }
0xc1: {  	v42 =	vld.idx.msk [tilespmem:v62+s15+$0x0], $0xffff  }
0xc2: {  	v46 =	vld.idx.msk [tilespmem:v13+s15+$0x0], $0xffff  }
0xc3: {  	v56 =	vld.idx.msk [tilespmem:v14+s15+$0x0], $0xffff  }
0xc4: {  	v58 =	vld.idx.msk [tilespmem:v35+s15+$0x0], $0xffff  }
0xc5: {  	v0 =	vadd.f32 v0, v1;
	v1 =	vld [tilespmem:$0x1FFE0]  }
0xc6: {  	v5 =	vld [tilespmem:s2+$0x20C0]  }
0xc7: {  	v7 =	vld [tilespmem:s2+$0x20E0]  }
0xc8: {  	v8 =	vld [tilespmem:s2+$0x20F0]  }
0xc9: {  	v9 =	vld [tilespmem:s2+$0x2100]  }
0xca: {  	v3 =	vadd.f32 v3, v1;
	v1 =	vld [tilespmem:s2+$0x2470]  }
0xcb: {  	v13 =	vld [tilespmem:s2+$0x2110]  }
0xcc: {  	v14 =	vld [tilespmem:s2+$0x2130];
	v55 =	vadd.f32 v61, v55;
	v61 =	vmul.f32 v63, v50  }
0xcd: {  	v0 =	vadd.f32 v2, v0;
	v2 =	vadd.f32 v10, v3;
	v3 =	vld [tilespmem:$0x1FB60]  }
0xce: {  	v10 =	vadd.f32 v61, v52;
	v61 =	vld [tilespmem:$0x1FB70]  }
0xcf: {  	[tilespmem:$0x1FE90] =	vst v1;
	v1 =	vld [tilespmem:$0x1FB50]  }
0xd0: {  	v35 =	vld [tilespmem:s2+$0x2140]  }
0xd1: {  	v38 =	vld [tilespmem:s2+$0x2160]  }
0xd2: {  	v6 =	vadd.s32 $0x8, v60;
	v39 =	vld [tilespmem:s2+$0x2170]  }
0xd3: {  	v44 =	vadd.s32 $0x10, v60;
	v41 =	vld [tilespmem:s2+$0x2180];
	v3 =	vmul.f32 v3, v50  }
0xd4: {  	v1 =	vmul.f32 v1, v50;
	v50 =	vmul.f32 v61, v50;
	v61 =	vld [tilespmem:s2+$0x24A0]  }
0xd5: {  	v45 =	vld [tilespmem:s2+$0x21A0]  }
0xd6: {  	v47 =	vld [tilespmem:s2+$0x21B0]  }
0xd7: {  	v43 =	vld.idx.msk [tilespmem:v6+s15+$0x0], $0xffff  }
0xd8: {  	v27 =	vld.idx.msk [tilespmem:v44+s15+$0x0], $0xffff  }
0xd9: {  	[tilespmem:$0x1FEB0] =	vst v61;
	v61 =	vld [tilespmem:$0x1FB90]  }
0xda: {  	v48 =	vadd.s32 $0x20, v60;
	v6 =	vld [tilespmem:s2+$0x20D0]  }
0xdb: {  	v1 =	vadd.f32 v1, v55;
	v55 =	vld [tilespmem:$0x1FBA0]  }
0xdc: {  	v44 =	vld [tilespmem:s2+$0x2190]  }
0xdd: {  	v0 =	vadd.f32 v3, v0;
	v3 =	vld [tilespmem:$0x1FB80]  }
0xde: {  	v52 =	vmul.f32 v61, v40;
	v61 =	vld [tilespmem:s2+$0x24B0]  }
0xdf: {  	v62 =	vld.idx.msk [tilespmem:v48+s15+$0x0], $0xffff  }
0xe0: {  	v2 =	vadd.f32 v50, v2;
	v50 =	vmul.f32 v55, v40;
	v55 =	vld [tilespmem:$0x1FBC0]  }
0xe1: {  	v48 =	vld [tilespmem:s2+$0x21C0]  }
0xe2: {  	v49 =	vld [tilespmem:s2+$0x21D0]  }
0xe3: {  	v3 =	vmul.f32 v3, v40;
	[tilespmem:$0x1FEC0] =	vst v61;
	v61 =	vld [tilespmem:$0x1FBB0]  }
0xe4: {  	v1 =	vadd.f32 v52, v1;
	v52 =	vld [tilespmem:$0x1FBE0]  }
0xe5: {  	v3 =	vadd.f32 v3, v10;
	v10 =	vmul.f32 v55, v37;
	v55 =	vld [tilespmem:$0x1FBD0]  }
0xe6: {  	v51 =	vld [tilespmem:s2+$0x21F0]  }
0xe7: {  	v53 =	vld [tilespmem:s2+$0x21E0]  }
0xe8: {  	v40 =	vmul.f32 v61, v40;
	v61 =	vld [tilespmem:s2+$0x24C0]  }
0xe9: {  	v3 =	vadd.f32 v10, v3;
	v10 =	vmul.f32 v52, v37;
	v52 =	vld [tilespmem:$0x1FC00]  }
0xea: {  	v2 =	vadd.f32 v40, v2;
	v40 =	vmul.f32 v55, v37;
	v55 =	vld [tilespmem:$0x1FBF0]  }
0xeb: {  	v54 =	vld [tilespmem:s2+$0x2210]  }
0xec: {  	v63 =	vld [tilespmem:s2+$0x2480]  }
0xed: {  	[tilespmem:$0x1FED0] =	vst v61;
	v61 =	vld [tilespmem:s2+$0x24D0]  }
0xee: {  	v1 =	vadd.f32 v40, v1;
	v40 =	vmul.f32 v52, v12;
	v52 =	vld [tilespmem:s2+$0x2520]  }
0xef: {  	v37 =	vmul.f32 v55, v37;
	v55 =	vld [tilespmem:$0x1FC10]  }
0xf0: {  	v59 =	vld [tilespmem:s2+$0x2200]  }
0xf1: {  	v9 =	vmul.f32 v9, v57;
	[tilespmem:$0x1FEA0] =	vst v63;
	v63 =	vld [tilespmem:s2+$0x2490]  }
0xf2: {  	v5 =	vmul.f32 v5, v11;
	v6 =	vmul.f32 v6, v11;
	v3 =	vadd.f32 v40, v3;
	[tilespmem:$0x1FEE0] =	vst v61;
	v61 =	vld [tilespmem:s2+$0x24E0]  }
0xf3: {  	v7 =	vmul.f32 v7, v11;
	v8 =	vmul.f32 v8, v11;
	v0 =	vadd.f32 v50, v0;
	v40 =	vld [tilespmem:s2+$0x25C0]  }
0xf4: {  	v3 =	vadd.f32 v5, v3;
	[tilespmem:$0x1FF30] =	vst v52;
	v52 =	vmul.f32 v49, v33;
	v49 =	vld [tilespmem:$0x1FCB0];
	v50 =	vmul.f32 v55, v12  }
0xf5: {  	v11 =	vmul.f32 v13, v57;
	v13 =	vmul.f32 v14, v57;
	v55 =	vld [tilespmem:$0x1FC20]  }
0xf6: {  	v14 =	vmul.f32 v35, v43;
	v3 =	vadd.f32 v9, v3;
	v1 =	vadd.f32 v50, v1;
	v50 =	vld [tilespmem:$0x1FC30]  }
0xf7: {  	[tilespmem:$0x1FEF0] =	vst v61;
	v61 =	vld [tilespmem:s2+$0x24F0]  }
0xf8: {  	v1 =	vadd.f32 v6, v1;
	v6 =	vadd.f32 v14, v3;
	v3 =	vld [tilespmem:s2+$0x25B0]  }
0xf9: {  	v2 =	vadd.f32 v37, v2;
	v37 =	vmul.f32 v41, v34;
	v14 =	vmul.f32 v54, v32;
	v54 =	vld [tilespmem:$0x1FCE0]  }
0xfa: {  	v0 =	vadd.f32 v10, v0;
	v10 =	vmul.f32 v55, v12;
	v55 =	vld [tilespmem:s2+$0x2530]  }
0xfb: {  	v5 =	vadd.f32 v37, v6;
	v37 =	vld [tilespmem:s2+$0x25D0]  }
0xfc: {  	v0 =	vadd.f32 v10, v0;
	v10 =	vld [tilespmem:s2+$0x2550]  }
0xfd: {  	v12 =	vmul.f32 v50, v12;
	v50 =	vld [tilespmem:s2+$0x2590]  }
0xfe: {  	v35 =	vmul.f32 v39, v43;
	[tilespmem:$0x1FF00] =	vst v61;
	v61 =	vld [tilespmem:s2+$0x2500]  }
0xff: {  	v2 =	vadd.f32 v12, v2;
	v12 =	vmul.f32 v15, v57;
	v57 =	vld [tilespmem:s2+$0x2570];
	v15 =	vmul.f32 v16, v43  }
0x100: {  	v16 =	vmul.f32 v38, v43;
	v43 =	vld [tilespmem:s2+$0x25A0];
	v38 =	vmul.f32 v44, v34  }
0x101: {  	v0 =	vadd.f32 v7, v0;
	v44 =	vmul.f32 v45, v34;
	v45 =	vmul.f32 v47, v34;
	v34 =	vld [tilespmem:s2+$0x2600]  }
0x102: {  	v48 =	vmul.f32 v48, v33;
	v1 =	vadd.f32 v11, v1;
	[tilespmem:$0x1FF40] =	vst v55;
	v55 =	vld [tilespmem:s2+$0x2560]  }
0x103: {  	v53 =	vmul.f32 v53, v33;
	v0 =	vadd.f32 v12, v0;
	v12 =	vmul.f32 v51, v33;
	v33 =	vld [tilespmem:s2+$0x25F0]  }
0x104: {  	v1 =	vadd.f32 v15, v1;
	v51 =	vmul.f32 v49, v30;
	v49 =	vld [tilespmem:$0x1FD40]  }
0x105: {  	v2 =	vadd.f32 v8, v2;
	[tilespmem:$0x1FF10] =	vst v61;
	v61 =	vld [tilespmem:s2+$0x2510]  }
0x106: {  	v0 =	vadd.f32 v16, v0;
	v47 =	vadd.f32 v38, v1;
	v1 =	vld [tilespmem:s2+$0x25E0]  }
0x107: {  	v2 =	vadd.f32 v13, v2;
	v38 =	vld [tilespmem:$0x1FC50]  }
0x108: {  	v0 =	vadd.f32 v44, v0;
	v44 =	vld [tilespmem:$0x1FC80]  }
0x109: {  	v2 =	vadd.f32 v35, v2;
	v6 =	vadd.f32 v52, v47;
	v47 =	vld [tilespmem:$0x1FCA0]  }
0x10a: {  	v52 =	vld [tilespmem:$0x1FCC0]  }
0x10b: {  	v2 =	vadd.f32 v45, v2;
	v45 =	vld [tilespmem:$0x1FC90]  }
0x10c: {  	v0 =	vadd.f32 v53, v0;
	v53 =	vld [tilespmem:$0x1FCD0]  }
0x10d: {  	[tilespmem:$0x1FF20] =	vst v61;
	v61 =	vld [tilespmem:s2+$0x2540]  }
0x10e: {  	v7 =	vmul.f32 v38, v32;
	v38 =	vld [tilespmem:$0x1FD00]  }
0x10f: {  	v15 =	vadd.f32 v12, v2;
	v2 =	vld [tilespmem:$0x1FC40]  }
0x110: {  	v8 =	vmul.f32 v44, v31;
	v44 =	vld [tilespmem:$0x1FD10]  }
0x111: {  	v5 =	vadd.f32 v48, v5;
	v13 =	vmul.f32 v59, v32;
	v48 =	vmul.f32 v47, v30;
	v47 =	vld [tilespmem:$0x1FD20]  }
0x112: {  	v7 =	vadd.f32 v7, v15;
	v15 =	vmul.f32 v49, v28;
	v49 =	vld [tilespmem:$0x1FDB0]  }
0x113: {  	v5 =	vadd.f32 v13, v5;
	v13 =	vmul.f32 v53, v30;
	v53 =	vld [tilespmem:$0x1FD60]  }
0x114: {  	[tilespmem:$0x1FF50] =	vst v61;
	v61 =	vld [tilespmem:s2+$0x2580]  }
0x115: {  	v12 =	vmul.f32 v45, v31;
	v16 =	vmul.f32 v2, v32;
	v2 =	vld [tilespmem:s2+$0x2610]  }
0x116: {  	v32 =	vld [tilespmem:s2+$0x2620]  }
0x117: {  	v12 =	vadd.f32 v12, v7;
	v7 =	vld [tilespmem:s2+$0x2660]  }
0x118: {  	v9 =	vadd.f32 v16, v0;
	v0 =	vld [tilespmem:$0x1FC60]  }
0x119: {  	v45 =	vmul.f32 v44, v29;
	v44 =	vld [tilespmem:$0x1FD80]  }
0x11a: {  	v16 =	vld [tilespmem:$0x1FCF0]  }
0x11b: {  	v12 =	vadd.f32 v13, v12;
	v13 =	vmul.f32 v47, v28;
	v47 =	vld [tilespmem:$0x1FDA0]  }
0x11c: {  	v9 =	vadd.f32 v8, v9;
	v8 =	vld [tilespmem:s2+$0x2680]  }
0x11d: {  	v12 =	vadd.f32 v45, v12;
	v45 =	vld [tilespmem:$0x1FD90];
	v39 =	vmul.f32 v0, v31  }
0x11e: {  	v0 =	vld [tilespmem:$0x1FC70]  }
0x11f: {  	[tilespmem:$0x1FF60] =	vst v10;
	v59 =	vmul.f32 v54, v29;
	v10 =	vadd.f32 v39, v5;
	v5 =	vld [tilespmem:s2+$0x2650]  }
0x120: {  	v35 =	vmul.f32 v16, v29;
	v39 =	vmul.f32 v38, v29;
	v29 =	vld [tilespmem:s2+$0x26B0]  }
0x121: {  	v11 =	vadd.f32 v48, v10;
	v10 =	vmul.f32 v52, v30;
	v30 =	vld [tilespmem:s2+$0x2670]  }
0x122: {  	v48 =	vld [tilespmem:$0x1FD30]  }
0x123: {  	v6 =	vadd.f32 v14, v6;
	v41 =	vmul.f32 v0, v31;
	v0 =	vld [tilespmem:s2+$0x2630]  }
0x124: {  	v31 =	vld [tilespmem:s2+$0x2640];
	v11 =	vadd.f32 v59, v11  }
0x125: {  	v9 =	vadd.f32 v10, v9;
	v10 =	vld [tilespmem:s2+$0x2690];
	v6 =	vadd.f32 v41, v6  }
0x126: {  	v52 =	vadd.f32 v13, v11;
	v11 =	vld [tilespmem:s2+$0x26D0]  }
0x127: {  	v34 =	vmul.f32 v34, v36;
	v13 =	vld [tilespmem:s2+$0x26E0];
	v6 =	vadd.f32 v51, v6  }
0x128: {  	v2 =	vmul.f32 v2, v36;
	v32 =	vmul.f32 v32, v36;
	v51 =	vld [tilespmem:$0x1FD50]  }
0x129: {  	v16 =	vmul.f32 v48, v28;
	v0 =	vmul.f32 v0, v36;
	v36 =	vld [tilespmem:s2+$0x28D0];
	v41 =	vadd.f32 v35, v6  }
0x12a: {  	v54 =	vmul.f32 v53, v27;
	v6 =	vld [tilespmem:s2+$0x26A0]  }
0x12b: {  	v14 =	vadd.f32 v16, v41;
	v41 =	vld [tilespmem:$0x1FD70]  }
0x12c: {  	v16 =	vadd.f32 v54, v52;
	v52 =	vld [tilespmem:$0x1FDC0]  }
0x12d: {  	v48 =	vmul.f32 v47, v26;
	v54 =	vld [tilespmem:$0x1FDD0]  }
0x12e: {  	v35 =	vmul.f32 v51, v28;
	v28 =	vld [tilespmem:s2+$0x26C0]  }
0x12f: {  	v9 =	vadd.f32 v39, v9;
	v16 =	vadd.f32 v48, v16;
	v48 =	vld [tilespmem:$0x1FDE0]  }
0x130: {  	v38 =	vmul.f32 v45, v27;
	v59 =	vadd.f32 v35, v12;
	v35 =	vmul.f32 v44, v27;
	v44 =	vld [tilespmem:$0x1FE20]  }
0x131: {  	v9 =	vadd.f32 v15, v9;
	v12 =	vmul.f32 v41, v27;
	v27 =	vld [tilespmem:s2+$0x26F0]  }
0x132: {  	v15 =	vadd.f32 v38, v59;
	v59 =	vmul.f32 v54, v26;
	v54 =	vld [tilespmem:$0x1FE10]  }
0x133: {  	v35 =	vadd.f32 v35, v9;
	v53 =	vmul.f32 v52, v26;
	v9 =	vld [tilespmem:s2+$0x2710]  }
0x134: {  	v51 =	vmul.f32 v49, v26;
	v26 =	vld [tilespmem:s2+$0x2720]  }
0x135: {  	v38 =	vadd.f32 v53, v35;
	v53 =	vld [tilespmem:$0x1FE00]  }
0x136: {  	v14 =	vadd.f32 v12, v14;
	v12 =	vld [tilespmem:s2+$0x2700]  }
0x137: {  	v49 =	vmul.f32 v48, v25;
	v45 =	vmul.f32 v54, v25;
	v54 =	vld [tilespmem:$0x1FE60]  }
0x138: {  	v15 =	vadd.f32 v59, v15;
	v35 =	vld [tilespmem:s2+$0x2750]  }
0x139: {  	v48 =	vmul.f32 v44, v24;
	v39 =	vadd.f32 v51, v14;
	v51 =	vld [tilespmem:$0x1FDF0];
	v59 =	vadd.f32 v49, v16  }
0x13a: {  	v49 =	vld [tilespmem:$0x1FE30];
	v41 =	vmul.f32 v53, v25  }
0x13b: {  	v44 =	vadd.f32 v48, v59;
	v59 =	vld [tilespmem:$0x1FE70]  }
0x13c: {  	v38 =	vadd.f32 v41, v38;
	v41 =	vmul.f32 v54, v23;
	v54 =	vld [tilespmem:$0x1FEA0]  }
0x13d: {  	v53 =	vld [tilespmem:$0x1FE50]  }
0x13e: {  	v14 =	vld [tilespmem:s2+$0x2730];
	v52 =	vmul.f32 v51, v25  }
0x13f: {  	v16 =	vld [tilespmem:s2+$0x2760]  }
0x140: {  	v25 =	vld [tilespmem:s2+$0x2740];
	v39 =	vadd.f32 v52, v39  }
0x141: {  	v52 =	vld [tilespmem:$0x1FE40];
	v48 =	vmul.f32 v59, v23;
	v41 =	vadd.f32 v41, v44;
	v59 =	vmul.f32 v54, v22  }
0x142: {  	v51 =	vmul.f32 v49, v24;
	v47 =	vmul.f32 v53, v24;
	v53 =	vld [tilespmem:$0x1FE90]  }
0x143: {  	v41 =	vadd.f32 v59, v41;
	v59 =	vld [tilespmem:$0x1FED0]  }
0x144: {  	v39 =	vadd.f32 v51, v39;
	v51 =	vld [tilespmem:s2+$0x2780]  }
0x145: {  	v63 =	vmul.f32 v63, v22;
	v54 =	vld [tilespmem:$0x1FEC0]  }
0x146: {  	v15 =	vadd.f32 v45, v15;
	v39 =	vadd.f32 v48, v39;
	v45 =	vmul.f32 v52, v24;
	v24 =	vld [tilespmem:s2+$0x2770]  }
0x147: {  	v52 =	vld [tilespmem:$0x1FE80]  }
0x148: {  	v44 =	vmul.f32 v53, v23;
	v53 =	vld [tilespmem:$0x1FEB0];
	v39 =	vadd.f32 v63, v39;
	v63 =	vmul.f32 v59, v21  }
0x149: {  	v38 =	vadd.f32 v45, v38;
	v59 =	vld [tilespmem:$0x1FEF0]  }
0x14a: {  	v45 =	vadd.f32 v47, v15;
	v48 =	vadd.f32 v63, v41;
	v63 =	vld [tilespmem:$0x1FF00]  }
0x14b: {  	v49 =	vmul.f32 v54, v22;
	v54 =	vld [tilespmem:$0x1FEE0]  }
0x14c: {  	v44 =	vadd.f32 v44, v45;
	v15 =	vmul.f32 v52, v23;
	v52 =	vld [tilespmem:s2+$0x2790]  }
0x14d: {  	v23 =	vld [tilespmem:s2+$0x27A0]  }
0x14e: {  	v44 =	vadd.f32 v49, v44;
	v49 =	vmul.f32 v59, v21;
	v59 =	vld [tilespmem:$0x1FF20]  }
0x14f: {  	v45 =	vmul.f32 v53, v22;
	v22 =	vld [tilespmem:s2+$0x27C0];
	v47 =	vadd.f32 v15, v38;
	v53 =	vmul.f32 v63, v21  }
0x150: {  	v15 =	vld [tilespmem:s2+$0x27B0]  }
0x151: {  	v45 =	vadd.f32 v45, v47;
	v47 =	vmul.f32 v54, v21;
	v44 =	vadd.f32 v53, v44;
	v53 =	vld [tilespmem:$0x1FF30]  }
0x152: {  	v38 =	vld [tilespmem:s2+$0x27D0]  }
0x153: {  	v39 =	vadd.f32 v47, v39;
	v47 =	vld [tilespmem:$0x1FF10];
	v63 =	vmul.f32 v59, v20  }
0x154: {  	v41 =	vld [tilespmem:s2+$0x2800]  }
0x155: {  	v39 =	vadd.f32 v63, v39;
	v63 =	vld [tilespmem:$0x1FF40]  }
0x156: {  	v54 =	vld [tilespmem:s2+$0x27E0];
	v45 =	vadd.f32 v49, v45;
	v53 =	vmul.f32 v53, v20  }
0x157: {  	v21 =	vld [tilespmem:s2+$0x27F0]  }
0x158: {  	v47 =	vmul.f32 v47, v20;
	v59 =	vadd.f32 v53, v45;
	v53 =	vld [tilespmem:$0x1FF50]  }
0x159: {  	v49 =	vld [tilespmem:s2+$0x2810]  }
0x15a: {  	v47 =	vadd.f32 v47, v48;
	v48 =	vmul.f32 v63, v20;
	v20 =	vld [tilespmem:s2+$0x2820]  }
0x15b: {  	v63 =	vld [tilespmem:$0x1FF60]  }
0x15c: {  	v44 =	vadd.f32 v48, v44;
	v48 =	vmul.f32 v55, v19;
	v55 =	vmul.f32 v57, v19;
	v57 =	vld [tilespmem:s2+$0x2870]  }
0x15d: {  	v45 =	vmul.f32 v53, v19;
	v53 =	vld [tilespmem:s2+$0x2830]  }
0x15e: {  	v44 =	vadd.f32 v55, v44;
	v55 =	vld [tilespmem:s2+$0x2860]  }
0x15f: {  	v48 =	vadd.f32 v48, v59;
	v59 =	vmul.f32 v11, v56;
	v11 =	vld [tilespmem:s2+$0x2960]  }
0x160: {  	v43 =	vmul.f32 v43, v18;
	v63 =	vmul.f32 v63, v19;
	v19 =	vld [tilespmem:s2+$0x2840]  }
0x161: {  	v61 =	vmul.f32 v61, v18;
	v47 =	vadd.f32 v45, v47;
	v45 =	vld [tilespmem:s2+$0x2850]  }
0x162: {  	v37 =	vmul.f32 v37, v17;
	v43 =	vadd.f32 v43, v48;
	v48 =	vld [tilespmem:s2+$0x2890]  }
0x163: {  	v1 =	vmul.f32 v1, v17;
	v47 =	vadd.f32 v61, v47;
	v61 =	vmul.f32 v40, v17;
	v40 =	vld [tilespmem:s2+$0x2880]  }
0x164: {  	v50 =	vmul.f32 v50, v18;
	v39 =	vadd.f32 v63, v39;
	v17 =	vmul.f32 v33, v17;
	v33 =	vld [tilespmem:s2+$0x28A0]  }
0x165: {  	v1 =	vadd.f32 v1, v43;
	v43 =	vmul.f32 v35, v62;
	v35 =	vld [tilespmem:s2+$0x2A00]  }
0x166: {  	v63 =	vadd.s32 $0x26, v4;
	v39 =	vadd.f32 v50, v39;
	v50 =	vmul.f32 v29, v46;
	v29 =	vld [tilespmem:s2+$0x2910]  }
0x167: {  	v3 =	vmul.f32 v3, v18;
	v18 =	vadd.f32 v61, v47;
	v47 =	vmul.f32 v10, v46;
	v10 =	vld [tilespmem:s2+$0x2900]  }
0x168: {  	v61 =	vmul.f32 v13, v56;
	v13 =	vld [tilespmem:s2+$0x2930]  }
0x169: {  	v3 =	vadd.f32 v3, v44;
	v1 =	vadd.f32 v32, v1;
	v32 =	vmul.f32 v12, v58;
	v12 =	vld [tilespmem:s2+$0x2940]  }
0x16a: {  	v37 =	vadd.f32 v37, v39;
	v39 =	vld [tilespmem:s2+$0x28B0]  }
0x16b: {  	v5 =	vmul.f32 v5, v42;
	v3 =	vadd.f32 v17, v3;
	v17 =	vld.idx.msk [tilespmem:v63+s15+$0x0], $0xffff  }
0x16c: {  	v31 =	vmul.f32 v31, v42;
	v6 =	vmul.f32 v6, v46;
	v18 =	vadd.f32 v34, v18;
	v34 =	vld [tilespmem:s2+$0x28C0]  }
0x16d: {  	v44 =	vadd.s32 $0x28, v60;
	v0 =	vadd.f32 v0, v3;
	v3 =	vmul.f32 v7, v42;
	v7 =	vld [tilespmem:s2+$0x28E0]  }
0x16e: {  	v63 =	vadd.s32 $0x27, v4;
	v42 =	vmul.f32 v30, v42;
	v30 =	vld [tilespmem:s2+$0x28F0];
	v2 =	vadd.f32 v2, v37  }
0x16f: {  	v37 =	vmul.f32 v26, v58;
	v26 =	vld [tilespmem:s2+$0x2950];
	v18 =	vadd.f32 v31, v18;
	v1 =	vadd.f32 v3, v1  }
0x170: {  	v3 =	vmul.f32 v8, v46;
	v0 =	vadd.f32 v42, v0;
	v42 =	vmul.f32 v25, v62;
	v25 =	vld [tilespmem:s2+$0x29C0]  }
0x171: {  	v28 =	vmul.f32 v28, v56;
	v1 =	vadd.f32 v6, v1;
	v6 =	vld [tilespmem:s2+$0x2920]  }
0x172: {  	v9 =	vmul.f32 v9, v58;
	v2 =	vadd.f32 v5, v2;
	v3 =	vadd.f32 v3, v18;
	v18 =	vld.idx.msk [tilespmem:v44+s15+$0x0], $0xffff  }
0x173: {  	v14 =	vmul.f32 v14, v58;
	v31 =	vadd.s32 $0x29, v4;
	v0 =	vadd.f32 v50, v0;
	v50 =	vld [tilespmem:$0x1FF70]  }
0x174: {  	v46 =	vadd.s32 $0x2A, v4;
	v8 =	vld.idx.msk [tilespmem:v63+s15+$0x0], $0xffff;
	v2 =	vadd.f32 v47, v2;
	v63 =	vmul.f32 v27, v56  }
0x175: {  	v44 =	vmul.f32 v16, v62;
	v27 =	vld [tilespmem:s2+$0x2980];
	v3 =	vadd.f32 v28, v3;
	v1 =	vadd.f32 v61, v1  }
0x176: {  	v47 =	vmul.f32 v24, v62;
	v28 =	vld [tilespmem:s2+$0x2990];
	v2 =	vadd.f32 v59, v2;
	v0 =	vadd.f32 v63, v0  }
0x177: {  	v59 =	vld [tilespmem:$0x1FF80];
	v63 =	vadd.s32 $0x2B, v4;
	v3 =	vadd.f32 v32, v3;
	v1 =	vadd.f32 v37, v1  }
0x178: {  	v16 =	vld.idx.msk [tilespmem:v31+s15+$0x0], $0xffff;
	v0 =	vadd.f32 v14, v0;
	v51 =	vmul.f32 v51, v50;
	v56 =	vmul.f32 v52, v50  }
0x179: {  	v31 =	vld [tilespmem:s2+$0x2A20];
	v2 =	vadd.f32 v9, v2;
	v23 =	vmul.f32 v23, v50;
	v58 =	vmul.f32 v15, v50  }
0x17a: {  	v50 =	vadd.s32 $0x2C, v4;
	v3 =	vadd.f32 v42, v3;
	v0 =	vadd.f32 v47, v0;
	v47 =	vld [tilespmem:$0x1FFA0]  }
0x17b: {  	v32 =	vld [tilespmem:s2+$0x29D0];
	v11 =	vmul.f32 v11, v18;
	v1 =	vadd.f32 v44, v1;
	v2 =	vadd.f32 v43, v2  }
0x17c: {  	v3 =	vadd.f32 v51, v3;
	v61 =	vmul.f32 v22, v59;
	v62 =	vmul.f32 v38, v59;
	v38 =	vld [tilespmem:$0x1FF90]  }
0x17d: {  	v14 =	vld [tilespmem:s2+$0x2970];
	v6 =	vmul.f32 v6, v8;
	v37 =	vmul.f32 v54, v59;
	v2 =	vadd.f32 v56, v2  }
0x17e: {  	v15 =	vld [tilespmem:s2+$0x29A0];
	v21 =	vmul.f32 v21, v59;
	v3 =	vadd.f32 v61, v3;
	v61 =	vmul.f32 v34, v17  }
0x17f: {  	v54 =	vld [tilespmem:$0x1FFB0];
	v2 =	vadd.f32 v62, v2;
	v62 =	vmul.f32 v36, v17;
	v51 =	vmul.f32 v45, v47  }
0x180: {  	v1 =	vadd.f32 v23, v1;
	v22 =	vld [tilespmem:s2+$0x29B0];
	v52 =	vmul.f32 v55, v47;
	v45 =	vmul.f32 v12, v18  }
0x181: {  	v23 =	vld.idx.msk [tilespmem:v46+s15+$0x0], $0xffff;
	v0 =	vadd.f32 v58, v0;
	v42 =	vmul.f32 v41, v38;
	v43 =	vmul.f32 v49, v38  }
0x182: {  	v24 =	vld.idx.msk [tilespmem:v50+s15+$0x0], $0xffff;
	v44 =	vmul.f32 v20, v38;
	v46 =	vmul.f32 v53, v38  }
0x183: {  	v0 =	vadd.f32 v21, v0;
	v21 =	vld [tilespmem:s2+$0x29F0];
	v49 =	vmul.f32 v19, v47;
	v53 =	vmul.f32 v57, v47  }
0x184: {  	v59 =	vadd.s32 $0x2D, v4;
	v20 =	vld [tilespmem:s2+$0x29E0];
	v55 =	vmul.f32 v40, v54;
	v56 =	vmul.f32 v48, v54  }
0x185: {  	v19 =	vld.idx.msk [tilespmem:v63+s15+$0x0], $0xffff;
	v57 =	vmul.f32 v33, v54;
	v58 =	vmul.f32 v39, v54  }
0x186: {  	v38 =	vld [tilespmem:s2+$0x2A10];
	v63 =	vmul.f32 v7, v17;
	v39 =	vmul.f32 v30, v17  }
0x187: {  	v1 =	vadd.f32 v37, v1;
	v33 =	vld [tilespmem:s2+$0x2A30];
	v40 =	vmul.f32 v10, v8;
	v41 =	vmul.f32 v29, v8  }
0x188: {  	v17 =	vld [tilespmem:s2+$0x2A50];
	v47 =	vmul.f32 v26, v18;
	v3 =	vadd.f32 v42, v3;
	v2 =	vadd.f32 v43, v2  }
0x189: {  	v9 =	vld.idx.msk [tilespmem:v59+s15+$0x0], $0xffff;
	v59 =	vmul.f32 v25, v23;
	v1 =	vadd.f32 v44, v1;
	v0 =	vadd.f32 v46, v0  }
0x18a: {  	v10 =	vld [tilespmem:s2+$0x2A60];
	v44 =	vmul.f32 v13, v8;
	v29 =	vmul.f32 v21, v23;
	v3 =	vadd.f32 v49, v3  }
0x18b: {  	v50 =	vld [tilespmem:s2+$0x2AA0];
	v2 =	vadd.f32 v51, v2;
	v49 =	vmul.f32 v14, v18;
	v51 =	vmul.f32 v27, v16  }
0x18c: {  	v37 =	vld [tilespmem:s2+$0x2B00];
	v0 =	vadd.f32 v53, v0;
	v53 =	vmul.f32 v28, v16;
	v27 =	vmul.f32 v20, v23  }
0x18d: {  	v36 =	vld [tilespmem:s2+$0x2A40];
	v30 =	vmul.f32 v35, v19;
	v34 =	vmul.f32 v38, v19  }
0x18e: {  	v42 =	vld [tilespmem:s2+$0x2A70];
	v43 =	vadd.s32 $0x2E, v4;
	v35 =	vmul.f32 v31, v19;
	v19 =	vmul.f32 v33, v19  }
0x18f: {  	v46 =	vld [tilespmem:s2+$0x2A80];
	v1 =	vadd.f32 v52, v1;
	v17 =	vmul.f32 v17, v24;
	v10 =	vmul.f32 v10, v24  }
0x190: {  	v48 =	vld [tilespmem:s2+$0x2A90];
	v8 =	vmul.f32 v50, v9;
	v3 =	vadd.f32 v55, v3;
	v2 =	vadd.f32 v56, v2  }
0x191: {  	v52 =	vld [tilespmem:s2+$0x2AB0];
	v1 =	vadd.f32 v57, v1;
	v0 =	vadd.f32 v58, v0;
	v55 =	vadd.s32 $0x2F, v4  }
0x192: {  	v28 =	vld [tilespmem:s2+$0x2AF0];
	v56 =	vmul.f32 v15, v16;
	v57 =	vmul.f32 v22, v16;
	v3 =	vadd.f32 v61, v3  }
0x193: {  	v38 =	vld [tilespmem:s2+$0x2B10];
	v4 =	vadd.s32 $0x31, v4;
	v7 =	vmul.f32 v42, v24;
	v2 =	vadd.f32 v62, v2  }
0x194: {  	v58 =	vld [tilespmem:s2+$0x2AC0];
	v12 =	vmul.f32 v46, v9;
	v1 =	vadd.f32 v63, v1;
	v3 =	vadd.f32 v40, v3  }
0x195: {  	v54 =	vld.idx.msk [tilespmem:v43+s15+$0x0], $0xffff;
	v43 =	vmul.f32 v48, v9;
	v0 =	vadd.f32 v39, v0;
	v2 =	vadd.f32 v41, v2  }
0x196: {  	v50 =	vld [tilespmem:s2+$0x2B80];
	v61 =	vmul.f32 v32, v23;
	v1 =	vadd.f32 v6, v1;
	v3 =	vadd.f32 v45, v3  }
0x197: {  	v62 =	vld [tilespmem:s2+$0x2AD0];
	v32 =	vadd.s32 $0x30, v60;
	v0 =	vadd.f32 v44, v0;
	v2 =	vadd.f32 v47, v2  }
0x198: {  	v63 =	vld [tilespmem:s2+$0x2AE0];
	v9 =	vmul.f32 v52, v9;
	v1 =	vadd.f32 v11, v1;
	v3 =	vadd.f32 v51, v3  }
0x199: {  	v40 =	vmul.f32 v36, v24;
	v18 =	vld.idx.msk [tilespmem:v55+s15+$0x0], $0xffff;
	v0 =	vadd.f32 v49, v0;
	v2 =	vadd.f32 v53, v2  }
0x19a: {  	v42 =	vld [tilespmem:s2+$0x2B40];
	v46 =	vmul.f32 v58, v54;
	v1 =	vadd.f32 v56, v1;
	v3 =	vadd.f32 v59, v3  }
0x19b: {  	v39 =	vld [tilespmem:s2+$0x2B20];
	v49 =	vmul.f32 v28, v54;
	v0 =	vadd.f32 v57, v0;
	v2 =	vadd.f32 v61, v2  }
0x19c: {  	v41 =	vld [tilespmem:s2+$0x2B30];
	v47 =	vmul.f32 v62, v54;
	v1 =	vadd.f32 v27, v1;
	v3 =	vadd.f32 v30, v3  }
0x19d: {  	v4 =	vld.idx.msk [tilespmem:v4+s15+$0x0], $0xffff;
	v6 =	vmul.f32 v63, v54;
	v0 =	vadd.f32 v29, v0;
	v2 =	vadd.f32 v34, v2  }
0x19e: {  	v22 =	vld.idx.msk [tilespmem:v32+s15+$0x0], $0xffff;
	v51 =	vmul.f32 v37, v18;
	v1 =	vadd.f32 v35, v1;
	v3 =	vadd.f32 v40, v3  }
0x19f: {  	v44 =	vld [tilespmem:s2+$0x2B50];
	v52 =	vmul.f32 v38, v18;
	v0 =	vadd.f32 v19, v0;
	v2 =	vadd.f32 v17, v2  }
0x1a0: {  	v45 =	vld [tilespmem:s2+$0x2B60];
	v5 =	vmul.f32 v39, v18;
	v1 =	vadd.f32 v10, v1;
	v3 =	vadd.f32 v12, v3  }
0x1a1: {  	v48 =	vld [tilespmem:s2+$0x2B70];
	v54 =	vmul.f32 v41, v18;
	v0 =	vadd.f32 v7, v0;
	v2 =	vadd.f32 v43, v2  }
0x1a2: {  	v53 =	vld [tilespmem:s2+$0x2B90];
	v60 =	vmul.f32 v50, v4;
	v1 =	vadd.f32 v8, v1;
	v3 =	vadd.f32 v46, v3  }
0x1a3: {  	v55 =	vld [tilespmem:s2+$0x2BA0];
	v56 =	vmul.f32 v42, v22;
	v0 =	vadd.f32 v9, v0;
	v2 =	vadd.f32 v47, v2  }
0x1a4: {  	v57 =	vld [tilespmem:s2+$0x2BB0];
	v58 =	vmul.f32 v44, v22;
	v1 =	vadd.f32 v6, v1;
	v3 =	vadd.f32 v51, v3  }
0x1a5: {  	v59 =	vmul.f32 v45, v22;
	v0 =	vadd.f32 v49, v0;
	v2 =	vadd.f32 v52, v2  }
0x1a6: {  	v61 =	vmul.f32 v48, v22;
	v1 =	vadd.f32 v5, v1;
	v3 =	vadd.f32 v56, v3  }
0x1a7: {  	v62 =	vmul.f32 v53, v4;
	v0 =	vadd.f32 v54, v0;
	v2 =	vadd.f32 v58, v2  }
0x1a8: {  	p0 =	sne.s32 s1, $0x7;
	s0 =	sshll.u32 s0, $0x6;
	v63 =	vmul.f32 v55, v4;
	v1 =	vadd.f32 v59, v1;
	v3 =	vadd.f32 v60, v3  }
.Ltmp4:
0x1a9: {  	s0 =	sand.u32 $0x3FFFFFC0, s0;
	v4 =	vmul.f32 v57, v4;
	v0 =	vadd.f32 v61, v0;
	v2 =	vadd.f32 v62, v2;
	(pc) =	sbr.rel @p0 .LBB2_7-.Ltmp4, $4  }
0x1aa: {  	v1 =	vadd.f32 v63, v1;
	[tilespmem:s0+$0xE740] =	vst v3  }
0x1ab: {  	v0 =	vadd.f32 v4, v0;
	[tilespmem:s0+$0xE750] =	vst v2  }
0x1ac: {  	[tilespmem:s0+$0xE760] =	vst v1  }
0x1ad: {  	s1 =	sadd.s32 $0x1, s1;
	[tilespmem:s0+$0xE770] =	vst v0;
	v0 =	vld [tilespmem:$0x1FFF0]  }
0x1ae: {  	p0 =	seq.s32 s30, $0x7  }
.Ltmp5:
0x1af: {  	_ = 	snop;
	(pc) =	sbr.rel @p0 .LBB2_12-.Ltmp5, $1  }
0x1b0: {  	_ =	sdelay $0x3  }
0x1b1: {  	_ =	swait.ge [sflag:s28], $0x190  }
0x1b2: {  	[sflag:s28] =	ssyncset.done $0x0  }
0x1b3: {  	s0 =	simm.s32 $0x0;
	[sflag:s28] =	ssyncadd.s32 $0xFFFFFE70  }
0x1b4: {  	v0 =	vld [tilespmem:s0+$0x0];
	_ =	sdelay $0x2  }
0x1b5: {  	s1 =	simm.s32 $0x40  }
.LBB2_10:
0x1b6: {  	p1 =	sne.s32 s1, $0x600  }
.Ltmp6:
0x1b7: {  	s2 =	sshra.s32 s1, $0x2;
	s1 =	sadd.s32 $0x40, s1;
	v1 =	vshll.u32 v0, $0x1;
	(pc) =	sbr.rel @p1 .LBB2_10-.Ltmp6, $4  }
0x1b8: {  	v2 =	vand.u32 $0xFFFFC000, v0;
	v3 =	vshrl.u32 v0, $0xD;
	v1 =	vand.u32 $0x3FFE, v1;
	v0 =	vld [tilespmem:s2+$0x0]  }
0x1b9: {  	v3 =	vand.u32 $0x1, v3;
	v1 =	vor.u32 v2, v1  }
0x1ba: {  	v1 =	vor.u32 v3, v1  }
0x1bb: {  	[tilespmem:s0+$0x320] =	vst v1;
	s0 =	smov.u32 s2  }
0x1bc: {  	_ = 	snop  }
0x1bd: {  	v1 =	vshll.u32 v0, $0x1  }
0x1be: {  	v2 =	vand.u32 $0xFFFFC000, v0;
	v0 =	vshrl.u32 v0, $0xD;
	v1 =	vand.u32 $0x3FFE, v1  }
0x1bf: {  	v0 =	vand.u32 $0x1, v0;
	v1 =	vor.u32 v2, v1  }
0x1c0: {  	p1 =	sgt.u32 s30, $0x5;
	v0 =	vor.u32 v0, v1  }
0x1c1: {  	[tilespmem:s0+$0x320] =	vst v0;
	s0 =	smul.u32 @!p1 $0x320, s30  }
0x1c2: {  	[tilespmem:s20], [sflag:$0x3] =	stream.indirect.gather [hbm4b:s4+s18], $0x40, s19, s18, $0xb8;
	[tilespmem:$0x10780] =	vst v63  }
0x1c3: {  	s0 =	sadd.s32 @!p1 s0, s11  }
0x1c4: {  	s0 =	sshrl.u32 @!p1 s0, $0x3  }
0x1c5: {  	s1 =	simm.s32 @!p1 $0x0;
	s0 =	sadd.s32 @!p1 s5, s0  }
0x1c6: {  	v0 =	vld [tilespmem:$0x1FFF0];
	[tilespmem:s1], [sflag:$0x1] =	stream.linear.gather @!p1 [hbm4b:s0+s1], $0x190, $0x38  }
.LBB2_12:
0x1c7: {  	_ =	swait.ge [sflag:s24], $0x6400  }
0x1c8: {  	[sflag:s24] =	ssyncset.done $0x0  }
0x1c9: {  	s31 =	sor.u32 $0x8, s31;
	s1 =	simm.s32 $0x0;
	[sflag:s24] =	ssyncadd.s32 $0xFFFF9C00  }
.LBB2_13:
0x1ca: {  	s0 =	sadd.s32 s31, s1  }
0x1cb: {  	s2 =	smul.u32 $0x32, s0;
	_ =	sdelay $0x1  }
0x1cc: {  	v4 =	vmov s2  }
0x1cd: {  	v1 =	vor.u32 $0x1, v4;
	_ =	sdelay $0x2  }
0x1ce: {  	s2 =	smul.u32 $0x3200, s1;
	_ =	sdelay $0x1  }
0x1cf: {  	s2 =	sshra.s32 s2, $0x2;
	v10 =	vld.idx.msk [tilespmem:v1+s15+$0x0], $0xffff  }
0x1d0: {  	v1 =	vld [tilespmem:s2+$0x8390];
	_ =	sdelay $0x4  }
0x1d1: {  	[tilespmem:$0x1F660] =	vst v1;
	v1 =	vld [tilespmem:s2+$0x83A0];
	_ =	sdelay $0x4  }
0x1d2: {  	[tilespmem:$0x1F670] =	vst v1;
	v1 =	vld [tilespmem:s2+$0x83B0];
	_ =	sdelay $0x4  }
0x1d3: {  	[tilespmem:$0x1F680] =	vst v1;
	v1 =	vld [tilespmem:s2+$0x83D0];
	_ =	sdelay $0x4  }
0x1d4: {  	[tilespmem:$0x1F690] =	vst v1;
	v1 =	vld [tilespmem:s2+$0x83E0];
	_ =	sdelay $0x4  }
0x1d5: {  	[tilespmem:$0x1F6A0] =	vst v1;
	v1 =	vld [tilespmem:s2+$0x83F0];
	_ =	sdelay $0x4  }
0x1d6: {  	[tilespmem:$0x1F6B0] =	vst v1;
	v1 =	vld [tilespmem:s2+$0x8400];
	_ =	sdelay $0x4  }
0x1d7: {  	[tilespmem:$0x1F6C0] =	vst v1;
	v1 =	vld [tilespmem:s2+$0x8410];
	_ =	sdelay $0x4  }
0x1d8: {  	[tilespmem:$0x1F6D0] =	vst v1;
	v1 =	vld [tilespmem:s2+$0x8420];
	_ =	sdelay $0x4  }
0x1d9: {  	[tilespmem:$0x1F6E0] =	vst v1;
	v1 =	vld [tilespmem:s2+$0x8430];
	_ =	sdelay $0x4  }
0x1da: {  	[tilespmem:$0x1F6F0] =	vst v1;
	v1 =	vld [tilespmem:s2+$0x8440];
	_ =	sdelay $0x4  }
0x1db: {  	[tilespmem:$0x1F700] =	vst v1;
	v1 =	vld [tilespmem:s2+$0x8450];
	_ =	sdelay $0x4  }
0x1dc: {  	[tilespmem:$0x1F710] =	vst v1;
	v1 =	vld [tilespmem:s2+$0x8460];
	_ =	sdelay $0x4  }
0x1dd: {  	[tilespmem:$0x1F720] =	vst v1;
	v1 =	vld [tilespmem:s2+$0x8470];
	_ =	sdelay $0x4  }
0x1de: {  	[tilespmem:$0x1F730] =	vst v1;
	v1 =	vld [tilespmem:s2+$0x8480];
	_ =	sdelay $0x4  }
0x1df: {  	[tilespmem:$0x1F740] =	vst v1;
	v1 =	vld [tilespmem:s2+$0x8490];
	_ =	sdelay $0x3  }
0x1e0: {  	v49 =	vadd.s32 $0x15, v4  }
0x1e1: {  	[tilespmem:$0x1F750] =	vst v1;
	v1 =	vld [tilespmem:s2+$0x84A0];
	_ =	sdelay $0x3  }
0x1e2: {  	v51 =	vadd.s32 $0x16, v4;
	v22 =	vld.idx.msk [tilespmem:v49+s15+$0x0], $0xffff  }
0x1e3: {  	v49 =	vadd.s32 $0x21, v4;
	[tilespmem:$0x1F760] =	vst v1;
	v1 =	vld [tilespmem:s2+$0x84B0];
	_ =	sdelay $0x3  }
0x1e4: {  	v53 =	vadd.s32 $0x17, v4;
	v21 =	vld.idx.msk [tilespmem:v51+s15+$0x0], $0xffff  }
0x1e5: {  	v51 =	vadd.s32 $0x22, v4;
	[tilespmem:$0x1F770] =	vst v1;
	v1 =	vld.idx.msk [tilespmem:v49+s15+$0x0], $0xffff;
	_ =	sdelay $0x2  }
0x1e6: {  	v60 =	vand.u32 $0x7FFFFFFE, v4  }
0x1e7: {  	v54 =	vadd.s32 $0x18, v60;
	v20 =	vld.idx.msk [tilespmem:v53+s15+$0x0], $0xffff  }
0x1e8: {  	v53 =	vadd.s32 $0x23, v4;
	[tilespmem:$0x1FAB0] =	vst v1;
	v1 =	vld.idx.msk [tilespmem:v51+s15+$0x0], $0xffff;
	_ =	sdelay $0x3  }
0x1e9: {  	v59 =	vadd.s32 $0x1B, v4;
	v19 =	vld.idx.msk [tilespmem:v54+s15+$0x0], $0xffff  }
0x1ea: {  	v54 =	vadd.s32 $0x24, v4;
	[tilespmem:$0x1FAC0] =	vst v1;
	v1 =	vld.idx.msk [tilespmem:v53+s15+$0x0], $0xffff;
	_ =	sdelay $0x3  }
0x1eb: {  	v36 =	vld.idx.msk [tilespmem:v59+s15+$0x0], $0xffff  }
0x1ec: {  	v59 =	vadd.s32 $0x25, v4;
	[tilespmem:$0x1FAD0] =	vst v1;
	v1 =	vld.idx.msk [tilespmem:v54+s15+$0x0], $0xffff;
	_ =	sdelay $0x4  }
0x1ed: {  	[tilespmem:$0x1FAE0] =	vst v1;
	v1 =	vld.idx.msk [tilespmem:v59+s15+$0x0], $0xffff;
	_ =	sdelay $0x4  }
0x1ee: {  	[tilespmem:$0x1FAF0] =	vst v1;
	v1 =	vld [tilespmem:s2+$0x8620];
	_ =	sdelay $0x4  }
0x1ef: {  	[tilespmem:$0x1F780] =	vst v1;
	v1 =	vld [tilespmem:s2+$0x8630];
	_ =	sdelay $0x4  }
0x1f0: {  	[tilespmem:$0x1F790] =	vst v1;
	v1 =	vld [tilespmem:s2+$0x8640];
	_ =	sdelay $0x4  }
0x1f1: {  	[tilespmem:$0x1F7A0] =	vst v1;
	v1 =	vld [tilespmem:s2+$0x8650];
	_ =	sdelay $0x4  }
0x1f2: {  	[tilespmem:$0x1F7B0] =	vst v1;
	v1 =	vld [tilespmem:s2+$0x8660];
	_ =	sdelay $0x4  }
0x1f3: {  	[tilespmem:$0x1F7C0] =	vst v1;
	v1 =	vld [tilespmem:s2+$0x8670];
	_ =	sdelay $0x4  }
0x1f4: {  	[tilespmem:$0x1F7D0] =	vst v1;
	v1 =	vld [tilespmem:s2+$0x8680];
	_ =	sdelay $0x4  }
0x1f5: {  	[tilespmem:$0x1F7E0] =	vst v1;
	v1 =	vld [tilespmem:s2+$0x8690];
	_ =	sdelay $0x4  }
0x1f6: {  	[tilespmem:$0x1F7F0] =	vst v1;
	v1 =	vld [tilespmem:s2+$0x86A0];
	_ =	sdelay $0x4  }
0x1f7: {  	[tilespmem:$0x1F800] =	vst v1;
	v1 =	vld [tilespmem:s2+$0x86B0];
	_ =	sdelay $0x4  }
0x1f8: {  	[tilespmem:$0x1F810] =	vst v1;
	v1 =	vld [tilespmem:s2+$0x86C0];
	_ =	sdelay $0x4  }
0x1f9: {  	[tilespmem:$0x1F820] =	vst v1;
	v1 =	vld [tilespmem:s2+$0x86D0];
	_ =	sdelay $0x4  }
0x1fa: {  	[tilespmem:$0x1F830] =	vst v1;
	v1 =	vld [tilespmem:s2+$0x86E0];
	_ =	sdelay $0x4  }
0x1fb: {  	[tilespmem:$0x1F840] =	vst v1;
	v1 =	vld [tilespmem:s2+$0x86F0];
	_ =	sdelay $0x4  }
0x1fc: {  	[tilespmem:$0x1F850] =	vst v1;
	v1 =	vld [tilespmem:s2+$0x8700];
	_ =	sdelay $0x4  }
0x1fd: {  	[tilespmem:$0x1F860] =	vst v1;
	v1 =	vld [tilespmem:s2+$0x8710];
	_ =	sdelay $0x4  }
0x1fe: {  	[tilespmem:$0x1F870] =	vst v1;
	v1 =	vld [tilespmem:s2+$0x8720];
	_ =	sdelay $0x4  }
0x1ff: {  	[tilespmem:$0x1F880] =	vst v1;
	v1 =	vld [tilespmem:s2+$0x8730];
	_ =	sdelay $0x4  }
0x200: {  	[tilespmem:$0x1F890] =	vst v1;
	v1 =	vld [tilespmem:s2+$0x8740];
	_ =	sdelay $0x4  }
0x201: {  	[tilespmem:$0x1F8A0] =	vst v1;
	v1 =	vld [tilespmem:s2+$0x8750];
	_ =	sdelay $0x4  }
0x202: {  	[tilespmem:$0x1F8B0] =	vst v1;
	v1 =	vld [tilespmem:s2+$0x8760];
	_ =	sdelay $0x4  }
0x203: {  	[tilespmem:$0x1F8C0] =	vst v1;
	v1 =	vld [tilespmem:s2+$0x8770];
	_ =	sdelay $0x4  }
0x204: {  	[tilespmem:$0x1F8D0] =	vst v1;
	v1 =	vld [tilespmem:s2+$0x8780];
	_ =	sdelay $0x4  }
0x205: {  	[tilespmem:$0x1F8E0] =	vst v1;
	v1 =	vld [tilespmem:s2+$0x8790];
	_ =	sdelay $0x4  }
0x206: {  	[tilespmem:$0x1F8F0] =	vst v1;
	v1 =	vld [tilespmem:s2+$0x87A0];
	_ =	sdelay $0x4  }
0x207: {  	[tilespmem:$0x1F900] =	vst v1;
	v1 =	vld [tilespmem:s2+$0x87B0];
	_ =	sdelay $0x4  }
0x208: {  	[tilespmem:$0x1F910] =	vst v1;
	v1 =	vld [tilespmem:s2+$0x87C0];
	_ =	sdelay $0x4  }
0x209: {  	[tilespmem:$0x1F920] =	vst v1;
	v1 =	vld [tilespmem:s2+$0x87D0];
	_ =	sdelay $0x4  }
0x20a: {  	[tilespmem:$0x1F930] =	vst v1;
	v1 =	vld [tilespmem:s2+$0x87E0];
	_ =	sdelay $0x4  }
0x20b: {  	[tilespmem:$0x1F940] =	vst v1;
	v1 =	vld [tilespmem:s2+$0x87F0]  }
0x20c: {  	v55 =	vld [tilespmem:s2+$0x8340]  }
0x20d: {  	v3 =	vld.idx.msk [tilespmem:v4+s15+$0x0], $0xffff;
	_ =	sdelay $0x2  }
0x20e: {  	[tilespmem:$0x1F950] =	vst v1;
	v1 =	vld [tilespmem:s2+$0x8800];
	_ =	sdelay $0x1  }
0x20f: {  	v55 =	vmul.f32 v55, v3  }
0x210: {  	v2 =	vld [tilespmem:s2+$0x8360]  }
0x211: {  	v55 =	vadd.f32 v55, v0;
	v0 =	vld [tilespmem:s2+$0x8830]  }
0x212: {  	[tilespmem:$0x1F960] =	vst v1;
	v1 =	vld [tilespmem:s2+$0x8810];
	_ =	sdelay $0x2  }
0x213: {  	[tilespmem:$0x1F640] =	vst v2;
	v2 =	vld [tilespmem:s2+$0x8370]  }
0x214: {  	[tilespmem:$0x1F990] =	vst v0;
	v0 =	vld [tilespmem:s2+$0x8840]  }
0x215: {  	[tilespmem:$0x1F970] =	vst v1;
	v1 =	vld [tilespmem:s2+$0x8820];
	_ =	sdelay $0x2  }
0x216: {  	v61 =	vld [tilespmem:s2+$0x8350];
	[tilespmem:$0x1F650] =	vst v2  }
0x217: {  	v2 =	vadd.s32 $0x2, v4;
	[tilespmem:$0x1F9A0] =	vst v0;
	v0 =	vld [tilespmem:$0x1F640]  }
0x218: {  	[tilespmem:$0x1F980] =	vst v1;
	v1 =	vld [tilespmem:$0x1F650];
	_ =	sdelay $0x3  }
0x219: {  	v61 =	vmul.f32 v61, v3;
	v50 =	vld.idx.msk [tilespmem:v2+s15+$0x0], $0xffff;
	v2 =	vadd.s32 $0x3, v4  }
0x21a: {  	v0 =	vmul.f32 v0, v3;
	v3 =	vmul.f32 v1, v3;
	v1 =	vld [tilespmem:s2+$0x8850];
	_ =	sdelay $0x2  }
0x21b: {  	v52 =	vld [tilespmem:s2+$0x8380]  }
0x21c: {  	v40 =	vld.idx.msk [tilespmem:v2+s15+$0x0], $0xffff;
	v2 =	vadd.s32 $0x4, v4  }
0x21d: {  	[tilespmem:$0x1F9B0] =	vst v1;
	v1 =	vld [tilespmem:$0x1FFC0]  }
0x21e: {  	v5 =	vadd.s32 $0x7, v4;
	v63 =	vld [tilespmem:s2+$0x83C0]  }
0x21f: {  	v7 =	vadd.s32 $0x9, v4;
	v15 =	vld [tilespmem:s2+$0x8520]  }
0x220: {  	v8 =	vadd.s32 $0xA, v4;
	v16 =	vld [tilespmem:s2+$0x8550];
	v52 =	vmul.f32 v52, v10  }
0x221: {  	v37 =	vld.idx.msk [tilespmem:v2+s15+$0x0], $0xffff;
	v2 =	vadd.s32 $0x5, v4  }
0x222: {  	v52 =	vadd.f32 v52, v55;
	v55 =	vadd.f32 v61, v1;
	v1 =	vld [tilespmem:$0x1F660]  }
0x223: {  	v9 =	vadd.s32 $0xB, v4;
	v57 =	vld.idx.msk [tilespmem:v5+s15+$0x0], $0xffff  }
0x224: {  	v38 =	vadd.s32 $0xC, v4;
	v34 =	vld.idx.msk [tilespmem:v7+s15+$0x0], $0xffff  }
0x225: {  	v39 =	vadd.s32 $0xD, v4;
	v33 =	vld.idx.msk [tilespmem:v8+s15+$0x0], $0xffff  }
0x226: {  	v12 =	vld.idx.msk [tilespmem:v2+s15+$0x0], $0xffff;
	v2 =	vadd.s32 $0x6, v4  }
0x227: {  	v61 =	vmul.f32 v1, v10;
	v1 =	vld [tilespmem:$0x1F670]  }
0x228: {  	v41 =	vadd.s32 $0xE, v4;
	v32 =	vld.idx.msk [tilespmem:v9+s15+$0x0], $0xffff  }
0x229: {  	v42 =	vadd.s32 $0xF, v4;
	v31 =	vld.idx.msk [tilespmem:v38+s15+$0x0], $0xffff  }
0x22a: {  	v45 =	vadd.s32 $0x11, v4;
	v30 =	vld.idx.msk [tilespmem:v39+s15+$0x0], $0xffff  }
0x22b: {  	v46 =	vadd.s32 $0x12, v4;
	v11 =	vld.idx.msk [tilespmem:v2+s15+$0x0], $0xffff  }
0x22c: {  	v2 =	vmul.f32 v1, v10;
	v1 =	vld [tilespmem:s2+$0x8860]  }
0x22d: {  	v47 =	vadd.s32 $0x13, v4;
	v29 =	vld.idx.msk [tilespmem:v41+s15+$0x0], $0xffff  }
0x22e: {  	v48 =	vadd.s32 $0x14, v4;
	v28 =	vld.idx.msk [tilespmem:v42+s15+$0x0], $0xffff  }
0x22f: {  	v56 =	vadd.s32 $0x19, v4;
	v26 =	vld.idx.msk [tilespmem:v45+s15+$0x0], $0xffff  }
0x230: {  	v58 =	vadd.s32 $0x1A, v4;
	v25 =	vld.idx.msk [tilespmem:v46+s15+$0x0], $0xffff  }
0x231: {  	[tilespmem:$0x1F9C0] =	vst v1;
	v1 =	vld [tilespmem:$0x1F680]  }
0x232: {  	v62 =	vadd.s32 $0x1C, v4;
	v24 =	vld.idx.msk [tilespmem:v47+s15+$0x0], $0xffff  }
0x233: {  	v13 =	vadd.s32 $0x1D, v4;
	v23 =	vld.idx.msk [tilespmem:v48+s15+$0x0], $0xffff  }
0x234: {  	v14 =	vadd.s32 $0x1E, v4;
	v18 =	vld.idx.msk [tilespmem:v56+s15+$0x0], $0xffff  }
0x235: {  	v35 =	vadd.s32 $0x1F, v4;
	v17 =	vld.idx.msk [tilespmem:v58+s15+$0x0], $0xffff  }
0x236: {  	v10 =	vmul.f32 v1, v10;
	v1 =	vld [tilespmem:$0x1FFD0]  }
0x237: {  	v42 =	vld.idx.msk [tilespmem:v62+s15+$0x0], $0xffff  }
0x238: {  	v46 =	vld.idx.msk [tilespmem:v13+s15+$0x0], $0xffff  }
0x239: {  	v56 =	vld.idx.msk [tilespmem:v14+s15+$0x0], $0xffff  }
0x23a: {  	v58 =	vld.idx.msk [tilespmem:v35+s15+$0x0], $0xffff  }
0x23b: {  	v0 =	vadd.f32 v0, v1;
	v1 =	vld [tilespmem:$0x1FFE0]  }
0x23c: {  	v5 =	vld [tilespmem:s2+$0x84C0]  }
0x23d: {  	v7 =	vld [tilespmem:s2+$0x84E0]  }
0x23e: {  	v8 =	vld [tilespmem:s2+$0x84F0]  }
0x23f: {  	v9 =	vld [tilespmem:s2+$0x8500]  }
0x240: {  	v3 =	vadd.f32 v3, v1;
	v1 =	vld [tilespmem:s2+$0x8870]  }
0x241: {  	v13 =	vld [tilespmem:s2+$0x8510]  }
0x242: {  	v14 =	vld [tilespmem:s2+$0x8530];
	v55 =	vadd.f32 v61, v55;
	v61 =	vmul.f32 v63, v50  }
0x243: {  	v0 =	vadd.f32 v2, v0;
	v2 =	vadd.f32 v10, v3;
	v3 =	vld [tilespmem:$0x1F6A0]  }
0x244: {  	v10 =	vadd.f32 v61, v52;
	v61 =	vld [tilespmem:$0x1F6B0]  }
0x245: {  	[tilespmem:$0x1F9D0] =	vst v1;
	v1 =	vld [tilespmem:$0x1F690]  }
0x246: {  	v35 =	vld [tilespmem:s2+$0x8540]  }
0x247: {  	v38 =	vld [tilespmem:s2+$0x8560]  }
0x248: {  	v6 =	vadd.s32 $0x8, v60;
	v39 =	vld [tilespmem:s2+$0x8570]  }
0x249: {  	v44 =	vadd.s32 $0x10, v60;
	v41 =	vld [tilespmem:s2+$0x8580];
	v3 =	vmul.f32 v3, v50  }
0x24a: {  	v1 =	vmul.f32 v1, v50;
	v50 =	vmul.f32 v61, v50;
	v61 =	vld [tilespmem:s2+$0x88A0]  }
0x24b: {  	v45 =	vld [tilespmem:s2+$0x85A0]  }
0x24c: {  	v47 =	vld [tilespmem:s2+$0x85B0]  }
0x24d: {  	v43 =	vld.idx.msk [tilespmem:v6+s15+$0x0], $0xffff  }
0x24e: {  	v27 =	vld.idx.msk [tilespmem:v44+s15+$0x0], $0xffff  }
0x24f: {  	[tilespmem:$0x1F9F0] =	vst v61;
	v61 =	vld [tilespmem:$0x1F6D0]  }
0x250: {  	v48 =	vadd.s32 $0x20, v60;
	v6 =	vld [tilespmem:s2+$0x84D0]  }
0x251: {  	v1 =	vadd.f32 v1, v55;
	v55 =	vld [tilespmem:$0x1F6E0]  }
0x252: {  	v44 =	vld [tilespmem:s2+$0x8590]  }
0x253: {  	v0 =	vadd.f32 v3, v0;
	v3 =	vld [tilespmem:$0x1F6C0]  }
0x254: {  	v52 =	vmul.f32 v61, v40;
	v61 =	vld [tilespmem:s2+$0x88B0]  }
0x255: {  	v62 =	vld.idx.msk [tilespmem:v48+s15+$0x0], $0xffff  }
0x256: {  	v2 =	vadd.f32 v50, v2;
	v50 =	vmul.f32 v55, v40;
	v55 =	vld [tilespmem:$0x1F700]  }
0x257: {  	v48 =	vld [tilespmem:s2+$0x85C0]  }
0x258: {  	v49 =	vld [tilespmem:s2+$0x85D0]  }
0x259: {  	v3 =	vmul.f32 v3, v40;
	[tilespmem:$0x1FA00] =	vst v61;
	v61 =	vld [tilespmem:$0x1F6F0]  }
0x25a: {  	v1 =	vadd.f32 v52, v1;
	v52 =	vld [tilespmem:$0x1F720]  }
0x25b: {  	v3 =	vadd.f32 v3, v10;
	v10 =	vmul.f32 v55, v37;
	v55 =	vld [tilespmem:$0x1F710]  }
0x25c: {  	v51 =	vld [tilespmem:s2+$0x85F0]  }
0x25d: {  	v53 =	vld [tilespmem:s2+$0x85E0]  }
0x25e: {  	v40 =	vmul.f32 v61, v40;
	v61 =	vld [tilespmem:s2+$0x88C0]  }
0x25f: {  	v3 =	vadd.f32 v10, v3;
	v10 =	vmul.f32 v52, v37;
	v52 =	vld [tilespmem:$0x1F740]  }
0x260: {  	v2 =	vadd.f32 v40, v2;
	v40 =	vmul.f32 v55, v37;
	v55 =	vld [tilespmem:$0x1F730]  }
0x261: {  	v54 =	vld [tilespmem:s2+$0x8610]  }
0x262: {  	v63 =	vld [tilespmem:s2+$0x8880]  }
0x263: {  	[tilespmem:$0x1FA10] =	vst v61;
	v61 =	vld [tilespmem:s2+$0x88D0]  }
0x264: {  	v1 =	vadd.f32 v40, v1;
	v40 =	vmul.f32 v52, v12;
	v52 =	vld [tilespmem:s2+$0x8920]  }
0x265: {  	v37 =	vmul.f32 v55, v37;
	v55 =	vld [tilespmem:$0x1F750]  }
0x266: {  	v59 =	vld [tilespmem:s2+$0x8600]  }
0x267: {  	v9 =	vmul.f32 v9, v57;
	[tilespmem:$0x1F9E0] =	vst v63;
	v63 =	vld [tilespmem:s2+$0x8890]  }
0x268: {  	v5 =	vmul.f32 v5, v11;
	v6 =	vmul.f32 v6, v11;
	v3 =	vadd.f32 v40, v3;
	[tilespmem:$0x1FA20] =	vst v61;
	v61 =	vld [tilespmem:s2+$0x88E0]  }
0x269: {  	v7 =	vmul.f32 v7, v11;
	v8 =	vmul.f32 v8, v11;
	v0 =	vadd.f32 v50, v0;
	v40 =	vld [tilespmem:s2+$0x89C0]  }
0x26a: {  	v3 =	vadd.f32 v5, v3;
	[tilespmem:$0x1FA70] =	vst v52;
	v52 =	vmul.f32 v49, v33;
	v49 =	vld [tilespmem:$0x1F7F0];
	v50 =	vmul.f32 v55, v12  }
0x26b: {  	v11 =	vmul.f32 v13, v57;
	v13 =	vmul.f32 v14, v57;
	v55 =	vld [tilespmem:$0x1F760]  }
0x26c: {  	v14 =	vmul.f32 v35, v43;
	v3 =	vadd.f32 v9, v3;
	v1 =	vadd.f32 v50, v1;
	v50 =	vld [tilespmem:$0x1F770]  }
0x26d: {  	[tilespmem:$0x1FA30] =	vst v61;
	v61 =	vld [tilespmem:s2+$0x88F0]  }
0x26e: {  	v1 =	vadd.f32 v6, v1;
	v6 =	vadd.f32 v14, v3;
	v3 =	vld [tilespmem:s2+$0x89B0]  }
0x26f: {  	v2 =	vadd.f32 v37, v2;
	v37 =	vmul.f32 v41, v34;
	v14 =	vmul.f32 v54, v32;
	v54 =	vld [tilespmem:$0x1F820]  }
0x270: {  	v0 =	vadd.f32 v10, v0;
	v10 =	vmul.f32 v55, v12;
	v55 =	vld [tilespmem:s2+$0x8930]  }
0x271: {  	v5 =	vadd.f32 v37, v6;
	v37 =	vld [tilespmem:s2+$0x89D0]  }
0x272: {  	v0 =	vadd.f32 v10, v0;
	v10 =	vld [tilespmem:s2+$0x8950]  }
0x273: {  	v12 =	vmul.f32 v50, v12;
	v50 =	vld [tilespmem:s2+$0x8990]  }
0x274: {  	v35 =	vmul.f32 v39, v43;
	[tilespmem:$0x1FA40] =	vst v61;
	v61 =	vld [tilespmem:s2+$0x8900]  }
0x275: {  	v2 =	vadd.f32 v12, v2;
	v12 =	vmul.f32 v15, v57;
	v57 =	vld [tilespmem:s2+$0x8970];
	v15 =	vmul.f32 v16, v43  }
0x276: {  	v16 =	vmul.f32 v38, v43;
	v43 =	vld [tilespmem:s2+$0x89A0];
	v38 =	vmul.f32 v44, v34  }
0x277: {  	v0 =	vadd.f32 v7, v0;
	v44 =	vmul.f32 v45, v34;
	v45 =	vmul.f32 v47, v34;
	v34 =	vld [tilespmem:s2+$0x8A00]  }
0x278: {  	v48 =	vmul.f32 v48, v33;
	v1 =	vadd.f32 v11, v1;
	[tilespmem:$0x1FA80] =	vst v55;
	v55 =	vld [tilespmem:s2+$0x8960]  }
0x279: {  	v53 =	vmul.f32 v53, v33;
	v0 =	vadd.f32 v12, v0;
	v12 =	vmul.f32 v51, v33;
	v33 =	vld [tilespmem:s2+$0x89F0]  }
0x27a: {  	v1 =	vadd.f32 v15, v1;
	v51 =	vmul.f32 v49, v30;
	v49 =	vld [tilespmem:$0x1F880]  }
0x27b: {  	v2 =	vadd.f32 v8, v2;
	[tilespmem:$0x1FA50] =	vst v61;
	v61 =	vld [tilespmem:s2+$0x8910]  }
0x27c: {  	v0 =	vadd.f32 v16, v0;
	v47 =	vadd.f32 v38, v1;
	v1 =	vld [tilespmem:s2+$0x89E0]  }
0x27d: {  	v2 =	vadd.f32 v13, v2;
	v38 =	vld [tilespmem:$0x1F790]  }
0x27e: {  	v0 =	vadd.f32 v44, v0;
	v44 =	vld [tilespmem:$0x1F7C0]  }
0x27f: {  	v2 =	vadd.f32 v35, v2;
	v6 =	vadd.f32 v52, v47;
	v47 =	vld [tilespmem:$0x1F7E0]  }
0x280: {  	v52 =	vld [tilespmem:$0x1F800]  }
0x281: {  	v2 =	vadd.f32 v45, v2;
	v45 =	vld [tilespmem:$0x1F7D0]  }
0x282: {  	v0 =	vadd.f32 v53, v0;
	v53 =	vld [tilespmem:$0x1F810]  }
0x283: {  	[tilespmem:$0x1FA60] =	vst v61;
	v61 =	vld [tilespmem:s2+$0x8940]  }
0x284: {  	v7 =	vmul.f32 v38, v32;
	v38 =	vld [tilespmem:$0x1F840]  }
0x285: {  	v15 =	vadd.f32 v12, v2;
	v2 =	vld [tilespmem:$0x1F780]  }
0x286: {  	v8 =	vmul.f32 v44, v31;
	v44 =	vld [tilespmem:$0x1F850]  }
0x287: {  	v5 =	vadd.f32 v48, v5;
	v13 =	vmul.f32 v59, v32;
	v48 =	vmul.f32 v47, v30;
	v47 =	vld [tilespmem:$0x1F860]  }
0x288: {  	v7 =	vadd.f32 v7, v15;
	v15 =	vmul.f32 v49, v28;
	v49 =	vld [tilespmem:$0x1F8F0]  }
0x289: {  	v5 =	vadd.f32 v13, v5;
	v13 =	vmul.f32 v53, v30;
	v53 =	vld [tilespmem:$0x1F8A0]  }
0x28a: {  	[tilespmem:$0x1FA90] =	vst v61;
	v61 =	vld [tilespmem:s2+$0x8980]  }
0x28b: {  	v12 =	vmul.f32 v45, v31;
	v16 =	vmul.f32 v2, v32;
	v2 =	vld [tilespmem:s2+$0x8A10]  }
0x28c: {  	v32 =	vld [tilespmem:s2+$0x8A20]  }
0x28d: {  	v12 =	vadd.f32 v12, v7;
	v7 =	vld [tilespmem:s2+$0x8A60]  }
0x28e: {  	v9 =	vadd.f32 v16, v0;
	v0 =	vld [tilespmem:$0x1F7A0]  }
0x28f: {  	v45 =	vmul.f32 v44, v29;
	v44 =	vld [tilespmem:$0x1F8C0]  }
0x290: {  	v16 =	vld [tilespmem:$0x1F830]  }
0x291: {  	v12 =	vadd.f32 v13, v12;
	v13 =	vmul.f32 v47, v28;
	v47 =	vld [tilespmem:$0x1F8E0]  }
0x292: {  	v9 =	vadd.f32 v8, v9;
	v8 =	vld [tilespmem:s2+$0x8A80]  }
0x293: {  	v12 =	vadd.f32 v45, v12;
	v45 =	vld [tilespmem:$0x1F8D0];
	v39 =	vmul.f32 v0, v31  }
0x294: {  	v0 =	vld [tilespmem:$0x1F7B0]  }
0x295: {  	[tilespmem:$0x1FAA0] =	vst v10;
	v59 =	vmul.f32 v54, v29;
	v10 =	vadd.f32 v39, v5;
	v5 =	vld [tilespmem:s2+$0x8A50]  }
0x296: {  	v35 =	vmul.f32 v16, v29;
	v39 =	vmul.f32 v38, v29;
	v29 =	vld [tilespmem:s2+$0x8AB0]  }
0x297: {  	v11 =	vadd.f32 v48, v10;
	v10 =	vmul.f32 v52, v30;
	v30 =	vld [tilespmem:s2+$0x8A70]  }
0x298: {  	v48 =	vld [tilespmem:$0x1F870]  }
0x299: {  	v6 =	vadd.f32 v14, v6;
	v41 =	vmul.f32 v0, v31;
	v0 =	vld [tilespmem:s2+$0x8A30]  }
0x29a: {  	v31 =	vld [tilespmem:s2+$0x8A40];
	v11 =	vadd.f32 v59, v11  }
0x29b: {  	v9 =	vadd.f32 v10, v9;
	v10 =	vld [tilespmem:s2+$0x8A90];
	v6 =	vadd.f32 v41, v6  }
0x29c: {  	v52 =	vadd.f32 v13, v11;
	v11 =	vld [tilespmem:s2+$0x8AD0]  }
0x29d: {  	v34 =	vmul.f32 v34, v36;
	v13 =	vld [tilespmem:s2+$0x8AE0];
	v6 =	vadd.f32 v51, v6  }
0x29e: {  	v2 =	vmul.f32 v2, v36;
	v32 =	vmul.f32 v32, v36;
	v51 =	vld [tilespmem:$0x1F890]  }
0x29f: {  	v16 =	vmul.f32 v48, v28;
	v0 =	vmul.f32 v0, v36;
	v36 =	vld [tilespmem:s2+$0x8CD0];
	v41 =	vadd.f32 v35, v6  }
0x2a0: {  	v54 =	vmul.f32 v53, v27;
	v6 =	vld [tilespmem:s2+$0x8AA0]  }
0x2a1: {  	v14 =	vadd.f32 v16, v41;
	v41 =	vld [tilespmem:$0x1F8B0]  }
0x2a2: {  	v16 =	vadd.f32 v54, v52;
	v52 =	vld [tilespmem:$0x1F900]  }
0x2a3: {  	v48 =	vmul.f32 v47, v26;
	v54 =	vld [tilespmem:$0x1F910]  }
0x2a4: {  	v35 =	vmul.f32 v51, v28;
	v28 =	vld [tilespmem:s2+$0x8AC0]  }
0x2a5: {  	v9 =	vadd.f32 v39, v9;
	v16 =	vadd.f32 v48, v16;
	v48 =	vld [tilespmem:$0x1F920]  }
0x2a6: {  	v38 =	vmul.f32 v45, v27;
	v59 =	vadd.f32 v35, v12;
	v35 =	vmul.f32 v44, v27;
	v44 =	vld [tilespmem:$0x1F960]  }
0x2a7: {  	v9 =	vadd.f32 v15, v9;
	v12 =	vmul.f32 v41, v27;
	v27 =	vld [tilespmem:s2+$0x8AF0]  }
0x2a8: {  	v15 =	vadd.f32 v38, v59;
	v59 =	vmul.f32 v54, v26;
	v54 =	vld [tilespmem:$0x1F950]  }
0x2a9: {  	v35 =	vadd.f32 v35, v9;
	v53 =	vmul.f32 v52, v26;
	v9 =	vld [tilespmem:s2+$0x8B10]  }
0x2aa: {  	v51 =	vmul.f32 v49, v26;
	v26 =	vld [tilespmem:s2+$0x8B20]  }
0x2ab: {  	v38 =	vadd.f32 v53, v35;
	v53 =	vld [tilespmem:$0x1F940]  }
0x2ac: {  	v14 =	vadd.f32 v12, v14;
	v12 =	vld [tilespmem:s2+$0x8B00]  }
0x2ad: {  	v49 =	vmul.f32 v48, v25;
	v45 =	vmul.f32 v54, v25;
	v54 =	vld [tilespmem:$0x1F9A0]  }
0x2ae: {  	v15 =	vadd.f32 v59, v15;
	v35 =	vld [tilespmem:s2+$0x8B50]  }
0x2af: {  	v48 =	vmul.f32 v44, v24;
	v39 =	vadd.f32 v51, v14;
	v51 =	vld [tilespmem:$0x1F930];
	v59 =	vadd.f32 v49, v16  }
0x2b0: {  	v49 =	vld [tilespmem:$0x1F970];
	v41 =	vmul.f32 v53, v25  }
0x2b1: {  	v44 =	vadd.f32 v48, v59;
	v59 =	vld [tilespmem:$0x1F9B0]  }
0x2b2: {  	v38 =	vadd.f32 v41, v38;
	v41 =	vmul.f32 v54, v23;
	v54 =	vld [tilespmem:$0x1F9E0]  }
0x2b3: {  	v53 =	vld [tilespmem:$0x1F990]  }
0x2b4: {  	v14 =	vld [tilespmem:s2+$0x8B30];
	v52 =	vmul.f32 v51, v25  }
0x2b5: {  	v16 =	vld [tilespmem:s2+$0x8B60]  }
0x2b6: {  	v25 =	vld [tilespmem:s2+$0x8B40];
	v39 =	vadd.f32 v52, v39  }
0x2b7: {  	v52 =	vld [tilespmem:$0x1F980];
	v48 =	vmul.f32 v59, v23;
	v41 =	vadd.f32 v41, v44;
	v59 =	vmul.f32 v54, v22  }
0x2b8: {  	v51 =	vmul.f32 v49, v24;
	v47 =	vmul.f32 v53, v24;
	v53 =	vld [tilespmem:$0x1F9D0]  }
0x2b9: {  	v41 =	vadd.f32 v59, v41;
	v59 =	vld [tilespmem:$0x1FA10]  }
0x2ba: {  	v39 =	vadd.f32 v51, v39;
	v51 =	vld [tilespmem:s2+$0x8B80]  }
0x2bb: {  	v63 =	vmul.f32 v63, v22;
	v54 =	vld [tilespmem:$0x1FA00]  }
0x2bc: {  	v15 =	vadd.f32 v45, v15;
	v39 =	vadd.f32 v48, v39;
	v45 =	vmul.f32 v52, v24;
	v24 =	vld [tilespmem:s2+$0x8B70]  }
0x2bd: {  	v52 =	vld [tilespmem:$0x1F9C0]  }
0x2be: {  	v44 =	vmul.f32 v53, v23;
	v53 =	vld [tilespmem:$0x1F9F0];
	v39 =	vadd.f32 v63, v39;
	v63 =	vmul.f32 v59, v21  }
0x2bf: {  	v38 =	vadd.f32 v45, v38;
	v59 =	vld [tilespmem:$0x1FA30]  }
0x2c0: {  	v45 =	vadd.f32 v47, v15;
	v48 =	vadd.f32 v63, v41;
	v63 =	vld [tilespmem:$0x1FA40]  }
0x2c1: {  	v49 =	vmul.f32 v54, v22;
	v54 =	vld [tilespmem:$0x1FA20]  }
0x2c2: {  	v44 =	vadd.f32 v44, v45;
	v15 =	vmul.f32 v52, v23;
	v52 =	vld [tilespmem:s2+$0x8B90]  }
0x2c3: {  	v23 =	vld [tilespmem:s2+$0x8BA0]  }
0x2c4: {  	v44 =	vadd.f32 v49, v44;
	v49 =	vmul.f32 v59, v21;
	v59 =	vld [tilespmem:$0x1FA60]  }
0x2c5: {  	v45 =	vmul.f32 v53, v22;
	v22 =	vld [tilespmem:s2+$0x8BC0];
	v47 =	vadd.f32 v15, v38;
	v53 =	vmul.f32 v63, v21  }
0x2c6: {  	v15 =	vld [tilespmem:s2+$0x8BB0]  }
0x2c7: {  	v45 =	vadd.f32 v45, v47;
	v47 =	vmul.f32 v54, v21;
	v44 =	vadd.f32 v53, v44;
	v53 =	vld [tilespmem:$0x1FA70]  }
0x2c8: {  	v38 =	vld [tilespmem:s2+$0x8BD0]  }
0x2c9: {  	v39 =	vadd.f32 v47, v39;
	v47 =	vld [tilespmem:$0x1FA50];
	v63 =	vmul.f32 v59, v20  }
0x2ca: {  	v41 =	vld [tilespmem:s2+$0x8C00]  }
0x2cb: {  	v39 =	vadd.f32 v63, v39;
	v63 =	vld [tilespmem:$0x1FA80]  }
0x2cc: {  	v54 =	vld [tilespmem:s2+$0x8BE0];
	v45 =	vadd.f32 v49, v45;
	v53 =	vmul.f32 v53, v20  }
0x2cd: {  	v21 =	vld [tilespmem:s2+$0x8BF0]  }
0x2ce: {  	v47 =	vmul.f32 v47, v20;
	v59 =	vadd.f32 v53, v45;
	v53 =	vld [tilespmem:$0x1FA90]  }
0x2cf: {  	v49 =	vld [tilespmem:s2+$0x8C10]  }
0x2d0: {  	v47 =	vadd.f32 v47, v48;
	v48 =	vmul.f32 v63, v20;
	v20 =	vld [tilespmem:s2+$0x8C20]  }
0x2d1: {  	v63 =	vld [tilespmem:$0x1FAA0]  }
0x2d2: {  	v44 =	vadd.f32 v48, v44;
	v48 =	vmul.f32 v55, v19;
	v55 =	vmul.f32 v57, v19;
	v57 =	vld [tilespmem:s2+$0x8C70]  }
0x2d3: {  	v45 =	vmul.f32 v53, v19;
	v53 =	vld [tilespmem:s2+$0x8C30]  }
0x2d4: {  	v44 =	vadd.f32 v55, v44;
	v55 =	vld [tilespmem:s2+$0x8C60]  }
0x2d5: {  	v48 =	vadd.f32 v48, v59;
	v59 =	vmul.f32 v11, v56;
	v11 =	vld [tilespmem:s2+$0x8D60]  }
0x2d6: {  	v43 =	vmul.f32 v43, v18;
	v63 =	vmul.f32 v63, v19;
	v19 =	vld [tilespmem:s2+$0x8C40]  }
0x2d7: {  	v61 =	vmul.f32 v61, v18;
	v47 =	vadd.f32 v45, v47;
	v45 =	vld [tilespmem:s2+$0x8C50]  }
0x2d8: {  	v37 =	vmul.f32 v37, v17;
	v43 =	vadd.f32 v43, v48;
	v48 =	vld [tilespmem:s2+$0x8C90]  }
0x2d9: {  	v1 =	vmul.f32 v1, v17;
	v47 =	vadd.f32 v61, v47;
	v61 =	vmul.f32 v40, v17;
	v40 =	vld [tilespmem:s2+$0x8C80]  }
0x2da: {  	v50 =	vmul.f32 v50, v18;
	v39 =	vadd.f32 v63, v39;
	v17 =	vmul.f32 v33, v17;
	v33 =	vld [tilespmem:s2+$0x8CA0]  }
0x2db: {  	v1 =	vadd.f32 v1, v43;
	v43 =	vmul.f32 v35, v62;
	v35 =	vld [tilespmem:s2+$0x8E00]  }
0x2dc: {  	v63 =	vadd.s32 $0x26, v4;
	v39 =	vadd.f32 v50, v39;
	v50 =	vmul.f32 v29, v46;
	v29 =	vld [tilespmem:s2+$0x8D10]  }
0x2dd: {  	v3 =	vmul.f32 v3, v18;
	v18 =	vadd.f32 v61, v47;
	v47 =	vmul.f32 v10, v46;
	v10 =	vld [tilespmem:s2+$0x8D00]  }
0x2de: {  	v61 =	vmul.f32 v13, v56;
	v13 =	vld [tilespmem:s2+$0x8D30]  }
0x2df: {  	v3 =	vadd.f32 v3, v44;
	v1 =	vadd.f32 v32, v1;
	v32 =	vmul.f32 v12, v58;
	v12 =	vld [tilespmem:s2+$0x8D40]  }
0x2e0: {  	v37 =	vadd.f32 v37, v39;
	v39 =	vld [tilespmem:s2+$0x8CB0]  }
0x2e1: {  	v5 =	vmul.f32 v5, v42;
	v3 =	vadd.f32 v17, v3;
	v17 =	vld.idx.msk [tilespmem:v63+s15+$0x0], $0xffff  }
0x2e2: {  	v31 =	vmul.f32 v31, v42;
	v6 =	vmul.f32 v6, v46;
	v18 =	vadd.f32 v34, v18;
	v34 =	vld [tilespmem:s2+$0x8CC0]  }
0x2e3: {  	v44 =	vadd.s32 $0x28, v60;
	v0 =	vadd.f32 v0, v3;
	v3 =	vmul.f32 v7, v42;
	v7 =	vld [tilespmem:s2+$0x8CE0]  }
0x2e4: {  	v63 =	vadd.s32 $0x27, v4;
	v42 =	vmul.f32 v30, v42;
	v30 =	vld [tilespmem:s2+$0x8CF0];
	v2 =	vadd.f32 v2, v37  }
0x2e5: {  	v37 =	vmul.f32 v26, v58;
	v26 =	vld [tilespmem:s2+$0x8D50];
	v18 =	vadd.f32 v31, v18;
	v1 =	vadd.f32 v3, v1  }
0x2e6: {  	v3 =	vmul.f32 v8, v46;
	v0 =	vadd.f32 v42, v0;
	v42 =	vmul.f32 v25, v62;
	v25 =	vld [tilespmem:s2+$0x8DC0]  }
0x2e7: {  	v28 =	vmul.f32 v28, v56;
	v1 =	vadd.f32 v6, v1;
	v6 =	vld [tilespmem:s2+$0x8D20]  }
0x2e8: {  	v9 =	vmul.f32 v9, v58;
	v2 =	vadd.f32 v5, v2;
	v3 =	vadd.f32 v3, v18;
	v18 =	vld.idx.msk [tilespmem:v44+s15+$0x0], $0xffff  }
0x2e9: {  	v14 =	vmul.f32 v14, v58;
	v31 =	vadd.s32 $0x29, v4;
	v0 =	vadd.f32 v50, v0;
	v50 =	vld [tilespmem:$0x1FAB0]  }
0x2ea: {  	v46 =	vadd.s32 $0x2A, v4;
	v8 =	vld.idx.msk [tilespmem:v63+s15+$0x0], $0xffff;
	v2 =	vadd.f32 v47, v2;
	v63 =	vmul.f32 v27, v56  }
0x2eb: {  	v44 =	vmul.f32 v16, v62;
	v27 =	vld [tilespmem:s2+$0x8D80];
	v3 =	vadd.f32 v28, v3;
	v1 =	vadd.f32 v61, v1  }
0x2ec: {  	v47 =	vmul.f32 v24, v62;
	v28 =	vld [tilespmem:s2+$0x8D90];
	v2 =	vadd.f32 v59, v2;
	v0 =	vadd.f32 v63, v0  }
0x2ed: {  	v59 =	vld [tilespmem:$0x1FAC0];
	v63 =	vadd.s32 $0x2B, v4;
	v3 =	vadd.f32 v32, v3;
	v1 =	vadd.f32 v37, v1  }
0x2ee: {  	v16 =	vld.idx.msk [tilespmem:v31+s15+$0x0], $0xffff;
	v0 =	vadd.f32 v14, v0;
	v51 =	vmul.f32 v51, v50;
	v56 =	vmul.f32 v52, v50  }
0x2ef: {  	v31 =	vld [tilespmem:s2+$0x8E20];
	v2 =	vadd.f32 v9, v2;
	v23 =	vmul.f32 v23, v50;
	v58 =	vmul.f32 v15, v50  }
0x2f0: {  	v50 =	vadd.s32 $0x2C, v4;
	v3 =	vadd.f32 v42, v3;
	v0 =	vadd.f32 v47, v0;
	v47 =	vld [tilespmem:$0x1FAE0]  }
0x2f1: {  	v32 =	vld [tilespmem:s2+$0x8DD0];
	v11 =	vmul.f32 v11, v18;
	v1 =	vadd.f32 v44, v1;
	v2 =	vadd.f32 v43, v2  }
0x2f2: {  	v3 =	vadd.f32 v51, v3;
	v61 =	vmul.f32 v22, v59;
	v62 =	vmul.f32 v38, v59;
	v38 =	vld [tilespmem:$0x1FAD0]  }
0x2f3: {  	v14 =	vld [tilespmem:s2+$0x8D70];
	v6 =	vmul.f32 v6, v8;
	v37 =	vmul.f32 v54, v59;
	v2 =	vadd.f32 v56, v2  }
0x2f4: {  	v15 =	vld [tilespmem:s2+$0x8DA0];
	v21 =	vmul.f32 v21, v59;
	v3 =	vadd.f32 v61, v3;
	v61 =	vmul.f32 v34, v17  }
0x2f5: {  	v54 =	vld [tilespmem:$0x1FAF0];
	v2 =	vadd.f32 v62, v2;
	v62 =	vmul.f32 v36, v17;
	v51 =	vmul.f32 v45, v47  }
0x2f6: {  	v1 =	vadd.f32 v23, v1;
	v22 =	vld [tilespmem:s2+$0x8DB0];
	v52 =	vmul.f32 v55, v47;
	v45 =	vmul.f32 v12, v18  }
0x2f7: {  	v23 =	vld.idx.msk [tilespmem:v46+s15+$0x0], $0xffff;
	v0 =	vadd.f32 v58, v0;
	v42 =	vmul.f32 v41, v38;
	v43 =	vmul.f32 v49, v38  }
0x2f8: {  	v24 =	vld.idx.msk [tilespmem:v50+s15+$0x0], $0xffff;
	v44 =	vmul.f32 v20, v38;
	v46 =	vmul.f32 v53, v38  }
0x2f9: {  	v0 =	vadd.f32 v21, v0;
	v21 =	vld [tilespmem:s2+$0x8DF0];
	v49 =	vmul.f32 v19, v47;
	v53 =	vmul.f32 v57, v47  }
0x2fa: {  	v59 =	vadd.s32 $0x2D, v4;
	v20 =	vld [tilespmem:s2+$0x8DE0];
	v55 =	vmul.f32 v40, v54;
	v56 =	vmul.f32 v48, v54  }
0x2fb: {  	v19 =	vld.idx.msk [tilespmem:v63+s15+$0x0], $0xffff;
	v57 =	vmul.f32 v33, v54;
	v58 =	vmul.f32 v39, v54  }
0x2fc: {  	v38 =	vld [tilespmem:s2+$0x8E10];
	v63 =	vmul.f32 v7, v17;
	v39 =	vmul.f32 v30, v17  }
0x2fd: {  	v1 =	vadd.f32 v37, v1;
	v33 =	vld [tilespmem:s2+$0x8E30];
	v40 =	vmul.f32 v10, v8;
	v41 =	vmul.f32 v29, v8  }
0x2fe: {  	v17 =	vld [tilespmem:s2+$0x8E50];
	v47 =	vmul.f32 v26, v18;
	v3 =	vadd.f32 v42, v3;
	v2 =	vadd.f32 v43, v2  }
0x2ff: {  	v9 =	vld.idx.msk [tilespmem:v59+s15+$0x0], $0xffff;
	v59 =	vmul.f32 v25, v23;
	v1 =	vadd.f32 v44, v1;
	v0 =	vadd.f32 v46, v0  }
0x300: {  	v10 =	vld [tilespmem:s2+$0x8E60];
	v44 =	vmul.f32 v13, v8;
	v29 =	vmul.f32 v21, v23;
	v3 =	vadd.f32 v49, v3  }
0x301: {  	v50 =	vld [tilespmem:s2+$0x8EA0];
	v2 =	vadd.f32 v51, v2;
	v49 =	vmul.f32 v14, v18;
	v51 =	vmul.f32 v27, v16  }
0x302: {  	v37 =	vld [tilespmem:s2+$0x8F00];
	v0 =	vadd.f32 v53, v0;
	v53 =	vmul.f32 v28, v16;
	v27 =	vmul.f32 v20, v23  }
0x303: {  	v36 =	vld [tilespmem:s2+$0x8E40];
	v30 =	vmul.f32 v35, v19;
	v34 =	vmul.f32 v38, v19  }
0x304: {  	v42 =	vld [tilespmem:s2+$0x8E70];
	v43 =	vadd.s32 $0x2E, v4;
	v35 =	vmul.f32 v31, v19;
	v19 =	vmul.f32 v33, v19  }
0x305: {  	v46 =	vld [tilespmem:s2+$0x8E80];
	v1 =	vadd.f32 v52, v1;
	v17 =	vmul.f32 v17, v24;
	v10 =	vmul.f32 v10, v24  }
0x306: {  	v48 =	vld [tilespmem:s2+$0x8E90];
	v8 =	vmul.f32 v50, v9;
	v3 =	vadd.f32 v55, v3;
	v2 =	vadd.f32 v56, v2  }
0x307: {  	v52 =	vld [tilespmem:s2+$0x8EB0];
	v1 =	vadd.f32 v57, v1;
	v0 =	vadd.f32 v58, v0;
	v55 =	vadd.s32 $0x2F, v4  }
0x308: {  	v28 =	vld [tilespmem:s2+$0x8EF0];
	v56 =	vmul.f32 v15, v16;
	v57 =	vmul.f32 v22, v16;
	v3 =	vadd.f32 v61, v3  }
0x309: {  	v38 =	vld [tilespmem:s2+$0x8F10];
	v4 =	vadd.s32 $0x31, v4;
	v7 =	vmul.f32 v42, v24;
	v2 =	vadd.f32 v62, v2  }
0x30a: {  	v58 =	vld [tilespmem:s2+$0x8EC0];
	v12 =	vmul.f32 v46, v9;
	v1 =	vadd.f32 v63, v1;
	v3 =	vadd.f32 v40, v3  }
0x30b: {  	v54 =	vld.idx.msk [tilespmem:v43+s15+$0x0], $0xffff;
	v43 =	vmul.f32 v48, v9;
	v0 =	vadd.f32 v39, v0;
	v2 =	vadd.f32 v41, v2  }
0x30c: {  	v50 =	vld [tilespmem:s2+$0x8F80];
	v61 =	vmul.f32 v32, v23;
	v1 =	vadd.f32 v6, v1;
	v3 =	vadd.f32 v45, v3  }
0x30d: {  	v62 =	vld [tilespmem:s2+$0x8ED0];
	v32 =	vadd.s32 $0x30, v60;
	v0 =	vadd.f32 v44, v0;
	v2 =	vadd.f32 v47, v2  }
0x30e: {  	v63 =	vld [tilespmem:s2+$0x8EE0];
	v9 =	vmul.f32 v52, v9;
	v1 =	vadd.f32 v11, v1;
	v3 =	vadd.f32 v51, v3  }
0x30f: {  	v40 =	vmul.f32 v36, v24;
	v18 =	vld.idx.msk [tilespmem:v55+s15+$0x0], $0xffff;
	v0 =	vadd.f32 v49, v0;
	v2 =	vadd.f32 v53, v2  }
0x310: {  	v42 =	vld [tilespmem:s2+$0x8F40];
	v46 =	vmul.f32 v58, v54;
	v1 =	vadd.f32 v56, v1;
	v3 =	vadd.f32 v59, v3  }
0x311: {  	v39 =	vld [tilespmem:s2+$0x8F20];
	v49 =	vmul.f32 v28, v54;
	v0 =	vadd.f32 v57, v0;
	v2 =	vadd.f32 v61, v2  }
0x312: {  	v41 =	vld [tilespmem:s2+$0x8F30];
	v47 =	vmul.f32 v62, v54;
	v1 =	vadd.f32 v27, v1;
	v3 =	vadd.f32 v30, v3  }
0x313: {  	v4 =	vld.idx.msk [tilespmem:v4+s15+$0x0], $0xffff;
	v6 =	vmul.f32 v63, v54;
	v0 =	vadd.f32 v29, v0;
	v2 =	vadd.f32 v34, v2  }
0x314: {  	v22 =	vld.idx.msk [tilespmem:v32+s15+$0x0], $0xffff;
	v51 =	vmul.f32 v37, v18;
	v1 =	vadd.f32 v35, v1;
	v3 =	vadd.f32 v40, v3  }
0x315: {  	v44 =	vld [tilespmem:s2+$0x8F50];
	v52 =	vmul.f32 v38, v18;
	v0 =	vadd.f32 v19, v0;
	v2 =	vadd.f32 v17, v2  }
0x316: {  	v45 =	vld [tilespmem:s2+$0x8F60];
	v5 =	vmul.f32 v39, v18;
	v1 =	vadd.f32 v10, v1;
	v3 =	vadd.f32 v12, v3  }
0x317: {  	v48 =	vld [tilespmem:s2+$0x8F70];
	v54 =	vmul.f32 v41, v18;
	v0 =	vadd.f32 v7, v0;
	v2 =	vadd.f32 v43, v2  }
0x318: {  	v53 =	vld [tilespmem:s2+$0x8F90];
	v60 =	vmul.f32 v50, v4;
	v1 =	vadd.f32 v8, v1;
	v3 =	vadd.f32 v46, v3  }
0x319: {  	v55 =	vld [tilespmem:s2+$0x8FA0];
	v56 =	vmul.f32 v42, v22;
	v0 =	vadd.f32 v9, v0;
	v2 =	vadd.f32 v47, v2  }
0x31a: {  	v57 =	vld [tilespmem:s2+$0x8FB0];
	v58 =	vmul.f32 v44, v22;
	v1 =	vadd.f32 v6, v1;
	v3 =	vadd.f32 v51, v3  }
0x31b: {  	v59 =	vmul.f32 v45, v22;
	v0 =	vadd.f32 v49, v0;
	v2 =	vadd.f32 v52, v2  }
0x31c: {  	v61 =	vmul.f32 v48, v22;
	v1 =	vadd.f32 v5, v1;
	v3 =	vadd.f32 v56, v3  }
0x31d: {  	v62 =	vmul.f32 v53, v4;
	v0 =	vadd.f32 v54, v0;
	v2 =	vadd.f32 v58, v2  }
0x31e: {  	p1 =	sne.s32 s1, $0x7;
	s0 =	sshll.u32 s0, $0x6;
	v63 =	vmul.f32 v55, v4;
	v1 =	vadd.f32 v59, v1;
	v3 =	vadd.f32 v60, v3  }
.Ltmp7:
0x31f: {  	s0 =	sand.u32 $0x3FFFFFC0, s0;
	v4 =	vmul.f32 v57, v4;
	v0 =	vadd.f32 v61, v0;
	v2 =	vadd.f32 v62, v2;
	(pc) =	sbr.rel @p1 .LBB2_13-.Ltmp7, $4  }
0x320: {  	v1 =	vadd.f32 v63, v1;
	[tilespmem:s0+$0xE740] =	vst v3  }
0x321: {  	v0 =	vadd.f32 v4, v0;
	[tilespmem:s0+$0xE750] =	vst v2  }
0x322: {  	[tilespmem:s0+$0xE760] =	vst v1  }
0x323: {  	s1 =	sadd.s32 $0x1, s1;
	[tilespmem:s0+$0xE770] =	vst v0;
	v0 =	vld [tilespmem:$0x1FFF0]  }
.Ltmp8:
0x324: {  	(pc) =	sbr.rel @p0 .LBB2_18-.Ltmp8, $1  }
0x325: {  	_ =	sdelay $0x3  }
0x326: {  	_ =	swait.ge [sflag:s26], $0x190  }
0x327: {  	[sflag:s26] =	ssyncset.done $0x0  }
0x328: {  	s0 =	simm.s32 $0x0;
	[sflag:s26] =	ssyncadd.s32 $0xFFFFFE70  }
0x329: {  	v0 =	vld [tilespmem:s0+$0x190];
	_ =	sdelay $0x2  }
0x32a: {  	s1 =	simm.s32 $0x40  }
.LBB2_16:
0x32b: {  	p0 =	sne.s32 s1, $0x600  }
.Ltmp9:
0x32c: {  	s2 =	sshra.s32 s1, $0x2;
	s1 =	sadd.s32 $0x40, s1;
	v1 =	vshll.u32 v0, $0x1;
	(pc) =	sbr.rel @p0 .LBB2_16-.Ltmp9, $4  }
0x32d: {  	v2 =	vand.u32 $0xFFFFC000, v0;
	v3 =	vshrl.u32 v0, $0xD;
	v1 =	vand.u32 $0x3FFE, v1;
	v0 =	vld [tilespmem:s2+$0x190]  }
0x32e: {  	v3 =	vand.u32 $0x1, v3;
	v1 =	vor.u32 v2, v1  }
0x32f: {  	v1 =	vor.u32 v3, v1  }
0x330: {  	[tilespmem:s0+$0x4B0] =	vst v1;
	s0 =	smov.u32 s2  }
0x331: {  	_ = 	snop  }
0x332: {  	v1 =	vshll.u32 v0, $0x1  }
0x333: {  	v2 =	vand.u32 $0xFFFFC000, v0;
	v0 =	vshrl.u32 v0, $0xD;
	v1 =	vand.u32 $0x3FFE, v1  }
0x334: {  	v0 =	vand.u32 $0x1, v0;
	v1 =	vor.u32 v2, v1  }
0x335: {  	p0 =	sgt.u32 s30, $0x5;
	v0 =	vor.u32 v0, v1  }
0x336: {  	[tilespmem:s0+$0x4B0] =	vst v0;
	s0 =	smul.u32 @!p0 $0x320, s30  }
0x337: {  	[tilespmem:s22], [sflag:$0x4] =	stream.indirect.gather [hbm4b:s4+s18], $0x40, s21, s18, $0xb8;
	[tilespmem:$0x10780] =	vst v63  }
0x338: {  	s0 =	sadd.s32 @!p0 s0, s12  }
0x339: {  	s1 =	simm.s32 @!p0 $0x0;
	s0 =	sshrl.u32 @!p0 s0, $0x3  }
0x33a: {  	s2 =	simm.s32 @!p0 $0x190;
	s30 =	sadd.s32 $0x1, s30;
	s0 =	sadd.s32 @!p0 s5, s0  }
0x33b: {  	[tilespmem:s2], [sflag:$0x2] =	stream.linear.gather @!p0 [hbm4b:s0+s1], $0x190, $0x38;
	[tilespmem:$0x10780] =	vst v63  }
0x33c: {  	p0 =	sne.s32 s30, $0x8  }
.Ltmp10:
0x33d: {  	_ = 	snop;
	(pc) =	sbr.rel @p0 .LBB2_6-.Ltmp10, $4  }
.Ltmp11:
0x33e: {  	_ = 	snop;
	(pc) =	sbr.rel @!p0 .LBB2_18-.Ltmp11, $4  }
0x33f: {  	_ = 	snop  }
0x340: {  	_ = 	snop  }
0x341: {  	v0 =	vld [tilespmem:$0x1FFF0]  }
0x342: {  	_ = 	snop  }
.LBB2_19:
0x343: {  	_ =	sfence.sel $0x180000  }
0x344: {  	[bflag:$0x0] =	sbarrier.arrive $0xFFFF  }
0x345: {  	_ =	strace $0x90000047  }
0x346: {  	s0 =	stileid.u32;
	[bflag:$0x2] =	sbarrier.arrive $0xFFFF  }
0x347: {  	p0 =	sne.s32 s0, $0x0;
	s0 =	rddreg [dreg:$0x3]  }
0x348: {  	s0 =	sadd.s32 @!p0 $0x100000, s0  }
0x349: {  	[sflag:s0] =	ssyncadd.tile.s32 @!p0 $0x1;
	_ =	shalt  }
.Lfunc_end2:
_tile_overlayer_lowered:
.L_overlay_start_2:
0x34a: {  	(tag) =	ssettag $0x2  }
0x34b: {  	s0 =	rddreg [dreg:$0x0];
	s2 =	stileid.u32  }
0x34c: {  	s1 =	rddreg [dreg:$0x1];
	p0 =	sne.s32 s2, $0x0  }
0x34d: {  	s3 =	rddreg [dreg:$0x2];
	[bflag:$0x3] =	sbarrier.arrive $0xFFFF;
	s2 =	simm.s32 @!p0 $0x1C05  }
0x34e: {  	[timem:s3], [sflag:s2] =	dma.local @!p0 [hbm:s0], s1  }
0x34f: {  	s0 =	simm.s32 @!p0 $0x5  }
0x350: {  	_ =	swait.ge @!p0 [sflag:s0], s1  }
0x351: {  	s1 =	ssub.s32 @!p0 $0x0, s1;
	[sflag:s0] =	ssyncset.done @!p0 $0x0  }
0x352: {  	[sflag:s0] =	ssyncadd.s32 @!p0 s1  }
0x353: {  	[bflag:$0x3] =	sbarrier.arrive $0xFFFF  }
0x354: {  	_ =	shalt  }

</sc_bundles>
